<compile_context>
chip_gen: v7x
topology: tpu7x:2x2x1
jax: 0.10.2.dev20260603
libtpu: 0.0.44.dev20260713+nightly
codegen_flags: <defaults>
</compile_context>

<pallas_src>
import functools

import jax
import jax.numpy as jnp
from jax import lax
from jax.experimental import pallas as pl
from jax.experimental.pallas import tpu as pltpu
from jax.experimental.pallas import tpu_sc as plsc

NUM_PROMPTS = 100000
NUM_TOKENS = 20
TOKEN_DIM = 32
BATCH = 4096
D = NUM_TOKENS * TOKEN_DIM

NC = 2
NS = 16
NW = NC * NS
B_PER_W = BATCH // NW
CHUNK = 32
N_CHUNKS = B_PER_W // CHUNK
LANES = 16
VECS_PER_ROW = D // LANES


def _sc_body(table_hbm, idx_hbm, x_hbm, out_hbm,
             idx_v, rows_v, x_v, gsems, xsems, osem):
    wid = lax.axis_index("s") * NC + lax.axis_index("c")
    base = wid * B_PER_W

    pltpu.sync_copy(idx_hbm.at[pl.ds(base, B_PER_W)], idx_v)

    def start_chunk(i):
        rows_dst = rows_v.at[pl.ds(i * CHUNK, CHUNK)]
        g = pltpu.async_copy(
            table_hbm.at[idx_v.at[pl.ds(i * CHUNK, CHUNK)]],
            rows_dst, gsems.at[i % 2])
        xc = pltpu.async_copy(
            x_hbm.at[pl.ds(base + i * CHUNK, CHUNK)],
            x_v.at[i % 2], xsems.at[i % 2])
        return g, xc

    pend = start_chunk(0)
    out_copies = []
    for i in range(N_CHUNKS):
        nxt = start_chunk(i + 1) if i + 1 < N_CHUNKS else None
        g, xc = pend
        g.wait()
        xc.wait()

        r0 = i * CHUNK
        xb = i % 2

        def add_row(r, _, r0=r0, xb=xb):
            for c in range(VECS_PER_ROW):
                col = pl.ds(c * LANES, LANES)
                rows_v[r0 + r, col] = rows_v[r0 + r, col] + x_v[xb, r, col]
            return 0

        lax.fori_loop(0, CHUNK, add_row, 0)

        oc = pltpu.async_copy(
            rows_v.at[pl.ds(r0, CHUNK)],
            out_hbm.at[pl.ds(base + r0, CHUNK)], osem)
        out_copies.append(oc)
        pend = nxt

    for oc in out_copies:
        oc.wait()


@functools.partial(jax.jit, static_argnames=())
def kernel(x, idx, prompts):
    table = prompts.reshape(NUM_PROMPTS, D)
    x2 = x.reshape(BATCH, D)
    idx32 = idx.astype(jnp.int32)

    mesh = plsc.VectorSubcoreMesh(
        core_axis_name="c", subcore_axis_name="s",
        num_cores=NC, num_subcores=NS,
    )
    out = pl.kernel(
        _sc_body,
        out_type=jax.ShapeDtypeStruct((BATCH, D), jnp.float32),
        mesh=mesh,
        scratch_types=[
            pltpu.VMEM((B_PER_W,), jnp.int32),
            pltpu.VMEM((B_PER_W, D), jnp.float32),
            pltpu.VMEM((2, CHUNK, D), jnp.float32),
            pltpu.SemaphoreType.DMA((2,)),
            pltpu.SemaphoreType.DMA((2,)),
            pltpu.SemaphoreType.DMA,
        ],
    )(table, idx32, x2)
    return out.reshape(BATCH, NUM_TOKENS, TOKEN_DIM)

# --- scband reference (transcript-rebuilt; emitter-appended) ---
"""Pipeline reference for scband-prompt-tuning-layer-34789235097688 (READ-ONLY COPY).

The authoritative reference and input builder live on the scoring server;
editing this copy changes nothing except your own understanding.
"""

import math
import jax, jax.numpy as jnp
import numpy as np

NUM_PROMPTS = 100000
NUM_TOKENS = 20
TOKEN_DIM = 32
BATCH = 4096

def setup_inputs(seed: int = 0) -> dict:
    key = jax.random.key(seed)
    k1, k2, k3 = jax.random.split(key, 3)
    x = jax.random.normal(k1, (BATCH, NUM_TOKENS, TOKEN_DIM), dtype=jnp.float32)
    idx = jax.random.randint(k2, (BATCH,), 0, NUM_PROMPTS)
    # prompts initialized as in expand_prompts: kaiming_uniform_(a=sqrt(5)) then / token_dim**2
    # fan_in = num_tokens * token_dim; gain = sqrt(2/(1+5)) = sqrt(1/3); bound = gain*sqrt(3/fan_in) = sqrt(1/fan_in)
    bound = math.sqrt(1.0 / (NUM_TOKENS * TOKEN_DIM))
    prompts = jax.random.uniform(k3, (NUM_PROMPTS, NUM_TOKENS, TOKEN_DIM), dtype=jnp.float32, minval=-bound, maxval=bound) / (TOKEN_DIM ** 2)
    return {"x": x, "idx": idx, "prompts": prompts}

def reference(x, idx, prompts):
    # PromptTuningLayer.forward with idx provided: x + self.prompts.weight[idx]
    gathered = jnp.take(prompts, idx, axis=0)  # [B, num_tokens, token_dim]
    return x + gathered

if __name__ == "__main__":
    import jax
    _d = setup_inputs()
    print(jax.jit(kernel)(*tuple(_d.values())))

</pallas_src>

<mosaic_0001>
#map = affine_map<(d0, d1) -> (0, 0)>
#map1 = affine_map<(d0, d1) -> (0)>
module attributes {stable_mosaic.version = 14 : i64} {
  func.func @_sc_body(%arg0: i32, %arg1: i32, %arg2: memref<100000x640xf32, #tpu.memory_space<hbm>>, %arg3: memref<4096xi32, #tpu.memory_space<hbm>>, %arg4: memref<4096x640xf32, #tpu.memory_space<hbm>>, %arg5: memref<4096x640xf32, #tpu.memory_space<hbm>>, %arg6: memref<128xi32, #tpu.memory_space<vmem>>, %arg7: memref<128x640xf32, #tpu.memory_space<vmem>>, %arg8: memref<2x32x640xf32, #tpu.memory_space<vmem>>, %arg9: memref<2x!tpu.dma_semaphore, #tpu.memory_space<semaphore_mem>>, %arg10: memref<2x!tpu.dma_semaphore, #tpu.memory_space<semaphore_mem>>, %arg11: memref<!tpu.dma_semaphore, #tpu.memory_space<semaphore_mem>>) attributes {dimension_semantics = [#tpu.dimension_semantics<core_parallel>, #tpu.dimension_semantics<subcore_parallel>], iteration_bounds = array<i64: 2, 16>, scalar_prefetch = 0 : i64, scratch_operands = 6 : i64, tpu.core_type = #tpu.core_type<sc_vector_subcore>, window_params = [{transform_indices = #map}, {transform_indices = #map1}, {transform_indices = #map}, {transform_indices = #map}]} {
    %mul3A = arith.constant 2 : i32
    %mul3A_0 = arith.muli %arg1, %mul3A : i32
    %add3A = arith.addi %mul3A_0, %arg0 : i32
    %mul3A_1 = arith.constant 128 : i32
    %mul3A_2 = arith.muli %add3A, %mul3A_1 : i32
    "tpu.region"() ({
      %run_scoped3A = tpu.sem_alloc : memref<!tpu.dma_semaphore, #tpu.memory_space<semaphore_mem>>
      %dma_start3A_340 = tpu.memref_slice %arg3[%mul3A_2] : memref<4096xi32, #tpu.memory_space<hbm>> -> memref<128xi32, #tpu.memory_space<hbm>>
      %dma_start3A_341 = tpu.memref_slice %arg3[%mul3A_2] : memref<4096xi32, #tpu.memory_space<hbm>> -> memref<128xi32, #tpu.memory_space<hbm>>
      tpu.enqueue_dma source(%dma_start3A_341 : memref<128xi32, #tpu.memory_space<hbm>>) target(%arg6 : memref<128xi32, #tpu.memory_space<vmem>>) target_semaphore(%run_scoped3A : memref<!tpu.dma_semaphore, #tpu.memory_space<semaphore_mem>>)
      %dma_wait3A_342 = tpu.memref_slice %arg3[%mul3A_2] : memref<4096xi32, #tpu.memory_space<hbm>> -> memref<128xi32, #tpu.memory_space<hbm>>
      %dma_wait3A_343 = tpu.memref_slice %arg3[%mul3A_2] : memref<4096xi32, #tpu.memory_space<hbm>> -> memref<128xi32, #tpu.memory_space<hbm>>
      tpu.wait_dma2 semaphore(%run_scoped3A : memref<!tpu.dma_semaphore, #tpu.memory_space<semaphore_mem>>) src(%dma_wait3A_343 : memref<128xi32, #tpu.memory_space<hbm>>) dst(%arg6 : memref<128xi32, #tpu.memory_space<vmem>>)
      tpu.yield
    }) : () -> ()
    %dma_start3A = arith.constant 0 : i32
    %dma_start3A_3 = arith.constant 0 : i32
    %dma_start3A_4 = arith.constant 0 : i32
    %dma_start3A_5 = tpu.memref_slice %arg7[%dma_start3A_3, %dma_start3A_4] : memref<128x640xf32, #tpu.memory_space<vmem>> -> memref<32x640xf32, #tpu.memory_space<vmem>>
    %dma_start3A_6 = arith.constant 0 : i32
    %dma_start3A_7 = tpu.memref_slice %arg6[%dma_start3A_6] : memref<128xi32, #tpu.memory_space<vmem>> -> memref<32xi32, #tpu.memory_space<vmem>>
    %dma_start3A_8 = arith.constant 0 : i32
    %dma_start3A_9 = arith.constant 0 : i32
    %dma_start3A_10 = tpu.memref_slice %arg2[%dma_start3A_8, %dma_start3A_9] : memref<100000x640xf32, #tpu.memory_space<hbm>> -> memref<100000x640xf32, #tpu.memory_space<hbm>>
    %dma_start3A_11 = tpu.memref_slice %arg9[%dma_start3A] : memref<2x!tpu.dma_semaphore, #tpu.memory_space<semaphore_mem>> -> memref<1x!tpu.dma_semaphore, #tpu.memory_space<semaphore_mem>>
    %dma_start3A_12 = tpu.memref_squeeze %dma_start3A_11 : memref<1x!tpu.dma_semaphore, #tpu.memory_space<semaphore_mem>> -> memref<!tpu.dma_semaphore, #tpu.memory_space<semaphore_mem>>
    tpu.enqueue_indirect_dma source(%dma_start3A_10 : memref<100000x640xf32, #tpu.memory_space<hbm>>) target(%dma_start3A_5 : memref<32x640xf32, #tpu.memory_space<vmem>>) offsets(%dma_start3A_7 : memref<32xi32, #tpu.memory_space<vmem>>) semaphore(%dma_start3A_12 : memref<!tpu.dma_semaphore, #tpu.memory_space<semaphore_mem>>)
    %add3A_13 = arith.constant 0 : i32
    %add3A_14 = arith.addi %mul3A_2, %add3A_13 : i32
    %dma_start3A_15 = arith.constant 0 : i32
    %dma_start3A_16 = arith.constant 0 : i32
    %dma_start3A_17 = arith.constant 0 : i32
    %dma_start3A_18 = arith.constant 0 : i32
    %dma_start3A_19 = tpu.memref_slice %arg8[%dma_start3A_15, %dma_start3A_17, %dma_start3A_18] : memref<2x32x640xf32, #tpu.memory_space<vmem>> -> memref<1x32x640xf32, #tpu.memory_space<vmem>>
    %dma_start3A_20 = tpu.memref_squeeze %dma_start3A_19 : memref<1x32x640xf32, #tpu.memory_space<vmem>> -> memref<32x640xf32, #tpu.memory_space<vmem>>
    %dma_start3A_21 = arith.constant 0 : i32
    %dma_start3A_22 = tpu.memref_slice %arg4[%add3A_14, %dma_start3A_21] : memref<4096x640xf32, #tpu.memory_space<hbm>> -> memref<32x640xf32, #tpu.memory_space<hbm>>
    %dma_start3A_23 = tpu.memref_slice %arg10[%dma_start3A_16] : memref<2x!tpu.dma_semaphore, #tpu.memory_space<semaphore_mem>> -> memref<1x!tpu.dma_semaphore, #tpu.memory_space<semaphore_mem>>
    %dma_start3A_24 = tpu.memref_squeeze %dma_start3A_23 : memref<1x!tpu.dma_semaphore, #tpu.memory_space<semaphore_mem>> -> memref<!tpu.dma_semaphore, #tpu.memory_space<semaphore_mem>>
    %dma_start3A_25 = arith.constant 0 : i32
    %dma_start3A_26 = arith.constant 0 : i32
    %dma_start3A_27 = tpu.memref_slice %arg8[%dma_start3A_15, %dma_start3A_25, %dma_start3A_26] : memref<2x32x640xf32, #tpu.memory_space<vmem>> -> memref<1x32x640xf32, #tpu.memory_space<vmem>>
    %dma_start3A_28 = tpu.memref_squeeze %dma_start3A_27 : memref<1x32x640xf32, #tpu.memory_space<vmem>> -> memref<32x640xf32, #tpu.memory_space<vmem>>
    %dma_start3A_29 = arith.constant 0 : i32
    %dma_start3A_30 = tpu.memref_slice %arg4[%add3A_14, %dma_start3A_29] : memref<4096x640xf32, #tpu.memory_space<hbm>> -> memref<32x640xf32, #tpu.memory_space<hbm>>
    tpu.enqueue_dma source(%dma_start3A_30 : memref<32x640xf32, #tpu.memory_space<hbm>>) target(%dma_start3A_28 : memref<32x640xf32, #tpu.memory_space<vmem>>) target_semaphore(%dma_start3A_24 : memref<!tpu.dma_semaphore, #tpu.memory_space<semaphore_mem>>)
    %dma_start3A_31 = arith.constant 1 : i32
    %dma_start3A_32 = arith.constant 32 : i32
    %dma_start3A_33 = arith.constant 0 : i32
    %dma_start3A_34 = tpu.memref_slice %arg7[%dma_start3A_32, %dma_start3A_33] : memref<128x640xf32, #tpu.memory_space<vmem>> -> memref<32x640xf32, #tpu.memory_space<vmem>>
    %dma_start3A_35 = arith.constant 32 : i32
    %dma_start3A_36 = tpu.memref_slice %arg6[%dma_start3A_35] : memref<128xi32, #tpu.memory_space<vmem>> -> memref<32xi32, #tpu.memory_space<vmem>>
    %dma_start3A_37 = arith.constant 0 : i32
    %dma_start3A_38 = arith.constant 0 : i32
    %dma_start3A_39 = tpu.memref_slice %arg2[%dma_start3A_37, %dma_start3A_38] : memref<100000x640xf32, #tpu.memory_space<hbm>> -> memref<100000x640xf32, #tpu.memory_space<hbm>>
    %dma_start3A_40 = tpu.memref_slice %arg9[%dma_start3A_31] : memref<2x!tpu.dma_semaphore, #tpu.memory_space<semaphore_mem>> -> memref<1x!tpu.dma_semaphore, #tpu.memory_space<semaphore_mem>>
    %dma_start3A_41 = tpu.memref_squeeze %dma_start3A_40 : memref<1x!tpu.dma_semaphore, #tpu.memory_space<semaphore_mem>> -> memref<!tpu.dma_semaphore, #tpu.memory_space<semaphore_mem>>
    tpu.enqueue_indirect_dma source(%dma_start3A_39 : memref<100000x640xf32, #tpu.memory_space<hbm>>) target(%dma_start3A_34 : memref<32x640xf32, #tpu.memory_space<vmem>>) offsets(%dma_start3A_36 : memref<32xi32, #tpu.memory_space<vmem>>) semaphore(%dma_start3A_41 : memref<!tpu.dma_semaphore, #tpu.memory_space<semaphore_mem>>)
    %add3A_42 = arith.constant 32 : i32
    %add3A_43 = arith.addi %mul3A_2, %add3A_42 : i32
    %dma_start3A_44 = arith.constant 1 : i32
    %dma_start3A_45 = arith.constant 1 : i32
    %dma_start3A_46 = arith.constant 0 : i32
    %dma_start3A_47 = arith.constant 0 : i32
    %dma_start3A_48 = tpu.memref_slice %arg8[%dma_start3A_44, %dma_start3A_46, %dma_start3A_47] : memref<2x32x640xf32, #tpu.memory_space<vmem>> -> memref<1x32x640xf32, #tpu.memory_space<vmem>>
    %dma_start3A_49 = tpu.memref_squeeze %dma_start3A_48 : memref<1x32x640xf32, #tpu.memory_space<vmem>> -> memref<32x640xf32, #tpu.memory_space<vmem>>
    %dma_start3A_50 = arith.constant 0 : i32
    %dma_start3A_51 = tpu.memref_slice %arg4[%add3A_43, %dma_start3A_50] : memref<4096x640xf32, #tpu.memory_space<hbm>> -> memref<32x640xf32, #tpu.memory_space<hbm>>
    %dma_start3A_52 = tpu.memref_slice %arg10[%dma_start3A_45] : memref<2x!tpu.dma_semaphore, #tpu.memory_space<semaphore_mem>> -> memref<1x!tpu.dma_semaphore, #tpu.memory_space<semaphore_mem>>
    %dma_start3A_53 = tpu.memref_squeeze %dma_start3A_52 : memref<1x!tpu.dma_semaphore, #tpu.memory_space<semaphore_mem>> -> memref<!tpu.dma_semaphore, #tpu.memory_space<semaphore_mem>>
    %dma_start3A_54 = arith.constant 0 : i32
    %dma_start3A_55 = arith.constant 0 : i32
    %dma_start3A_56 = tpu.memref_slice %arg8[%dma_start3A_44, %dma_start3A_54, %dma_start3A_55] : memref<2x32x640xf32, #tpu.memory_space<vmem>> -> memref<1x32x640xf32, #tpu.memory_space<vmem>>
    %dma_start3A_57 = tpu.memref_squeeze %dma_start3A_56 : memref<1x32x640xf32, #tpu.memory_space<vmem>> -> memref<32x640xf32, #tpu.memory_space<vmem>>
    %dma_start3A_58 = arith.constant 0 : i32
    %dma_start3A_59 = tpu.memref_slice %arg4[%add3A_43, %dma_start3A_58] : memref<4096x640xf32, #tpu.memory_space<hbm>> -> memref<32x640xf32, #tpu.memory_space<hbm>>
    tpu.enqueue_dma source(%dma_start3A_59 : memref<32x640xf32, #tpu.memory_space<hbm>>) target(%dma_start3A_57 : memref<32x640xf32, #tpu.memory_space<vmem>>) target_semaphore(%dma_start3A_53 : memref<!tpu.dma_semaphore, #tpu.memory_space<semaphore_mem>>)
    %dma_wait3A = arith.constant 0 : i32
    %dma_wait3A_60 = arith.constant 0 : i32
    %dma_wait3A_61 = arith.constant 0 : i32
    %dma_wait3A_62 = tpu.memref_slice %arg7[%dma_wait3A_60, %dma_wait3A_61] : memref<128x640xf32, #tpu.memory_space<vmem>> -> memref<32x640xf32, #tpu.memory_space<vmem>>
    %dma_wait3A_63 = arith.constant 0 : i32
    %dma_wait3A_64 = tpu.memref_slice %arg6[%dma_wait3A_63] : memref<128xi32, #tpu.memory_space<vmem>> -> memref<32xi32, #tpu.memory_space<vmem>>
    %dma_wait3A_65 = arith.constant 0 : i32
    %dma_wait3A_66 = arith.constant 0 : i32
    %dma_wait3A_67 = tpu.memref_slice %arg2[%dma_wait3A_65, %dma_wait3A_66] : memref<100000x640xf32, #tpu.memory_space<hbm>> -> memref<100000x640xf32, #tpu.memory_space<hbm>>
    %dma_wait3A_68 = tpu.memref_slice %arg9[%dma_wait3A] : memref<2x!tpu.dma_semaphore, #tpu.memory_space<semaphore_mem>> -> memref<1x!tpu.dma_semaphore, #tpu.memory_space<semaphore_mem>>
    %dma_wait3A_69 = tpu.memref_squeeze %dma_wait3A_68 : memref<1x!tpu.dma_semaphore, #tpu.memory_space<semaphore_mem>> -> memref<!tpu.dma_semaphore, #tpu.memory_space<semaphore_mem>>
    tpu.wait_indirect_dma semaphore(%dma_wait3A_69 : memref<!tpu.dma_semaphore, #tpu.memory_space<semaphore_mem>>) src(%dma_wait3A_67 : memref<100000x640xf32, #tpu.memory_space<hbm>>) dst(%dma_wait3A_62 : memref<32x640xf32, #tpu.memory_space<vmem>>)
    %dma_wait3A_70 = arith.constant 0 : i32
    %dma_wait3A_71 = arith.constant 0 : i32
    %dma_wait3A_72 = arith.constant 0 : i32
    %dma_wait3A_73 = arith.constant 0 : i32
    %dma_wait3A_74 = tpu.memref_slice %arg8[%dma_wait3A_70, %dma_wait3A_72, %dma_wait3A_73] : memref<2x32x640xf32, #tpu.memory_space<vmem>> -> memref<1x32x640xf32, #tpu.memory_space<vmem>>
    %dma_wait3A_75 = tpu.memref_squeeze %dma_wait3A_74 : memref<1x32x640xf32, #tpu.memory_space<vmem>> -> memref<32x640xf32, #tpu.memory_space<vmem>>
    %dma_wait3A_76 = arith.constant 0 : i32
    %dma_wait3A_77 = tpu.memref_slice %arg4[%add3A_14, %dma_wait3A_76] : memref<4096x640xf32, #tpu.memory_space<hbm>> -> memref<32x640xf32, #tpu.memory_space<hbm>>
    %dma_wait3A_78 = tpu.memref_slice %arg10[%dma_wait3A_71] : memref<2x!tpu.dma_semaphore, #tpu.memory_space<semaphore_mem>> -> memref<1x!tpu.dma_semaphore, #tpu.memory_space<semaphore_mem>>
    %dma_wait3A_79 = tpu.memref_squeeze %dma_wait3A_78 : memref<1x!tpu.dma_semaphore, #tpu.memory_space<semaphore_mem>> -> memref<!tpu.dma_semaphore, #tpu.memory_space<semaphore_mem>>
    %dma_wait3A_80 = arith.constant 0 : i32
    %dma_wait3A_81 = arith.constant 0 : i32
    %dma_wait3A_82 = tpu.memref_slice %arg8[%dma_wait3A_70, %dma_wait3A_80, %dma_wait3A_81] : memref<2x32x640xf32, #tpu.memory_space<vmem>> -> memref<1x32x640xf32, #tpu.memory_space<vmem>>
    %dma_wait3A_83 = tpu.memref_squeeze %dma_wait3A_82 : memref<1x32x640xf32, #tpu.memory_space<vmem>> -> memref<32x640xf32, #tpu.memory_space<vmem>>
    %dma_wait3A_84 = arith.constant 0 : i32
    %dma_wait3A_85 = tpu.memref_slice %arg4[%add3A_14, %dma_wait3A_84] : memref<4096x640xf32, #tpu.memory_space<hbm>> -> memref<32x640xf32, #tpu.memory_space<hbm>>
    tpu.wait_dma2 semaphore(%dma_wait3A_79 : memref<!tpu.dma_semaphore, #tpu.memory_space<semaphore_mem>>) src(%dma_wait3A_85 : memref<32x640xf32, #tpu.memory_space<hbm>>) dst(%dma_wait3A_83 : memref<32x640xf32, #tpu.memory_space<vmem>>)
    %scan3A = arith.constant 0 : i32
    %scan3A_86 = arith.constant 0 : i32
    %scan3A_87 = arith.constant 32 : i32
    %scan3A_88 = arith.addi %scan3A_86, %scan3A_87 : i32
    %scan3A_89 = arith.constant 1 : i32
    %scan3A_90 = scf.for %scan3A_340 = %scan3A_86 to %scan3A_88 step %scan3A_89 iter_args(%scan3A_341 = %scan3A) -> (i32)  : i32 {
      %add3A_342 = arith.constant 0 : i32
      %add3A_343 = arith.addi %add3A_342, %scan3A_340 : i32
      %get3A = arith.index_cast %add3A_343 : i32 to index
      %get3A_344 = arith.constant 0 : index
      %get3A_345 = tpu.vector_load %arg7[%get3A, %get3A_344] {strides = array<i32>} : memref<128x640xf32, #tpu.memory_space<vmem>>, vector<1x16xf32>,
      %get3A_346 = vector.shape_cast %get3A_345 : vector<1x16xf32> to vector<16xf32>
      %get3A_347 = arith.constant 0 : i32
      %get3A_348 = arith.index_cast %get3A_347 : i32 to index
      %get3A_349 = arith.index_cast %scan3A_340 : i32 to index
      %get3A_350 = arith.constant 0 : index
      %get3A_351 = tpu.vector_load %arg8[%get3A_348, %get3A_349, %get3A_350] {strides = array<i32>} : memref<2x32x640xf32, #tpu.memory_space<vmem>>, vector<1x1x16xf32>,
      %get3A_352 = vector.shape_cast %get3A_351 : vector<1x1x16xf32> to vector<16xf32>
      %add3A_353 = arith.addf %get3A_346, %get3A_352 : vector<16xf32>
      %add3A_354 = arith.constant 0 : i32
      %add3A_355 = arith.addi %add3A_354, %scan3A_340 : i32
      %swap3A = arith.index_cast %add3A_355 : i32 to index
      %swap3A_356 = arith.constant 0 : index
      %swap3A_357 = tpu.vector_load %arg7[%swap3A, %swap3A_356] {strides = array<i32>} : memref<128x640xf32, #tpu.memory_space<vmem>>, vector<1x16xf32>,
      %swap3A_358 = vector.shape_cast %swap3A_357 : vector<1x16xf32> to vector<16xf32>
      %swap3A_359 = vector.shape_cast %add3A_353 : vector<16xf32> to vector<1x16xf32>
      tpu.vector_store %arg7[%swap3A, %swap3A_356], %swap3A_359 {strides = array<i32>} : memref<128x640xf32, #tpu.memory_space<vmem>>, vector<1x16xf32>,
      %add3A_360 = arith.constant 0 : i32
      %add3A_361 = arith.addi %add3A_360, %scan3A_340 : i32
      %get3A_362 = arith.index_cast %add3A_361 : i32 to index
      %get3A_363 = arith.constant 16 : index
      %get3A_364 = tpu.vector_load %arg7[%get3A_362, %get3A_363] {strides = array<i32>} : memref<128x640xf32, #tpu.memory_space<vmem>>, vector<1x16xf32>,
      %get3A_365 = vector.shape_cast %get3A_364 : vector<1x16xf32> to vector<16xf32>
      %get3A_366 = arith.constant 0 : i32
      %get3A_367 = arith.index_cast %get3A_366 : i32 to index
      %get3A_368 = arith.index_cast %scan3A_340 : i32 to index
      %get3A_369 = arith.constant 16 : index
      %get3A_370 = tpu.vector_load %arg8[%get3A_367, %get3A_368, %get3A_369] {strides = array<i32>} : memref<2x32x640xf32, #tpu.memory_space<vmem>>, vector<1x1x16xf32>,
      %get3A_371 = vector.shape_cast %get3A_370 : vector<1x1x16xf32> to vector<16xf32>
      %add3A_372 = arith.addf %get3A_365, %get3A_371 : vector<16xf32>
      %add3A_373 = arith.constant 0 : i32
      %add3A_374 = arith.addi %add3A_373, %scan3A_340 : i32
      %swap3A_375 = arith.index_cast %add3A_374 : i32 to index
      %swap3A_376 = arith.constant 16 : index
      %swap3A_377 = tpu.vector_load %arg7[%swap3A_375, %swap3A_376] {strides = array<i32>} : memref<128x640xf32, #tpu.memory_space<vmem>>, vector<1x16xf32>,
      %swap3A_378 = vector.shape_cast %swap3A_377 : vector<1x16xf32> to vector<16xf32>
      %swap3A_379 = vector.shape_cast %add3A_372 : vector<16xf32> to vector<1x16xf32>
      tpu.vector_store %arg7[%swap3A_375, %swap3A_376], %swap3A_379 {strides = array<i32>} : memref<128x640xf32, #tpu.memory_space<vmem>>, vector<1x16xf32>,
      %add3A_380 = arith.constant 0 : i32
      %add3A_381 = arith.addi %add3A_380, %scan3A_340 : i32
      %get3A_382 = arith.index_cast %add3A_381 : i32 to index
      %get3A_383 = arith.constant 32 : index
      %get3A_384 = tpu.vector_load %arg7[%get3A_382, %get3A_383] {strides = array<i32>} : memref<128x640xf32, #tpu.memory_space<vmem>>, vector<1x16xf32>,
      %get3A_385 = vector.shape_cast %get3A_384 : vector<1x16xf32> to vector<16xf32>
      %get3A_386 = arith.constant 0 : i32
      %get3A_387 = arith.index_cast %get3A_386 : i32 to index
      %get3A_388 = arith.index_cast %scan3A_340 : i32 to index
      %get3A_389 = arith.constant 32 : index
      %get3A_390 = tpu.vector_load %arg8[%get3A_387, %get3A_388, %get3A_389] {strides = array<i32>} : memref<2x32x640xf32, #tpu.memory_space<vmem>>, vector<1x1x16xf32>,
      %get3A_391 = vector.shape_cast %get3A_390 : vector<1x1x16xf32> to vector<16xf32>
      %add3A_392 = arith.addf %get3A_385, %get3A_391 : vector<16xf32>
      %add3A_393 = arith.constant 0 : i32
      %add3A_394 = arith.addi %add3A_393, %scan3A_340 : i32
      %swap3A_395 = arith.index_cast %add3A_394 : i32 to index
      %swap3A_396 = arith.constant 32 : index
      %swap3A_397 = tpu.vector_load %arg7[%swap3A_395, %swap3A_396] {strides = array<i32>} : memref<128x640xf32, #tpu.memory_space<vmem>>, vector<1x16xf32>,
      %swap3A_398 = vector.shape_cast %swap3A_397 : vector<1x16xf32> to vector<16xf32>
      %swap3A_399 = vector.shape_cast %add3A_392 : vector<16xf32> to vector<1x16xf32>
      tpu.vector_store %arg7[%swap3A_395, %swap3A_396], %swap3A_399 {strides = array<i32>} : memref<128x640xf32, #tpu.memory_space<vmem>>, vector<1x16xf32>,
      %add3A_400 = arith.constant 0 : i32
      %add3A_401 = arith.addi %add3A_400, %scan3A_340 : i32
      %get3A_402 = arith.index_cast %add3A_401 : i32 to index
      %get3A_403 = arith.constant 48 : index
      %get3A_404 = tpu.vector_load %arg7[%get3A_402, %get3A_403] {strides = array<i32>} : memref<128x640xf32, #tpu.memory_space<vmem>>, vector<1x16xf32>,
      %get3A_405 = vector.shape_cast %get3A_404 : vector<1x16xf32> to vector<16xf32>
      %get3A_406 = arith.constant 0 : i32
      %get3A_407 = arith.index_cast %get3A_406 : i32 to index
      %get3A_408 = arith.index_cast %scan3A_340 : i32 to index
      %get3A_409 = arith.constant 48 : index
      %get3A_410 = tpu.vector_load %arg8[%get3A_407, %get3A_408, %get3A_409] {strides = array<i32>} : memref<2x32x640xf32, #tpu.memory_space<vmem>>, vector<1x1x16xf32>,
      %get3A_411 = vector.shape_cast %get3A_410 : vector<1x1x16xf32> to vector<16xf32>
      %add3A_412 = arith.addf %get3A_405, %get3A_411 : vector<16xf32>
      %add3A_413 = arith.constant 0 : i32
      %add3A_414 = arith.addi %add3A_413, %scan3A_340 : i32
      %swap3A_415 = arith.index_cast %add3A_414 : i32 to index
      %swap3A_416 = arith.constant 48 : index
      %swap3A_417 = tpu.vector_load %arg7[%swap3A_415, %swap3A_416] {strides = array<i32>} : memref<128x640xf32, #tpu.memory_space<vmem>>, vector<1x16xf32>,
      %swap3A_418 = vector.shape_cast %swap3A_417 : vector<1x16xf32> to vector<16xf32>
      %swap3A_419 = vector.shape_cast %add3A_412 : vector<16xf32> to vector<1x16xf32>
      tpu.vector_store %arg7[%swap3A_415, %swap3A_416], %swap3A_419 {strides = array<i32>} : memref<128x640xf32, #tpu.memory_space<vmem>>, vector<1x16xf32>,
      %add3A_420 = arith.constant 0 : i32
      %add3A_421 = arith.addi %add3A_420, %scan3A_340 : i32
      %get3A_422 = arith.index_cast %add3A_421 : i32 to index
      %get3A_423 = arith.constant 64 : index
      %get3A_424 = tpu.vector_load %arg7[%get3A_422, %get3A_423] {strides = array<i32>} : memref<128x640xf32, #tpu.memory_space<vmem>>, vector<1x16xf32>,
      %get3A_425 = vector.shape_cast %get3A_424 : vector<1x16xf32> to vector<16xf32>
      %get3A_426 = arith.constant 0 : i32
      %get3A_427 = arith.index_cast %get3A_426 : i32 to index
      %get3A_428 = arith.index_cast %scan3A_340 : i32 to index
      %get3A_429 = arith.constant 64 : index
      %get3A_430 = tpu.vector_load %arg8[%get3A_427, %get3A_428, %get3A_429] {strides = array<i32>} : memref<2x32x640xf32, #tpu.memory_space<vmem>>, vector<1x1x16xf32>,
      %get3A_431 = vector.shape_cast %get3A_430 : vector<1x1x16xf32> to vector<16xf32>
      %add3A_432 = arith.addf %get3A_425, %get3A_431 : vector<16xf32>
      %add3A_433 = arith.constant 0 : i32
      %add3A_434 = arith.addi %add3A_433, %scan3A_340 : i32
      %swap3A_435 = arith.index_cast %add3A_434 : i32 to index
      %swap3A_436 = arith.constant 64 : index
      %swap3A_437 = tpu.vector_load %arg7[%swap3A_435, %swap3A_436] {strides = array<i32>} : memref<128x640xf32, #tpu.memory_space<vmem>>, vector<1x16xf32>,
      %swap3A_438 = vector.shape_cast %swap3A_437 : vector<1x16xf32> to vector<16xf32>
      %swap3A_439 = vector.shape_cast %add3A_432 : vector<16xf32> to vector<1x16xf32>
      tpu.vector_store %arg7[%swap3A_435, %swap3A_436], %swap3A_439 {strides = array<i32>} : memref<128x640xf32, #tpu.memory_space<vmem>>, vector<1x16xf32>,
      %add3A_440 = arith.constant 0 : i32
      %add3A_441 = arith.addi %add3A_440, %scan3A_340 : i32
      %get3A_442 = arith.index_cast %add3A_441 : i32 to index
      %get3A_443 = arith.constant 80 : index
      %get3A_444 = tpu.vector_load %arg7[%get3A_442, %get3A_443] {strides = array<i32>} : memref<128x640xf32, #tpu.memory_space<vmem>>, vector<1x16xf32>,
      %get3A_445 = vector.shape_cast %get3A_444 : vector<1x16xf32> to vector<16xf32>
      %get3A_446 = arith.constant 0 : i32
      %get3A_447 = arith.index_cast %get3A_446 : i32 to index
      %get3A_448 = arith.index_cast %scan3A_340 : i32 to index
      %get3A_449 = arith.constant 80 : index
      %get3A_450 = tpu.vector_load %arg8[%get3A_447, %get3A_448, %get3A_449] {strides = array<i32>} : memref<2x32x640xf32, #tpu.memory_space<vmem>>, vector<1x1x16xf32>,
      %get3A_451 = vector.shape_cast %get3A_450 : vector<1x1x16xf32> to vector<16xf32>
      %add3A_452 = arith.addf %get3A_445, %get3A_451 : vector<16xf32>
      %add3A_453 = arith.constant 0 : i32
      %add3A_454 = arith.addi %add3A_453, %scan3A_340 : i32
      %swap3A_455 = arith.index_cast %add3A_454 : i32 to index
      %swap3A_456 = arith.constant 80 : index
      %swap3A_457 = tpu.vector_load %arg7[%swap3A_455, %swap3A_456] {strides = array<i32>} : memref<128x640xf32, #tpu.memory_space<vmem>>, vector<1x16xf32>,
      %swap3A_458 = vector.shape_cast %swap3A_457 : vector<1x16xf32> to vector<16xf32>
      %swap3A_459 = vector.shape_cast %add3A_452 : vector<16xf32> to vector<1x16xf32>
      tpu.vector_store %arg7[%swap3A_455, %swap3A_456], %swap3A_459 {strides = array<i32>} : memref<128x640xf32, #tpu.memory_space<vmem>>, vector<1x16xf32>,
      %add3A_460 = arith.constant 0 : i32
      %add3A_461 = arith.addi %add3A_460, %scan3A_340 : i32
      %get3A_462 = arith.index_cast %add3A_461 : i32 to index
      %get3A_463 = arith.constant 96 : index
      %get3A_464 = tpu.vector_load %arg7[%get3A_462, %get3A_463] {strides = array<i32>} : memref<128x640xf32, #tpu.memory_space<vmem>>, vector<1x16xf32>,
      %get3A_465 = vector.shape_cast %get3A_464 : vector<1x16xf32> to vector<16xf32>
      %get3A_466 = arith.constant 0 : i32
      %get3A_467 = arith.index_cast %get3A_466 : i32 to index
      %get3A_468 = arith.index_cast %scan3A_340 : i32 to index
      %get3A_469 = arith.constant 96 : index
      %get3A_470 = tpu.vector_load %arg8[%get3A_467, %get3A_468, %get3A_469] {strides = array<i32>} : memref<2x32x640xf32, #tpu.memory_space<vmem>>, vector<1x1x16xf32>,
      %get3A_471 = vector.shape_cast %get3A_470 : vector<1x1x16xf32> to vector<16xf32>
      %add3A_472 = arith.addf %get3A_465, %get3A_471 : vector<16xf32>
      %add3A_473 = arith.constant 0 : i32
      %add3A_474 = arith.addi %add3A_473, %scan3A_340 : i32
      %swap3A_475 = arith.index_cast %add3A_474 : i32 to index
      %swap3A_476 = arith.constant 96 : index
      %swap3A_477 = tpu.vector_load %arg7[%swap3A_475, %swap3A_476] {strides = array<i32>} : memref<128x640xf32, #tpu.memory_space<vmem>>, vector<1x16xf32>,
      %swap3A_478 = vector.shape_cast %swap3A_477 : vector<1x16xf32> to vector<16xf32>
      %swap3A_479 = vector.shape_cast %add3A_472 : vector<16xf32> to vector<1x16xf32>
      tpu.vector_store %arg7[%swap3A_475, %swap3A_476], %swap3A_479 {strides = array<i32>} : memref<128x640xf32, #tpu.memory_space<vmem>>, vector<1x16xf32>,
      %add3A_480 = arith.constant 0 : i32
      %add3A_481 = arith.addi %add3A_480, %scan3A_340 : i32
      %get3A_482 = arith.index_cast %add3A_481 : i32 to index
      %get3A_483 = arith.constant 112 : index
      %get3A_484 = tpu.vector_load %arg7[%get3A_482, %get3A_483] {strides = array<i32>} : memref<128x640xf32, #tpu.memory_space<vmem>>, vector<1x16xf32>,
      %get3A_485 = vector.shape_cast %get3A_484 : vector<1x16xf32> to vector<16xf32>
      %get3A_486 = arith.constant 0 : i32
      %get3A_487 = arith.index_cast %get3A_486 : i32 to index
      %get3A_488 = arith.index_cast %scan3A_340 : i32 to index
      %get3A_489 = arith.constant 112 : index
      %get3A_490 = tpu.vector_load %arg8[%get3A_487, %get3A_488, %get3A_489] {strides = array<i32>} : memref<2x32x640xf32, #tpu.memory_space<vmem>>, vector<1x1x16xf32>,
      %get3A_491 = vector.shape_cast %get3A_490 : vector<1x1x16xf32> to vector<16xf32>
      %add3A_492 = arith.addf %get3A_485, %get3A_491 : vector<16xf32>
      %add3A_493 = arith.constant 0 : i32
      %add3A_494 = arith.addi %add3A_493, %scan3A_340 : i32
      %swap3A_495 = arith.index_cast %add3A_494 : i32 to index
      %swap3A_496 = arith.constant 112 : index
      %swap3A_497 = tpu.vector_load %arg7[%swap3A_495, %swap3A_496] {strides = array<i32>} : memref<128x640xf32, #tpu.memory_space<vmem>>, vector<1x16xf32>,
      %swap3A_498 = vector.shape_cast %swap3A_497 : vector<1x16xf32> to vector<16xf32>
      %swap3A_499 = vector.shape_cast %add3A_492 : vector<16xf32> to vector<1x16xf32>
      tpu.vector_store %arg7[%swap3A_495, %swap3A_496], %swap3A_499 {strides = array<i32>} : memref<128x640xf32, #tpu.memory_space<vmem>>, vector<1x16xf32>,
      %add3A_500 = arith.constant 0 : i32
      %add3A_501 = arith.addi %add3A_500, %scan3A_340 : i32
      %get3A_502 = arith.index_cast %add3A_501 : i32 to index
      %get3A_503 = arith.constant 128 : index
      %get3A_504 = tpu.vector_load %arg7[%get3A_502, %get3A_503] {strides = array<i32>} : memref<128x640xf32, #tpu.memory_space<vmem>>, vector<1x16xf32>,
      %get3A_505 = vector.shape_cast %get3A_504 : vector<1x16xf32> to vector<16xf32>
      %get3A_506 = arith.constant 0 : i32
      %get3A_507 = arith.index_cast %get3A_506 : i32 to index
      %get3A_508 = arith.index_cast %scan3A_340 : i32 to index
      %get3A_509 = arith.constant 128 : index
      %get3A_510 = tpu.vector_load %arg8[%get3A_507, %get3A_508, %get3A_509] {strides = array<i32>} : memref<2x32x640xf32, #tpu.memory_space<vmem>>, vector<1x1x16xf32>,
      %get3A_511 = vector.shape_cast %get3A_510 : vector<1x1x16xf32> to vector<16xf32>
      %add3A_512 = arith.addf %get3A_505, %get3A_511 : vector<16xf32>
      %add3A_513 = arith.constant 0 : i32
      %add3A_514 = arith.addi %add3A_513, %scan3A_340 : i32
      %swap3A_515 = arith.index_cast %add3A_514 : i32 to index
      %swap3A_516 = arith.constant 128 : index
      %swap3A_517 = tpu.vector_load %arg7[%swap3A_515, %swap3A_516] {strides = array<i32>} : memref<128x640xf32, #tpu.memory_space<vmem>>, vector<1x16xf32>,
      %swap3A_518 = vector.shape_cast %swap3A_517 : vector<1x16xf32> to vector<16xf32>
      %swap3A_519 = vector.shape_cast %add3A_512 : vector<16xf32> to vector<1x16xf32>
      tpu.vector_store %arg7[%swap3A_515, %swap3A_516], %swap3A_519 {strides = array<i32>} : memref<128x640xf32, #tpu.memory_space<vmem>>, vector<1x16xf32>,
      %add3A_520 = arith.constant 0 : i32
      %add3A_521 = arith.addi %add3A_520, %scan3A_340 : i32
      %get3A_522 = arith.index_cast %add3A_521 : i32 to index
      %get3A_523 = arith.constant 144 : index
      %get3A_524 = tpu.vector_load %arg7[%get3A_522, %get3A_523] {strides = array<i32>} : memref<128x640xf32, #tpu.memory_space<vmem>>, vector<1x16xf32>,
      %get3A_525 = vector.shape_cast %get3A_524 : vector<1x16xf32> to vector<16xf32>
      %get3A_526 = arith.constant 0 : i32
      %get3A_527 = arith.index_cast %get3A_526 : i32 to index
      %get3A_528 = arith.index_cast %scan3A_340 : i32 to index
      %get3A_529 = arith.constant 144 : index
      %get3A_530 = tpu.vector_load %arg8[%get3A_527, %get3A_528, %get3A_529] {strides = array<i32>} : memref<2x32x640xf32, #tpu.memory_space<vmem>>, vector<1x1x16xf32>,
      %get3A_531 = vector.shape_cast %get3A_530 : vector<1x1x16xf32> to vector<16xf32>
      %add3A_532 = arith.addf %get3A_525, %get3A_531 : vector<16xf32>
      %add3A_533 = arith.constant 0 : i32
      %add3A_534 = arith.addi %add3A_533, %scan3A_340 : i32
      %swap3A_535 = arith.index_cast %add3A_534 : i32 to index
      %swap3A_536 = arith.constant 144 : index
      %swap3A_537 = tpu.vector_load %arg7[%swap3A_535, %swap3A_536] {strides = array<i32>} : memref<128x640xf32, #tpu.memory_space<vmem>>, vector<1x16xf32>,
      %swap3A_538 = vector.shape_cast %swap3A_537 : vector<1x16xf32> to vector<16xf32>
      %swap3A_539 = vector.shape_cast %add3A_532 : vector<16xf32> to vector<1x16xf32>
      tpu.vector_store %arg7[%swap3A_535, %swap3A_536], %swap3A_539 {strides = array<i32>} : memref<128x640xf32, #tpu.memory_space<vmem>>, vector<1x16xf32>,
      %add3A_540 = arith.constant 0 : i32
      %add3A_541 = arith.addi %add3A_540, %scan3A_340 : i32
      %get3A_542 = arith.index_cast %add3A_541 : i32 to index
      %get3A_543 = arith.constant 160 : index
      %get3A_544 = tpu.vector_load %arg7[%get3A_542, %get3A_543] {strides = array<i32>} : memref<128x640xf32, #tpu.memory_space<vmem>>, vector<1x16xf32>,
      %get3A_545 = vector.shape_cast %get3A_544 : vector<1x16xf32> to vector<16xf32>
      %get3A_546 = arith.constant 0 : i32
      %get3A_547 = arith.index_cast %get3A_546 : i32 to index
      %get3A_548 = arith.index_cast %scan3A_340 : i32 to index
      %get3A_549 = arith.constant 160 : index
      %get3A_550 = tpu.vector_load %arg8[%get3A_547, %get3A_548, %get3A_549] {strides = array<i32>} : memref<2x32x640xf32, #tpu.memory_space<vmem>>, vector<1x1x16xf32>,
      %get3A_551 = vector.shape_cast %get3A_550 : vector<1x1x16xf32> to vector<16xf32>
      %add3A_552 = arith.addf %get3A_545, %get3A_551 : vector<16xf32>
      %add3A_553 = arith.constant 0 : i32
      %add3A_554 = arith.addi %add3A_553, %scan3A_340 : i32
      %swap3A_555 = arith.index_cast %add3A_554 : i32 to index
      %swap3A_556 = arith.constant 160 : index
      %swap3A_557 = tpu.vector_load %arg7[%swap3A_555, %swap3A_556] {strides = array<i32>} : memref<128x640xf32, #tpu.memory_space<vmem>>, vector<1x16xf32>,
      %swap3A_558 = vector.shape_cast %swap3A_557 : vector<1x16xf32> to vector<16xf32>
      %swap3A_559 = vector.shape_cast %add3A_552 : vector<16xf32> to vector<1x16xf32>
      tpu.vector_store %arg7[%swap3A_555, %swap3A_556], %swap3A_559 {strides = array<i32>} : memref<128x640xf32, #tpu.memory_space<vmem>>, vector<1x16xf32>,
      %add3A_560 = arith.constant 0 : i32
      %add3A_561 = arith.addi %add3A_560, %scan3A_340 : i32
      %get3A_562 = arith.index_cast %add3A_561 : i32 to index
      %get3A_563 = arith.constant 176 : index
      %get3A_564 = tpu.vector_load %arg7[%get3A_562, %get3A_563] {strides = array<i32>} : memref<128x640xf32, #tpu.memory_space<vmem>>, vector<1x16xf32>,
      %get3A_565 = vector.shape_cast %get3A_564 : vector<1x16xf32> to vector<16xf32>
      %get3A_566 = arith.constant 0 : i32
      %get3A_567 = arith.index_cast %get3A_566 : i32 to index
      %get3A_568 = arith.index_cast %scan3A_340 : i32 to index
      %get3A_569 = arith.constant 176 : index
      %get3A_570 = tpu.vector_load %arg8[%get3A_567, %get3A_568, %get3A_569] {strides = array<i32>} : memref<2x32x640xf32, #tpu.memory_space<vmem>>, vector<1x1x16xf32>,
      %get3A_571 = vector.shape_cast %get3A_570 : vector<1x1x16xf32> to vector<16xf32>
      %add3A_572 = arith.addf %get3A_565, %get3A_571 : vector<16xf32>
      %add3A_573 = arith.constant 0 : i32
      %add3A_574 = arith.addi %add3A_573, %scan3A_340 : i32
      %swap3A_575 = arith.index_cast %add3A_574 : i32 to index
      %swap3A_576 = arith.constant 176 : index
      %swap3A_577 = tpu.vector_load %arg7[%swap3A_575, %swap3A_576] {strides = array<i32>} : memref<128x640xf32, #tpu.memory_space<vmem>>, vector<1x16xf32>,
      %swap3A_578 = vector.shape_cast %swap3A_577 : vector<1x16xf32> to vector<16xf32>
      %swap3A_579 = vector.shape_cast %add3A_572 : vector<16xf32> to vector<1x16xf32>
      tpu.vector_store %arg7[%swap3A_575, %swap3A_576], %swap3A_579 {strides = array<i32>} : memref<128x640xf32, #tpu.memory_space<vmem>>, vector<1x16xf32>,
      %add3A_580 = arith.constant 0 : i32
      %add3A_581 = arith.addi %add3A_580, %scan3A_340 : i32
      %get3A_582 = arith.index_cast %add3A_581 : i32 to index
      %get3A_583 = arith.constant 192 : index
      %get3A_584 = tpu.vector_load %arg7[%get3A_582, %get3A_583] {strides = array<i32>} : memref<128x640xf32, #tpu.memory_space<vmem>>, vector<1x16xf32>,
      %get3A_585 = vector.shape_cast %get3A_584 : vector<1x16xf32> to vector<16xf32>
      %get3A_586 = arith.constant 0 : i32
      %get3A_587 = arith.index_cast %get3A_586 : i32 to index
      %get3A_588 = arith.index_cast %scan3A_340 : i32 to index
      %get3A_589 = arith.constant 192 : index
      %get3A_590 = tpu.vector_load %arg8[%get3A_587, %get3A_588, %get3A_589] {strides = array<i32>} : memref<2x32x640xf32, #tpu.memory_space<vmem>>, vector<1x1x16xf32>,
      %get3A_591 = vector.shape_cast %get3A_590 : vector<1x1x16xf32> to vector<16xf32>
      %add3A_592 = arith.addf %get3A_585, %get3A_591 : vector<16xf32>
      %add3A_593 = arith.constant 0 : i32
      %add3A_594 = arith.addi %add3A_593, %scan3A_340 : i32
      %swap3A_595 = arith.index_cast %add3A_594 : i32 to index
      %swap3A_596 = arith.constant 192 : index
      %swap3A_597 = tpu.vector_load %arg7[%swap3A_595, %swap3A_596] {strides = array<i32>} : memref<128x640xf32, #tpu.memory_space<vmem>>, vector<1x16xf32>,
      %swap3A_598 = vector.shape_cast %swap3A_597 : vector<1x16xf32> to vector<16xf32>
      %swap3A_599 = vector.shape_cast %add3A_592 : vector<16xf32> to vector<1x16xf32>
      tpu.vector_store %arg7[%swap3A_595, %swap3A_596], %swap3A_599 {strides = array<i32>} : memref<128x640xf32, #tpu.memory_space<vmem>>, vector<1x16xf32>,
      %add3A_600 = arith.constant 0 : i32
      %add3A_601 = arith.addi %add3A_600, %scan3A_340 : i32
      %get3A_602 = arith.index_cast %add3A_601 : i32 to index
      %get3A_603 = arith.constant 208 : index
      %get3A_604 = tpu.vector_load %arg7[%get3A_602, %get3A_603] {strides = array<i32>} : memref<128x640xf32, #tpu.memory_space<vmem>>, vector<1x16xf32>,
      %get3A_605 = vector.shape_cast %get3A_604 : vector<1x16xf32> to vector<16xf32>
      %get3A_606 = arith.constant 0 : i32
      %get3A_607 = arith.index_cast %get3A_606 : i32 to index
      %get3A_608 = arith.index_cast %scan3A_340 : i32 to index
      %get3A_609 = arith.constant 208 : index
      %get3A_610 = tpu.vector_load %arg8[%get3A_607, %get3A_608, %get3A_609] {strides = array<i32>} : memref<2x32x640xf32, #tpu.memory_space<vmem>>, vector<1x1x16xf32>,
      %get3A_611 = vector.shape_cast %get3A_610 : vector<1x1x16xf32> to vector<16xf32>
      %add3A_612 = arith.addf %get3A_605, %get3A_611 : vector<16xf32>
      %add3A_613 = arith.constant 0 : i32
      %add3A_614 = arith.addi %add3A_613, %scan3A_340 : i32
      %swap3A_615 = arith.index_cast %add3A_614 : i32 to index
      %swap3A_616 = arith.constant 208 : index
      %swap3A_617 = tpu.vector_load %arg7[%swap3A_615, %swap3A_616] {strides = array<i32>} : memref<128x640xf32, #tpu.memory_space<vmem>>, vector<1x16xf32>,
      %swap3A_618 = vector.shape_cast %swap3A_617 : vector<1x16xf32> to vector<16xf32>
      %swap3A_619 = vector.shape_cast %add3A_612 : vector<16xf32> to vector<1x16xf32>
      tpu.vector_store %arg7[%swap3A_615, %swap3A_616], %swap3A_619 {strides = array<i32>} : memref<128x640xf32, #tpu.memory_space<vmem>>, vector<1x16xf32>,
      %add3A_620 = arith.constant 0 : i32
      %add3A_621 = arith.addi %add3A_620, %scan3A_340 : i32
      %get3A_622 = arith.index_cast %add3A_621 : i32 to index
      %get3A_623 = arith.constant 224 : index
      %get3A_624 = tpu.vector_load %arg7[%get3A_622, %get3A_623] {strides = array<i32>} : memref<128x640xf32, #tpu.memory_space<vmem>>, vector<1x16xf32>,
      %get3A_625 = vector.shape_cast %get3A_624 : vector<1x16xf32> to vector<16xf32>
      %get3A_626 = arith.constant 0 : i32
      %get3A_627 = arith.index_cast %get3A_626 : i32 to index
      %get3A_628 = arith.index_cast %scan3A_340 : i32 to index
      %get3A_629 = arith.constant 224 : index
      %get3A_630 = tpu.vector_load %arg8[%get3A_627, %get3A_628, %get3A_629] {strides = array<i32>} : memref<2x32x640xf32, #tpu.memory_space<vmem>>, vector<1x1x16xf32>,
      %get3A_631 = vector.shape_cast %get3A_630 : vector<1x1x16xf32> to vector<16xf32>
      %add3A_632 = arith.addf %get3A_625, %get3A_631 : vector<16xf32>
      %add3A_633 = arith.constant 0 : i32
      %add3A_634 = arith.addi %add3A_633, %scan3A_340 : i32
      %swap3A_635 = arith.index_cast %add3A_634 : i32 to index
      %swap3A_636 = arith.constant 224 : index
      %swap3A_637 = tpu.vector_load %arg7[%swap3A_635, %swap3A_636] {strides = array<i32>} : memref<128x640xf32, #tpu.memory_space<vmem>>, vector<1x16xf32>,
      %swap3A_638 = vector.shape_cast %swap3A_637 : vector<1x16xf32> to vector<16xf32>
      %swap3A_639 = vector.shape_cast %add3A_632 : vector<16xf32> to vector<1x16xf32>
      tpu.vector_store %arg7[%swap3A_635, %swap3A_636], %swap3A_639 {strides = array<i32>} : memref<128x640xf32, #tpu.memory_space<vmem>>, vector<1x16xf32>,
      %add3A_640 = arith.constant 0 : i32
      %add3A_641 = arith.addi %add3A_640, %scan3A_340 : i32
      %get3A_642 = arith.index_cast %add3A_641 : i32 to index
      %get3A_643 = arith.constant 240 : index
      %get3A_644 = tpu.vector_load %arg7[%get3A_642, %get3A_643] {strides = array<i32>} : memref<128x640xf32, #tpu.memory_space<vmem>>, vector<1x16xf32>,
      %get3A_645 = vector.shape_cast %get3A_644 : vector<1x16xf32> to vector<16xf32>
      %get3A_646 = arith.constant 0 : i32
      %get3A_647 = arith.index_cast %get3A_646 : i32 to index
      %get3A_648 = arith.index_cast %scan3A_340 : i32 to index
      %get3A_649 = arith.constant 240 : index
      %get3A_650 = tpu.vector_load %arg8[%get3A_647, %get3A_648, %get3A_649] {strides = array<i32>} : memref<2x32x640xf32, #tpu.memory_space<vmem>>, vector<1x1x16xf32>,
      %get3A_651 = vector.shape_cast %get3A_650 : vector<1x1x16xf32> to vector<16xf32>
      %add3A_652 = arith.addf %get3A_645, %get3A_651 : vector<16xf32>
      %add3A_653 = arith.constant 0 : i32
      %add3A_654 = arith.addi %add3A_653, %scan3A_340 : i32
      %swap3A_655 = arith.index_cast %add3A_654 : i32 to index
      %swap3A_656 = arith.constant 240 : index
      %swap3A_657 = tpu.vector_load %arg7[%swap3A_655, %swap3A_656] {strides = array<i32>} : memref<128x640xf32, #tpu.memory_space<vmem>>, vector<1x16xf32>,
      %swap3A_658 = vector.shape_cast %swap3A_657 : vector<1x16xf32> to vector<16xf32>
      %swap3A_659 = vector.shape_cast %add3A_652 : vector<16xf32> to vector<1x16xf32>
      tpu.vector_store %arg7[%swap3A_655, %swap3A_656], %swap3A_659 {strides = array<i32>} : memref<128x640xf32, #tpu.memory_space<vmem>>, vector<1x16xf32>,
      %add3A_660 = arith.constant 0 : i32
      %add3A_661 = arith.addi %add3A_660, %scan3A_340 : i32
      %get3A_662 = arith.index_cast %add3A_661 : i32 to index
      %get3A_663 = arith.constant 256 : index
      %get3A_664 = tpu.vector_load %arg7[%get3A_662, %get3A_663] {strides = array<i32>} : memref<128x640xf32, #tpu.memory_space<vmem>>, vector<1x16xf32>,
      %get3A_665 = vector.shape_cast %get3A_664 : vector<1x16xf32> to vector<16xf32>
      %get3A_666 = arith.constant 0 : i32
      %get3A_667 = arith.index_cast %get3A_666 : i32 to index
      %get3A_668 = arith.index_cast %scan3A_340 : i32 to index
      %get3A_669 = arith.constant 256 : index
      %get3A_670 = tpu.vector_load %arg8[%get3A_667, %get3A_668, %get3A_669] {strides = array<i32>} : memref<2x32x640xf32, #tpu.memory_space<vmem>>, vector<1x1x16xf32>,
      %get3A_671 = vector.shape_cast %get3A_670 : vector<1x1x16xf32> to vector<16xf32>
      %add3A_672 = arith.addf %get3A_665, %get3A_671 : vector<16xf32>
      %add3A_673 = arith.constant 0 : i32
      %add3A_674 = arith.addi %add3A_673, %scan3A_340 : i32
      %swap3A_675 = arith.index_cast %add3A_674 : i32 to index
      %swap3A_676 = arith.constant 256 : index
      %swap3A_677 = tpu.vector_load %arg7[%swap3A_675, %swap3A_676] {strides = array<i32>} : memref<128x640xf32, #tpu.memory_space<vmem>>, vector<1x16xf32>,
      %swap3A_678 = vector.shape_cast %swap3A_677 : vector<1x16xf32> to vector<16xf32>
      %swap3A_679 = vector.shape_cast %add3A_672 : vector<16xf32> to vector<1x16xf32>
      tpu.vector_store %arg7[%swap3A_675, %swap3A_676], %swap3A_679 {strides = array<i32>} : memref<128x640xf32, #tpu.memory_space<vmem>>, vector<1x16xf32>,
      %add3A_680 = arith.constant 0 : i32
      %add3A_681 = arith.addi %add3A_680, %scan3A_340 : i32
      %get3A_682 = arith.index_cast %add3A_681 : i32 to index
      %get3A_683 = arith.constant 272 : index
      %get3A_684 = tpu.vector_load %arg7[%get3A_682, %get3A_683] {strides = array<i32>} : memref<128x640xf32, #tpu.memory_space<vmem>>, vector<1x16xf32>,
      %get3A_685 = vector.shape_cast %get3A_684 : vector<1x16xf32> to vector<16xf32>
      %get3A_686 = arith.constant 0 : i32
      %get3A_687 = arith.index_cast %get3A_686 : i32 to index
      %get3A_688 = arith.index_cast %scan3A_340 : i32 to index
      %get3A_689 = arith.constant 272 : index
      %get3A_690 = tpu.vector_load %arg8[%get3A_687, %get3A_688, %get3A_689] {strides = array<i32>} : memref<2x32x640xf32, #tpu.memory_space<vmem>>, vector<1x1x16xf32>,
      %get3A_691 = vector.shape_cast %get3A_690 : vector<1x1x16xf32> to vector<16xf32>
      %add3A_692 = arith.addf %get3A_685, %get3A_691 : vector<16xf32>
      %add3A_693 = arith.constant 0 : i32
      %add3A_694 = arith.addi %add3A_693, %scan3A_340 : i32
      %swap3A_695 = arith.index_cast %add3A_694 : i32 to index
      %swap3A_696 = arith.constant 272 : index
      %swap3A_697 = tpu.vector_load %arg7[%swap3A_695, %swap3A_696] {strides = array<i32>} : memref<128x640xf32, #tpu.memory_space<vmem>>, vector<1x16xf32>,
      %swap3A_698 = vector.shape_cast %swap3A_697 : vector<1x16xf32> to vector<16xf32>
      %swap3A_699 = vector.shape_cast %add3A_692 : vector<16xf32> to vector<1x16xf32>
      tpu.vector_store %arg7[%swap3A_695, %swap3A_696], %swap3A_699 {strides = array<i32>} : memref<128x640xf32, #tpu.memory_space<vmem>>, vector<1x16xf32>,
      %add3A_700 = arith.constant 0 : i32
      %add3A_701 = arith.addi %add3A_700, %scan3A_340 : i32
      %get3A_702 = arith.index_cast %add3A_701 : i32 to index
      %get3A_703 = arith.constant 288 : index
      %get3A_704 = tpu.vector_load %arg7[%get3A_702, %get3A_703] {strides = array<i32>} : memref<128x640xf32, #tpu.memory_space<vmem>>, vector<1x16xf32>,
      %get3A_705 = vector.shape_cast %get3A_704 : vector<1x16xf32> to vector<16xf32>
      %get3A_706 = arith.constant 0 : i32
      %get3A_707 = arith.index_cast %get3A_706 : i32 to index
      %get3A_708 = arith.index_cast %scan3A_340 : i32 to index
      %get3A_709 = arith.constant 288 : index
      %get3A_710 = tpu.vector_load %arg8[%get3A_707, %get3A_708, %get3A_709] {strides = array<i32>} : memref<2x32x640xf32, #tpu.memory_space<vmem>>, vector<1x1x16xf32>,
      %get3A_711 = vector.shape_cast %get3A_710 : vector<1x1x16xf32> to vector<16xf32>
      %add3A_712 = arith.addf %get3A_705, %get3A_711 : vector<16xf32>
      %add3A_713 = arith.constant 0 : i32
      %add3A_714 = arith.addi %add3A_713, %scan3A_340 : i32
      %swap3A_715 = arith.index_cast %add3A_714 : i32 to index
      %swap3A_716 = arith.constant 288 : index
      %swap3A_717 = tpu.vector_load %arg7[%swap3A_715, %swap3A_716] {strides = array<i32>} : memref<128x640xf32, #tpu.memory_space<vmem>>, vector<1x16xf32>,
      %swap3A_718 = vector.shape_cast %swap3A_717 : vector<1x16xf32> to vector<16xf32>
      %swap3A_719 = vector.shape_cast %add3A_712 : vector<16xf32> to vector<1x16xf32>
      tpu.vector_store %arg7[%swap3A_715, %swap3A_716], %swap3A_719 {strides = array<i32>} : memref<128x640xf32, #tpu.memory_space<vmem>>, vector<1x16xf32>,
      %add3A_720 = arith.constant 0 : i32
      %add3A_721 = arith.addi %add3A_720, %scan3A_340 : i32
      %get3A_722 = arith.index_cast %add3A_721 : i32 to index
      %get3A_723 = arith.constant 304 : index
      %get3A_724 = tpu.vector_load %arg7[%get3A_722, %get3A_723] {strides = array<i32>} : memref<128x640xf32, #tpu.memory_space<vmem>>, vector<1x16xf32>,
      %get3A_725 = vector.shape_cast %get3A_724 : vector<1x16xf32> to vector<16xf32>
      %get3A_726 = arith.constant 0 : i32
      %get3A_727 = arith.index_cast %get3A_726 : i32 to index
      %get3A_728 = arith.index_cast %scan3A_340 : i32 to index
      %get3A_729 = arith.constant 304 : index
      %get3A_730 = tpu.vector_load %arg8[%get3A_727, %get3A_728, %get3A_729] {strides = array<i32>} : memref<2x32x640xf32, #tpu.memory_space<vmem>>, vector<1x1x16xf32>,
      %get3A_731 = vector.shape_cast %get3A_730 : vector<1x1x16xf32> to vector<16xf32>
      %add3A_732 = arith.addf %get3A_725, %get3A_731 : vector<16xf32>
      %add3A_733 = arith.constant 0 : i32
      %add3A_734 = arith.addi %add3A_733, %scan3A_340 : i32
      %swap3A_735 = arith.index_cast %add3A_734 : i32 to index
      %swap3A_736 = arith.constant 304 : index
      %swap3A_737 = tpu.vector_load %arg7[%swap3A_735, %swap3A_736] {strides = array<i32>} : memref<128x640xf32, #tpu.memory_space<vmem>>, vector<1x16xf32>,
      %swap3A_738 = vector.shape_cast %swap3A_737 : vector<1x16xf32> to vector<16xf32>
      %swap3A_739 = vector.shape_cast %add3A_732 : vector<16xf32> to vector<1x16xf32>
      tpu.vector_store %arg7[%swap3A_735, %swap3A_736], %swap3A_739 {strides = array<i32>} : memref<128x640xf32, #tpu.memory_space<vmem>>, vector<1x16xf32>,
      %add3A_740 = arith.constant 0 : i32
      %add3A_741 = arith.addi %add3A_740, %scan3A_340 : i32
      %get3A_742 = arith.index_cast %add3A_741 : i32 to index
      %get3A_743 = arith.constant 320 : index
      %get3A_744 = tpu.vector_load %arg7[%get3A_742, %get3A_743] {strides = array<i32>} : memref<128x640xf32, #tpu.memory_space<vmem>>, vector<1x16xf32>,
      %get3A_745 = vector.shape_cast %get3A_744 : vector<1x16xf32> to vector<16xf32>
      %get3A_746 = arith.constant 0 : i32
      %get3A_747 = arith.index_cast %get3A_746 : i32 to index
      %get3A_748 = arith.index_cast %scan3A_340 : i32 to index
      %get3A_749 = arith.constant 320 : index
      %get3A_750 = tpu.vector_load %arg8[%get3A_747, %get3A_748, %get3A_749] {strides = array<i32>} : memref<2x32x640xf32, #tpu.memory_space<vmem>>, vector<1x1x16xf32>,
      %get3A_751 = vector.shape_cast %get3A_750 : vector<1x1x16xf32> to vector<16xf32>
      %add3A_752 = arith.addf %get3A_745, %get3A_751 : vector<16xf32>
      %add3A_753 = arith.constant 0 : i32
      %add3A_754 = arith.addi %add3A_753, %scan3A_340 : i32
      %swap3A_755 = arith.index_cast %add3A_754 : i32 to index
      %swap3A_756 = arith.constant 320 : index
      %swap3A_757 = tpu.vector_load %arg7[%swap3A_755, %swap3A_756] {strides = array<i32>} : memref<128x640xf32, #tpu.memory_space<vmem>>, vector<1x16xf32>,
      %swap3A_758 = vector.shape_cast %swap3A_757 : vector<1x16xf32> to vector<16xf32>
      %swap3A_759 = vector.shape_cast %add3A_752 : vector<16xf32> to vector<1x16xf32>
      tpu.vector_store %arg7[%swap3A_755, %swap3A_756], %swap3A_759 {strides = array<i32>} : memref<128x640xf32, #tpu.memory_space<vmem>>, vector<1x16xf32>,
      %add3A_760 = arith.constant 0 : i32
      %add3A_761 = arith.addi %add3A_760, %scan3A_340 : i32
      %get3A_762 = arith.index_cast %add3A_761 : i32 to index
      %get3A_763 = arith.constant 336 : index
      %get3A_764 = tpu.vector_load %arg7[%get3A_762, %get3A_763] {strides = array<i32>} : memref<128x640xf32, #tpu.memory_space<vmem>>, vector<1x16xf32>,
      %get3A_765 = vector.shape_cast %get3A_764 : vector<1x16xf32> to vector<16xf32>
      %get3A_766 = arith.constant 0 : i32
      %get3A_767 = arith.index_cast %get3A_766 : i32 to index
      %get3A_768 = arith.index_cast %scan3A_340 : i32 to index
      %get3A_769 = arith.constant 336 : index
      %get3A_770 = tpu.vector_load %arg8[%get3A_767, %get3A_768, %get3A_769] {strides = array<i32>} : memref<2x32x640xf32, #tpu.memory_space<vmem>>, vector<1x1x16xf32>,
      %get3A_771 = vector.shape_cast %get3A_770 : vector<1x1x16xf32> to vector<16xf32>
      %add3A_772 = arith.addf %get3A_765, %get3A_771 : vector<16xf32>
      %add3A_773 = arith.constant 0 : i32
      %add3A_774 = arith.addi %add3A_773, %scan3A_340 : i32
      %swap3A_775 = arith.index_cast %add3A_774 : i32 to index
      %swap3A_776 = arith.constant 336 : index
      %swap3A_777 = tpu.vector_load %arg7[%swap3A_775, %swap3A_776] {strides = array<i32>} : memref<128x640xf32, #tpu.memory_space<vmem>>, vector<1x16xf32>,
      %swap3A_778 = vector.shape_cast %swap3A_777 : vector<1x16xf32> to vector<16xf32>
      %swap3A_779 = vector.shape_cast %add3A_772 : vector<16xf32> to vector<1x16xf32>
      tpu.vector_store %arg7[%swap3A_775, %swap3A_776], %swap3A_779 {strides = array<i32>} : memref<128x640xf32, #tpu.memory_space<vmem>>, vector<1x16xf32>,
      %add3A_780 = arith.constant 0 : i32
      %add3A_781 = arith.addi %add3A_780, %scan3A_340 : i32
      %get3A_782 = arith.index_cast %add3A_781 : i32 to index
      %get3A_783 = arith.constant 352 : index
      %get3A_784 = tpu.vector_load %arg7[%get3A_782, %get3A_783] {strides = array<i32>} : memref<128x640xf32, #tpu.memory_space<vmem>>, vector<1x16xf32>,
      %get3A_785 = vector.shape_cast %get3A_784 : vector<1x16xf32> to vector<16xf32>
      %get3A_786 = arith.constant 0 : i32
      %get3A_787 = arith.index_cast %get3A_786 : i32 to index
      %get3A_788 = arith.index_cast %scan3A_340 : i32 to index
      %get3A_789 = arith.constant 352 : index
      %get3A_790 = tpu.vector_load %arg8[%get3A_787, %get3A_788, %get3A_789] {strides = array<i32>} : memref<2x32x640xf32, #tpu.memory_space<vmem>>, vector<1x1x16xf32>,
      %get3A_791 = vector.shape_cast %get3A_790 : vector<1x1x16xf32> to vector<16xf32>
      %add3A_792 = arith.addf %get3A_785, %get3A_791 : vector<16xf32>
      %add3A_793 = arith.constant 0 : i32
      %add3A_794 = arith.addi %add3A_793, %scan3A_340 : i32
      %swap3A_795 = arith.index_cast %add3A_794 : i32 to index
      %swap3A_796 = arith.constant 352 : index
      %swap3A_797 = tpu.vector_load %arg7[%swap3A_795, %swap3A_796] {strides = array<i32>} : memref<128x640xf32, #tpu.memory_space<vmem>>, vector<1x16xf32>,
      %swap3A_798 = vector.shape_cast %swap3A_797 : vector<1x16xf32> to vector<16xf32>
      %swap3A_799 = vector.shape_cast %add3A_792 : vector<16xf32> to vector<1x16xf32>
      tpu.vector_store %arg7[%swap3A_795, %swap3A_796], %swap3A_799 {strides = array<i32>} : memref<128x640xf32, #tpu.memory_space<vmem>>, vector<1x16xf32>,
      %add3A_800 = arith.constant 0 : i32
      %add3A_801 = arith.addi %add3A_800, %scan3A_340 : i32
      %get3A_802 = arith.index_cast %add3A_801 : i32 to index
      %get3A_803 = arith.constant 368 : index
      %get3A_804 = tpu.vector_load %arg7[%get3A_802, %get3A_803] {strides = array<i32>} : memref<128x640xf32, #tpu.memory_space<vmem>>, vector<1x16xf32>,
      %get3A_805 = vector.shape_cast %get3A_804 : vector<1x16xf32> to vector<16xf32>
      %get3A_806 = arith.constant 0 : i32
      %get3A_807 = arith.index_cast %get3A_806 : i32 to index
      %get3A_808 = arith.index_cast %scan3A_340 : i32 to index
      %get3A_809 = arith.constant 368 : index
      %get3A_810 = tpu.vector_load %arg8[%get3A_807, %get3A_808, %get3A_809] {strides = array<i32>} : memref<2x32x640xf32, #tpu.memory_space<vmem>>, vector<1x1x16xf32>,
      %get3A_811 = vector.shape_cast %get3A_810 : vector<1x1x16xf32> to vector<16xf32>
      %add3A_812 = arith.addf %get3A_805, %get3A_811 : vector<16xf32>
      %add3A_813 = arith.constant 0 : i32
      %add3A_814 = arith.addi %add3A_813, %scan3A_340 : i32
      %swap3A_815 = arith.index_cast %add3A_814 : i32 to index
      %swap3A_816 = arith.constant 368 : index
      %swap3A_817 = tpu.vector_load %arg7[%swap3A_815, %swap3A_816] {strides = array<i32>} : memref<128x640xf32, #tpu.memory_space<vmem>>, vector<1x16xf32>,
      %swap3A_818 = vector.shape_cast %swap3A_817 : vector<1x16xf32> to vector<16xf32>
      %swap3A_819 = vector.shape_cast %add3A_812 : vector<16xf32> to vector<1x16xf32>
      tpu.vector_store %arg7[%swap3A_815, %swap3A_816], %swap3A_819 {strides = array<i32>} : memref<128x640xf32, #tpu.memory_space<vmem>>, vector<1x16xf32>,
      %add3A_820 = arith.constant 0 : i32
      %add3A_821 = arith.addi %add3A_820, %scan3A_340 : i32
      %get3A_822 = arith.index_cast %add3A_821 : i32 to index
      %get3A_823 = arith.constant 384 : index
      %get3A_824 = tpu.vector_load %arg7[%get3A_822, %get3A_823] {strides = array<i32>} : memref<128x640xf32, #tpu.memory_space<vmem>>, vector<1x16xf32>,
      %get3A_825 = vector.shape_cast %get3A_824 : vector<1x16xf32> to vector<16xf32>
      %get3A_826 = arith.constant 0 : i32
      %get3A_827 = arith.index_cast %get3A_826 : i32 to index
      %get3A_828 = arith.index_cast %scan3A_340 : i32 to index
      %get3A_829 = arith.constant 384 : index
      %get3A_830 = tpu.vector_load %arg8[%get3A_827, %get3A_828, %get3A_829] {strides = array<i32>} : memref<2x32x640xf32, #tpu.memory_space<vmem>>, vector<1x1x16xf32>,
      %get3A_831 = vector.shape_cast %get3A_830 : vector<1x1x16xf32> to vector<16xf32>
      %add3A_832 = arith.addf %get3A_825, %get3A_831 : vector<16xf32>
      %add3A_833 = arith.constant 0 : i32
      %add3A_834 = arith.addi %add3A_833, %scan3A_340 : i32
      %swap3A_835 = arith.index_cast %add3A_834 : i32 to index
      %swap3A_836 = arith.constant 384 : index
      %swap3A_837 = tpu.vector_load %arg7[%swap3A_835, %swap3A_836] {strides = array<i32>} : memref<128x640xf32, #tpu.memory_space<vmem>>, vector<1x16xf32>,
      %swap3A_838 = vector.shape_cast %swap3A_837 : vector<1x16xf32> to vector<16xf32>
      %swap3A_839 = vector.shape_cast %add3A_832 : vector<16xf32> to vector<1x16xf32>
      tpu.vector_store %arg7[%swap3A_835, %swap3A_836], %swap3A_839 {strides = array<i32>} : memref<128x640xf32, #tpu.memory_space<vmem>>, vector<1x16xf32>,
      %add3A_840 = arith.constant 0 : i32
      %add3A_841 = arith.addi %add3A_840, %scan3A_340 : i32
      %get3A_842 = arith.index_cast %add3A_841 : i32 to index
      %get3A_843 = arith.constant 400 : index
      %get3A_844 = tpu.vector_load %arg7[%get3A_842, %get3A_843] {strides = array<i32>} : memref<128x640xf32, #tpu.memory_space<vmem>>, vector<1x16xf32>,
      %get3A_845 = vector.shape_cast %get3A_844 : vector<1x16xf32> to vector<16xf32>
      %get3A_846 = arith.constant 0 : i32
      %get3A_847 = arith.index_cast %get3A_846 : i32 to index
      %get3A_848 = arith.index_cast %scan3A_340 : i32 to index
      %get3A_849 = arith.constant 400 : index
      %get3A_850 = tpu.vector_load %arg8[%get3A_847, %get3A_848, %get3A_849] {strides = array<i32>} : memref<2x32x640xf32, #tpu.memory_space<vmem>>, vector<1x1x16xf32>,
      %get3A_851 = vector.shape_cast %get3A_850 : vector<1x1x16xf32> to vector<16xf32>
      %add3A_852 = arith.addf %get3A_845, %get3A_851 : vector<16xf32>
      %add3A_853 = arith.constant 0 : i32
      %add3A_854 = arith.addi %add3A_853, %scan3A_340 : i32
      %swap3A_855 = arith.index_cast %add3A_854 : i32 to index
      %swap3A_856 = arith.constant 400 : index
      %swap3A_857 = tpu.vector_load %arg7[%swap3A_855, %swap3A_856] {strides = array<i32>} : memref<128x640xf32, #tpu.memory_space<vmem>>, vector<1x16xf32>,
      %swap3A_858 = vector.shape_cast %swap3A_857 : vector<1x16xf32> to vector<16xf32>
      %swap3A_859 = vector.shape_cast %add3A_852 : vector<16xf32> to vector<1x16xf32>
      tpu.vector_store %arg7[%swap3A_855, %swap3A_856], %swap3A_859 {strides = array<i32>} : memref<128x640xf32, #tpu.memory_space<vmem>>, vector<1x16xf32>,
      %add3A_860 = arith.constant 0 : i32
      %add3A_861 = arith.addi %add3A_860, %scan3A_340 : i32
      %get3A_862 = arith.index_cast %add3A_861 : i32 to index
      %get3A_863 = arith.constant 416 : index
      %get3A_864 = tpu.vector_load %arg7[%get3A_862, %get3A_863] {strides = array<i32>} : memref<128x640xf32, #tpu.memory_space<vmem>>, vector<1x16xf32>,
      %get3A_865 = vector.shape_cast %get3A_864 : vector<1x16xf32> to vector<16xf32>
      %get3A_866 = arith.constant 0 : i32
      %get3A_867 = arith.index_cast %get3A_866 : i32 to index
      %get3A_868 = arith.index_cast %scan3A_340 : i32 to index
      %get3A_869 = arith.constant 416 : index
      %get3A_870 = tpu.vector_load %arg8[%get3A_867, %get3A_868, %get3A_869] {strides = array<i32>} : memref<2x32x640xf32, #tpu.memory_space<vmem>>, vector<1x1x16xf32>,
      %get3A_871 = vector.shape_cast %get3A_870 : vector<1x1x16xf32> to vector<16xf32>
      %add3A_872 = arith.addf %get3A_865, %get3A_871 : vector<16xf32>
      %add3A_873 = arith.constant 0 : i32
      %add3A_874 = arith.addi %add3A_873, %scan3A_340 : i32
      %swap3A_875 = arith.index_cast %add3A_874 : i32 to index
      %swap3A_876 = arith.constant 416 : index
      %swap3A_877 = tpu.vector_load %arg7[%swap3A_875, %swap3A_876] {strides = array<i32>} : memref<128x640xf32, #tpu.memory_space<vmem>>, vector<1x16xf32>,
      %swap3A_878 = vector.shape_cast %swap3A_877 : vector<1x16xf32> to vector<16xf32>
      %swap3A_879 = vector.shape_cast %add3A_872 : vector<16xf32> to vector<1x16xf32>
      tpu.vector_store %arg7[%swap3A_875, %swap3A_876], %swap3A_879 {strides = array<i32>} : memref<128x640xf32, #tpu.memory_space<vmem>>, vector<1x16xf32>,
      %add3A_880 = arith.constant 0 : i32
      %add3A_881 = arith.addi %add3A_880, %scan3A_340 : i32
      %get3A_882 = arith.index_cast %add3A_881 : i32 to index
      %get3A_883 = arith.constant 432 : index
      %get3A_884 = tpu.vector_load %arg7[%get3A_882, %get3A_883] {strides = array<i32>} : memref<128x640xf32, #tpu.memory_space<vmem>>, vector<1x16xf32>,
      %get3A_885 = vector.shape_cast %get3A_884 : vector<1x16xf32> to vector<16xf32>
      %get3A_886 = arith.constant 0 : i32
      %get3A_887 = arith.index_cast %get3A_886 : i32 to index
      %get3A_888 = arith.index_cast %scan3A_340 : i32 to index
      %get3A_889 = arith.constant 432 : index
      %get3A_890 = tpu.vector_load %arg8[%get3A_887, %get3A_888, %get3A_889] {strides = array<i32>} : memref<2x32x640xf32, #tpu.memory_space<vmem>>, vector<1x1x16xf32>,
      %get3A_891 = vector.shape_cast %get3A_890 : vector<1x1x16xf32> to vector<16xf32>
      %add3A_892 = arith.addf %get3A_885, %get3A_891 : vector<16xf32>
      %add3A_893 = arith.constant 0 : i32
      %add3A_894 = arith.addi %add3A_893, %scan3A_340 : i32
      %swap3A_895 = arith.index_cast %add3A_894 : i32 to index
      %swap3A_896 = arith.constant 432 : index
      %swap3A_897 = tpu.vector_load %arg7[%swap3A_895, %swap3A_896] {strides = array<i32>} : memref<128x640xf32, #tpu.memory_space<vmem>>, vector<1x16xf32>,
      %swap3A_898 = vector.shape_cast %swap3A_897 : vector<1x16xf32> to vector<16xf32>
      %swap3A_899 = vector.shape_cast %add3A_892 : vector<16xf32> to vector<1x16xf32>
      tpu.vector_store %arg7[%swap3A_895, %swap3A_896], %swap3A_899 {strides = array<i32>} : memref<128x640xf32, #tpu.memory_space<vmem>>, vector<1x16xf32>,
      %add3A_900 = arith.constant 0 : i32
      %add3A_901 = arith.addi %add3A_900, %scan3A_340 : i32
      %get3A_902 = arith.index_cast %add3A_901 : i32 to index
      %get3A_903 = arith.constant 448 : index
      %get3A_904 = tpu.vector_load %arg7[%get3A_902, %get3A_903] {strides = array<i32>} : memref<128x640xf32, #tpu.memory_space<vmem>>, vector<1x16xf32>,
      %get3A_905 = vector.shape_cast %get3A_904 : vector<1x16xf32> to vector<16xf32>
      %get3A_906 = arith.constant 0 : i32
      %get3A_907 = arith.index_cast %get3A_906 : i32 to index
      %get3A_908 = arith.index_cast %scan3A_340 : i32 to index
      %get3A_909 = arith.constant 448 : index
      %get3A_910 = tpu.vector_load %arg8[%get3A_907, %get3A_908, %get3A_909] {strides = array<i32>} : memref<2x32x640xf32, #tpu.memory_space<vmem>>, vector<1x1x16xf32>,
      %get3A_911 = vector.shape_cast %get3A_910 : vector<1x1x16xf32> to vector<16xf32>
      %add3A_912 = arith.addf %get3A_905, %get3A_911 : vector<16xf32>
      %add3A_913 = arith.constant 0 : i32
      %add3A_914 = arith.addi %add3A_913, %scan3A_340 : i32
      %swap3A_915 = arith.index_cast %add3A_914 : i32 to index
      %swap3A_916 = arith.constant 448 : index
      %swap3A_917 = tpu.vector_load %arg7[%swap3A_915, %swap3A_916] {strides = array<i32>} : memref<128x640xf32, #tpu.memory_space<vmem>>, vector<1x16xf32>,
      %swap3A_918 = vector.shape_cast %swap3A_917 : vector<1x16xf32> to vector<16xf32>
      %swap3A_919 = vector.shape_cast %add3A_912 : vector<16xf32> to vector<1x16xf32>
      tpu.vector_store %arg7[%swap3A_915, %swap3A_916], %swap3A_919 {strides = array<i32>} : memref<128x640xf32, #tpu.memory_space<vmem>>, vector<1x16xf32>,
      %add3A_920 = arith.constant 0 : i32
      %add3A_921 = arith.addi %add3A_920, %scan3A_340 : i32
      %get3A_922 = arith.index_cast %add3A_921 : i32 to index
      %get3A_923 = arith.constant 464 : index
      %get3A_924 = tpu.vector_load %arg7[%get3A_922, %get3A_923] {strides = array<i32>} : memref<128x640xf32, #tpu.memory_space<vmem>>, vector<1x16xf32>,
      %get3A_925 = vector.shape_cast %get3A_924 : vector<1x16xf32> to vector<16xf32>
      %get3A_926 = arith.constant 0 : i32
      %get3A_927 = arith.index_cast %get3A_926 : i32 to index
      %get3A_928 = arith.index_cast %scan3A_340 : i32 to index
      %get3A_929 = arith.constant 464 : index
      %get3A_930 = tpu.vector_load %arg8[%get3A_927, %get3A_928, %get3A_929] {strides = array<i32>} : memref<2x32x640xf32, #tpu.memory_space<vmem>>, vector<1x1x16xf32>,
      %get3A_931 = vector.shape_cast %get3A_930 : vector<1x1x16xf32> to vector<16xf32>
      %add3A_932 = arith.addf %get3A_925, %get3A_931 : vector<16xf32>
      %add3A_933 = arith.constant 0 : i32
      %add3A_934 = arith.addi %add3A_933, %scan3A_340 : i32
      %swap3A_935 = arith.index_cast %add3A_934 : i32 to index
      %swap3A_936 = arith.constant 464 : index
      %swap3A_937 = tpu.vector_load %arg7[%swap3A_935, %swap3A_936] {strides = array<i32>} : memref<128x640xf32, #tpu.memory_space<vmem>>, vector<1x16xf32>,
      %swap3A_938 = vector.shape_cast %swap3A_937 : vector<1x16xf32> to vector<16xf32>
      %swap3A_939 = vector.shape_cast %add3A_932 : vector<16xf32> to vector<1x16xf32>
      tpu.vector_store %arg7[%swap3A_935, %swap3A_936], %swap3A_939 {strides = array<i32>} : memref<128x640xf32, #tpu.memory_space<vmem>>, vector<1x16xf32>,
      %add3A_940 = arith.constant 0 : i32
      %add3A_941 = arith.addi %add3A_940, %scan3A_340 : i32
      %get3A_942 = arith.index_cast %add3A_941 : i32 to index
      %get3A_943 = arith.constant 480 : index
      %get3A_944 = tpu.vector_load %arg7[%get3A_942, %get3A_943] {strides = array<i32>} : memref<128x640xf32, #tpu.memory_space<vmem>>, vector<1x16xf32>,
      %get3A_945 = vector.shape_cast %get3A_944 : vector<1x16xf32> to vector<16xf32>
      %get3A_946 = arith.constant 0 : i32
      %get3A_947 = arith.index_cast %get3A_946 : i32 to index
      %get3A_948 = arith.index_cast %scan3A_340 : i32 to index
      %get3A_949 = arith.constant 480 : index
      %get3A_950 = tpu.vector_load %arg8[%get3A_947, %get3A_948, %get3A_949] {strides = array<i32>} : memref<2x32x640xf32, #tpu.memory_space<vmem>>, vector<1x1x16xf32>,
      %get3A_951 = vector.shape_cast %get3A_950 : vector<1x1x16xf32> to vector<16xf32>
      %add3A_952 = arith.addf %get3A_945, %get3A_951 : vector<16xf32>
      %add3A_953 = arith.constant 0 : i32
      %add3A_954 = arith.addi %add3A_953, %scan3A_340 : i32
      %swap3A_955 = arith.index_cast %add3A_954 : i32 to index
      %swap3A_956 = arith.constant 480 : index
      %swap3A_957 = tpu.vector_load %arg7[%swap3A_955, %swap3A_956] {strides = array<i32>} : memref<128x640xf32, #tpu.memory_space<vmem>>, vector<1x16xf32>,
      %swap3A_958 = vector.shape_cast %swap3A_957 : vector<1x16xf32> to vector<16xf32>
      %swap3A_959 = vector.shape_cast %add3A_952 : vector<16xf32> to vector<1x16xf32>
      tpu.vector_store %arg7[%swap3A_955, %swap3A_956], %swap3A_959 {strides = array<i32>} : memref<128x640xf32, #tpu.memory_space<vmem>>, vector<1x16xf32>,
      %add3A_960 = arith.constant 0 : i32
      %add3A_961 = arith.addi %add3A_960, %scan3A_340 : i32
      %get3A_962 = arith.index_cast %add3A_961 : i32 to index
      %get3A_963 = arith.constant 496 : index
      %get3A_964 = tpu.vector_load %arg7[%get3A_962, %get3A_963] {strides = array<i32>} : memref<128x640xf32, #tpu.memory_space<vmem>>, vector<1x16xf32>,
      %get3A_965 = vector.shape_cast %get3A_964 : vector<1x16xf32> to vector<16xf32>
      %get3A_966 = arith.constant 0 : i32
      %get3A_967 = arith.index_cast %get3A_966 : i32 to index
      %get3A_968 = arith.index_cast %scan3A_340 : i32 to index
      %get3A_969 = arith.constant 496 : index
      %get3A_970 = tpu.vector_load %arg8[%get3A_967, %get3A_968, %get3A_969] {strides = array<i32>} : memref<2x32x640xf32, #tpu.memory_space<vmem>>, vector<1x1x16xf32>,
      %get3A_971 = vector.shape_cast %get3A_970 : vector<1x1x16xf32> to vector<16xf32>
      %add3A_972 = arith.addf %get3A_965, %get3A_971 : vector<16xf32>
      %add3A_973 = arith.constant 0 : i32
      %add3A_974 = arith.addi %add3A_973, %scan3A_340 : i32
      %swap3A_975 = arith.index_cast %add3A_974 : i32 to index
      %swap3A_976 = arith.constant 496 : index
      %swap3A_977 = tpu.vector_load %arg7[%swap3A_975, %swap3A_976] {strides = array<i32>} : memref<128x640xf32, #tpu.memory_space<vmem>>, vector<1x16xf32>,
      %swap3A_978 = vector.shape_cast %swap3A_977 : vector<1x16xf32> to vector<16xf32>
      %swap3A_979 = vector.shape_cast %add3A_972 : vector<16xf32> to vector<1x16xf32>
      tpu.vector_store %arg7[%swap3A_975, %swap3A_976], %swap3A_979 {strides = array<i32>} : memref<128x640xf32, #tpu.memory_space<vmem>>, vector<1x16xf32>,
      %add3A_980 = arith.constant 0 : i32
      %add3A_981 = arith.addi %add3A_980, %scan3A_340 : i32
      %get3A_982 = arith.index_cast %add3A_981 : i32 to index
      %get3A_983 = arith.constant 512 : index
      %get3A_984 = tpu.vector_load %arg7[%get3A_982, %get3A_983] {strides = array<i32>} : memref<128x640xf32, #tpu.memory_space<vmem>>, vector<1x16xf32>,
      %get3A_985 = vector.shape_cast %get3A_984 : vector<1x16xf32> to vector<16xf32>
      %get3A_986 = arith.constant 0 : i32
      %get3A_987 = arith.index_cast %get3A_986 : i32 to index
      %get3A_988 = arith.index_cast %scan3A_340 : i32 to index
      %get3A_989 = arith.constant 512 : index
      %get3A_990 = tpu.vector_load %arg8[%get3A_987, %get3A_988, %get3A_989] {strides = array<i32>} : memref<2x32x640xf32, #tpu.memory_space<vmem>>, vector<1x1x16xf32>,
      %get3A_991 = vector.shape_cast %get3A_990 : vector<1x1x16xf32> to vector<16xf32>
      %add3A_992 = arith.addf %get3A_985, %get3A_991 : vector<16xf32>
      %add3A_993 = arith.constant 0 : i32
      %add3A_994 = arith.addi %add3A_993, %scan3A_340 : i32
      %swap3A_995 = arith.index_cast %add3A_994 : i32 to index
      %swap3A_996 = arith.constant 512 : index
      %swap3A_997 = tpu.vector_load %arg7[%swap3A_995, %swap3A_996] {strides = array<i32>} : memref<128x640xf32, #tpu.memory_space<vmem>>, vector<1x16xf32>,
      %swap3A_998 = vector.shape_cast %swap3A_997 : vector<1x16xf32> to vector<16xf32>
      %swap3A_999 = vector.shape_cast %add3A_992 : vector<16xf32> to vector<1x16xf32>
      tpu.vector_store %arg7[%swap3A_995, %swap3A_996], %swap3A_999 {strides = array<i32>} : memref<128x640xf32, #tpu.memory_space<vmem>>, vector<1x16xf32>,
      %add3A_1000 = arith.constant 0 : i32
      %add3A_1001 = arith.addi %add3A_1000, %scan3A_340 : i32
      %get3A_1002 = arith.index_cast %add3A_1001 : i32 to index
      %get3A_1003 = arith.constant 528 : index
      %get3A_1004 = tpu.vector_load %arg7[%get3A_1002, %get3A_1003] {strides = array<i32>} : memref<128x640xf32, #tpu.memory_space<vmem>>, vector<1x16xf32>,
      %get3A_1005 = vector.shape_cast %get3A_1004 : vector<1x16xf32> to vector<16xf32>
      %get3A_1006 = arith.constant 0 : i32
      %get3A_1007 = arith.index_cast %get3A_1006 : i32 to index
      %get3A_1008 = arith.index_cast %scan3A_340 : i32 to index
      %get3A_1009 = arith.constant 528 : index
      %get3A_1010 = tpu.vector_load %arg8[%get3A_1007, %get3A_1008, %get3A_1009] {strides = array<i32>} : memref<2x32x640xf32, #tpu.memory_space<vmem>>, vector<1x1x16xf32>,
      %get3A_1011 = vector.shape_cast %get3A_1010 : vector<1x1x16xf32> to vector<16xf32>
      %add3A_1012 = arith.addf %get3A_1005, %get3A_1011 : vector<16xf32>
      %add3A_1013 = arith.constant 0 : i32
      %add3A_1014 = arith.addi %add3A_1013, %scan3A_340 : i32
      %swap3A_1015 = arith.index_cast %add3A_1014 : i32 to index
      %swap3A_1016 = arith.constant 528 : index
      %swap3A_1017 = tpu.vector_load %arg7[%swap3A_1015, %swap3A_1016] {strides = array<i32>} : memref<128x640xf32, #tpu.memory_space<vmem>>, vector<1x16xf32>,
      %swap3A_1018 = vector.shape_cast %swap3A_1017 : vector<1x16xf32> to vector<16xf32>
      %swap3A_1019 = vector.shape_cast %add3A_1012 : vector<16xf32> to vector<1x16xf32>
      tpu.vector_store %arg7[%swap3A_1015, %swap3A_1016], %swap3A_1019 {strides = array<i32>} : memref<128x640xf32, #tpu.memory_space<vmem>>, vector<1x16xf32>,
      %add3A_1020 = arith.constant 0 : i32
      %add3A_1021 = arith.addi %add3A_1020, %scan3A_340 : i32
      %get3A_1022 = arith.index_cast %add3A_1021 : i32 to index
      %get3A_1023 = arith.constant 544 : index
      %get3A_1024 = tpu.vector_load %arg7[%get3A_1022, %get3A_1023] {strides = array<i32>} : memref<128x640xf32, #tpu.memory_space<vmem>>, vector<1x16xf32>,
      %get3A_1025 = vector.shape_cast %get3A_1024 : vector<1x16xf32> to vector<16xf32>
      %get3A_1026 = arith.constant 0 : i32
      %get3A_1027 = arith.index_cast %get3A_1026 : i32 to index
      %get3A_1028 = arith.index_cast %scan3A_340 : i32 to index
      %get3A_1029 = arith.constant 544 : index
      %get3A_1030 = tpu.vector_load %arg8[%get3A_1027, %get3A_1028, %get3A_1029] {strides = array<i32>} : memref<2x32x640xf32, #tpu.memory_space<vmem>>, vector<1x1x16xf32>,
      %get3A_1031 = vector.shape_cast %get3A_1030 : vector<1x1x16xf32> to vector<16xf32>
      %add3A_1032 = arith.addf %get3A_1025, %get3A_1031 : vector<16xf32>
      %add3A_1033 = arith.constant 0 : i32
      %add3A_1034 = arith.addi %add3A_1033, %scan3A_340 : i32
      %swap3A_1035 = arith.index_cast %add3A_1034 : i32 to index
      %swap3A_1036 = arith.constant 544 : index
      %swap3A_1037 = tpu.vector_load %arg7[%swap3A_1035, %swap3A_1036] {strides = array<i32>} : memref<128x640xf32, #tpu.memory_space<vmem>>, vector<1x16xf32>,
      %swap3A_1038 = vector.shape_cast %swap3A_1037 : vector<1x16xf32> to vector<16xf32>
      %swap3A_1039 = vector.shape_cast %add3A_1032 : vector<16xf32> to vector<1x16xf32>
      tpu.vector_store %arg7[%swap3A_1035, %swap3A_1036], %swap3A_1039 {strides = array<i32>} : memref<128x640xf32, #tpu.memory_space<vmem>>, vector<1x16xf32>,
      %add3A_1040 = arith.constant 0 : i32
      %add3A_1041 = arith.addi %add3A_1040, %scan3A_340 : i32
      %get3A_1042 = arith.index_cast %add3A_1041 : i32 to index
      %get3A_1043 = arith.constant 560 : index
      %get3A_1044 = tpu.vector_load %arg7[%get3A_1042, %get3A_1043] {strides = array<i32>} : memref<128x640xf32, #tpu.memory_space<vmem>>, vector<1x16xf32>,
      %get3A_1045 = vector.shape_cast %get3A_1044 : vector<1x16xf32> to vector<16xf32>
      %get3A_1046 = arith.constant 0 : i32
      %get3A_1047 = arith.index_cast %get3A_1046 : i32 to index
      %get3A_1048 = arith.index_cast %scan3A_340 : i32 to index
      %get3A_1049 = arith.constant 560 : index
      %get3A_1050 = tpu.vector_load %arg8[%get3A_1047, %get3A_1048, %get3A_1049] {strides = array<i32>} : memref<2x32x640xf32, #tpu.memory_space<vmem>>, vector<1x1x16xf32>,
      %get3A_1051 = vector.shape_cast %get3A_1050 : vector<1x1x16xf32> to vector<16xf32>
      %add3A_1052 = arith.addf %get3A_1045, %get3A_1051 : vector<16xf32>
      %add3A_1053 = arith.constant 0 : i32
      %add3A_1054 = arith.addi %add3A_1053, %scan3A_340 : i32
      %swap3A_1055 = arith.index_cast %add3A_1054 : i32 to index
      %swap3A_1056 = arith.constant 560 : index
      %swap3A_1057 = tpu.vector_load %arg7[%swap3A_1055, %swap3A_1056] {strides = array<i32>} : memref<128x640xf32, #tpu.memory_space<vmem>>, vector<1x16xf32>,
      %swap3A_1058 = vector.shape_cast %swap3A_1057 : vector<1x16xf32> to vector<16xf32>
      %swap3A_1059 = vector.shape_cast %add3A_1052 : vector<16xf32> to vector<1x16xf32>
      tpu.vector_store %arg7[%swap3A_1055, %swap3A_1056], %swap3A_1059 {strides = array<i32>} : memref<128x640xf32, #tpu.memory_space<vmem>>, vector<1x16xf32>,
      %add3A_1060 = arith.constant 0 : i32
      %add3A_1061 = arith.addi %add3A_1060, %scan3A_340 : i32
      %get3A_1062 = arith.index_cast %add3A_1061 : i32 to index
      %get3A_1063 = arith.constant 576 : index
      %get3A_1064 = tpu.vector_load %arg7[%get3A_1062, %get3A_1063] {strides = array<i32>} : memref<128x640xf32, #tpu.memory_space<vmem>>, vector<1x16xf32>,
      %get3A_1065 = vector.shape_cast %get3A_1064 : vector<1x16xf32> to vector<16xf32>
      %get3A_1066 = arith.constant 0 : i32
      %get3A_1067 = arith.index_cast %get3A_1066 : i32 to index
      %get3A_1068 = arith.index_cast %scan3A_340 : i32 to index
      %get3A_1069 = arith.constant 576 : index
      %get3A_1070 = tpu.vector_load %arg8[%get3A_1067, %get3A_1068, %get3A_1069] {strides = array<i32>} : memref<2x32x640xf32, #tpu.memory_space<vmem>>, vector<1x1x16xf32>,
      %get3A_1071 = vector.shape_cast %get3A_1070 : vector<1x1x16xf32> to vector<16xf32>
      %add3A_1072 = arith.addf %get3A_1065, %get3A_1071 : vector<16xf32>
      %add3A_1073 = arith.constant 0 : i32
      %add3A_1074 = arith.addi %add3A_1073, %scan3A_340 : i32
      %swap3A_1075 = arith.index_cast %add3A_1074 : i32 to index
      %swap3A_1076 = arith.constant 576 : index
      %swap3A_1077 = tpu.vector_load %arg7[%swap3A_1075, %swap3A_1076] {strides = array<i32>} : memref<128x640xf32, #tpu.memory_space<vmem>>, vector<1x16xf32>,
      %swap3A_1078 = vector.shape_cast %swap3A_1077 : vector<1x16xf32> to vector<16xf32>
      %swap3A_1079 = vector.shape_cast %add3A_1072 : vector<16xf32> to vector<1x16xf32>
      tpu.vector_store %arg7[%swap3A_1075, %swap3A_1076], %swap3A_1079 {strides = array<i32>} : memref<128x640xf32, #tpu.memory_space<vmem>>, vector<1x16xf32>,
      %add3A_1080 = arith.constant 0 : i32
      %add3A_1081 = arith.addi %add3A_1080, %scan3A_340 : i32
      %get3A_1082 = arith.index_cast %add3A_1081 : i32 to index
      %get3A_1083 = arith.constant 592 : index
      %get3A_1084 = tpu.vector_load %arg7[%get3A_1082, %get3A_1083] {strides = array<i32>} : memref<128x640xf32, #tpu.memory_space<vmem>>, vector<1x16xf32>,
      %get3A_1085 = vector.shape_cast %get3A_1084 : vector<1x16xf32> to vector<16xf32>
      %get3A_1086 = arith.constant 0 : i32
      %get3A_1087 = arith.index_cast %get3A_1086 : i32 to index
      %get3A_1088 = arith.index_cast %scan3A_340 : i32 to index
      %get3A_1089 = arith.constant 592 : index
      %get3A_1090 = tpu.vector_load %arg8[%get3A_1087, %get3A_1088, %get3A_1089] {strides = array<i32>} : memref<2x32x640xf32, #tpu.memory_space<vmem>>, vector<1x1x16xf32>,
      %get3A_1091 = vector.shape_cast %get3A_1090 : vector<1x1x16xf32> to vector<16xf32>
      %add3A_1092 = arith.addf %get3A_1085, %get3A_1091 : vector<16xf32>
      %add3A_1093 = arith.constant 0 : i32
      %add3A_1094 = arith.addi %add3A_1093, %scan3A_340 : i32
      %swap3A_1095 = arith.index_cast %add3A_1094 : i32 to index
      %swap3A_1096 = arith.constant 592 : index
      %swap3A_1097 = tpu.vector_load %arg7[%swap3A_1095, %swap3A_1096] {strides = array<i32>} : memref<128x640xf32, #tpu.memory_space<vmem>>, vector<1x16xf32>,
      %swap3A_1098 = vector.shape_cast %swap3A_1097 : vector<1x16xf32> to vector<16xf32>
      %swap3A_1099 = vector.shape_cast %add3A_1092 : vector<16xf32> to vector<1x16xf32>
      tpu.vector_store %arg7[%swap3A_1095, %swap3A_1096], %swap3A_1099 {strides = array<i32>} : memref<128x640xf32, #tpu.memory_space<vmem>>, vector<1x16xf32>,
      %add3A_1100 = arith.constant 0 : i32
      %add3A_1101 = arith.addi %add3A_1100, %scan3A_340 : i32
      %get3A_1102 = arith.index_cast %add3A_1101 : i32 to index
      %get3A_1103 = arith.constant 608 : index
      %get3A_1104 = tpu.vector_load %arg7[%get3A_1102, %get3A_1103] {strides = array<i32>} : memref<128x640xf32, #tpu.memory_space<vmem>>, vector<1x16xf32>,
      %get3A_1105 = vector.shape_cast %get3A_1104 : vector<1x16xf32> to vector<16xf32>
      %get3A_1106 = arith.constant 0 : i32
      %get3A_1107 = arith.index_cast %get3A_1106 : i32 to index
      %get3A_1108 = arith.index_cast %scan3A_340 : i32 to index
      %get3A_1109 = arith.constant 608 : index
      %get3A_1110 = tpu.vector_load %arg8[%get3A_1107, %get3A_1108, %get3A_1109] {strides = array<i32>} : memref<2x32x640xf32, #tpu.memory_space<vmem>>, vector<1x1x16xf32>,
      %get3A_1111 = vector.shape_cast %get3A_1110 : vector<1x1x16xf32> to vector<16xf32>
      %add3A_1112 = arith.addf %get3A_1105, %get3A_1111 : vector<16xf32>
      %add3A_1113 = arith.constant 0 : i32
      %add3A_1114 = arith.addi %add3A_1113, %scan3A_340 : i32
      %swap3A_1115 = arith.index_cast %add3A_1114 : i32 to index
      %swap3A_1116 = arith.constant 608 : index
      %swap3A_1117 = tpu.vector_load %arg7[%swap3A_1115, %swap3A_1116] {strides = array<i32>} : memref<128x640xf32, #tpu.memory_space<vmem>>, vector<1x16xf32>,
      %swap3A_1118 = vector.shape_cast %swap3A_1117 : vector<1x16xf32> to vector<16xf32>
      %swap3A_1119 = vector.shape_cast %add3A_1112 : vector<16xf32> to vector<1x16xf32>
      tpu.vector_store %arg7[%swap3A_1115, %swap3A_1116], %swap3A_1119 {strides = array<i32>} : memref<128x640xf32, #tpu.memory_space<vmem>>, vector<1x16xf32>,
      %add3A_1120 = arith.constant 0 : i32
      %add3A_1121 = arith.addi %add3A_1120, %scan3A_340 : i32
      %get3A_1122 = arith.index_cast %add3A_1121 : i32 to index
      %get3A_1123 = arith.constant 624 : index
      %get3A_1124 = tpu.vector_load %arg7[%get3A_1122, %get3A_1123] {strides = array<i32>} : memref<128x640xf32, #tpu.memory_space<vmem>>, vector<1x16xf32>,
      %get3A_1125 = vector.shape_cast %get3A_1124 : vector<1x16xf32> to vector<16xf32>
      %get3A_1126 = arith.constant 0 : i32
      %get3A_1127 = arith.index_cast %get3A_1126 : i32 to index
      %get3A_1128 = arith.index_cast %scan3A_340 : i32 to index
      %get3A_1129 = arith.constant 624 : index
      %get3A_1130 = tpu.vector_load %arg8[%get3A_1127, %get3A_1128, %get3A_1129] {strides = array<i32>} : memref<2x32x640xf32, #tpu.memory_space<vmem>>, vector<1x1x16xf32>,
      %get3A_1131 = vector.shape_cast %get3A_1130 : vector<1x1x16xf32> to vector<16xf32>
      %add3A_1132 = arith.addf %get3A_1125, %get3A_1131 : vector<16xf32>
      %add3A_1133 = arith.constant 0 : i32
      %add3A_1134 = arith.addi %add3A_1133, %scan3A_340 : i32
      %swap3A_1135 = arith.index_cast %add3A_1134 : i32 to index
      %swap3A_1136 = arith.constant 624 : index
      %swap3A_1137 = tpu.vector_load %arg7[%swap3A_1135, %swap3A_1136] {strides = array<i32>} : memref<128x640xf32, #tpu.memory_space<vmem>>, vector<1x16xf32>,
      %swap3A_1138 = vector.shape_cast %swap3A_1137 : vector<1x16xf32> to vector<16xf32>
      %swap3A_1139 = vector.shape_cast %add3A_1132 : vector<16xf32> to vector<1x16xf32>
      tpu.vector_store %arg7[%swap3A_1135, %swap3A_1136], %swap3A_1139 {strides = array<i32>} : memref<128x640xf32, #tpu.memory_space<vmem>>, vector<1x16xf32>,
      %scan3A_1140 = arith.constant 0 : i32
      scf.yield %scan3A_1140 : i32
    }
    %scan3A_91 = arith.constant 32 : i32
    %add3A_92 = arith.constant 0 : i32
    %add3A_93 = arith.addi %mul3A_2, %add3A_92 : i32
    %dma_start3A_94 = arith.constant 0 : i32
    %dma_start3A_95 = arith.constant 0 : i32
    %dma_start3A_96 = tpu.memref_slice %arg7[%dma_start3A_94, %dma_start3A_95] : memref<128x640xf32, #tpu.memory_space<vmem>> -> memref<32x640xf32, #tpu.memory_space<vmem>>
    %dma_start3A_97 = arith.constant 0 : i32
    %dma_start3A_98 = tpu.memref_slice %arg5[%add3A_93, %dma_start3A_97] : memref<4096x640xf32, #tpu.memory_space<hbm>> -> memref<32x640xf32, #tpu.memory_space<hbm>>
    %dma_start3A_99 = arith.constant 0 : i32
    %dma_start3A_100 = tpu.memref_slice %arg5[%add3A_93, %dma_start3A_99] : memref<4096x640xf32, #tpu.memory_space<hbm>> -> memref<32x640xf32, #tpu.memory_space<hbm>>
    %dma_start3A_101 = arith.constant 0 : i32
    %dma_start3A_102 = arith.constant 0 : i32
    %dma_start3A_103 = tpu.memref_slice %arg7[%dma_start3A_101, %dma_start3A_102] : memref<128x640xf32, #tpu.memory_space<vmem>> -> memref<32x640xf32, #tpu.memory_space<vmem>>
    tpu.enqueue_dma source(%dma_start3A_103 : memref<32x640xf32, #tpu.memory_space<vmem>>) target(%dma_start3A_100 : memref<32x640xf32, #tpu.memory_space<hbm>>) target_semaphore(%arg11 : memref<!tpu.dma_semaphore, #tpu.memory_space<semaphore_mem>>)
    %dma_start3A_104 = arith.constant 0 : i32
    %dma_start3A_105 = arith.constant 64 : i32
    %dma_start3A_106 = arith.constant 0 : i32
    %dma_start3A_107 = tpu.memref_slice %arg7[%dma_start3A_105, %dma_start3A_106] : memref<128x640xf32, #tpu.memory_space<vmem>> -> memref<32x640xf32, #tpu.memory_space<vmem>>
    %dma_start3A_108 = arith.constant 64 : i32
    %dma_start3A_109 = tpu.memref_slice %arg6[%dma_start3A_108] : memref<128xi32, #tpu.memory_space<vmem>> -> memref<32xi32, #tpu.memory_space<vmem>>
    %dma_start3A_110 = arith.constant 0 : i32
    %dma_start3A_111 = arith.constant 0 : i32
    %dma_start3A_112 = tpu.memref_slice %arg2[%dma_start3A_110, %dma_start3A_111] : memref<100000x640xf32, #tpu.memory_space<hbm>> -> memref<100000x640xf32, #tpu.memory_space<hbm>>
    %dma_start3A_113 = tpu.memref_slice %arg9[%dma_start3A_104] : memref<2x!tpu.dma_semaphore, #tpu.memory_space<semaphore_mem>> -> memref<1x!tpu.dma_semaphore, #tpu.memory_space<semaphore_mem>>
    %dma_start3A_114 = tpu.memref_squeeze %dma_start3A_113 : memref<1x!tpu.dma_semaphore, #tpu.memory_space<semaphore_mem>> -> memref<!tpu.dma_semaphore, #tpu.memory_space<semaphore_mem>>
    tpu.enqueue_indirect_dma source(%dma_start3A_112 : memref<100000x640xf32, #tpu.memory_space<hbm>>) target(%dma_start3A_107 : memref<32x640xf32, #tpu.memory_space<vmem>>) offsets(%dma_start3A_109 : memref<32xi32, #tpu.memory_space<vmem>>) semaphore(%dma_start3A_114 : memref<!tpu.dma_semaphore, #tpu.memory_space<semaphore_mem>>)
    %add3A_115 = arith.constant 64 : i32
    %add3A_116 = arith.addi %mul3A_2, %add3A_115 : i32
    %dma_start3A_117 = arith.constant 0 : i32
    %dma_start3A_118 = arith.constant 0 : i32
    %dma_start3A_119 = arith.constant 0 : i32
    %dma_start3A_120 = arith.constant 0 : i32
    %dma_start3A_121 = tpu.memref_slice %arg8[%dma_start3A_117, %dma_start3A_119, %dma_start3A_120] : memref<2x32x640xf32, #tpu.memory_space<vmem>> -> memref<1x32x640xf32, #tpu.memory_space<vmem>>
    %dma_start3A_122 = tpu.memref_squeeze %dma_start3A_121 : memref<1x32x640xf32, #tpu.memory_space<vmem>> -> memref<32x640xf32, #tpu.memory_space<vmem>>
    %dma_start3A_123 = arith.constant 0 : i32
    %dma_start3A_124 = tpu.memref_slice %arg4[%add3A_116, %dma_start3A_123] : memref<4096x640xf32, #tpu.memory_space<hbm>> -> memref<32x640xf32, #tpu.memory_space<hbm>>
    %dma_start3A_125 = tpu.memref_slice %arg10[%dma_start3A_118] : memref<2x!tpu.dma_semaphore, #tpu.memory_space<semaphore_mem>> -> memref<1x!tpu.dma_semaphore, #tpu.memory_space<semaphore_mem>>
    %dma_start3A_126 = tpu.memref_squeeze %dma_start3A_125 : memref<1x!tpu.dma_semaphore, #tpu.memory_space<semaphore_mem>> -> memref<!tpu.dma_semaphore, #tpu.memory_space<semaphore_mem>>
    %dma_start3A_127 = arith.constant 0 : i32
    %dma_start3A_128 = arith.constant 0 : i32
    %dma_start3A_129 = tpu.memref_slice %arg8[%dma_start3A_117, %dma_start3A_127, %dma_start3A_128] : memref<2x32x640xf32, #tpu.memory_space<vmem>> -> memref<1x32x640xf32, #tpu.memory_space<vmem>>
    %dma_start3A_130 = tpu.memref_squeeze %dma_start3A_129 : memref<1x32x640xf32, #tpu.memory_space<vmem>> -> memref<32x640xf32, #tpu.memory_space<vmem>>
    %dma_start3A_131 = arith.constant 0 : i32
    %dma_start3A_132 = tpu.memref_slice %arg4[%add3A_116, %dma_start3A_131] : memref<4096x640xf32, #tpu.memory_space<hbm>> -> memref<32x640xf32, #tpu.memory_space<hbm>>
    tpu.enqueue_dma source(%dma_start3A_132 : memref<32x640xf32, #tpu.memory_space<hbm>>) target(%dma_start3A_130 : memref<32x640xf32, #tpu.memory_space<vmem>>) target_semaphore(%dma_start3A_126 : memref<!tpu.dma_semaphore, #tpu.memory_space<semaphore_mem>>)
    %dma_wait3A_133 = arith.constant 1 : i32
    %dma_wait3A_134 = arith.constant 32 : i32
    %dma_wait3A_135 = arith.constant 0 : i32
    %dma_wait3A_136 = tpu.memref_slice %arg7[%dma_wait3A_134, %dma_wait3A_135] : memref<128x640xf32, #tpu.memory_space<vmem>> -> memref<32x640xf32, #tpu.memory_space<vmem>>
    %dma_wait3A_137 = arith.constant 32 : i32
    %dma_wait3A_138 = tpu.memref_slice %arg6[%dma_wait3A_137] : memref<128xi32, #tpu.memory_space<vmem>> -> memref<32xi32, #tpu.memory_space<vmem>>
    %dma_wait3A_139 = arith.constant 0 : i32
    %dma_wait3A_140 = arith.constant 0 : i32
    %dma_wait3A_141 = tpu.memref_slice %arg2[%dma_wait3A_139, %dma_wait3A_140] : memref<100000x640xf32, #tpu.memory_space<hbm>> -> memref<100000x640xf32, #tpu.memory_space<hbm>>
    %dma_wait3A_142 = tpu.memref_slice %arg9[%dma_wait3A_133] : memref<2x!tpu.dma_semaphore, #tpu.memory_space<semaphore_mem>> -> memref<1x!tpu.dma_semaphore, #tpu.memory_space<semaphore_mem>>
    %dma_wait3A_143 = tpu.memref_squeeze %dma_wait3A_142 : memref<1x!tpu.dma_semaphore, #tpu.memory_space<semaphore_mem>> -> memref<!tpu.dma_semaphore, #tpu.memory_space<semaphore_mem>>
    tpu.wait_indirect_dma semaphore(%dma_wait3A_143 : memref<!tpu.dma_semaphore, #tpu.memory_space<semaphore_mem>>) src(%dma_wait3A_141 : memref<100000x640xf32, #tpu.memory_space<hbm>>) dst(%dma_wait3A_136 : memref<32x640xf32, #tpu.memory_space<vmem>>)
    %dma_wait3A_144 = arith.constant 1 : i32
    %dma_wait3A_145 = arith.constant 1 : i32
    %dma_wait3A_146 = arith.constant 0 : i32
    %dma_wait3A_147 = arith.constant 0 : i32
    %dma_wait3A_148 = tpu.memref_slice %arg8[%dma_wait3A_144, %dma_wait3A_146, %dma_wait3A_147] : memref<2x32x640xf32, #tpu.memory_space<vmem>> -> memref<1x32x640xf32, #tpu.memory_space<vmem>>
    %dma_wait3A_149 = tpu.memref_squeeze %dma_wait3A_148 : memref<1x32x640xf32, #tpu.memory_space<vmem>> -> memref<32x640xf32, #tpu.memory_space<vmem>>
    %dma_wait3A_150 = arith.constant 0 : i32
    %dma_wait3A_151 = tpu.memref_slice %arg4[%add3A_43, %dma_wait3A_150] : memref<4096x640xf32, #tpu.memory_space<hbm>> -> memref<32x640xf32, #tpu.memory_space<hbm>>
    %dma_wait3A_152 = tpu.memref_slice %arg10[%dma_wait3A_145] : memref<2x!tpu.dma_semaphore, #tpu.memory_space<semaphore_mem>> -> memref<1x!tpu.dma_semaphore, #tpu.memory_space<semaphore_mem>>
    %dma_wait3A_153 = tpu.memref_squeeze %dma_wait3A_152 : memref<1x!tpu.dma_semaphore, #tpu.memory_space<semaphore_mem>> -> memref<!tpu.dma_semaphore, #tpu.memory_space<semaphore_mem>>
    %dma_wait3A_154 = arith.constant 0 : i32
    %dma_wait3A_155 = arith.constant 0 : i32
    %dma_wait3A_156 = tpu.memref_slice %arg8[%dma_wait3A_144, %dma_wait3A_154, %dma_wait3A_155] : memref<2x32x640xf32, #tpu.memory_space<vmem>> -> memref<1x32x640xf32, #tpu.memory_space<vmem>>
    %dma_wait3A_157 = tpu.memref_squeeze %dma_wait3A_156 : memref<1x32x640xf32, #tpu.memory_space<vmem>> -> memref<32x640xf32, #tpu.memory_space<vmem>>
    %dma_wait3A_158 = arith.constant 0 : i32
    %dma_wait3A_159 = tpu.memref_slice %arg4[%add3A_43, %dma_wait3A_158] : memref<4096x640xf32, #tpu.memory_space<hbm>> -> memref<32x640xf32, #tpu.memory_space<hbm>>
    tpu.wait_dma2 semaphore(%dma_wait3A_153 : memref<!tpu.dma_semaphore, #tpu.memory_space<semaphore_mem>>) src(%dma_wait3A_159 : memref<32x640xf32, #tpu.memory_space<hbm>>) dst(%dma_wait3A_157 : memref<32x640xf32, #tpu.memory_space<vmem>>)
    %scan3A_160 = arith.constant 0 : i32
    %scan3A_161 = arith.constant 0 : i32
    %scan3A_162 = arith.constant 32 : i32
    %scan3A_163 = arith.addi %scan3A_161, %scan3A_162 : i32
    %scan3A_164 = arith.constant 1 : i32
    %scan3A_165 = scf.for %scan3A_340 = %scan3A_161 to %scan3A_163 step %scan3A_164 iter_args(%scan3A_341 = %scan3A_160) -> (i32)  : i32 {
      %add3A_342 = arith.constant 32 : i32
      %add3A_343 = arith.addi %add3A_342, %scan3A_340 : i32
      %get3A = arith.index_cast %add3A_343 : i32 to index
      %get3A_344 = arith.constant 0 : index
      %get3A_345 = tpu.vector_load %arg7[%get3A, %get3A_344] {strides = array<i32>} : memref<128x640xf32, #tpu.memory_space<vmem>>, vector<1x16xf32>,
      %get3A_346 = vector.shape_cast %get3A_345 : vector<1x16xf32> to vector<16xf32>
      %get3A_347 = arith.constant 1 : i32
      %get3A_348 = arith.index_cast %get3A_347 : i32 to index
      %get3A_349 = arith.index_cast %scan3A_340 : i32 to index
      %get3A_350 = arith.constant 0 : index
      %get3A_351 = tpu.vector_load %arg8[%get3A_348, %get3A_349, %get3A_350] {strides = array<i32>} : memref<2x32x640xf32, #tpu.memory_space<vmem>>, vector<1x1x16xf32>,
      %get3A_352 = vector.shape_cast %get3A_351 : vector<1x1x16xf32> to vector<16xf32>
      %add3A_353 = arith.addf %get3A_346, %get3A_352 : vector<16xf32>
      %add3A_354 = arith.constant 32 : i32
      %add3A_355 = arith.addi %add3A_354, %scan3A_340 : i32
      %swap3A = arith.index_cast %add3A_355 : i32 to index
      %swap3A_356 = arith.constant 0 : index
      %swap3A_357 = tpu.vector_load %arg7[%swap3A, %swap3A_356] {strides = array<i32>} : memref<128x640xf32, #tpu.memory_space<vmem>>, vector<1x16xf32>,
      %swap3A_358 = vector.shape_cast %swap3A_357 : vector<1x16xf32> to vector<16xf32>
      %swap3A_359 = vector.shape_cast %add3A_353 : vector<16xf32> to vector<1x16xf32>
      tpu.vector_store %arg7[%swap3A, %swap3A_356], %swap3A_359 {strides = array<i32>} : memref<128x640xf32, #tpu.memory_space<vmem>>, vector<1x16xf32>,
      %add3A_360 = arith.constant 32 : i32
      %add3A_361 = arith.addi %add3A_360, %scan3A_340 : i32
      %get3A_362 = arith.index_cast %add3A_361 : i32 to index
      %get3A_363 = arith.constant 16 : index
      %get3A_364 = tpu.vector_load %arg7[%get3A_362, %get3A_363] {strides = array<i32>} : memref<128x640xf32, #tpu.memory_space<vmem>>, vector<1x16xf32>,
      %get3A_365 = vector.shape_cast %get3A_364 : vector<1x16xf32> to vector<16xf32>
      %get3A_366 = arith.constant 1 : i32
      %get3A_367 = arith.index_cast %get3A_366 : i32 to index
      %get3A_368 = arith.index_cast %scan3A_340 : i32 to index
      %get3A_369 = arith.constant 16 : index
      %get3A_370 = tpu.vector_load %arg8[%get3A_367, %get3A_368, %get3A_369] {strides = array<i32>} : memref<2x32x640xf32, #tpu.memory_space<vmem>>, vector<1x1x16xf32>,
      %get3A_371 = vector.shape_cast %get3A_370 : vector<1x1x16xf32> to vector<16xf32>
      %add3A_372 = arith.addf %get3A_365, %get3A_371 : vector<16xf32>
      %add3A_373 = arith.constant 32 : i32
      %add3A_374 = arith.addi %add3A_373, %scan3A_340 : i32
      %swap3A_375 = arith.index_cast %add3A_374 : i32 to index
      %swap3A_376 = arith.constant 16 : index
      %swap3A_377 = tpu.vector_load %arg7[%swap3A_375, %swap3A_376] {strides = array<i32>} : memref<128x640xf32, #tpu.memory_space<vmem>>, vector<1x16xf32>,
      %swap3A_378 = vector.shape_cast %swap3A_377 : vector<1x16xf32> to vector<16xf32>
      %swap3A_379 = vector.shape_cast %add3A_372 : vector<16xf32> to vector<1x16xf32>
      tpu.vector_store %arg7[%swap3A_375, %swap3A_376], %swap3A_379 {strides = array<i32>} : memref<128x640xf32, #tpu.memory_space<vmem>>, vector<1x16xf32>,
      %add3A_380 = arith.constant 32 : i32
      %add3A_381 = arith.addi %add3A_380, %scan3A_340 : i32
      %get3A_382 = arith.index_cast %add3A_381 : i32 to index
      %get3A_383 = arith.constant 32 : index
      %get3A_384 = tpu.vector_load %arg7[%get3A_382, %get3A_383] {strides = array<i32>} : memref<128x640xf32, #tpu.memory_space<vmem>>, vector<1x16xf32>,
      %get3A_385 = vector.shape_cast %get3A_384 : vector<1x16xf32> to vector<16xf32>
      %get3A_386 = arith.constant 1 : i32
      %get3A_387 = arith.index_cast %get3A_386 : i32 to index
      %get3A_388 = arith.index_cast %scan3A_340 : i32 to index
      %get3A_389 = arith.constant 32 : index
      %get3A_390 = tpu.vector_load %arg8[%get3A_387, %get3A_388, %get3A_389] {strides = array<i32>} : memref<2x32x640xf32, #tpu.memory_space<vmem>>, vector<1x1x16xf32>,
      %get3A_391 = vector.shape_cast %get3A_390 : vector<1x1x16xf32> to vector<16xf32>
      %add3A_392 = arith.addf %get3A_385, %get3A_391 : vector<16xf32>
      %add3A_393 = arith.constant 32 : i32
      %add3A_394 = arith.addi %add3A_393, %scan3A_340 : i32
      %swap3A_395 = arith.index_cast %add3A_394 : i32 to index
      %swap3A_396 = arith.constant 32 : index
      %swap3A_397 = tpu.vector_load %arg7[%swap3A_395, %swap3A_396] {strides = array<i32>} : memref<128x640xf32, #tpu.memory_space<vmem>>, vector<1x16xf32>,
      %swap3A_398 = vector.shape_cast %swap3A_397 : vector<1x16xf32> to vector<16xf32>
      %swap3A_399 = vector.shape_cast %add3A_392 : vector<16xf32> to vector<1x16xf32>
      tpu.vector_store %arg7[%swap3A_395, %swap3A_396], %swap3A_399 {strides = array<i32>} : memref<128x640xf32, #tpu.memory_space<vmem>>, vector<1x16xf32>,
      %add3A_400 = arith.constant 32 : i32
      %add3A_401 = arith.addi %add3A_400, %scan3A_340 : i32
      %get3A_402 = arith.index_cast %add3A_401 : i32 to index
      %get3A_403 = arith.constant 48 : index
      %get3A_404 = tpu.vector_load %arg7[%get3A_402, %get3A_403] {strides = array<i32>} : memref<128x640xf32, #tpu.memory_space<vmem>>, vector<1x16xf32>,
      %get3A_405 = vector.shape_cast %get3A_404 : vector<1x16xf32> to vector<16xf32>
      %get3A_406 = arith.constant 1 : i32
      %get3A_407 = arith.index_cast %get3A_406 : i32 to index
      %get3A_408 = arith.index_cast %scan3A_340 : i32 to index
      %get3A_409 = arith.constant 48 : index
      %get3A_410 = tpu.vector_load %arg8[%get3A_407, %get3A_408, %get3A_409] {strides = array<i32>} : memref<2x32x640xf32, #tpu.memory_space<vmem>>, vector<1x1x16xf32>,
      %get3A_411 = vector.shape_cast %get3A_410 : vector<1x1x16xf32> to vector<16xf32>
      %add3A_412 = arith.addf %get3A_405, %get3A_411 : vector<16xf32>
      %add3A_413 = arith.constant 32 : i32
      %add3A_414 = arith.addi %add3A_413, %scan3A_340 : i32
      %swap3A_415 = arith.index_cast %add3A_414 : i32 to index
      %swap3A_416 = arith.constant 48 : index
      %swap3A_417 = tpu.vector_load %arg7[%swap3A_415, %swap3A_416] {strides = array<i32>} : memref<128x640xf32, #tpu.memory_space<vmem>>, vector<1x16xf32>,
      %swap3A_418 = vector.shape_cast %swap3A_417 : vector<1x16xf32> to vector<16xf32>
      %swap3A_419 = vector.shape_cast %add3A_412 : vector<16xf32> to vector<1x16xf32>
      tpu.vector_store %arg7[%swap3A_415, %swap3A_416], %swap3A_419 {strides = array<i32>} : memref<128x640xf32, #tpu.memory_space<vmem>>, vector<1x16xf32>,
      %add3A_420 = arith.constant 32 : i32
      %add3A_421 = arith.addi %add3A_420, %scan3A_340 : i32
      %get3A_422 = arith.index_cast %add3A_421 : i32 to index
      %get3A_423 = arith.constant 64 : index
      %get3A_424 = tpu.vector_load %arg7[%get3A_422, %get3A_423] {strides = array<i32>} : memref<128x640xf32, #tpu.memory_space<vmem>>, vector<1x16xf32>,
      %get3A_425 = vector.shape_cast %get3A_424 : vector<1x16xf32> to vector<16xf32>
      %get3A_426 = arith.constant 1 : i32
      %get3A_427 = arith.index_cast %get3A_426 : i32 to index
      %get3A_428 = arith.index_cast %scan3A_340 : i32 to index
      %get3A_429 = arith.constant 64 : index
      %get3A_430 = tpu.vector_load %arg8[%get3A_427, %get3A_428, %get3A_429] {strides = array<i32>} : memref<2x32x640xf32, #tpu.memory_space<vmem>>, vector<1x1x16xf32>,
      %get3A_431 = vector.shape_cast %get3A_430 : vector<1x1x16xf32> to vector<16xf32>
      %add3A_432 = arith.addf %get3A_425, %get3A_431 : vector<16xf32>
      %add3A_433 = arith.constant 32 : i32
      %add3A_434 = arith.addi %add3A_433, %scan3A_340 : i32
      %swap3A_435 = arith.index_cast %add3A_434 : i32 to index
      %swap3A_436 = arith.constant 64 : index
      %swap3A_437 = tpu.vector_load %arg7[%swap3A_435, %swap3A_436] {strides = array<i32>} : memref<128x640xf32, #tpu.memory_space<vmem>>, vector<1x16xf32>,
      %swap3A_438 = vector.shape_cast %swap3A_437 : vector<1x16xf32> to vector<16xf32>
      %swap3A_439 = vector.shape_cast %add3A_432 : vector<16xf32> to vector<1x16xf32>
      tpu.vector_store %arg7[%swap3A_435, %swap3A_436], %swap3A_439 {strides = array<i32>} : memref<128x640xf32, #tpu.memory_space<vmem>>, vector<1x16xf32>,
      %add3A_440 = arith.constant 32 : i32
      %add3A_441 = arith.addi %add3A_440, %scan3A_340 : i32
      %get3A_442 = arith.index_cast %add3A_441 : i32 to index
      %get3A_443 = arith.constant 80 : index
      %get3A_444 = tpu.vector_load %arg7[%get3A_442, %get3A_443] {strides = array<i32>} : memref<128x640xf32, #tpu.memory_space<vmem>>, vector<1x16xf32>,
      %get3A_445 = vector.shape_cast %get3A_444 : vector<1x16xf32> to vector<16xf32>
      %get3A_446 = arith.constant 1 : i32
      %get3A_447 = arith.index_cast %get3A_446 : i32 to index
      %get3A_448 = arith.index_cast %scan3A_340 : i32 to index
      %get3A_449 = arith.constant 80 : index
      %get3A_450 = tpu.vector_load %arg8[%get3A_447, %get3A_448, %get3A_449] {strides = array<i32>} : memref<2x32x640xf32, #tpu.memory_space<vmem>>, vector<1x1x16xf32>,
      %get3A_451 = vector.shape_cast %get3A_450 : vector<1x1x16xf32> to vector<16xf32>
      %add3A_452 = arith.addf %get3A_445, %get3A_451 : vector<16xf32>
      %add3A_453 = arith.constant 32 : i32
      %add3A_454 = arith.addi %add3A_453, %scan3A_340 : i32
      %swap3A_455 = arith.index_cast %add3A_454 : i32 to index
      %swap3A_456 = arith.constant 80 : index
      %swap3A_457 = tpu.vector_load %arg7[%swap3A_455, %swap3A_456] {strides = array<i32>} : memref<128x640xf32, #tpu.memory_space<vmem>>, vector<1x16xf32>,
      %swap3A_458 = vector.shape_cast %swap3A_457 : vector<1x16xf32> to vector<16xf32>
      %swap3A_459 = vector.shape_cast %add3A_452 : vector<16xf32> to vector<1x16xf32>
      tpu.vector_store %arg7[%swap3A_455, %swap3A_456], %swap3A_459 {strides = array<i32>} : memref<128x640xf32, #tpu.memory_space<vmem>>, vector<1x16xf32>,
      %add3A_460 = arith.constant 32 : i32
      %add3A_461 = arith.addi %add3A_460, %scan3A_340 : i32
      %get3A_462 = arith.index_cast %add3A_461 : i32 to index
      %get3A_463 = arith.constant 96 : index
      %get3A_464 = tpu.vector_load %arg7[%get3A_462, %get3A_463] {strides = array<i32>} : memref<128x640xf32, #tpu.memory_space<vmem>>, vector<1x16xf32>,
      %get3A_465 = vector.shape_cast %get3A_464 : vector<1x16xf32> to vector<16xf32>
      %get3A_466 = arith.constant 1 : i32
      %get3A_467 = arith.index_cast %get3A_466 : i32 to index
      %get3A_468 = arith.index_cast %scan3A_340 : i32 to index
      %get3A_469 = arith.constant 96 : index
      %get3A_470 = tpu.vector_load %arg8[%get3A_467, %get3A_468, %get3A_469] {strides = array<i32>} : memref<2x32x640xf32, #tpu.memory_space<vmem>>, vector<1x1x16xf32>,
      %get3A_471 = vector.shape_cast %get3A_470 : vector<1x1x16xf32> to vector<16xf32>
      %add3A_472 = arith.addf %get3A_465, %get3A_471 : vector<16xf32>
      %add3A_473 = arith.constant 32 : i32
      %add3A_474 = arith.addi %add3A_473, %scan3A_340 : i32
      %swap3A_475 = arith.index_cast %add3A_474 : i32 to index
      %swap3A_476 = arith.constant 96 : index
      %swap3A_477 = tpu.vector_load %arg7[%swap3A_475, %swap3A_476] {strides = array<i32>} : memref<128x640xf32, #tpu.memory_space<vmem>>, vector<1x16xf32>,
      %swap3A_478 = vector.shape_cast %swap3A_477 : vector<1x16xf32> to vector<16xf32>
      %swap3A_479 = vector.shape_cast %add3A_472 : vector<16xf32> to vector<1x16xf32>
      tpu.vector_store %arg7[%swap3A_475, %swap3A_476], %swap3A_479 {strides = array<i32>} : memref<128x640xf32, #tpu.memory_space<vmem>>, vector<1x16xf32>,
      %add3A_480 = arith.constant 32 : i32
      %add3A_481 = arith.addi %add3A_480, %scan3A_340 : i32
      %get3A_482 = arith.index_cast %add3A_481 : i32 to index
      %get3A_483 = arith.constant 112 : index
      %get3A_484 = tpu.vector_load %arg7[%get3A_482, %get3A_483] {strides = array<i32>} : memref<128x640xf32, #tpu.memory_space<vmem>>, vector<1x16xf32>,
      %get3A_485 = vector.shape_cast %get3A_484 : vector<1x16xf32> to vector<16xf32>
      %get3A_486 = arith.constant 1 : i32
      %get3A_487 = arith.index_cast %get3A_486 : i32 to index
      %get3A_488 = arith.index_cast %scan3A_340 : i32 to index
      %get3A_489 = arith.constant 112 : index
      %get3A_490 = tpu.vector_load %arg8[%get3A_487, %get3A_488, %get3A_489] {strides = array<i32>} : memref<2x32x640xf32, #tpu.memory_space<vmem>>, vector<1x1x16xf32>,
      %get3A_491 = vector.shape_cast %get3A_490 : vector<1x1x16xf32> to vector<16xf32>
      %add3A_492 = arith.addf %get3A_485, %get3A_491 : vector<16xf32>
      %add3A_493 = arith.constant 32 : i32
      %add3A_494 = arith.addi %add3A_493, %scan3A_340 : i32
      %swap3A_495 = arith.index_cast %add3A_494 : i32 to index
      %swap3A_496 = arith.constant 112 : index
      %swap3A_497 = tpu.vector_load %arg7[%swap3A_495, %swap3A_496] {strides = array<i32>} : memref<128x640xf32, #tpu.memory_space<vmem>>, vector<1x16xf32>,
      %swap3A_498 = vector.shape_cast %swap3A_497 : vector<1x16xf32> to vector<16xf32>
      %swap3A_499 = vector.shape_cast %add3A_492 : vector<16xf32> to vector<1x16xf32>
      tpu.vector_store %arg7[%swap3A_495, %swap3A_496], %swap3A_499 {strides = array<i32>} : memref<128x640xf32, #tpu.memory_space<vmem>>, vector<1x16xf32>,
      %add3A_500 = arith.constant 32 : i32
      %add3A_501 = arith.addi %add3A_500, %scan3A_340 : i32
      %get3A_502 = arith.index_cast %add3A_501 : i32 to index
      %get3A_503 = arith.constant 128 : index
      %get3A_504 = tpu.vector_load %arg7[%get3A_502, %get3A_503] {strides = array<i32>} : memref<128x640xf32, #tpu.memory_space<vmem>>, vector<1x16xf32>,
      %get3A_505 = vector.shape_cast %get3A_504 : vector<1x16xf32> to vector<16xf32>
      %get3A_506 = arith.constant 1 : i32
      %get3A_507 = arith.index_cast %get3A_506 : i32 to index
      %get3A_508 = arith.index_cast %scan3A_340 : i32 to index
      %get3A_509 = arith.constant 128 : index
      %get3A_510 = tpu.vector_load %arg8[%get3A_507, %get3A_508, %get3A_509] {strides = array<i32>} : memref<2x32x640xf32, #tpu.memory_space<vmem>>, vector<1x1x16xf32>,
      %get3A_511 = vector.shape_cast %get3A_510 : vector<1x1x16xf32> to vector<16xf32>
      %add3A_512 = arith.addf %get3A_505, %get3A_511 : vector<16xf32>
      %add3A_513 = arith.constant 32 : i32
      %add3A_514 = arith.addi %add3A_513, %scan3A_340 : i32
      %swap3A_515 = arith.index_cast %add3A_514 : i32 to index
      %swap3A_516 = arith.constant 128 : index
      %swap3A_517 = tpu.vector_load %arg7[%swap3A_515, %swap3A_516] {strides = array<i32>} : memref<128x640xf32, #tpu.memory_space<vmem>>, vector<1x16xf32>,
      %swap3A_518 = vector.shape_cast %swap3A_517 : vector<1x16xf32> to vector<16xf32>
      %swap3A_519 = vector.shape_cast %add3A_512 : vector<16xf32> to vector<1x16xf32>
      tpu.vector_store %arg7[%swap3A_515, %swap3A_516], %swap3A_519 {strides = array<i32>} : memref<128x640xf32, #tpu.memory_space<vmem>>, vector<1x16xf32>,
      %add3A_520 = arith.constant 32 : i32
      %add3A_521 = arith.addi %add3A_520, %scan3A_340 : i32
      %get3A_522 = arith.index_cast %add3A_521 : i32 to index
      %get3A_523 = arith.constant 144 : index
      %get3A_524 = tpu.vector_load %arg7[%get3A_522, %get3A_523] {strides = array<i32>} : memref<128x640xf32, #tpu.memory_space<vmem>>, vector<1x16xf32>,
      %get3A_525 = vector.shape_cast %get3A_524 : vector<1x16xf32> to vector<16xf32>
      %get3A_526 = arith.constant 1 : i32
      %get3A_527 = arith.index_cast %get3A_526 : i32 to index
      %get3A_528 = arith.index_cast %scan3A_340 : i32 to index
      %get3A_529 = arith.constant 144 : index
      %get3A_530 = tpu.vector_load %arg8[%get3A_527, %get3A_528, %get3A_529] {strides = array<i32>} : memref<2x32x640xf32, #tpu.memory_space<vmem>>, vector<1x1x16xf32>,
      %get3A_531 = vector.shape_cast %get3A_530 : vector<1x1x16xf32> to vector<16xf32>
      %add3A_532 = arith.addf %get3A_525, %get3A_531 : vector<16xf32>
      %add3A_533 = arith.constant 32 : i32
      %add3A_534 = arith.addi %add3A_533, %scan3A_340 : i32
      %swap3A_535 = arith.index_cast %add3A_534 : i32 to index
      %swap3A_536 = arith.constant 144 : index
      %swap3A_537 = tpu.vector_load %arg7[%swap3A_535, %swap3A_536] {strides = array<i32>} : memref<128x640xf32, #tpu.memory_space<vmem>>, vector<1x16xf32>,
      %swap3A_538 = vector.shape_cast %swap3A_537 : vector<1x16xf32> to vector<16xf32>
      %swap3A_539 = vector.shape_cast %add3A_532 : vector<16xf32> to vector<1x16xf32>
      tpu.vector_store %arg7[%swap3A_535, %swap3A_536], %swap3A_539 {strides = array<i32>} : memref<128x640xf32, #tpu.memory_space<vmem>>, vector<1x16xf32>,
      %add3A_540 = arith.constant 32 : i32
      %add3A_541 = arith.addi %add3A_540, %scan3A_340 : i32
      %get3A_542 = arith.index_cast %add3A_541 : i32 to index
      %get3A_543 = arith.constant 160 : index
      %get3A_544 = tpu.vector_load %arg7[%get3A_542, %get3A_543] {strides = array<i32>} : memref<128x640xf32, #tpu.memory_space<vmem>>, vector<1x16xf32>,
      %get3A_545 = vector.shape_cast %get3A_544 : vector<1x16xf32> to vector<16xf32>
      %get3A_546 = arith.constant 1 : i32
      %get3A_547 = arith.index_cast %get3A_546 : i32 to index
      %get3A_548 = arith.index_cast %scan3A_340 : i32 to index
      %get3A_549 = arith.constant 160 : index
      %get3A_550 = tpu.vector_load %arg8[%get3A_547, %get3A_548, %get3A_549] {strides = array<i32>} : memref<2x32x640xf32, #tpu.memory_space<vmem>>, vector<1x1x16xf32>,
      %get3A_551 = vector.shape_cast %get3A_550 : vector<1x1x16xf32> to vector<16xf32>
      %add3A_552 = arith.addf %get3A_545, %get3A_551 : vector<16xf32>
      %add3A_553 = arith.constant 32 : i32
      %add3A_554 = arith.addi %add3A_553, %scan3A_340 : i32
      %swap3A_555 = arith.index_cast %add3A_554 : i32 to index
      %swap3A_556 = arith.constant 160 : index
      %swap3A_557 = tpu.vector_load %arg7[%swap3A_555, %swap3A_556] {strides = array<i32>} : memref<128x640xf32, #tpu.memory_space<vmem>>, vector<1x16xf32>,
      %swap3A_558 = vector.shape_cast %swap3A_557 : vector<1x16xf32> to vector<16xf32>
      %swap3A_559 = vector.shape_cast %add3A_552 : vector<16xf32> to vector<1x16xf32>
      tpu.vector_store %arg7[%swap3A_555, %swap3A_556], %swap3A_559 {strides = array<i32>} : memref<128x640xf32, #tpu.memory_space<vmem>>, vector<1x16xf32>,
      %add3A_560 = arith.constant 32 : i32
      %add3A_561 = arith.addi %add3A_560, %scan3A_340 : i32
      %get3A_562 = arith.index_cast %add3A_561 : i32 to index
      %get3A_563 = arith.constant 176 : index
      %get3A_564 = tpu.vector_load %arg7[%get3A_562, %get3A_563] {strides = array<i32>} : memref<128x640xf32, #tpu.memory_space<vmem>>, vector<1x16xf32>,
      %get3A_565 = vector.shape_cast %get3A_564 : vector<1x16xf32> to vector<16xf32>
      %get3A_566 = arith.constant 1 : i32
      %get3A_567 = arith.index_cast %get3A_566 : i32 to index
      %get3A_568 = arith.index_cast %scan3A_340 : i32 to index
      %get3A_569 = arith.constant 176 : index
      %get3A_570 = tpu.vector_load %arg8[%get3A_567, %get3A_568, %get3A_569] {strides = array<i32>} : memref<2x32x640xf32, #tpu.memory_space<vmem>>, vector<1x1x16xf32>,
      %get3A_571 = vector.shape_cast %get3A_570 : vector<1x1x16xf32> to vector<16xf32>
      %add3A_572 = arith.addf %get3A_565, %get3A_571 : vector<16xf32>
      %add3A_573 = arith.constant 32 : i32
      %add3A_574 = arith.addi %add3A_573, %scan3A_340 : i32
      %swap3A_575 = arith.index_cast %add3A_574 : i32 to index
      %swap3A_576 = arith.constant 176 : index
      %swap3A_577 = tpu.vector_load %arg7[%swap3A_575, %swap3A_576] {strides = array<i32>} : memref<128x640xf32, #tpu.memory_space<vmem>>, vector<1x16xf32>,
      %swap3A_578 = vector.shape_cast %swap3A_577 : vector<1x16xf32> to vector<16xf32>
      %swap3A_579 = vector.shape_cast %add3A_572 : vector<16xf32> to vector<1x16xf32>
      tpu.vector_store %arg7[%swap3A_575, %swap3A_576], %swap3A_579 {strides = array<i32>} : memref<128x640xf32, #tpu.memory_space<vmem>>, vector<1x16xf32>,
      %add3A_580 = arith.constant 32 : i32
      %add3A_581 = arith.addi %add3A_580, %scan3A_340 : i32
      %get3A_582 = arith.index_cast %add3A_581 : i32 to index
      %get3A_583 = arith.constant 192 : index
      %get3A_584 = tpu.vector_load %arg7[%get3A_582, %get3A_583] {strides = array<i32>} : memref<128x640xf32, #tpu.memory_space<vmem>>, vector<1x16xf32>,
      %get3A_585 = vector.shape_cast %get3A_584 : vector<1x16xf32> to vector<16xf32>
      %get3A_586 = arith.constant 1 : i32
      %get3A_587 = arith.index_cast %get3A_586 : i32 to index
      %get3A_588 = arith.index_cast %scan3A_340 : i32 to index
      %get3A_589 = arith.constant 192 : index
      %get3A_590 = tpu.vector_load %arg8[%get3A_587, %get3A_588, %get3A_589] {strides = array<i32>} : memref<2x32x640xf32, #tpu.memory_space<vmem>>, vector<1x1x16xf32>,
      %get3A_591 = vector.shape_cast %get3A_590 : vector<1x1x16xf32> to vector<16xf32>
      %add3A_592 = arith.addf %get3A_585, %get3A_591 : vector<16xf32>
      %add3A_593 = arith.constant 32 : i32
      %add3A_594 = arith.addi %add3A_593, %scan3A_340 : i32
      %swap3A_595 = arith.index_cast %add3A_594 : i32 to index
      %swap3A_596 = arith.constant 192 : index
      %swap3A_597 = tpu.vector_load %arg7[%swap3A_595, %swap3A_596] {strides = array<i32>} : memref<128x640xf32, #tpu.memory_space<vmem>>, vector<1x16xf32>,
      %swap3A_598 = vector.shape_cast %swap3A_597 : vector<1x16xf32> to vector<16xf32>
      %swap3A_599 = vector.shape_cast %add3A_592 : vector<16xf32> to vector<1x16xf32>
      tpu.vector_store %arg7[%swap3A_595, %swap3A_596], %swap3A_599 {strides = array<i32>} : memref<128x640xf32, #tpu.memory_space<vmem>>, vector<1x16xf32>,
      %add3A_600 = arith.constant 32 : i32
      %add3A_601 = arith.addi %add3A_600, %scan3A_340 : i32
      %get3A_602 = arith.index_cast %add3A_601 : i32 to index
      %get3A_603 = arith.constant 208 : index
      %get3A_604 = tpu.vector_load %arg7[%get3A_602, %get3A_603] {strides = array<i32>} : memref<128x640xf32, #tpu.memory_space<vmem>>, vector<1x16xf32>,
      %get3A_605 = vector.shape_cast %get3A_604 : vector<1x16xf32> to vector<16xf32>
      %get3A_606 = arith.constant 1 : i32
      %get3A_607 = arith.index_cast %get3A_606 : i32 to index
      %get3A_608 = arith.index_cast %scan3A_340 : i32 to index
      %get3A_609 = arith.constant 208 : index
      %get3A_610 = tpu.vector_load %arg8[%get3A_607, %get3A_608, %get3A_609] {strides = array<i32>} : memref<2x32x640xf32, #tpu.memory_space<vmem>>, vector<1x1x16xf32>,
      %get3A_611 = vector.shape_cast %get3A_610 : vector<1x1x16xf32> to vector<16xf32>
      %add3A_612 = arith.addf %get3A_605, %get3A_611 : vector<16xf32>
      %add3A_613 = arith.constant 32 : i32
      %add3A_614 = arith.addi %add3A_613, %scan3A_340 : i32
      %swap3A_615 = arith.index_cast %add3A_614 : i32 to index
      %swap3A_616 = arith.constant 208 : index
      %swap3A_617 = tpu.vector_load %arg7[%swap3A_615, %swap3A_616] {strides = array<i32>} : memref<128x640xf32, #tpu.memory_space<vmem>>, vector<1x16xf32>,
      %swap3A_618 = vector.shape_cast %swap3A_617 : vector<1x16xf32> to vector<16xf32>
      %swap3A_619 = vector.shape_cast %add3A_612 : vector<16xf32> to vector<1x16xf32>
      tpu.vector_store %arg7[%swap3A_615, %swap3A_616], %swap3A_619 {strides = array<i32>} : memref<128x640xf32, #tpu.memory_space<vmem>>, vector<1x16xf32>,
      %add3A_620 = arith.constant 32 : i32
      %add3A_621 = arith.addi %add3A_620, %scan3A_340 : i32
      %get3A_622 = arith.index_cast %add3A_621 : i32 to index
      %get3A_623 = arith.constant 224 : index
      %get3A_624 = tpu.vector_load %arg7[%get3A_622, %get3A_623] {strides = array<i32>} : memref<128x640xf32, #tpu.memory_space<vmem>>, vector<1x16xf32>,
      %get3A_625 = vector.shape_cast %get3A_624 : vector<1x16xf32> to vector<16xf32>
      %get3A_626 = arith.constant 1 : i32
      %get3A_627 = arith.index_cast %get3A_626 : i32 to index
      %get3A_628 = arith.index_cast %scan3A_340 : i32 to index
      %get3A_629 = arith.constant 224 : index
      %get3A_630 = tpu.vector_load %arg8[%get3A_627, %get3A_628, %get3A_629] {strides = array<i32>} : memref<2x32x640xf32, #tpu.memory_space<vmem>>, vector<1x1x16xf32>,
      %get3A_631 = vector.shape_cast %get3A_630 : vector<1x1x16xf32> to vector<16xf32>
      %add3A_632 = arith.addf %get3A_625, %get3A_631 : vector<16xf32>
      %add3A_633 = arith.constant 32 : i32
      %add3A_634 = arith.addi %add3A_633, %scan3A_340 : i32
      %swap3A_635 = arith.index_cast %add3A_634 : i32 to index
      %swap3A_636 = arith.constant 224 : index
      %swap3A_637 = tpu.vector_load %arg7[%swap3A_635, %swap3A_636] {strides = array<i32>} : memref<128x640xf32, #tpu.memory_space<vmem>>, vector<1x16xf32>,
      %swap3A_638 = vector.shape_cast %swap3A_637 : vector<1x16xf32> to vector<16xf32>
      %swap3A_639 = vector.shape_cast %add3A_632 : vector<16xf32> to vector<1x16xf32>
      tpu.vector_store %arg7[%swap3A_635, %swap3A_636], %swap3A_639 {strides = array<i32>} : memref<128x640xf32, #tpu.memory_space<vmem>>, vector<1x16xf32>,
      %add3A_640 = arith.constant 32 : i32
      %add3A_641 = arith.addi %add3A_640, %scan3A_340 : i32
      %get3A_642 = arith.index_cast %add3A_641 : i32 to index
      %get3A_643 = arith.constant 240 : index
      %get3A_644 = tpu.vector_load %arg7[%get3A_642, %get3A_643] {strides = array<i32>} : memref<128x640xf32, #tpu.memory_space<vmem>>, vector<1x16xf32>,
      %get3A_645 = vector.shape_cast %get3A_644 : vector<1x16xf32> to vector<16xf32>
      %get3A_646 = arith.constant 1 : i32
      %get3A_647 = arith.index_cast %get3A_646 : i32 to index
      %get3A_648 = arith.index_cast %scan3A_340 : i32 to index
      %get3A_649 = arith.constant 240 : index
      %get3A_650 = tpu.vector_load %arg8[%get3A_647, %get3A_648, %get3A_649] {strides = array<i32>} : memref<2x32x640xf32, #tpu.memory_space<vmem>>, vector<1x1x16xf32>,
      %get3A_651 = vector.shape_cast %get3A_650 : vector<1x1x16xf32> to vector<16xf32>
      %add3A_652 = arith.addf %get3A_645, %get3A_651 : vector<16xf32>
      %add3A_653 = arith.constant 32 : i32
      %add3A_654 = arith.addi %add3A_653, %scan3A_340 : i32
      %swap3A_655 = arith.index_cast %add3A_654 : i32 to index
      %swap3A_656 = arith.constant 240 : index
      %swap3A_657 = tpu.vector_load %arg7[%swap3A_655, %swap3A_656] {strides = array<i32>} : memref<128x640xf32, #tpu.memory_space<vmem>>, vector<1x16xf32>,
      %swap3A_658 = vector.shape_cast %swap3A_657 : vector<1x16xf32> to vector<16xf32>
      %swap3A_659 = vector.shape_cast %add3A_652 : vector<16xf32> to vector<1x16xf32>
      tpu.vector_store %arg7[%swap3A_655, %swap3A_656], %swap3A_659 {strides = array<i32>} : memref<128x640xf32, #tpu.memory_space<vmem>>, vector<1x16xf32>,
      %add3A_660 = arith.constant 32 : i32
      %add3A_661 = arith.addi %add3A_660, %scan3A_340 : i32
      %get3A_662 = arith.index_cast %add3A_661 : i32 to index
      %get3A_663 = arith.constant 256 : index
      %get3A_664 = tpu.vector_load %arg7[%get3A_662, %get3A_663] {strides = array<i32>} : memref<128x640xf32, #tpu.memory_space<vmem>>, vector<1x16xf32>,
      %get3A_665 = vector.shape_cast %get3A_664 : vector<1x16xf32> to vector<16xf32>
      %get3A_666 = arith.constant 1 : i32
      %get3A_667 = arith.index_cast %get3A_666 : i32 to index
      %get3A_668 = arith.index_cast %scan3A_340 : i32 to index
      %get3A_669 = arith.constant 256 : index
      %get3A_670 = tpu.vector_load %arg8[%get3A_667, %get3A_668, %get3A_669] {strides = array<i32>} : memref<2x32x640xf32, #tpu.memory_space<vmem>>, vector<1x1x16xf32>,
      %get3A_671 = vector.shape_cast %get3A_670 : vector<1x1x16xf32> to vector<16xf32>
      %add3A_672 = arith.addf %get3A_665, %get3A_671 : vector<16xf32>
      %add3A_673 = arith.constant 32 : i32
      %add3A_674 = arith.addi %add3A_673, %scan3A_340 : i32
      %swap3A_675 = arith.index_cast %add3A_674 : i32 to index
      %swap3A_676 = arith.constant 256 : index
      %swap3A_677 = tpu.vector_load %arg7[%swap3A_675, %swap3A_676] {strides = array<i32>} : memref<128x640xf32, #tpu.memory_space<vmem>>, vector<1x16xf32>,
      %swap3A_678 = vector.shape_cast %swap3A_677 : vector<1x16xf32> to vector<16xf32>
      %swap3A_679 = vector.shape_cast %add3A_672 : vector<16xf32> to vector<1x16xf32>
      tpu.vector_store %arg7[%swap3A_675, %swap3A_676], %swap3A_679 {strides = array<i32>} : memref<128x640xf32, #tpu.memory_space<vmem>>, vector<1x16xf32>,
      %add3A_680 = arith.constant 32 : i32
      %add3A_681 = arith.addi %add3A_680, %scan3A_340 : i32
      %get3A_682 = arith.index_cast %add3A_681 : i32 to index
      %get3A_683 = arith.constant 272 : index
      %get3A_684 = tpu.vector_load %arg7[%get3A_682, %get3A_683] {strides = array<i32>} : memref<128x640xf32, #tpu.memory_space<vmem>>, vector<1x16xf32>,
      %get3A_685 = vector.shape_cast %get3A_684 : vector<1x16xf32> to vector<16xf32>
      %get3A_686 = arith.constant 1 : i32
      %get3A_687 = arith.index_cast %get3A_686 : i32 to index
      %get3A_688 = arith.index_cast %scan3A_340 : i32 to index
      %get3A_689 = arith.constant 272 : index
      %get3A_690 = tpu.vector_load %arg8[%get3A_687, %get3A_688, %get3A_689] {strides = array<i32>} : memref<2x32x640xf32, #tpu.memory_space<vmem>>, vector<1x1x16xf32>,
      %get3A_691 = vector.shape_cast %get3A_690 : vector<1x1x16xf32> to vector<16xf32>
      %add3A_692 = arith.addf %get3A_685, %get3A_691 : vector<16xf32>
      %add3A_693 = arith.constant 32 : i32
      %add3A_694 = arith.addi %add3A_693, %scan3A_340 : i32
      %swap3A_695 = arith.index_cast %add3A_694 : i32 to index
      %swap3A_696 = arith.constant 272 : index
      %swap3A_697 = tpu.vector_load %arg7[%swap3A_695, %swap3A_696] {strides = array<i32>} : memref<128x640xf32, #tpu.memory_space<vmem>>, vector<1x16xf32>,
      %swap3A_698 = vector.shape_cast %swap3A_697 : vector<1x16xf32> to vector<16xf32>
      %swap3A_699 = vector.shape_cast %add3A_692 : vector<16xf32> to vector<1x16xf32>
      tpu.vector_store %arg7[%swap3A_695, %swap3A_696], %swap3A_699 {strides = array<i32>} : memref<128x640xf32, #tpu.memory_space<vmem>>, vector<1x16xf32>,
      %add3A_700 = arith.constant 32 : i32
      %add3A_701 = arith.addi %add3A_700, %scan3A_340 : i32
      %get3A_702 = arith.index_cast %add3A_701 : i32 to index
      %get3A_703 = arith.constant 288 : index
      %get3A_704 = tpu.vector_load %arg7[%get3A_702, %get3A_703] {strides = array<i32>} : memref<128x640xf32, #tpu.memory_space<vmem>>, vector<1x16xf32>,
      %get3A_705 = vector.shape_cast %get3A_704 : vector<1x16xf32> to vector<16xf32>
      %get3A_706 = arith.constant 1 : i32
      %get3A_707 = arith.index_cast %get3A_706 : i32 to index
      %get3A_708 = arith.index_cast %scan3A_340 : i32 to index
      %get3A_709 = arith.constant 288 : index
      %get3A_710 = tpu.vector_load %arg8[%get3A_707, %get3A_708, %get3A_709] {strides = array<i32>} : memref<2x32x640xf32, #tpu.memory_space<vmem>>, vector<1x1x16xf32>,
      %get3A_711 = vector.shape_cast %get3A_710 : vector<1x1x16xf32> to vector<16xf32>
      %add3A_712 = arith.addf %get3A_705, %get3A_711 : vector<16xf32>
      %add3A_713 = arith.constant 32 : i32
      %add3A_714 = arith.addi %add3A_713, %scan3A_340 : i32
      %swap3A_715 = arith.index_cast %add3A_714 : i32 to index
      %swap3A_716 = arith.constant 288 : index
      %swap3A_717 = tpu.vector_load %arg7[%swap3A_715, %swap3A_716] {strides = array<i32>} : memref<128x640xf32, #tpu.memory_space<vmem>>, vector<1x16xf32>,
      %swap3A_718 = vector.shape_cast %swap3A_717 : vector<1x16xf32> to vector<16xf32>
      %swap3A_719 = vector.shape_cast %add3A_712 : vector<16xf32> to vector<1x16xf32>
      tpu.vector_store %arg7[%swap3A_715, %swap3A_716], %swap3A_719 {strides = array<i32>} : memref<128x640xf32, #tpu.memory_space<vmem>>, vector<1x16xf32>,
      %add3A_720 = arith.constant 32 : i32
      %add3A_721 = arith.addi %add3A_720, %scan3A_340 : i32
      %get3A_722 = arith.index_cast %add3A_721 : i32 to index
      %get3A_723 = arith.constant 304 : index
      %get3A_724 = tpu.vector_load %arg7[%get3A_722, %get3A_723] {strides = array<i32>} : memref<128x640xf32, #tpu.memory_space<vmem>>, vector<1x16xf32>,
      %get3A_725 = vector.shape_cast %get3A_724 : vector<1x16xf32> to vector<16xf32>
      %get3A_726 = arith.constant 1 : i32
      %get3A_727 = arith.index_cast %get3A_726 : i32 to index
      %get3A_728 = arith.index_cast %scan3A_340 : i32 to index
      %get3A_729 = arith.constant 304 : index
      %get3A_730 = tpu.vector_load %arg8[%get3A_727, %get3A_728, %get3A_729] {strides = array<i32>} : memref<2x32x640xf32, #tpu.memory_space<vmem>>, vector<1x1x16xf32>,
      %get3A_731 = vector.shape_cast %get3A_730 : vector<1x1x16xf32> to vector<16xf32>
      %add3A_732 = arith.addf %get3A_725, %get3A_731 : vector<16xf32>
      %add3A_733 = arith.constant 32 : i32
      %add3A_734 = arith.addi %add3A_733, %scan3A_340 : i32
      %swap3A_735 = arith.index_cast %add3A_734 : i32 to index
      %swap3A_736 = arith.constant 304 : index
      %swap3A_737 = tpu.vector_load %arg7[%swap3A_735, %swap3A_736] {strides = array<i32>} : memref<128x640xf32, #tpu.memory_space<vmem>>, vector<1x16xf32>,
      %swap3A_738 = vector.shape_cast %swap3A_737 : vector<1x16xf32> to vector<16xf32>
      %swap3A_739 = vector.shape_cast %add3A_732 : vector<16xf32> to vector<1x16xf32>
      tpu.vector_store %arg7[%swap3A_735, %swap3A_736], %swap3A_739 {strides = array<i32>} : memref<128x640xf32, #tpu.memory_space<vmem>>, vector<1x16xf32>,
      %add3A_740 = arith.constant 32 : i32
      %add3A_741 = arith.addi %add3A_740, %scan3A_340 : i32
      %get3A_742 = arith.index_cast %add3A_741 : i32 to index
      %get3A_743 = arith.constant 320 : index
      %get3A_744 = tpu.vector_load %arg7[%get3A_742, %get3A_743] {strides = array<i32>} : memref<128x640xf32, #tpu.memory_space<vmem>>, vector<1x16xf32>,
      %get3A_745 = vector.shape_cast %get3A_744 : vector<1x16xf32> to vector<16xf32>
      %get3A_746 = arith.constant 1 : i32
      %get3A_747 = arith.index_cast %get3A_746 : i32 to index
      %get3A_748 = arith.index_cast %scan3A_340 : i32 to index
      %get3A_749 = arith.constant 320 : index
      %get3A_750 = tpu.vector_load %arg8[%get3A_747, %get3A_748, %get3A_749] {strides = array<i32>} : memref<2x32x640xf32, #tpu.memory_space<vmem>>, vector<1x1x16xf32>,
      %get3A_751 = vector.shape_cast %get3A_750 : vector<1x1x16xf32> to vector<16xf32>
      %add3A_752 = arith.addf %get3A_745, %get3A_751 : vector<16xf32>
      %add3A_753 = arith.constant 32 : i32
      %add3A_754 = arith.addi %add3A_753, %scan3A_340 : i32
      %swap3A_755 = arith.index_cast %add3A_754 : i32 to index
      %swap3A_756 = arith.constant 320 : index
      %swap3A_757 = tpu.vector_load %arg7[%swap3A_755, %swap3A_756] {strides = array<i32>} : memref<128x640xf32, #tpu.memory_space<vmem>>, vector<1x16xf32>,
      %swap3A_758 = vector.shape_cast %swap3A_757 : vector<1x16xf32> to vector<16xf32>
      %swap3A_759 = vector.shape_cast %add3A_752 : vector<16xf32> to vector<1x16xf32>
      tpu.vector_store %arg7[%swap3A_755, %swap3A_756], %swap3A_759 {strides = array<i32>} : memref<128x640xf32, #tpu.memory_space<vmem>>, vector<1x16xf32>,
      %add3A_760 = arith.constant 32 : i32
      %add3A_761 = arith.addi %add3A_760, %scan3A_340 : i32
      %get3A_762 = arith.index_cast %add3A_761 : i32 to index
      %get3A_763 = arith.constant 336 : index
      %get3A_764 = tpu.vector_load %arg7[%get3A_762, %get3A_763] {strides = array<i32>} : memref<128x640xf32, #tpu.memory_space<vmem>>, vector<1x16xf32>,
      %get3A_765 = vector.shape_cast %get3A_764 : vector<1x16xf32> to vector<16xf32>
      %get3A_766 = arith.constant 1 : i32
      %get3A_767 = arith.index_cast %get3A_766 : i32 to index
      %get3A_768 = arith.index_cast %scan3A_340 : i32 to index
      %get3A_769 = arith.constant 336 : index
      %get3A_770 = tpu.vector_load %arg8[%get3A_767, %get3A_768, %get3A_769] {strides = array<i32>} : memref<2x32x640xf32, #tpu.memory_space<vmem>>, vector<1x1x16xf32>,
      %get3A_771 = vector.shape_cast %get3A_770 : vector<1x1x16xf32> to vector<16xf32>
      %add3A_772 = arith.addf %get3A_765, %get3A_771 : vector<16xf32>
      %add3A_773 = arith.constant 32 : i32
      %add3A_774 = arith.addi %add3A_773, %scan3A_340 : i32
      %swap3A_775 = arith.index_cast %add3A_774 : i32 to index
      %swap3A_776 = arith.constant 336 : index
      %swap3A_777 = tpu.vector_load %arg7[%swap3A_775, %swap3A_776] {strides = array<i32>} : memref<128x640xf32, #tpu.memory_space<vmem>>, vector<1x16xf32>,
      %swap3A_778 = vector.shape_cast %swap3A_777 : vector<1x16xf32> to vector<16xf32>
      %swap3A_779 = vector.shape_cast %add3A_772 : vector<16xf32> to vector<1x16xf32>
      tpu.vector_store %arg7[%swap3A_775, %swap3A_776], %swap3A_779 {strides = array<i32>} : memref<128x640xf32, #tpu.memory_space<vmem>>, vector<1x16xf32>,
      %add3A_780 = arith.constant 32 : i32
      %add3A_781 = arith.addi %add3A_780, %scan3A_340 : i32
      %get3A_782 = arith.index_cast %add3A_781 : i32 to index
      %get3A_783 = arith.constant 352 : index
      %get3A_784 = tpu.vector_load %arg7[%get3A_782, %get3A_783] {strides = array<i32>} : memref<128x640xf32, #tpu.memory_space<vmem>>, vector<1x16xf32>,
      %get3A_785 = vector.shape_cast %get3A_784 : vector<1x16xf32> to vector<16xf32>
      %get3A_786 = arith.constant 1 : i32
      %get3A_787 = arith.index_cast %get3A_786 : i32 to index
      %get3A_788 = arith.index_cast %scan3A_340 : i32 to index
      %get3A_789 = arith.constant 352 : index
      %get3A_790 = tpu.vector_load %arg8[%get3A_787, %get3A_788, %get3A_789] {strides = array<i32>} : memref<2x32x640xf32, #tpu.memory_space<vmem>>, vector<1x1x16xf32>,
      %get3A_791 = vector.shape_cast %get3A_790 : vector<1x1x16xf32> to vector<16xf32>
      %add3A_792 = arith.addf %get3A_785, %get3A_791 : vector<16xf32>
      %add3A_793 = arith.constant 32 : i32
      %add3A_794 = arith.addi %add3A_793, %scan3A_340 : i32
      %swap3A_795 = arith.index_cast %add3A_794 : i32 to index
      %swap3A_796 = arith.constant 352 : index
      %swap3A_797 = tpu.vector_load %arg7[%swap3A_795, %swap3A_796] {strides = array<i32>} : memref<128x640xf32, #tpu.memory_space<vmem>>, vector<1x16xf32>,
      %swap3A_798 = vector.shape_cast %swap3A_797 : vector<1x16xf32> to vector<16xf32>
      %swap3A_799 = vector.shape_cast %add3A_792 : vector<16xf32> to vector<1x16xf32>
      tpu.vector_store %arg7[%swap3A_795, %swap3A_796], %swap3A_799 {strides = array<i32>} : memref<128x640xf32, #tpu.memory_space<vmem>>, vector<1x16xf32>,
      %add3A_800 = arith.constant 32 : i32
      %add3A_801 = arith.addi %add3A_800, %scan3A_340 : i32
      %get3A_802 = arith.index_cast %add3A_801 : i32 to index
      %get3A_803 = arith.constant 368 : index
      %get3A_804 = tpu.vector_load %arg7[%get3A_802, %get3A_803] {strides = array<i32>} : memref<128x640xf32, #tpu.memory_space<vmem>>, vector<1x16xf32>,
      %get3A_805 = vector.shape_cast %get3A_804 : vector<1x16xf32> to vector<16xf32>
      %get3A_806 = arith.constant 1 : i32
      %get3A_807 = arith.index_cast %get3A_806 : i32 to index
      %get3A_808 = arith.index_cast %scan3A_340 : i32 to index
      %get3A_809 = arith.constant 368 : index
      %get3A_810 = tpu.vector_load %arg8[%get3A_807, %get3A_808, %get3A_809] {strides = array<i32>} : memref<2x32x640xf32, #tpu.memory_space<vmem>>, vector<1x1x16xf32>,
      %get3A_811 = vector.shape_cast %get3A_810 : vector<1x1x16xf32> to vector<16xf32>
      %add3A_812 = arith.addf %get3A_805, %get3A_811 : vector<16xf32>
      %add3A_813 = arith.constant 32 : i32
      %add3A_814 = arith.addi %add3A_813, %scan3A_340 : i32
      %swap3A_815 = arith.index_cast %add3A_814 : i32 to index
      %swap3A_816 = arith.constant 368 : index
      %swap3A_817 = tpu.vector_load %arg7[%swap3A_815, %swap3A_816] {strides = array<i32>} : memref<128x640xf32, #tpu.memory_space<vmem>>, vector<1x16xf32>,
      %swap3A_818 = vector.shape_cast %swap3A_817 : vector<1x16xf32> to vector<16xf32>
      %swap3A_819 = vector.shape_cast %add3A_812 : vector<16xf32> to vector<1x16xf32>
      tpu.vector_store %arg7[%swap3A_815, %swap3A_816], %swap3A_819 {strides = array<i32>} : memref<128x640xf32, #tpu.memory_space<vmem>>, vector<1x16xf32>,
      %add3A_820 = arith.constant 32 : i32
      %add3A_821 = arith.addi %add3A_820, %scan3A_340 : i32
      %get3A_822 = arith.index_cast %add3A_821 : i32 to index
      %get3A_823 = arith.constant 384 : index
      %get3A_824 = tpu.vector_load %arg7[%get3A_822, %get3A_823] {strides = array<i32>} : memref<128x640xf32, #tpu.memory_space<vmem>>, vector<1x16xf32>,
      %get3A_825 = vector.shape_cast %get3A_824 : vector<1x16xf32> to vector<16xf32>
      %get3A_826 = arith.constant 1 : i32
      %get3A_827 = arith.index_cast %get3A_826 : i32 to index
      %get3A_828 = arith.index_cast %scan3A_340 : i32 to index
      %get3A_829 = arith.constant 384 : index
      %get3A_830 = tpu.vector_load %arg8[%get3A_827, %get3A_828, %get3A_829] {strides = array<i32>} : memref<2x32x640xf32, #tpu.memory_space<vmem>>, vector<1x1x16xf32>,
      %get3A_831 = vector.shape_cast %get3A_830 : vector<1x1x16xf32> to vector<16xf32>
      %add3A_832 = arith.addf %get3A_825, %get3A_831 : vector<16xf32>
      %add3A_833 = arith.constant 32 : i32
      %add3A_834 = arith.addi %add3A_833, %scan3A_340 : i32
      %swap3A_835 = arith.index_cast %add3A_834 : i32 to index
      %swap3A_836 = arith.constant 384 : index
      %swap3A_837 = tpu.vector_load %arg7[%swap3A_835, %swap3A_836] {strides = array<i32>} : memref<128x640xf32, #tpu.memory_space<vmem>>, vector<1x16xf32>,
      %swap3A_838 = vector.shape_cast %swap3A_837 : vector<1x16xf32> to vector<16xf32>
      %swap3A_839 = vector.shape_cast %add3A_832 : vector<16xf32> to vector<1x16xf32>
      tpu.vector_store %arg7[%swap3A_835, %swap3A_836], %swap3A_839 {strides = array<i32>} : memref<128x640xf32, #tpu.memory_space<vmem>>, vector<1x16xf32>,
      %add3A_840 = arith.constant 32 : i32
      %add3A_841 = arith.addi %add3A_840, %scan3A_340 : i32
      %get3A_842 = arith.index_cast %add3A_841 : i32 to index
      %get3A_843 = arith.constant 400 : index
      %get3A_844 = tpu.vector_load %arg7[%get3A_842, %get3A_843] {strides = array<i32>} : memref<128x640xf32, #tpu.memory_space<vmem>>, vector<1x16xf32>,
      %get3A_845 = vector.shape_cast %get3A_844 : vector<1x16xf32> to vector<16xf32>
      %get3A_846 = arith.constant 1 : i32
      %get3A_847 = arith.index_cast %get3A_846 : i32 to index
      %get3A_848 = arith.index_cast %scan3A_340 : i32 to index
      %get3A_849 = arith.constant 400 : index
      %get3A_850 = tpu.vector_load %arg8[%get3A_847, %get3A_848, %get3A_849] {strides = array<i32>} : memref<2x32x640xf32, #tpu.memory_space<vmem>>, vector<1x1x16xf32>,
      %get3A_851 = vector.shape_cast %get3A_850 : vector<1x1x16xf32> to vector<16xf32>
      %add3A_852 = arith.addf %get3A_845, %get3A_851 : vector<16xf32>
      %add3A_853 = arith.constant 32 : i32
      %add3A_854 = arith.addi %add3A_853, %scan3A_340 : i32
      %swap3A_855 = arith.index_cast %add3A_854 : i32 to index
      %swap3A_856 = arith.constant 400 : index
      %swap3A_857 = tpu.vector_load %arg7[%swap3A_855, %swap3A_856] {strides = array<i32>} : memref<128x640xf32, #tpu.memory_space<vmem>>, vector<1x16xf32>,
      %swap3A_858 = vector.shape_cast %swap3A_857 : vector<1x16xf32> to vector<16xf32>
      %swap3A_859 = vector.shape_cast %add3A_852 : vector<16xf32> to vector<1x16xf32>
      tpu.vector_store %arg7[%swap3A_855, %swap3A_856], %swap3A_859 {strides = array<i32>} : memref<128x640xf32, #tpu.memory_space<vmem>>, vector<1x16xf32>,
      %add3A_860 = arith.constant 32 : i32
      %add3A_861 = arith.addi %add3A_860, %scan3A_340 : i32
      %get3A_862 = arith.index_cast %add3A_861 : i32 to index
      %get3A_863 = arith.constant 416 : index
      %get3A_864 = tpu.vector_load %arg7[%get3A_862, %get3A_863] {strides = array<i32>} : memref<128x640xf32, #tpu.memory_space<vmem>>, vector<1x16xf32>,
      %get3A_865 = vector.shape_cast %get3A_864 : vector<1x16xf32> to vector<16xf32>
      %get3A_866 = arith.constant 1 : i32
      %get3A_867 = arith.index_cast %get3A_866 : i32 to index
      %get3A_868 = arith.index_cast %scan3A_340 : i32 to index
      %get3A_869 = arith.constant 416 : index
      %get3A_870 = tpu.vector_load %arg8[%get3A_867, %get3A_868, %get3A_869] {strides = array<i32>} : memref<2x32x640xf32, #tpu.memory_space<vmem>>, vector<1x1x16xf32>,
      %get3A_871 = vector.shape_cast %get3A_870 : vector<1x1x16xf32> to vector<16xf32>
      %add3A_872 = arith.addf %get3A_865, %get3A_871 : vector<16xf32>
      %add3A_873 = arith.constant 32 : i32
      %add3A_874 = arith.addi %add3A_873, %scan3A_340 : i32
      %swap3A_875 = arith.index_cast %add3A_874 : i32 to index
      %swap3A_876 = arith.constant 416 : index
      %swap3A_877 = tpu.vector_load %arg7[%swap3A_875, %swap3A_876] {strides = array<i32>} : memref<128x640xf32, #tpu.memory_space<vmem>>, vector<1x16xf32>,
      %swap3A_878 = vector.shape_cast %swap3A_877 : vector<1x16xf32> to vector<16xf32>
      %swap3A_879 = vector.shape_cast %add3A_872 : vector<16xf32> to vector<1x16xf32>
      tpu.vector_store %arg7[%swap3A_875, %swap3A_876], %swap3A_879 {strides = array<i32>} : memref<128x640xf32, #tpu.memory_space<vmem>>, vector<1x16xf32>,
      %add3A_880 = arith.constant 32 : i32
      %add3A_881 = arith.addi %add3A_880, %scan3A_340 : i32
      %get3A_882 = arith.index_cast %add3A_881 : i32 to index
      %get3A_883 = arith.constant 432 : index
      %get3A_884 = tpu.vector_load %arg7[%get3A_882, %get3A_883] {strides = array<i32>} : memref<128x640xf32, #tpu.memory_space<vmem>>, vector<1x16xf32>,
      %get3A_885 = vector.shape_cast %get3A_884 : vector<1x16xf32> to vector<16xf32>
      %get3A_886 = arith.constant 1 : i32
      %get3A_887 = arith.index_cast %get3A_886 : i32 to index
      %get3A_888 = arith.index_cast %scan3A_340 : i32 to index
      %get3A_889 = arith.constant 432 : index
      %get3A_890 = tpu.vector_load %arg8[%get3A_887, %get3A_888, %get3A_889] {strides = array<i32>} : memref<2x32x640xf32, #tpu.memory_space<vmem>>, vector<1x1x16xf32>,
      %get3A_891 = vector.shape_cast %get3A_890 : vector<1x1x16xf32> to vector<16xf32>
      %add3A_892 = arith.addf %get3A_885, %get3A_891 : vector<16xf32>
      %add3A_893 = arith.constant 32 : i32
      %add3A_894 = arith.addi %add3A_893, %scan3A_340 : i32
      %swap3A_895 = arith.index_cast %add3A_894 : i32 to index
      %swap3A_896 = arith.constant 432 : index
      %swap3A_897 = tpu.vector_load %arg7[%swap3A_895, %swap3A_896] {strides = array<i32>} : memref<128x640xf32, #tpu.memory_space<vmem>>, vector<1x16xf32>,
      %swap3A_898 = vector.shape_cast %swap3A_897 : vector<1x16xf32> to vector<16xf32>
      %swap3A_899 = vector.shape_cast %add3A_892 : vector<16xf32> to vector<1x16xf32>
      tpu.vector_store %arg7[%swap3A_895, %swap3A_896], %swap3A_899 {strides = array<i32>} : memref<128x640xf32, #tpu.memory_space<vmem>>, vector<1x16xf32>,
      %add3A_900 = arith.constant 32 : i32
      %add3A_901 = arith.addi %add3A_900, %scan3A_340 : i32
      %get3A_902 = arith.index_cast %add3A_901 : i32 to index
      %get3A_903 = arith.constant 448 : index
      %get3A_904 = tpu.vector_load %arg7[%get3A_902, %get3A_903] {strides = array<i32>} : memref<128x640xf32, #tpu.memory_space<vmem>>, vector<1x16xf32>,
      %get3A_905 = vector.shape_cast %get3A_904 : vector<1x16xf32> to vector<16xf32>
      %get3A_906 = arith.constant 1 : i32
      %get3A_907 = arith.index_cast %get3A_906 : i32 to index
      %get3A_908 = arith.index_cast %scan3A_340 : i32 to index
      %get3A_909 = arith.constant 448 : index
      %get3A_910 = tpu.vector_load %arg8[%get3A_907, %get3A_908, %get3A_909] {strides = array<i32>} : memref<2x32x640xf32, #tpu.memory_space<vmem>>, vector<1x1x16xf32>,
      %get3A_911 = vector.shape_cast %get3A_910 : vector<1x1x16xf32> to vector<16xf32>
      %add3A_912 = arith.addf %get3A_905, %get3A_911 : vector<16xf32>
      %add3A_913 = arith.constant 32 : i32
      %add3A_914 = arith.addi %add3A_913, %scan3A_340 : i32
      %swap3A_915 = arith.index_cast %add3A_914 : i32 to index
      %swap3A_916 = arith.constant 448 : index
      %swap3A_917 = tpu.vector_load %arg7[%swap3A_915, %swap3A_916] {strides = array<i32>} : memref<128x640xf32, #tpu.memory_space<vmem>>, vector<1x16xf32>,
      %swap3A_918 = vector.shape_cast %swap3A_917 : vector<1x16xf32> to vector<16xf32>
      %swap3A_919 = vector.shape_cast %add3A_912 : vector<16xf32> to vector<1x16xf32>
      tpu.vector_store %arg7[%swap3A_915, %swap3A_916], %swap3A_919 {strides = array<i32>} : memref<128x640xf32, #tpu.memory_space<vmem>>, vector<1x16xf32>,
      %add3A_920 = arith.constant 32 : i32
      %add3A_921 = arith.addi %add3A_920, %scan3A_340 : i32
      %get3A_922 = arith.index_cast %add3A_921 : i32 to index
      %get3A_923 = arith.constant 464 : index
      %get3A_924 = tpu.vector_load %arg7[%get3A_922, %get3A_923] {strides = array<i32>} : memref<128x640xf32, #tpu.memory_space<vmem>>, vector<1x16xf32>,
      %get3A_925 = vector.shape_cast %get3A_924 : vector<1x16xf32> to vector<16xf32>
      %get3A_926 = arith.constant 1 : i32
      %get3A_927 = arith.index_cast %get3A_926 : i32 to index
      %get3A_928 = arith.index_cast %scan3A_340 : i32 to index
      %get3A_929 = arith.constant 464 : index
      %get3A_930 = tpu.vector_load %arg8[%get3A_927, %get3A_928, %get3A_929] {strides = array<i32>} : memref<2x32x640xf32, #tpu.memory_space<vmem>>, vector<1x1x16xf32>,
      %get3A_931 = vector.shape_cast %get3A_930 : vector<1x1x16xf32> to vector<16xf32>
      %add3A_932 = arith.addf %get3A_925, %get3A_931 : vector<16xf32>
      %add3A_933 = arith.constant 32 : i32
      %add3A_934 = arith.addi %add3A_933, %scan3A_340 : i32
      %swap3A_935 = arith.index_cast %add3A_934 : i32 to index
      %swap3A_936 = arith.constant 464 : index
      %swap3A_937 = tpu.vector_load %arg7[%swap3A_935, %swap3A_936] {strides = array<i32>} : memref<128x640xf32, #tpu.memory_space<vmem>>, vector<1x16xf32>,
      %swap3A_938 = vector.shape_cast %swap3A_937 : vector<1x16xf32> to vector<16xf32>
      %swap3A_939 = vector.shape_cast %add3A_932 : vector<16xf32> to vector<1x16xf32>
      tpu.vector_store %arg7[%swap3A_935, %swap3A_936], %swap3A_939 {strides = array<i32>} : memref<128x640xf32, #tpu.memory_space<vmem>>, vector<1x16xf32>,
      %add3A_940 = arith.constant 32 : i32
      %add3A_941 = arith.addi %add3A_940, %scan3A_340 : i32
      %get3A_942 = arith.index_cast %add3A_941 : i32 to index
      %get3A_943 = arith.constant 480 : index
      %get3A_944 = tpu.vector_load %arg7[%get3A_942, %get3A_943] {strides = array<i32>} : memref<128x640xf32, #tpu.memory_space<vmem>>, vector<1x16xf32>,
      %get3A_945 = vector.shape_cast %get3A_944 : vector<1x16xf32> to vector<16xf32>
      %get3A_946 = arith.constant 1 : i32
      %get3A_947 = arith.index_cast %get3A_946 : i32 to index
      %get3A_948 = arith.index_cast %scan3A_340 : i32 to index
      %get3A_949 = arith.constant 480 : index
      %get3A_950 = tpu.vector_load %arg8[%get3A_947, %get3A_948, %get3A_949] {strides = array<i32>} : memref<2x32x640xf32, #tpu.memory_space<vmem>>, vector<1x1x16xf32>,
      %get3A_951 = vector.shape_cast %get3A_950 : vector<1x1x16xf32> to vector<16xf32>
      %add3A_952 = arith.addf %get3A_945, %get3A_951 : vector<16xf32>
      %add3A_953 = arith.constant 32 : i32
      %add3A_954 = arith.addi %add3A_953, %scan3A_340 : i32
      %swap3A_955 = arith.index_cast %add3A_954 : i32 to index
      %swap3A_956 = arith.constant 480 : index
      %swap3A_957 = tpu.vector_load %arg7[%swap3A_955, %swap3A_956] {strides = array<i32>} : memref<128x640xf32, #tpu.memory_space<vmem>>, vector<1x16xf32>,
      %swap3A_958 = vector.shape_cast %swap3A_957 : vector<1x16xf32> to vector<16xf32>
      %swap3A_959 = vector.shape_cast %add3A_952 : vector<16xf32> to vector<1x16xf32>
      tpu.vector_store %arg7[%swap3A_955, %swap3A_956], %swap3A_959 {strides = array<i32>} : memref<128x640xf32, #tpu.memory_space<vmem>>, vector<1x16xf32>,
      %add3A_960 = arith.constant 32 : i32
      %add3A_961 = arith.addi %add3A_960, %scan3A_340 : i32
      %get3A_962 = arith.index_cast %add3A_961 : i32 to index
      %get3A_963 = arith.constant 496 : index
      %get3A_964 = tpu.vector_load %arg7[%get3A_962, %get3A_963] {strides = array<i32>} : memref<128x640xf32, #tpu.memory_space<vmem>>, vector<1x16xf32>,
      %get3A_965 = vector.shape_cast %get3A_964 : vector<1x16xf32> to vector<16xf32>
      %get3A_966 = arith.constant 1 : i32
      %get3A_967 = arith.index_cast %get3A_966 : i32 to index
      %get3A_968 = arith.index_cast %scan3A_340 : i32 to index
      %get3A_969 = arith.constant 496 : index
      %get3A_970 = tpu.vector_load %arg8[%get3A_967, %get3A_968, %get3A_969] {strides = array<i32>} : memref<2x32x640xf32, #tpu.memory_space<vmem>>, vector<1x1x16xf32>,
      %get3A_971 = vector.shape_cast %get3A_970 : vector<1x1x16xf32> to vector<16xf32>
      %add3A_972 = arith.addf %get3A_965, %get3A_971 : vector<16xf32>
      %add3A_973 = arith.constant 32 : i32
      %add3A_974 = arith.addi %add3A_973, %scan3A_340 : i32
      %swap3A_975 = arith.index_cast %add3A_974 : i32 to index
      %swap3A_976 = arith.constant 496 : index
      %swap3A_977 = tpu.vector_load %arg7[%swap3A_975, %swap3A_976] {strides = array<i32>} : memref<128x640xf32, #tpu.memory_space<vmem>>, vector<1x16xf32>,
      %swap3A_978 = vector.shape_cast %swap3A_977 : vector<1x16xf32> to vector<16xf32>
      %swap3A_979 = vector.shape_cast %add3A_972 : vector<16xf32> to vector<1x16xf32>
      tpu.vector_store %arg7[%swap3A_975, %swap3A_976], %swap3A_979 {strides = array<i32>} : memref<128x640xf32, #tpu.memory_space<vmem>>, vector<1x16xf32>,
      %add3A_980 = arith.constant 32 : i32
      %add3A_981 = arith.addi %add3A_980, %scan3A_340 : i32
      %get3A_982 = arith.index_cast %add3A_981 : i32 to index
      %get3A_983 = arith.constant 512 : index
      %get3A_984 = tpu.vector_load %arg7[%get3A_982, %get3A_983] {strides = array<i32>} : memref<128x640xf32, #tpu.memory_space<vmem>>, vector<1x16xf32>,
      %get3A_985 = vector.shape_cast %get3A_984 : vector<1x16xf32> to vector<16xf32>
      %get3A_986 = arith.constant 1 : i32
      %get3A_987 = arith.index_cast %get3A_986 : i32 to index
      %get3A_988 = arith.index_cast %scan3A_340 : i32 to index
      %get3A_989 = arith.constant 512 : index
      %get3A_990 = tpu.vector_load %arg8[%get3A_987, %get3A_988, %get3A_989] {strides = array<i32>} : memref<2x32x640xf32, #tpu.memory_space<vmem>>, vector<1x1x16xf32>,
      %get3A_991 = vector.shape_cast %get3A_990 : vector<1x1x16xf32> to vector<16xf32>
      %add3A_992 = arith.addf %get3A_985, %get3A_991 : vector<16xf32>
      %add3A_993 = arith.constant 32 : i32
      %add3A_994 = arith.addi %add3A_993, %scan3A_340 : i32
      %swap3A_995 = arith.index_cast %add3A_994 : i32 to index
      %swap3A_996 = arith.constant 512 : index
      %swap3A_997 = tpu.vector_load %arg7[%swap3A_995, %swap3A_996] {strides = array<i32>} : memref<128x640xf32, #tpu.memory_space<vmem>>, vector<1x16xf32>,
      %swap3A_998 = vector.shape_cast %swap3A_997 : vector<1x16xf32> to vector<16xf32>
      %swap3A_999 = vector.shape_cast %add3A_992 : vector<16xf32> to vector<1x16xf32>
      tpu.vector_store %arg7[%swap3A_995, %swap3A_996], %swap3A_999 {strides = array<i32>} : memref<128x640xf32, #tpu.memory_space<vmem>>, vector<1x16xf32>,
      %add3A_1000 = arith.constant 32 : i32
      %add3A_1001 = arith.addi %add3A_1000, %scan3A_340 : i32
      %get3A_1002 = arith.index_cast %add3A_1001 : i32 to index
      %get3A_1003 = arith.constant 528 : index
      %get3A_1004 = tpu.vector_load %arg7[%get3A_1002, %get3A_1003] {strides = array<i32>} : memref<128x640xf32, #tpu.memory_space<vmem>>, vector<1x16xf32>,
      %get3A_1005 = vector.shape_cast %get3A_1004 : vector<1x16xf32> to vector<16xf32>
      %get3A_1006 = arith.constant 1 : i32
      %get3A_1007 = arith.index_cast %get3A_1006 : i32 to index
      %get3A_1008 = arith.index_cast %scan3A_340 : i32 to index
      %get3A_1009 = arith.constant 528 : index
      %get3A_1010 = tpu.vector_load %arg8[%get3A_1007, %get3A_1008, %get3A_1009] {strides = array<i32>} : memref<2x32x640xf32, #tpu.memory_space<vmem>>, vector<1x1x16xf32>,
      %get3A_1011 = vector.shape_cast %get3A_1010 : vector<1x1x16xf32> to vector<16xf32>
      %add3A_1012 = arith.addf %get3A_1005, %get3A_1011 : vector<16xf32>
      %add3A_1013 = arith.constant 32 : i32
      %add3A_1014 = arith.addi %add3A_1013, %scan3A_340 : i32
      %swap3A_1015 = arith.index_cast %add3A_1014 : i32 to index
      %swap3A_1016 = arith.constant 528 : index
      %swap3A_1017 = tpu.vector_load %arg7[%swap3A_1015, %swap3A_1016] {strides = array<i32>} : memref<128x640xf32, #tpu.memory_space<vmem>>, vector<1x16xf32>,
      %swap3A_1018 = vector.shape_cast %swap3A_1017 : vector<1x16xf32> to vector<16xf32>
      %swap3A_1019 = vector.shape_cast %add3A_1012 : vector<16xf32> to vector<1x16xf32>
      tpu.vector_store %arg7[%swap3A_1015, %swap3A_1016], %swap3A_1019 {strides = array<i32>} : memref<128x640xf32, #tpu.memory_space<vmem>>, vector<1x16xf32>,
      %add3A_1020 = arith.constant 32 : i32
      %add3A_1021 = arith.addi %add3A_1020, %scan3A_340 : i32
      %get3A_1022 = arith.index_cast %add3A_1021 : i32 to index
      %get3A_1023 = arith.constant 544 : index
      %get3A_1024 = tpu.vector_load %arg7[%get3A_1022, %get3A_1023] {strides = array<i32>} : memref<128x640xf32, #tpu.memory_space<vmem>>, vector<1x16xf32>,
      %get3A_1025 = vector.shape_cast %get3A_1024 : vector<1x16xf32> to vector<16xf32>
      %get3A_1026 = arith.constant 1 : i32
      %get3A_1027 = arith.index_cast %get3A_1026 : i32 to index
      %get3A_1028 = arith.index_cast %scan3A_340 : i32 to index
      %get3A_1029 = arith.constant 544 : index
      %get3A_1030 = tpu.vector_load %arg8[%get3A_1027, %get3A_1028, %get3A_1029] {strides = array<i32>} : memref<2x32x640xf32, #tpu.memory_space<vmem>>, vector<1x1x16xf32>,
      %get3A_1031 = vector.shape_cast %get3A_1030 : vector<1x1x16xf32> to vector<16xf32>
      %add3A_1032 = arith.addf %get3A_1025, %get3A_1031 : vector<16xf32>
      %add3A_1033 = arith.constant 32 : i32
      %add3A_1034 = arith.addi %add3A_1033, %scan3A_340 : i32
      %swap3A_1035 = arith.index_cast %add3A_1034 : i32 to index
      %swap3A_1036 = arith.constant 544 : index
      %swap3A_1037 = tpu.vector_load %arg7[%swap3A_1035, %swap3A_1036] {strides = array<i32>} : memref<128x640xf32, #tpu.memory_space<vmem>>, vector<1x16xf32>,
      %swap3A_1038 = vector.shape_cast %swap3A_1037 : vector<1x16xf32> to vector<16xf32>
      %swap3A_1039 = vector.shape_cast %add3A_1032 : vector<16xf32> to vector<1x16xf32>
      tpu.vector_store %arg7[%swap3A_1035, %swap3A_1036], %swap3A_1039 {strides = array<i32>} : memref<128x640xf32, #tpu.memory_space<vmem>>, vector<1x16xf32>,
      %add3A_1040 = arith.constant 32 : i32
      %add3A_1041 = arith.addi %add3A_1040, %scan3A_340 : i32
      %get3A_1042 = arith.index_cast %add3A_1041 : i32 to index
      %get3A_1043 = arith.constant 560 : index
      %get3A_1044 = tpu.vector_load %arg7[%get3A_1042, %get3A_1043] {strides = array<i32>} : memref<128x640xf32, #tpu.memory_space<vmem>>, vector<1x16xf32>,
      %get3A_1045 = vector.shape_cast %get3A_1044 : vector<1x16xf32> to vector<16xf32>
      %get3A_1046 = arith.constant 1 : i32
      %get3A_1047 = arith.index_cast %get3A_1046 : i32 to index
      %get3A_1048 = arith.index_cast %scan3A_340 : i32 to index
      %get3A_1049 = arith.constant 560 : index
      %get3A_1050 = tpu.vector_load %arg8[%get3A_1047, %get3A_1048, %get3A_1049] {strides = array<i32>} : memref<2x32x640xf32, #tpu.memory_space<vmem>>, vector<1x1x16xf32>,
      %get3A_1051 = vector.shape_cast %get3A_1050 : vector<1x1x16xf32> to vector<16xf32>
      %add3A_1052 = arith.addf %get3A_1045, %get3A_1051 : vector<16xf32>
      %add3A_1053 = arith.constant 32 : i32
      %add3A_1054 = arith.addi %add3A_1053, %scan3A_340 : i32
      %swap3A_1055 = arith.index_cast %add3A_1054 : i32 to index
      %swap3A_1056 = arith.constant 560 : index
      %swap3A_1057 = tpu.vector_load %arg7[%swap3A_1055, %swap3A_1056] {strides = array<i32>} : memref<128x640xf32, #tpu.memory_space<vmem>>, vector<1x16xf32>,
      %swap3A_1058 = vector.shape_cast %swap3A_1057 : vector<1x16xf32> to vector<16xf32>
      %swap3A_1059 = vector.shape_cast %add3A_1052 : vector<16xf32> to vector<1x16xf32>
      tpu.vector_store %arg7[%swap3A_1055, %swap3A_1056], %swap3A_1059 {strides = array<i32>} : memref<128x640xf32, #tpu.memory_space<vmem>>, vector<1x16xf32>,
      %add3A_1060 = arith.constant 32 : i32
      %add3A_1061 = arith.addi %add3A_1060, %scan3A_340 : i32
      %get3A_1062 = arith.index_cast %add3A_1061 : i32 to index
      %get3A_1063 = arith.constant 576 : index
      %get3A_1064 = tpu.vector_load %arg7[%get3A_1062, %get3A_1063] {strides = array<i32>} : memref<128x640xf32, #tpu.memory_space<vmem>>, vector<1x16xf32>,
      %get3A_1065 = vector.shape_cast %get3A_1064 : vector<1x16xf32> to vector<16xf32>
      %get3A_1066 = arith.constant 1 : i32
      %get3A_1067 = arith.index_cast %get3A_1066 : i32 to index
      %get3A_1068 = arith.index_cast %scan3A_340 : i32 to index
      %get3A_1069 = arith.constant 576 : index
      %get3A_1070 = tpu.vector_load %arg8[%get3A_1067, %get3A_1068, %get3A_1069] {strides = array<i32>} : memref<2x32x640xf32, #tpu.memory_space<vmem>>, vector<1x1x16xf32>,
      %get3A_1071 = vector.shape_cast %get3A_1070 : vector<1x1x16xf32> to vector<16xf32>
      %add3A_1072 = arith.addf %get3A_1065, %get3A_1071 : vector<16xf32>
      %add3A_1073 = arith.constant 32 : i32
      %add3A_1074 = arith.addi %add3A_1073, %scan3A_340 : i32
      %swap3A_1075 = arith.index_cast %add3A_1074 : i32 to index
      %swap3A_1076 = arith.constant 576 : index
      %swap3A_1077 = tpu.vector_load %arg7[%swap3A_1075, %swap3A_1076] {strides = array<i32>} : memref<128x640xf32, #tpu.memory_space<vmem>>, vector<1x16xf32>,
      %swap3A_1078 = vector.shape_cast %swap3A_1077 : vector<1x16xf32> to vector<16xf32>
      %swap3A_1079 = vector.shape_cast %add3A_1072 : vector<16xf32> to vector<1x16xf32>
      tpu.vector_store %arg7[%swap3A_1075, %swap3A_1076], %swap3A_1079 {strides = array<i32>} : memref<128x640xf32, #tpu.memory_space<vmem>>, vector<1x16xf32>,
      %add3A_1080 = arith.constant 32 : i32
      %add3A_1081 = arith.addi %add3A_1080, %scan3A_340 : i32
      %get3A_1082 = arith.index_cast %add3A_1081 : i32 to index
      %get3A_1083 = arith.constant 592 : index
      %get3A_1084 = tpu.vector_load %arg7[%get3A_1082, %get3A_1083] {strides = array<i32>} : memref<128x640xf32, #tpu.memory_space<vmem>>, vector<1x16xf32>,
      %get3A_1085 = vector.shape_cast %get3A_1084 : vector<1x16xf32> to vector<16xf32>
      %get3A_1086 = arith.constant 1 : i32
      %get3A_1087 = arith.index_cast %get3A_1086 : i32 to index
      %get3A_1088 = arith.index_cast %scan3A_340 : i32 to index
      %get3A_1089 = arith.constant 592 : index
      %get3A_1090 = tpu.vector_load %arg8[%get3A_1087, %get3A_1088, %get3A_1089] {strides = array<i32>} : memref<2x32x640xf32, #tpu.memory_space<vmem>>, vector<1x1x16xf32>,
      %get3A_1091 = vector.shape_cast %get3A_1090 : vector<1x1x16xf32> to vector<16xf32>
      %add3A_1092 = arith.addf %get3A_1085, %get3A_1091 : vector<16xf32>
      %add3A_1093 = arith.constant 32 : i32
      %add3A_1094 = arith.addi %add3A_1093, %scan3A_340 : i32
      %swap3A_1095 = arith.index_cast %add3A_1094 : i32 to index
      %swap3A_1096 = arith.constant 592 : index
      %swap3A_1097 = tpu.vector_load %arg7[%swap3A_1095, %swap3A_1096] {strides = array<i32>} : memref<128x640xf32, #tpu.memory_space<vmem>>, vector<1x16xf32>,
      %swap3A_1098 = vector.shape_cast %swap3A_1097 : vector<1x16xf32> to vector<16xf32>
      %swap3A_1099 = vector.shape_cast %add3A_1092 : vector<16xf32> to vector<1x16xf32>
      tpu.vector_store %arg7[%swap3A_1095, %swap3A_1096], %swap3A_1099 {strides = array<i32>} : memref<128x640xf32, #tpu.memory_space<vmem>>, vector<1x16xf32>,
      %add3A_1100 = arith.constant 32 : i32
      %add3A_1101 = arith.addi %add3A_1100, %scan3A_340 : i32
      %get3A_1102 = arith.index_cast %add3A_1101 : i32 to index
      %get3A_1103 = arith.constant 608 : index
      %get3A_1104 = tpu.vector_load %arg7[%get3A_1102, %get3A_1103] {strides = array<i32>} : memref<128x640xf32, #tpu.memory_space<vmem>>, vector<1x16xf32>,
      %get3A_1105 = vector.shape_cast %get3A_1104 : vector<1x16xf32> to vector<16xf32>
      %get3A_1106 = arith.constant 1 : i32
      %get3A_1107 = arith.index_cast %get3A_1106 : i32 to index
      %get3A_1108 = arith.index_cast %scan3A_340 : i32 to index
      %get3A_1109 = arith.constant 608 : index
      %get3A_1110 = tpu.vector_load %arg8[%get3A_1107, %get3A_1108, %get3A_1109] {strides = array<i32>} : memref<2x32x640xf32, #tpu.memory_space<vmem>>, vector<1x1x16xf32>,
      %get3A_1111 = vector.shape_cast %get3A_1110 : vector<1x1x16xf32> to vector<16xf32>
      %add3A_1112 = arith.addf %get3A_1105, %get3A_1111 : vector<16xf32>
      %add3A_1113 = arith.constant 32 : i32
      %add3A_1114 = arith.addi %add3A_1113, %scan3A_340 : i32
      %swap3A_1115 = arith.index_cast %add3A_1114 : i32 to index
      %swap3A_1116 = arith.constant 608 : index
      %swap3A_1117 = tpu.vector_load %arg7[%swap3A_1115, %swap3A_1116] {strides = array<i32>} : memref<128x640xf32, #tpu.memory_space<vmem>>, vector<1x16xf32>,
      %swap3A_1118 = vector.shape_cast %swap3A_1117 : vector<1x16xf32> to vector<16xf32>
      %swap3A_1119 = vector.shape_cast %add3A_1112 : vector<16xf32> to vector<1x16xf32>
      tpu.vector_store %arg7[%swap3A_1115, %swap3A_1116], %swap3A_1119 {strides = array<i32>} : memref<128x640xf32, #tpu.memory_space<vmem>>, vector<1x16xf32>,
      %add3A_1120 = arith.constant 32 : i32
      %add3A_1121 = arith.addi %add3A_1120, %scan3A_340 : i32
      %get3A_1122 = arith.index_cast %add3A_1121 : i32 to index
      %get3A_1123 = arith.constant 624 : index
      %get3A_1124 = tpu.vector_load %arg7[%get3A_1122, %get3A_1123] {strides = array<i32>} : memref<128x640xf32, #tpu.memory_space<vmem>>, vector<1x16xf32>,
      %get3A_1125 = vector.shape_cast %get3A_1124 : vector<1x16xf32> to vector<16xf32>
      %get3A_1126 = arith.constant 1 : i32
      %get3A_1127 = arith.index_cast %get3A_1126 : i32 to index
      %get3A_1128 = arith.index_cast %scan3A_340 : i32 to index
      %get3A_1129 = arith.constant 624 : index
      %get3A_1130 = tpu.vector_load %arg8[%get3A_1127, %get3A_1128, %get3A_1129] {strides = array<i32>} : memref<2x32x640xf32, #tpu.memory_space<vmem>>, vector<1x1x16xf32>,
      %get3A_1131 = vector.shape_cast %get3A_1130 : vector<1x1x16xf32> to vector<16xf32>
      %add3A_1132 = arith.addf %get3A_1125, %get3A_1131 : vector<16xf32>
      %add3A_1133 = arith.constant 32 : i32
      %add3A_1134 = arith.addi %add3A_1133, %scan3A_340 : i32
      %swap3A_1135 = arith.index_cast %add3A_1134 : i32 to index
      %swap3A_1136 = arith.constant 624 : index
      %swap3A_1137 = tpu.vector_load %arg7[%swap3A_1135, %swap3A_1136] {strides = array<i32>} : memref<128x640xf32, #tpu.memory_space<vmem>>, vector<1x16xf32>,
      %swap3A_1138 = vector.shape_cast %swap3A_1137 : vector<1x16xf32> to vector<16xf32>
      %swap3A_1139 = vector.shape_cast %add3A_1132 : vector<16xf32> to vector<1x16xf32>
      tpu.vector_store %arg7[%swap3A_1135, %swap3A_1136], %swap3A_1139 {strides = array<i32>} : memref<128x640xf32, #tpu.memory_space<vmem>>, vector<1x16xf32>,
      %scan3A_1140 = arith.constant 0 : i32
      scf.yield %scan3A_1140 : i32
    }
    %scan3A_166 = arith.constant 32 : i32
    %add3A_167 = arith.constant 32 : i32
    %add3A_168 = arith.addi %mul3A_2, %add3A_167 : i32
    %dma_start3A_169 = arith.constant 32 : i32
    %dma_start3A_170 = arith.constant 0 : i32
    %dma_start3A_171 = tpu.memref_slice %arg7[%dma_start3A_169, %dma_start3A_170] : memref<128x640xf32, #tpu.memory_space<vmem>> -> memref<32x640xf32, #tpu.memory_space<vmem>>
    %dma_start3A_172 = arith.constant 0 : i32
    %dma_start3A_173 = tpu.memref_slice %arg5[%add3A_168, %dma_start3A_172] : memref<4096x640xf32, #tpu.memory_space<hbm>> -> memref<32x640xf32, #tpu.memory_space<hbm>>
    %dma_start3A_174 = arith.constant 0 : i32
    %dma_start3A_175 = tpu.memref_slice %arg5[%add3A_168, %dma_start3A_174] : memref<4096x640xf32, #tpu.memory_space<hbm>> -> memref<32x640xf32, #tpu.memory_space<hbm>>
    %dma_start3A_176 = arith.constant 32 : i32
    %dma_start3A_177 = arith.constant 0 : i32
    %dma_start3A_178 = tpu.memref_slice %arg7[%dma_start3A_176, %dma_start3A_177] : memref<128x640xf32, #tpu.memory_space<vmem>> -> memref<32x640xf32, #tpu.memory_space<vmem>>
    tpu.enqueue_dma source(%dma_start3A_178 : memref<32x640xf32, #tpu.memory_space<vmem>>) target(%dma_start3A_175 : memref<32x640xf32, #tpu.memory_space<hbm>>) target_semaphore(%arg11 : memref<!tpu.dma_semaphore, #tpu.memory_space<semaphore_mem>>)
    %dma_start3A_179 = arith.constant 1 : i32
    %dma_start3A_180 = arith.constant 96 : i32
    %dma_start3A_181 = arith.constant 0 : i32
    %dma_start3A_182 = tpu.memref_slice %arg7[%dma_start3A_180, %dma_start3A_181] : memref<128x640xf32, #tpu.memory_space<vmem>> -> memref<32x640xf32, #tpu.memory_space<vmem>>
    %dma_start3A_183 = arith.constant 96 : i32
    %dma_start3A_184 = tpu.memref_slice %arg6[%dma_start3A_183] : memref<128xi32, #tpu.memory_space<vmem>> -> memref<32xi32, #tpu.memory_space<vmem>>
    %dma_start3A_185 = arith.constant 0 : i32
    %dma_start3A_186 = arith.constant 0 : i32
    %dma_start3A_187 = tpu.memref_slice %arg2[%dma_start3A_185, %dma_start3A_186] : memref<100000x640xf32, #tpu.memory_space<hbm>> -> memref<100000x640xf32, #tpu.memory_space<hbm>>
    %dma_start3A_188 = tpu.memref_slice %arg9[%dma_start3A_179] : memref<2x!tpu.dma_semaphore, #tpu.memory_space<semaphore_mem>> -> memref<1x!tpu.dma_semaphore, #tpu.memory_space<semaphore_mem>>
    %dma_start3A_189 = tpu.memref_squeeze %dma_start3A_188 : memref<1x!tpu.dma_semaphore, #tpu.memory_space<semaphore_mem>> -> memref<!tpu.dma_semaphore, #tpu.memory_space<semaphore_mem>>
    tpu.enqueue_indirect_dma source(%dma_start3A_187 : memref<100000x640xf32, #tpu.memory_space<hbm>>) target(%dma_start3A_182 : memref<32x640xf32, #tpu.memory_space<vmem>>) offsets(%dma_start3A_184 : memref<32xi32, #tpu.memory_space<vmem>>) semaphore(%dma_start3A_189 : memref<!tpu.dma_semaphore, #tpu.memory_space<semaphore_mem>>)
    %add3A_190 = arith.constant 96 : i32
    %add3A_191 = arith.addi %mul3A_2, %add3A_190 : i32
    %dma_start3A_192 = arith.constant 1 : i32
    %dma_start3A_193 = arith.constant 1 : i32
    %dma_start3A_194 = arith.constant 0 : i32
    %dma_start3A_195 = arith.constant 0 : i32
    %dma_start3A_196 = tpu.memref_slice %arg8[%dma_start3A_192, %dma_start3A_194, %dma_start3A_195] : memref<2x32x640xf32, #tpu.memory_space<vmem>> -> memref<1x32x640xf32, #tpu.memory_space<vmem>>
    %dma_start3A_197 = tpu.memref_squeeze %dma_start3A_196 : memref<1x32x640xf32, #tpu.memory_space<vmem>> -> memref<32x640xf32, #tpu.memory_space<vmem>>
    %dma_start3A_198 = arith.constant 0 : i32
    %dma_start3A_199 = tpu.memref_slice %arg4[%add3A_191, %dma_start3A_198] : memref<4096x640xf32, #tpu.memory_space<hbm>> -> memref<32x640xf32, #tpu.memory_space<hbm>>
    %dma_start3A_200 = tpu.memref_slice %arg10[%dma_start3A_193] : memref<2x!tpu.dma_semaphore, #tpu.memory_space<semaphore_mem>> -> memref<1x!tpu.dma_semaphore, #tpu.memory_space<semaphore_mem>>
    %dma_start3A_201 = tpu.memref_squeeze %dma_start3A_200 : memref<1x!tpu.dma_semaphore, #tpu.memory_space<semaphore_mem>> -> memref<!tpu.dma_semaphore, #tpu.memory_space<semaphore_mem>>
    %dma_start3A_202 = arith.constant 0 : i32
    %dma_start3A_203 = arith.constant 0 : i32
    %dma_start3A_204 = tpu.memref_slice %arg8[%dma_start3A_192, %dma_start3A_202, %dma_start3A_203] : memref<2x32x640xf32, #tpu.memory_space<vmem>> -> memref<1x32x640xf32, #tpu.memory_space<vmem>>
    %dma_start3A_205 = tpu.memref_squeeze %dma_start3A_204 : memref<1x32x640xf32, #tpu.memory_space<vmem>> -> memref<32x640xf32, #tpu.memory_space<vmem>>
    %dma_start3A_206 = arith.constant 0 : i32
    %dma_start3A_207 = tpu.memref_slice %arg4[%add3A_191, %dma_start3A_206] : memref<4096x640xf32, #tpu.memory_space<hbm>> -> memref<32x640xf32, #tpu.memory_space<hbm>>
    tpu.enqueue_dma source(%dma_start3A_207 : memref<32x640xf32, #tpu.memory_space<hbm>>) target(%dma_start3A_205 : memref<32x640xf32, #tpu.memory_space<vmem>>) target_semaphore(%dma_start3A_201 : memref<!tpu.dma_semaphore, #tpu.memory_space<semaphore_mem>>)
    %dma_wait3A_208 = arith.constant 0 : i32
    %dma_wait3A_209 = arith.constant 64 : i32
    %dma_wait3A_210 = arith.constant 0 : i32
    %dma_wait3A_211 = tpu.memref_slice %arg7[%dma_wait3A_209, %dma_wait3A_210] : memref<128x640xf32, #tpu.memory_space<vmem>> -> memref<32x640xf32, #tpu.memory_space<vmem>>
    %dma_wait3A_212 = arith.constant 64 : i32
    %dma_wait3A_213 = tpu.memref_slice %arg6[%dma_wait3A_212] : memref<128xi32, #tpu.memory_space<vmem>> -> memref<32xi32, #tpu.memory_space<vmem>>
    %dma_wait3A_214 = arith.constant 0 : i32
    %dma_wait3A_215 = arith.constant 0 : i32
    %dma_wait3A_216 = tpu.memref_slice %arg2[%dma_wait3A_214, %dma_wait3A_215] : memref<100000x640xf32, #tpu.memory_space<hbm>> -> memref<100000x640xf32, #tpu.memory_space<hbm>>
    %dma_wait3A_217 = tpu.memref_slice %arg9[%dma_wait3A_208] : memref<2x!tpu.dma_semaphore, #tpu.memory_space<semaphore_mem>> -> memref<1x!tpu.dma_semaphore, #tpu.memory_space<semaphore_mem>>
    %dma_wait3A_218 = tpu.memref_squeeze %dma_wait3A_217 : memref<1x!tpu.dma_semaphore, #tpu.memory_space<semaphore_mem>> -> memref<!tpu.dma_semaphore, #tpu.memory_space<semaphore_mem>>
    tpu.wait_indirect_dma semaphore(%dma_wait3A_218 : memref<!tpu.dma_semaphore, #tpu.memory_space<semaphore_mem>>) src(%dma_wait3A_216 : memref<100000x640xf32, #tpu.memory_space<hbm>>) dst(%dma_wait3A_211 : memref<32x640xf32, #tpu.memory_space<vmem>>)
    %dma_wait3A_219 = arith.constant 0 : i32
    %dma_wait3A_220 = arith.constant 0 : i32
    %dma_wait3A_221 = arith.constant 0 : i32
    %dma_wait3A_222 = arith.constant 0 : i32
    %dma_wait3A_223 = tpu.memref_slice %arg8[%dma_wait3A_219, %dma_wait3A_221, %dma_wait3A_222] : memref<2x32x640xf32, #tpu.memory_space<vmem>> -> memref<1x32x640xf32, #tpu.memory_space<vmem>>
    %dma_wait3A_224 = tpu.memref_squeeze %dma_wait3A_223 : memref<1x32x640xf32, #tpu.memory_space<vmem>> -> memref<32x640xf32, #tpu.memory_space<vmem>>
    %dma_wait3A_225 = arith.constant 0 : i32
    %dma_wait3A_226 = tpu.memref_slice %arg4[%add3A_116, %dma_wait3A_225] : memref<4096x640xf32, #tpu.memory_space<hbm>> -> memref<32x640xf32, #tpu.memory_space<hbm>>
    %dma_wait3A_227 = tpu.memref_slice %arg10[%dma_wait3A_220] : memref<2x!tpu.dma_semaphore, #tpu.memory_space<semaphore_mem>> -> memref<1x!tpu.dma_semaphore, #tpu.memory_space<semaphore_mem>>
    %dma_wait3A_228 = tpu.memref_squeeze %dma_wait3A_227 : memref<1x!tpu.dma_semaphore, #tpu.memory_space<semaphore_mem>> -> memref<!tpu.dma_semaphore, #tpu.memory_space<semaphore_mem>>
    %dma_wait3A_229 = arith.constant 0 : i32
    %dma_wait3A_230 = arith.constant 0 : i32
    %dma_wait3A_231 = tpu.memref_slice %arg8[%dma_wait3A_219, %dma_wait3A_229, %dma_wait3A_230] : memref<2x32x640xf32, #tpu.memory_space<vmem>> -> memref<1x32x640xf32, #tpu.memory_space<vmem>>
    %dma_wait3A_232 = tpu.memref_squeeze %dma_wait3A_231 : memref<1x32x640xf32, #tpu.memory_space<vmem>> -> memref<32x640xf32, #tpu.memory_space<vmem>>
    %dma_wait3A_233 = arith.constant 0 : i32
    %dma_wait3A_234 = tpu.memref_slice %arg4[%add3A_116, %dma_wait3A_233] : memref<4096x640xf32, #tpu.memory_space<hbm>> -> memref<32x640xf32, #tpu.memory_space<hbm>>
    tpu.wait_dma2 semaphore(%dma_wait3A_228 : memref<!tpu.dma_semaphore, #tpu.memory_space<semaphore_mem>>) src(%dma_wait3A_234 : memref<32x640xf32, #tpu.memory_space<hbm>>) dst(%dma_wait3A_232 : memref<32x640xf32, #tpu.memory_space<vmem>>)
    %scan3A_235 = arith.constant 0 : i32
    %scan3A_236 = arith.constant 0 : i32
    %scan3A_237 = arith.constant 32 : i32
    %scan3A_238 = arith.addi %scan3A_236, %scan3A_237 : i32
    %scan3A_239 = arith.constant 1 : i32
    %scan3A_240 = scf.for %scan3A_340 = %scan3A_236 to %scan3A_238 step %scan3A_239 iter_args(%scan3A_341 = %scan3A_235) -> (i32)  : i32 {
      %add3A_342 = arith.constant 64 : i32
      %add3A_343 = arith.addi %add3A_342, %scan3A_340 : i32
      %get3A = arith.index_cast %add3A_343 : i32 to index
      %get3A_344 = arith.constant 0 : index
      %get3A_345 = tpu.vector_load %arg7[%get3A, %get3A_344] {strides = array<i32>} : memref<128x640xf32, #tpu.memory_space<vmem>>, vector<1x16xf32>,
      %get3A_346 = vector.shape_cast %get3A_345 : vector<1x16xf32> to vector<16xf32>
      %get3A_347 = arith.constant 0 : i32
      %get3A_348 = arith.index_cast %get3A_347 : i32 to index
      %get3A_349 = arith.index_cast %scan3A_340 : i32 to index
      %get3A_350 = arith.constant 0 : index
      %get3A_351 = tpu.vector_load %arg8[%get3A_348, %get3A_349, %get3A_350] {strides = array<i32>} : memref<2x32x640xf32, #tpu.memory_space<vmem>>, vector<1x1x16xf32>,
      %get3A_352 = vector.shape_cast %get3A_351 : vector<1x1x16xf32> to vector<16xf32>
      %add3A_353 = arith.addf %get3A_346, %get3A_352 : vector<16xf32>
      %add3A_354 = arith.constant 64 : i32
      %add3A_355 = arith.addi %add3A_354, %scan3A_340 : i32
      %swap3A = arith.index_cast %add3A_355 : i32 to index
      %swap3A_356 = arith.constant 0 : index
      %swap3A_357 = tpu.vector_load %arg7[%swap3A, %swap3A_356] {strides = array<i32>} : memref<128x640xf32, #tpu.memory_space<vmem>>, vector<1x16xf32>,
      %swap3A_358 = vector.shape_cast %swap3A_357 : vector<1x16xf32> to vector<16xf32>
      %swap3A_359 = vector.shape_cast %add3A_353 : vector<16xf32> to vector<1x16xf32>
      tpu.vector_store %arg7[%swap3A, %swap3A_356], %swap3A_359 {strides = array<i32>} : memref<128x640xf32, #tpu.memory_space<vmem>>, vector<1x16xf32>,
      %add3A_360 = arith.constant 64 : i32
      %add3A_361 = arith.addi %add3A_360, %scan3A_340 : i32
      %get3A_362 = arith.index_cast %add3A_361 : i32 to index
      %get3A_363 = arith.constant 16 : index
      %get3A_364 = tpu.vector_load %arg7[%get3A_362, %get3A_363] {strides = array<i32>} : memref<128x640xf32, #tpu.memory_space<vmem>>, vector<1x16xf32>,
      %get3A_365 = vector.shape_cast %get3A_364 : vector<1x16xf32> to vector<16xf32>
      %get3A_366 = arith.constant 0 : i32
      %get3A_367 = arith.index_cast %get3A_366 : i32 to index
      %get3A_368 = arith.index_cast %scan3A_340 : i32 to index
      %get3A_369 = arith.constant 16 : index
      %get3A_370 = tpu.vector_load %arg8[%get3A_367, %get3A_368, %get3A_369] {strides = array<i32>} : memref<2x32x640xf32, #tpu.memory_space<vmem>>, vector<1x1x16xf32>,
      %get3A_371 = vector.shape_cast %get3A_370 : vector<1x1x16xf32> to vector<16xf32>
      %add3A_372 = arith.addf %get3A_365, %get3A_371 : vector<16xf32>
      %add3A_373 = arith.constant 64 : i32
      %add3A_374 = arith.addi %add3A_373, %scan3A_340 : i32
      %swap3A_375 = arith.index_cast %add3A_374 : i32 to index
      %swap3A_376 = arith.constant 16 : index
      %swap3A_377 = tpu.vector_load %arg7[%swap3A_375, %swap3A_376] {strides = array<i32>} : memref<128x640xf32, #tpu.memory_space<vmem>>, vector<1x16xf32>,
      %swap3A_378 = vector.shape_cast %swap3A_377 : vector<1x16xf32> to vector<16xf32>
      %swap3A_379 = vector.shape_cast %add3A_372 : vector<16xf32> to vector<1x16xf32>
      tpu.vector_store %arg7[%swap3A_375, %swap3A_376], %swap3A_379 {strides = array<i32>} : memref<128x640xf32, #tpu.memory_space<vmem>>, vector<1x16xf32>,
      %add3A_380 = arith.constant 64 : i32
      %add3A_381 = arith.addi %add3A_380, %scan3A_340 : i32
      %get3A_382 = arith.index_cast %add3A_381 : i32 to index
      %get3A_383 = arith.constant 32 : index
      %get3A_384 = tpu.vector_load %arg7[%get3A_382, %get3A_383] {strides = array<i32>} : memref<128x640xf32, #tpu.memory_space<vmem>>, vector<1x16xf32>,
      %get3A_385 = vector.shape_cast %get3A_384 : vector<1x16xf32> to vector<16xf32>
      %get3A_386 = arith.constant 0 : i32
      %get3A_387 = arith.index_cast %get3A_386 : i32 to index
      %get3A_388 = arith.index_cast %scan3A_340 : i32 to index
      %get3A_389 = arith.constant 32 : index
      %get3A_390 = tpu.vector_load %arg8[%get3A_387, %get3A_388, %get3A_389] {strides = array<i32>} : memref<2x32x640xf32, #tpu.memory_space<vmem>>, vector<1x1x16xf32>,
      %get3A_391 = vector.shape_cast %get3A_390 : vector<1x1x16xf32> to vector<16xf32>
      %add3A_392 = arith.addf %get3A_385, %get3A_391 : vector<16xf32>
      %add3A_393 = arith.constant 64 : i32
      %add3A_394 = arith.addi %add3A_393, %scan3A_340 : i32
      %swap3A_395 = arith.index_cast %add3A_394 : i32 to index
      %swap3A_396 = arith.constant 32 : index
      %swap3A_397 = tpu.vector_load %arg7[%swap3A_395, %swap3A_396] {strides = array<i32>} : memref<128x640xf32, #tpu.memory_space<vmem>>, vector<1x16xf32>,
      %swap3A_398 = vector.shape_cast %swap3A_397 : vector<1x16xf32> to vector<16xf32>
      %swap3A_399 = vector.shape_cast %add3A_392 : vector<16xf32> to vector<1x16xf32>
      tpu.vector_store %arg7[%swap3A_395, %swap3A_396], %swap3A_399 {strides = array<i32>} : memref<128x640xf32, #tpu.memory_space<vmem>>, vector<1x16xf32>,
      %add3A_400 = arith.constant 64 : i32
      %add3A_401 = arith.addi %add3A_400, %scan3A_340 : i32
      %get3A_402 = arith.index_cast %add3A_401 : i32 to index
      %get3A_403 = arith.constant 48 : index
      %get3A_404 = tpu.vector_load %arg7[%get3A_402, %get3A_403] {strides = array<i32>} : memref<128x640xf32, #tpu.memory_space<vmem>>, vector<1x16xf32>,
      %get3A_405 = vector.shape_cast %get3A_404 : vector<1x16xf32> to vector<16xf32>
      %get3A_406 = arith.constant 0 : i32
      %get3A_407 = arith.index_cast %get3A_406 : i32 to index
      %get3A_408 = arith.index_cast %scan3A_340 : i32 to index
      %get3A_409 = arith.constant 48 : index
      %get3A_410 = tpu.vector_load %arg8[%get3A_407, %get3A_408, %get3A_409] {strides = array<i32>} : memref<2x32x640xf32, #tpu.memory_space<vmem>>, vector<1x1x16xf32>,
      %get3A_411 = vector.shape_cast %get3A_410 : vector<1x1x16xf32> to vector<16xf32>
      %add3A_412 = arith.addf %get3A_405, %get3A_411 : vector<16xf32>
      %add3A_413 = arith.constant 64 : i32
      %add3A_414 = arith.addi %add3A_413, %scan3A_340 : i32
      %swap3A_415 = arith.index_cast %add3A_414 : i32 to index
      %swap3A_416 = arith.constant 48 : index
      %swap3A_417 = tpu.vector_load %arg7[%swap3A_415, %swap3A_416] {strides = array<i32>} : memref<128x640xf32, #tpu.memory_space<vmem>>, vector<1x16xf32>,
      %swap3A_418 = vector.shape_cast %swap3A_417 : vector<1x16xf32> to vector<16xf32>
      %swap3A_419 = vector.shape_cast %add3A_412 : vector<16xf32> to vector<1x16xf32>
      tpu.vector_store %arg7[%swap3A_415, %swap3A_416], %swap3A_419 {strides = array<i32>} : memref<128x640xf32, #tpu.memory_space<vmem>>, vector<1x16xf32>,
      %add3A_420 = arith.constant 64 : i32
      %add3A_421 = arith.addi %add3A_420, %scan3A_340 : i32
      %get3A_422 = arith.index_cast %add3A_421 : i32 to index
      %get3A_423 = arith.constant 64 : index
      %get3A_424 = tpu.vector_load %arg7[%get3A_422, %get3A_423] {strides = array<i32>} : memref<128x640xf32, #tpu.memory_space<vmem>>, vector<1x16xf32>,
      %get3A_425 = vector.shape_cast %get3A_424 : vector<1x16xf32> to vector<16xf32>
      %get3A_426 = arith.constant 0 : i32
      %get3A_427 = arith.index_cast %get3A_426 : i32 to index
      %get3A_428 = arith.index_cast %scan3A_340 : i32 to index
      %get3A_429 = arith.constant 64 : index
      %get3A_430 = tpu.vector_load %arg8[%get3A_427, %get3A_428, %get3A_429] {strides = array<i32>} : memref<2x32x640xf32, #tpu.memory_space<vmem>>, vector<1x1x16xf32>,
      %get3A_431 = vector.shape_cast %get3A_430 : vector<1x1x16xf32> to vector<16xf32>
      %add3A_432 = arith.addf %get3A_425, %get3A_431 : vector<16xf32>
      %add3A_433 = arith.constant 64 : i32
      %add3A_434 = arith.addi %add3A_433, %scan3A_340 : i32
      %swap3A_435 = arith.index_cast %add3A_434 : i32 to index
      %swap3A_436 = arith.constant 64 : index
      %swap3A_437 = tpu.vector_load %arg7[%swap3A_435, %swap3A_436] {strides = array<i32>} : memref<128x640xf32, #tpu.memory_space<vmem>>, vector<1x16xf32>,
      %swap3A_438 = vector.shape_cast %swap3A_437 : vector<1x16xf32> to vector<16xf32>
      %swap3A_439 = vector.shape_cast %add3A_432 : vector<16xf32> to vector<1x16xf32>
      tpu.vector_store %arg7[%swap3A_435, %swap3A_436], %swap3A_439 {strides = array<i32>} : memref<128x640xf32, #tpu.memory_space<vmem>>, vector<1x16xf32>,
      %add3A_440 = arith.constant 64 : i32
      %add3A_441 = arith.addi %add3A_440, %scan3A_340 : i32
      %get3A_442 = arith.index_cast %add3A_441 : i32 to index
      %get3A_443 = arith.constant 80 : index
      %get3A_444 = tpu.vector_load %arg7[%get3A_442, %get3A_443] {strides = array<i32>} : memref<128x640xf32, #tpu.memory_space<vmem>>, vector<1x16xf32>,
      %get3A_445 = vector.shape_cast %get3A_444 : vector<1x16xf32> to vector<16xf32>
      %get3A_446 = arith.constant 0 : i32
      %get3A_447 = arith.index_cast %get3A_446 : i32 to index
      %get3A_448 = arith.index_cast %scan3A_340 : i32 to index
      %get3A_449 = arith.constant 80 : index
      %get3A_450 = tpu.vector_load %arg8[%get3A_447, %get3A_448, %get3A_449] {strides = array<i32>} : memref<2x32x640xf32, #tpu.memory_space<vmem>>, vector<1x1x16xf32>,
      %get3A_451 = vector.shape_cast %get3A_450 : vector<1x1x16xf32> to vector<16xf32>
      %add3A_452 = arith.addf %get3A_445, %get3A_451 : vector<16xf32>
      %add3A_453 = arith.constant 64 : i32
      %add3A_454 = arith.addi %add3A_453, %scan3A_340 : i32
      %swap3A_455 = arith.index_cast %add3A_454 : i32 to index
      %swap3A_456 = arith.constant 80 : index
      %swap3A_457 = tpu.vector_load %arg7[%swap3A_455, %swap3A_456] {strides = array<i32>} : memref<128x640xf32, #tpu.memory_space<vmem>>, vector<1x16xf32>,
      %swap3A_458 = vector.shape_cast %swap3A_457 : vector<1x16xf32> to vector<16xf32>
      %swap3A_459 = vector.shape_cast %add3A_452 : vector<16xf32> to vector<1x16xf32>
      tpu.vector_store %arg7[%swap3A_455, %swap3A_456], %swap3A_459 {strides = array<i32>} : memref<128x640xf32, #tpu.memory_space<vmem>>, vector<1x16xf32>,
      %add3A_460 = arith.constant 64 : i32
      %add3A_461 = arith.addi %add3A_460, %scan3A_340 : i32
      %get3A_462 = arith.index_cast %add3A_461 : i32 to index
      %get3A_463 = arith.constant 96 : index
      %get3A_464 = tpu.vector_load %arg7[%get3A_462, %get3A_463] {strides = array<i32>} : memref<128x640xf32, #tpu.memory_space<vmem>>, vector<1x16xf32>,
      %get3A_465 = vector.shape_cast %get3A_464 : vector<1x16xf32> to vector<16xf32>
      %get3A_466 = arith.constant 0 : i32
      %get3A_467 = arith.index_cast %get3A_466 : i32 to index
      %get3A_468 = arith.index_cast %scan3A_340 : i32 to index
      %get3A_469 = arith.constant 96 : index
      %get3A_470 = tpu.vector_load %arg8[%get3A_467, %get3A_468, %get3A_469] {strides = array<i32>} : memref<2x32x640xf32, #tpu.memory_space<vmem>>, vector<1x1x16xf32>,
      %get3A_471 = vector.shape_cast %get3A_470 : vector<1x1x16xf32> to vector<16xf32>
      %add3A_472 = arith.addf %get3A_465, %get3A_471 : vector<16xf32>
      %add3A_473 = arith.constant 64 : i32
      %add3A_474 = arith.addi %add3A_473, %scan3A_340 : i32
      %swap3A_475 = arith.index_cast %add3A_474 : i32 to index
      %swap3A_476 = arith.constant 96 : index
      %swap3A_477 = tpu.vector_load %arg7[%swap3A_475, %swap3A_476] {strides = array<i32>} : memref<128x640xf32, #tpu.memory_space<vmem>>, vector<1x16xf32>,
      %swap3A_478 = vector.shape_cast %swap3A_477 : vector<1x16xf32> to vector<16xf32>
      %swap3A_479 = vector.shape_cast %add3A_472 : vector<16xf32> to vector<1x16xf32>
      tpu.vector_store %arg7[%swap3A_475, %swap3A_476], %swap3A_479 {strides = array<i32>} : memref<128x640xf32, #tpu.memory_space<vmem>>, vector<1x16xf32>,
      %add3A_480 = arith.constant 64 : i32
      %add3A_481 = arith.addi %add3A_480, %scan3A_340 : i32
      %get3A_482 = arith.index_cast %add3A_481 : i32 to index
      %get3A_483 = arith.constant 112 : index
      %get3A_484 = tpu.vector_load %arg7[%get3A_482, %get3A_483] {strides = array<i32>} : memref<128x640xf32, #tpu.memory_space<vmem>>, vector<1x16xf32>,
      %get3A_485 = vector.shape_cast %get3A_484 : vector<1x16xf32> to vector<16xf32>
      %get3A_486 = arith.constant 0 : i32
      %get3A_487 = arith.index_cast %get3A_486 : i32 to index
      %get3A_488 = arith.index_cast %scan3A_340 : i32 to index
      %get3A_489 = arith.constant 112 : index
      %get3A_490 = tpu.vector_load %arg8[%get3A_487, %get3A_488, %get3A_489] {strides = array<i32>} : memref<2x32x640xf32, #tpu.memory_space<vmem>>, vector<1x1x16xf32>,
      %get3A_491 = vector.shape_cast %get3A_490 : vector<1x1x16xf32> to vector<16xf32>
      %add3A_492 = arith.addf %get3A_485, %get3A_491 : vector<16xf32>
      %add3A_493 = arith.constant 64 : i32
      %add3A_494 = arith.addi %add3A_493, %scan3A_340 : i32
      %swap3A_495 = arith.index_cast %add3A_494 : i32 to index
      %swap3A_496 = arith.constant 112 : index
      %swap3A_497 = tpu.vector_load %arg7[%swap3A_495, %swap3A_496] {strides = array<i32>} : memref<128x640xf32, #tpu.memory_space<vmem>>, vector<1x16xf32>,
      %swap3A_498 = vector.shape_cast %swap3A_497 : vector<1x16xf32> to vector<16xf32>
      %swap3A_499 = vector.shape_cast %add3A_492 : vector<16xf32> to vector<1x16xf32>
      tpu.vector_store %arg7[%swap3A_495, %swap3A_496], %swap3A_499 {strides = array<i32>} : memref<128x640xf32, #tpu.memory_space<vmem>>, vector<1x16xf32>,
      %add3A_500 = arith.constant 64 : i32
      %add3A_501 = arith.addi %add3A_500, %scan3A_340 : i32
      %get3A_502 = arith.index_cast %add3A_501 : i32 to index
      %get3A_503 = arith.constant 128 : index
      %get3A_504 = tpu.vector_load %arg7[%get3A_502, %get3A_503] {strides = array<i32>} : memref<128x640xf32, #tpu.memory_space<vmem>>, vector<1x16xf32>,
      %get3A_505 = vector.shape_cast %get3A_504 : vector<1x16xf32> to vector<16xf32>
      %get3A_506 = arith.constant 0 : i32
      %get3A_507 = arith.index_cast %get3A_506 : i32 to index
      %get3A_508 = arith.index_cast %scan3A_340 : i32 to index
      %get3A_509 = arith.constant 128 : index
      %get3A_510 = tpu.vector_load %arg8[%get3A_507, %get3A_508, %get3A_509] {strides = array<i32>} : memref<2x32x640xf32, #tpu.memory_space<vmem>>, vector<1x1x16xf32>,
      %get3A_511 = vector.shape_cast %get3A_510 : vector<1x1x16xf32> to vector<16xf32>
      %add3A_512 = arith.addf %get3A_505, %get3A_511 : vector<16xf32>
      %add3A_513 = arith.constant 64 : i32
      %add3A_514 = arith.addi %add3A_513, %scan3A_340 : i32
      %swap3A_515 = arith.index_cast %add3A_514 : i32 to index
      %swap3A_516 = arith.constant 128 : index
      %swap3A_517 = tpu.vector_load %arg7[%swap3A_515, %swap3A_516] {strides = array<i32>} : memref<128x640xf32, #tpu.memory_space<vmem>>, vector<1x16xf32>,
      %swap3A_518 = vector.shape_cast %swap3A_517 : vector<1x16xf32> to vector<16xf32>
      %swap3A_519 = vector.shape_cast %add3A_512 : vector<16xf32> to vector<1x16xf32>
      tpu.vector_store %arg7[%swap3A_515, %swap3A_516], %swap3A_519 {strides = array<i32>} : memref<128x640xf32, #tpu.memory_space<vmem>>, vector<1x16xf32>,
      %add3A_520 = arith.constant 64 : i32
      %add3A_521 = arith.addi %add3A_520, %scan3A_340 : i32
      %get3A_522 = arith.index_cast %add3A_521 : i32 to index
      %get3A_523 = arith.constant 144 : index
      %get3A_524 = tpu.vector_load %arg7[%get3A_522, %get3A_523] {strides = array<i32>} : memref<128x640xf32, #tpu.memory_space<vmem>>, vector<1x16xf32>,
      %get3A_525 = vector.shape_cast %get3A_524 : vector<1x16xf32> to vector<16xf32>
      %get3A_526 = arith.constant 0 : i32
      %get3A_527 = arith.index_cast %get3A_526 : i32 to index
      %get3A_528 = arith.index_cast %scan3A_340 : i32 to index
      %get3A_529 = arith.constant 144 : index
      %get3A_530 = tpu.vector_load %arg8[%get3A_527, %get3A_528, %get3A_529] {strides = array<i32>} : memref<2x32x640xf32, #tpu.memory_space<vmem>>, vector<1x1x16xf32>,
      %get3A_531 = vector.shape_cast %get3A_530 : vector<1x1x16xf32> to vector<16xf32>
      %add3A_532 = arith.addf %get3A_525, %get3A_531 : vector<16xf32>
      %add3A_533 = arith.constant 64 : i32
      %add3A_534 = arith.addi %add3A_533, %scan3A_340 : i32
      %swap3A_535 = arith.index_cast %add3A_534 : i32 to index
      %swap3A_536 = arith.constant 144 : index
      %swap3A_537 = tpu.vector_load %arg7[%swap3A_535, %swap3A_536] {strides = array<i32>} : memref<128x640xf32, #tpu.memory_space<vmem>>, vector<1x16xf32>,
      %swap3A_538 = vector.shape_cast %swap3A_537 : vector<1x16xf32> to vector<16xf32>
      %swap3A_539 = vector.shape_cast %add3A_532 : vector<16xf32> to vector<1x16xf32>
      tpu.vector_store %arg7[%swap3A_535, %swap3A_536], %swap3A_539 {strides = array<i32>} : memref<128x640xf32, #tpu.memory_space<vmem>>, vector<1x16xf32>,
      %add3A_540 = arith.constant 64 : i32
      %add3A_541 = arith.addi %add3A_540, %scan3A_340 : i32
      %get3A_542 = arith.index_cast %add3A_541 : i32 to index
      %get3A_543 = arith.constant 160 : index
      %get3A_544 = tpu.vector_load %arg7[%get3A_542, %get3A_543] {strides = array<i32>} : memref<128x640xf32, #tpu.memory_space<vmem>>, vector<1x16xf32>,
      %get3A_545 = vector.shape_cast %get3A_544 : vector<1x16xf32> to vector<16xf32>
      %get3A_546 = arith.constant 0 : i32
      %get3A_547 = arith.index_cast %get3A_546 : i32 to index
      %get3A_548 = arith.index_cast %scan3A_340 : i32 to index
      %get3A_549 = arith.constant 160 : index
      %get3A_550 = tpu.vector_load %arg8[%get3A_547, %get3A_548, %get3A_549] {strides = array<i32>} : memref<2x32x640xf32, #tpu.memory_space<vmem>>, vector<1x1x16xf32>,
      %get3A_551 = vector.shape_cast %get3A_550 : vector<1x1x16xf32> to vector<16xf32>
      %add3A_552 = arith.addf %get3A_545, %get3A_551 : vector<16xf32>
      %add3A_553 = arith.constant 64 : i32
      %add3A_554 = arith.addi %add3A_553, %scan3A_340 : i32
      %swap3A_555 = arith.index_cast %add3A_554 : i32 to index
      %swap3A_556 = arith.constant 160 : index
      %swap3A_557 = tpu.vector_load %arg7[%swap3A_555, %swap3A_556] {strides = array<i32>} : memref<128x640xf32, #tpu.memory_space<vmem>>, vector<1x16xf32>,
      %swap3A_558 = vector.shape_cast %swap3A_557 : vector<1x16xf32> to vector<16xf32>
      %swap3A_559 = vector.shape_cast %add3A_552 : vector<16xf32> to vector<1x16xf32>
      tpu.vector_store %arg7[%swap3A_555, %swap3A_556], %swap3A_559 {strides = array<i32>} : memref<128x640xf32, #tpu.memory_space<vmem>>, vector<1x16xf32>,
      %add3A_560 = arith.constant 64 : i32
      %add3A_561 = arith.addi %add3A_560, %scan3A_340 : i32
      %get3A_562 = arith.index_cast %add3A_561 : i32 to index
      %get3A_563 = arith.constant 176 : index
      %get3A_564 = tpu.vector_load %arg7[%get3A_562, %get3A_563] {strides = array<i32>} : memref<128x640xf32, #tpu.memory_space<vmem>>, vector<1x16xf32>,
      %get3A_565 = vector.shape_cast %get3A_564 : vector<1x16xf32> to vector<16xf32>
      %get3A_566 = arith.constant 0 : i32
      %get3A_567 = arith.index_cast %get3A_566 : i32 to index
      %get3A_568 = arith.index_cast %scan3A_340 : i32 to index
      %get3A_569 = arith.constant 176 : index
      %get3A_570 = tpu.vector_load %arg8[%get3A_567, %get3A_568, %get3A_569] {strides = array<i32>} : memref<2x32x640xf32, #tpu.memory_space<vmem>>, vector<1x1x16xf32>,
      %get3A_571 = vector.shape_cast %get3A_570 : vector<1x1x16xf32> to vector<16xf32>
      %add3A_572 = arith.addf %get3A_565, %get3A_571 : vector<16xf32>
      %add3A_573 = arith.constant 64 : i32
      %add3A_574 = arith.addi %add3A_573, %scan3A_340 : i32
      %swap3A_575 = arith.index_cast %add3A_574 : i32 to index
      %swap3A_576 = arith.constant 176 : index
      %swap3A_577 = tpu.vector_load %arg7[%swap3A_575, %swap3A_576] {strides = array<i32>} : memref<128x640xf32, #tpu.memory_space<vmem>>, vector<1x16xf32>,
      %swap3A_578 = vector.shape_cast %swap3A_577 : vector<1x16xf32> to vector<16xf32>
      %swap3A_579 = vector.shape_cast %add3A_572 : vector<16xf32> to vector<1x16xf32>
      tpu.vector_store %arg7[%swap3A_575, %swap3A_576], %swap3A_579 {strides = array<i32>} : memref<128x640xf32, #tpu.memory_space<vmem>>, vector<1x16xf32>,
      %add3A_580 = arith.constant 64 : i32
      %add3A_581 = arith.addi %add3A_580, %scan3A_340 : i32
      %get3A_582 = arith.index_cast %add3A_581 : i32 to index
      %get3A_583 = arith.constant 192 : index
      %get3A_584 = tpu.vector_load %arg7[%get3A_582, %get3A_583] {strides = array<i32>} : memref<128x640xf32, #tpu.memory_space<vmem>>, vector<1x16xf32>,
      %get3A_585 = vector.shape_cast %get3A_584 : vector<1x16xf32> to vector<16xf32>
      %get3A_586 = arith.constant 0 : i32
      %get3A_587 = arith.index_cast %get3A_586 : i32 to index
      %get3A_588 = arith.index_cast %scan3A_340 : i32 to index
      %get3A_589 = arith.constant 192 : index
      %get3A_590 = tpu.vector_load %arg8[%get3A_587, %get3A_588, %get3A_589] {strides = array<i32>} : memref<2x32x640xf32, #tpu.memory_space<vmem>>, vector<1x1x16xf32>,
      %get3A_591 = vector.shape_cast %get3A_590 : vector<1x1x16xf32> to vector<16xf32>
      %add3A_592 = arith.addf %get3A_585, %get3A_591 : vector<16xf32>
      %add3A_593 = arith.constant 64 : i32
      %add3A_594 = arith.addi %add3A_593, %scan3A_340 : i32
      %swap3A_595 = arith.index_cast %add3A_594 : i32 to index
      %swap3A_596 = arith.constant 192 : index
      %swap3A_597 = tpu.vector_load %arg7[%swap3A_595, %swap3A_596] {strides = array<i32>} : memref<128x640xf32, #tpu.memory_space<vmem>>, vector<1x16xf32>,
      %swap3A_598 = vector.shape_cast %swap3A_597 : vector<1x16xf32> to vector<16xf32>
      %swap3A_599 = vector.shape_cast %add3A_592 : vector<16xf32> to vector<1x16xf32>
      tpu.vector_store %arg7[%swap3A_595, %swap3A_596], %swap3A_599 {strides = array<i32>} : memref<128x640xf32, #tpu.memory_space<vmem>>, vector<1x16xf32>,
      %add3A_600 = arith.constant 64 : i32
      %add3A_601 = arith.addi %add3A_600, %scan3A_340 : i32
      %get3A_602 = arith.index_cast %add3A_601 : i32 to index
      %get3A_603 = arith.constant 208 : index
      %get3A_604 = tpu.vector_load %arg7[%get3A_602, %get3A_603] {strides = array<i32>} : memref<128x640xf32, #tpu.memory_space<vmem>>, vector<1x16xf32>,
      %get3A_605 = vector.shape_cast %get3A_604 : vector<1x16xf32> to vector<16xf32>
      %get3A_606 = arith.constant 0 : i32
      %get3A_607 = arith.index_cast %get3A_606 : i32 to index
      %get3A_608 = arith.index_cast %scan3A_340 : i32 to index
      %get3A_609 = arith.constant 208 : index
      %get3A_610 = tpu.vector_load %arg8[%get3A_607, %get3A_608, %get3A_609] {strides = array<i32>} : memref<2x32x640xf32, #tpu.memory_space<vmem>>, vector<1x1x16xf32>,
      %get3A_611 = vector.shape_cast %get3A_610 : vector<1x1x16xf32> to vector<16xf32>
      %add3A_612 = arith.addf %get3A_605, %get3A_611 : vector<16xf32>
      %add3A_613 = arith.constant 64 : i32
      %add3A_614 = arith.addi %add3A_613, %scan3A_340 : i32
      %swap3A_615 = arith.index_cast %add3A_614 : i32 to index
      %swap3A_616 = arith.constant 208 : index
      %swap3A_617 = tpu.vector_load %arg7[%swap3A_615, %swap3A_616] {strides = array<i32>} : memref<128x640xf32, #tpu.memory_space<vmem>>, vector<1x16xf32>,
      %swap3A_618 = vector.shape_cast %swap3A_617 : vector<1x16xf32> to vector<16xf32>
      %swap3A_619 = vector.shape_cast %add3A_612 : vector<16xf32> to vector<1x16xf32>
      tpu.vector_store %arg7[%swap3A_615, %swap3A_616], %swap3A_619 {strides = array<i32>} : memref<128x640xf32, #tpu.memory_space<vmem>>, vector<1x16xf32>,
      %add3A_620 = arith.constant 64 : i32
      %add3A_621 = arith.addi %add3A_620, %scan3A_340 : i32
      %get3A_622 = arith.index_cast %add3A_621 : i32 to index
      %get3A_623 = arith.constant 224 : index
      %get3A_624 = tpu.vector_load %arg7[%get3A_622, %get3A_623] {strides = array<i32>} : memref<128x640xf32, #tpu.memory_space<vmem>>, vector<1x16xf32>,
      %get3A_625 = vector.shape_cast %get3A_624 : vector<1x16xf32> to vector<16xf32>
      %get3A_626 = arith.constant 0 : i32
      %get3A_627 = arith.index_cast %get3A_626 : i32 to index
      %get3A_628 = arith.index_cast %scan3A_340 : i32 to index
      %get3A_629 = arith.constant 224 : index
      %get3A_630 = tpu.vector_load %arg8[%get3A_627, %get3A_628, %get3A_629] {strides = array<i32>} : memref<2x32x640xf32, #tpu.memory_space<vmem>>, vector<1x1x16xf32>,
      %get3A_631 = vector.shape_cast %get3A_630 : vector<1x1x16xf32> to vector<16xf32>
      %add3A_632 = arith.addf %get3A_625, %get3A_631 : vector<16xf32>
      %add3A_633 = arith.constant 64 : i32
      %add3A_634 = arith.addi %add3A_633, %scan3A_340 : i32
      %swap3A_635 = arith.index_cast %add3A_634 : i32 to index
      %swap3A_636 = arith.constant 224 : index
      %swap3A_637 = tpu.vector_load %arg7[%swap3A_635, %swap3A_636] {strides = array<i32>} : memref<128x640xf32, #tpu.memory_space<vmem>>, vector<1x16xf32>,
      %swap3A_638 = vector.shape_cast %swap3A_637 : vector<1x16xf32> to vector<16xf32>
      %swap3A_639 = vector.shape_cast %add3A_632 : vector<16xf32> to vector<1x16xf32>
      tpu.vector_store %arg7[%swap3A_635, %swap3A_636], %swap3A_639 {strides = array<i32>} : memref<128x640xf32, #tpu.memory_space<vmem>>, vector<1x16xf32>,
      %add3A_640 = arith.constant 64 : i32
      %add3A_641 = arith.addi %add3A_640, %scan3A_340 : i32
      %get3A_642 = arith.index_cast %add3A_641 : i32 to index
      %get3A_643 = arith.constant 240 : index
      %get3A_644 = tpu.vector_load %arg7[%get3A_642, %get3A_643] {strides = array<i32>} : memref<128x640xf32, #tpu.memory_space<vmem>>, vector<1x16xf32>,
      %get3A_645 = vector.shape_cast %get3A_644 : vector<1x16xf32> to vector<16xf32>
      %get3A_646 = arith.constant 0 : i32
      %get3A_647 = arith.index_cast %get3A_646 : i32 to index
      %get3A_648 = arith.index_cast %scan3A_340 : i32 to index
      %get3A_649 = arith.constant 240 : index
      %get3A_650 = tpu.vector_load %arg8[%get3A_647, %get3A_648, %get3A_649] {strides = array<i32>} : memref<2x32x640xf32, #tpu.memory_space<vmem>>, vector<1x1x16xf32>,
      %get3A_651 = vector.shape_cast %get3A_650 : vector<1x1x16xf32> to vector<16xf32>
      %add3A_652 = arith.addf %get3A_645, %get3A_651 : vector<16xf32>
      %add3A_653 = arith.constant 64 : i32
      %add3A_654 = arith.addi %add3A_653, %scan3A_340 : i32
      %swap3A_655 = arith.index_cast %add3A_654 : i32 to index
      %swap3A_656 = arith.constant 240 : index
      %swap3A_657 = tpu.vector_load %arg7[%swap3A_655, %swap3A_656] {strides = array<i32>} : memref<128x640xf32, #tpu.memory_space<vmem>>, vector<1x16xf32>,
      %swap3A_658 = vector.shape_cast %swap3A_657 : vector<1x16xf32> to vector<16xf32>
      %swap3A_659 = vector.shape_cast %add3A_652 : vector<16xf32> to vector<1x16xf32>
      tpu.vector_store %arg7[%swap3A_655, %swap3A_656], %swap3A_659 {strides = array<i32>} : memref<128x640xf32, #tpu.memory_space<vmem>>, vector<1x16xf32>,
      %add3A_660 = arith.constant 64 : i32
      %add3A_661 = arith.addi %add3A_660, %scan3A_340 : i32
      %get3A_662 = arith.index_cast %add3A_661 : i32 to index
      %get3A_663 = arith.constant 256 : index
      %get3A_664 = tpu.vector_load %arg7[%get3A_662, %get3A_663] {strides = array<i32>} : memref<128x640xf32, #tpu.memory_space<vmem>>, vector<1x16xf32>,
      %get3A_665 = vector.shape_cast %get3A_664 : vector<1x16xf32> to vector<16xf32>
      %get3A_666 = arith.constant 0 : i32
      %get3A_667 = arith.index_cast %get3A_666 : i32 to index
      %get3A_668 = arith.index_cast %scan3A_340 : i32 to index
      %get3A_669 = arith.constant 256 : index
      %get3A_670 = tpu.vector_load %arg8[%get3A_667, %get3A_668, %get3A_669] {strides = array<i32>} : memref<2x32x640xf32, #tpu.memory_space<vmem>>, vector<1x1x16xf32>,
      %get3A_671 = vector.shape_cast %get3A_670 : vector<1x1x16xf32> to vector<16xf32>
      %add3A_672 = arith.addf %get3A_665, %get3A_671 : vector<16xf32>
      %add3A_673 = arith.constant 64 : i32
      %add3A_674 = arith.addi %add3A_673, %scan3A_340 : i32
      %swap3A_675 = arith.index_cast %add3A_674 : i32 to index
      %swap3A_676 = arith.constant 256 : index
      %swap3A_677 = tpu.vector_load %arg7[%swap3A_675, %swap3A_676] {strides = array<i32>} : memref<128x640xf32, #tpu.memory_space<vmem>>, vector<1x16xf32>,
      %swap3A_678 = vector.shape_cast %swap3A_677 : vector<1x16xf32> to vector<16xf32>
      %swap3A_679 = vector.shape_cast %add3A_672 : vector<16xf32> to vector<1x16xf32>
      tpu.vector_store %arg7[%swap3A_675, %swap3A_676], %swap3A_679 {strides = array<i32>} : memref<128x640xf32, #tpu.memory_space<vmem>>, vector<1x16xf32>,
      %add3A_680 = arith.constant 64 : i32
      %add3A_681 = arith.addi %add3A_680, %scan3A_340 : i32
      %get3A_682 = arith.index_cast %add3A_681 : i32 to index
      %get3A_683 = arith.constant 272 : index
      %get3A_684 = tpu.vector_load %arg7[%get3A_682, %get3A_683] {strides = array<i32>} : memref<128x640xf32, #tpu.memory_space<vmem>>, vector<1x16xf32>,
      %get3A_685 = vector.shape_cast %get3A_684 : vector<1x16xf32> to vector<16xf32>
      %get3A_686 = arith.constant 0 : i32
      %get3A_687 = arith.index_cast %get3A_686 : i32 to index
      %get3A_688 = arith.index_cast %scan3A_340 : i32 to index
      %get3A_689 = arith.constant 272 : index
      %get3A_690 = tpu.vector_load %arg8[%get3A_687, %get3A_688, %get3A_689] {strides = array<i32>} : memref<2x32x640xf32, #tpu.memory_space<vmem>>, vector<1x1x16xf32>,
      %get3A_691 = vector.shape_cast %get3A_690 : vector<1x1x16xf32> to vector<16xf32>
      %add3A_692 = arith.addf %get3A_685, %get3A_691 : vector<16xf32>
      %add3A_693 = arith.constant 64 : i32
      %add3A_694 = arith.addi %add3A_693, %scan3A_340 : i32
      %swap3A_695 = arith.index_cast %add3A_694 : i32 to index
      %swap3A_696 = arith.constant 272 : index
      %swap3A_697 = tpu.vector_load %arg7[%swap3A_695, %swap3A_696] {strides = array<i32>} : memref<128x640xf32, #tpu.memory_space<vmem>>, vector<1x16xf32>,
      %swap3A_698 = vector.shape_cast %swap3A_697 : vector<1x16xf32> to vector<16xf32>
      %swap3A_699 = vector.shape_cast %add3A_692 : vector<16xf32> to vector<1x16xf32>
      tpu.vector_store %arg7[%swap3A_695, %swap3A_696], %swap3A_699 {strides = array<i32>} : memref<128x640xf32, #tpu.memory_space<vmem>>, vector<1x16xf32>,
      %add3A_700 = arith.constant 64 : i32
      %add3A_701 = arith.addi %add3A_700, %scan3A_340 : i32
      %get3A_702 = arith.index_cast %add3A_701 : i32 to index
      %get3A_703 = arith.constant 288 : index
      %get3A_704 = tpu.vector_load %arg7[%get3A_702, %get3A_703] {strides = array<i32>} : memref<128x640xf32, #tpu.memory_space<vmem>>, vector<1x16xf32>,
      %get3A_705 = vector.shape_cast %get3A_704 : vector<1x16xf32> to vector<16xf32>
      %get3A_706 = arith.constant 0 : i32
      %get3A_707 = arith.index_cast %get3A_706 : i32 to index
      %get3A_708 = arith.index_cast %scan3A_340 : i32 to index
      %get3A_709 = arith.constant 288 : index
      %get3A_710 = tpu.vector_load %arg8[%get3A_707, %get3A_708, %get3A_709] {strides = array<i32>} : memref<2x32x640xf32, #tpu.memory_space<vmem>>, vector<1x1x16xf32>,
      %get3A_711 = vector.shape_cast %get3A_710 : vector<1x1x16xf32> to vector<16xf32>
      %add3A_712 = arith.addf %get3A_705, %get3A_711 : vector<16xf32>
      %add3A_713 = arith.constant 64 : i32
      %add3A_714 = arith.addi %add3A_713, %scan3A_340 : i32
      %swap3A_715 = arith.index_cast %add3A_714 : i32 to index
      %swap3A_716 = arith.constant 288 : index
      %swap3A_717 = tpu.vector_load %arg7[%swap3A_715, %swap3A_716] {strides = array<i32>} : memref<128x640xf32, #tpu.memory_space<vmem>>, vector<1x16xf32>,
      %swap3A_718 = vector.shape_cast %swap3A_717 : vector<1x16xf32> to vector<16xf32>
      %swap3A_719 = vector.shape_cast %add3A_712 : vector<16xf32> to vector<1x16xf32>
      tpu.vector_store %arg7[%swap3A_715, %swap3A_716], %swap3A_719 {strides = array<i32>} : memref<128x640xf32, #tpu.memory_space<vmem>>, vector<1x16xf32>,
      %add3A_720 = arith.constant 64 : i32
      %add3A_721 = arith.addi %add3A_720, %scan3A_340 : i32
      %get3A_722 = arith.index_cast %add3A_721 : i32 to index
      %get3A_723 = arith.constant 304 : index
      %get3A_724 = tpu.vector_load %arg7[%get3A_722, %get3A_723] {strides = array<i32>} : memref<128x640xf32, #tpu.memory_space<vmem>>, vector<1x16xf32>,
      %get3A_725 = vector.shape_cast %get3A_724 : vector<1x16xf32> to vector<16xf32>
      %get3A_726 = arith.constant 0 : i32
      %get3A_727 = arith.index_cast %get3A_726 : i32 to index
      %get3A_728 = arith.index_cast %scan3A_340 : i32 to index
      %get3A_729 = arith.constant 304 : index
      %get3A_730 = tpu.vector_load %arg8[%get3A_727, %get3A_728, %get3A_729] {strides = array<i32>} : memref<2x32x640xf32, #tpu.memory_space<vmem>>, vector<1x1x16xf32>,
      %get3A_731 = vector.shape_cast %get3A_730 : vector<1x1x16xf32> to vector<16xf32>
      %add3A_732 = arith.addf %get3A_725, %get3A_731 : vector<16xf32>
      %add3A_733 = arith.constant 64 : i32
      %add3A_734 = arith.addi %add3A_733, %scan3A_340 : i32
      %swap3A_735 = arith.index_cast %add3A_734 : i32 to index
      %swap3A_736 = arith.constant 304 : index
      %swap3A_737 = tpu.vector_load %arg7[%swap3A_735, %swap3A_736] {strides = array<i32>} : memref<128x640xf32, #tpu.memory_space<vmem>>, vector<1x16xf32>,
      %swap3A_738 = vector.shape_cast %swap3A_737 : vector<1x16xf32> to vector<16xf32>
      %swap3A_739 = vector.shape_cast %add3A_732 : vector<16xf32> to vector<1x16xf32>
      tpu.vector_store %arg7[%swap3A_735, %swap3A_736], %swap3A_739 {strides = array<i32>} : memref<128x640xf32, #tpu.memory_space<vmem>>, vector<1x16xf32>,
      %add3A_740 = arith.constant 64 : i32
      %add3A_741 = arith.addi %add3A_740, %scan3A_340 : i32
      %get3A_742 = arith.index_cast %add3A_741 : i32 to index
      %get3A_743 = arith.constant 320 : index
      %get3A_744 = tpu.vector_load %arg7[%get3A_742, %get3A_743] {strides = array<i32>} : memref<128x640xf32, #tpu.memory_space<vmem>>, vector<1x16xf32>,
      %get3A_745 = vector.shape_cast %get3A_744 : vector<1x16xf32> to vector<16xf32>
      %get3A_746 = arith.constant 0 : i32
      %get3A_747 = arith.index_cast %get3A_746 : i32 to index
      %get3A_748 = arith.index_cast %scan3A_340 : i32 to index
      %get3A_749 = arith.constant 320 : index
      %get3A_750 = tpu.vector_load %arg8[%get3A_747, %get3A_748, %get3A_749] {strides = array<i32>} : memref<2x32x640xf32, #tpu.memory_space<vmem>>, vector<1x1x16xf32>,
      %get3A_751 = vector.shape_cast %get3A_750 : vector<1x1x16xf32> to vector<16xf32>
      %add3A_752 = arith.addf %get3A_745, %get3A_751 : vector<16xf32>
      %add3A_753 = arith.constant 64 : i32
      %add3A_754 = arith.addi %add3A_753, %scan3A_340 : i32
      %swap3A_755 = arith.index_cast %add3A_754 : i32 to index
      %swap3A_756 = arith.constant 320 : index
      %swap3A_757 = tpu.vector_load %arg7[%swap3A_755, %swap3A_756] {strides = array<i32>} : memref<128x640xf32, #tpu.memory_space<vmem>>, vector<1x16xf32>,
      %swap3A_758 = vector.shape_cast %swap3A_757 : vector<1x16xf32> to vector<16xf32>
      %swap3A_759 = vector.shape_cast %add3A_752 : vector<16xf32> to vector<1x16xf32>
      tpu.vector_store %arg7[%swap3A_755, %swap3A_756], %swap3A_759 {strides = array<i32>} : memref<128x640xf32, #tpu.memory_space<vmem>>, vector<1x16xf32>,
      %add3A_760 = arith.constant 64 : i32
      %add3A_761 = arith.addi %add3A_760, %scan3A_340 : i32
      %get3A_762 = arith.index_cast %add3A_761 : i32 to index
      %get3A_763 = arith.constant 336 : index
      %get3A_764 = tpu.vector_load %arg7[%get3A_762, %get3A_763] {strides = array<i32>} : memref<128x640xf32, #tpu.memory_space<vmem>>, vector<1x16xf32>,
      %get3A_765 = vector.shape_cast %get3A_764 : vector<1x16xf32> to vector<16xf32>
      %get3A_766 = arith.constant 0 : i32
      %get3A_767 = arith.index_cast %get3A_766 : i32 to index
      %get3A_768 = arith.index_cast %scan3A_340 : i32 to index
      %get3A_769 = arith.constant 336 : index
      %get3A_770 = tpu.vector_load %arg8[%get3A_767, %get3A_768, %get3A_769] {strides = array<i32>} : memref<2x32x640xf32, #tpu.memory_space<vmem>>, vector<1x1x16xf32>,
      %get3A_771 = vector.shape_cast %get3A_770 : vector<1x1x16xf32> to vector<16xf32>
      %add3A_772 = arith.addf %get3A_765, %get3A_771 : vector<16xf32>
      %add3A_773 = arith.constant 64 : i32
      %add3A_774 = arith.addi %add3A_773, %scan3A_340 : i32
      %swap3A_775 = arith.index_cast %add3A_774 : i32 to index
      %swap3A_776 = arith.constant 336 : index
      %swap3A_777 = tpu.vector_load %arg7[%swap3A_775, %swap3A_776] {strides = array<i32>} : memref<128x640xf32, #tpu.memory_space<vmem>>, vector<1x16xf32>,
      %swap3A_778 = vector.shape_cast %swap3A_777 : vector<1x16xf32> to vector<16xf32>
      %swap3A_779 = vector.shape_cast %add3A_772 : vector<16xf32> to vector<1x16xf32>
      tpu.vector_store %arg7[%swap3A_775, %swap3A_776], %swap3A_779 {strides = array<i32>} : memref<128x640xf32, #tpu.memory_space<vmem>>, vector<1x16xf32>,
      %add3A_780 = arith.constant 64 : i32
      %add3A_781 = arith.addi %add3A_780, %scan3A_340 : i32
      %get3A_782 = arith.index_cast %add3A_781 : i32 to index
      %get3A_783 = arith.constant 352 : index
      %get3A_784 = tpu.vector_load %arg7[%get3A_782, %get3A_783] {strides = array<i32>} : memref<128x640xf32, #tpu.memory_space<vmem>>, vector<1x16xf32>,
      %get3A_785 = vector.shape_cast %get3A_784 : vector<1x16xf32> to vector<16xf32>
      %get3A_786 = arith.constant 0 : i32
      %get3A_787 = arith.index_cast %get3A_786 : i32 to index
      %get3A_788 = arith.index_cast %scan3A_340 : i32 to index
      %get3A_789 = arith.constant 352 : index
      %get3A_790 = tpu.vector_load %arg8[%get3A_787, %get3A_788, %get3A_789] {strides = array<i32>} : memref<2x32x640xf32, #tpu.memory_space<vmem>>, vector<1x1x16xf32>,
      %get3A_791 = vector.shape_cast %get3A_790 : vector<1x1x16xf32> to vector<16xf32>
      %add3A_792 = arith.addf %get3A_785, %get3A_791 : vector<16xf32>
      %add3A_793 = arith.constant 64 : i32
      %add3A_794 = arith.addi %add3A_793, %scan3A_340 : i32
      %swap3A_795 = arith.index_cast %add3A_794 : i32 to index
      %swap3A_796 = arith.constant 352 : index
      %swap3A_797 = tpu.vector_load %arg7[%swap3A_795, %swap3A_796] {strides = array<i32>} : memref<128x640xf32, #tpu.memory_space<vmem>>, vector<1x16xf32>,
      %swap3A_798 = vector.shape_cast %swap3A_797 : vector<1x16xf32> to vector<16xf32>
      %swap3A_799 = vector.shape_cast %add3A_792 : vector<16xf32> to vector<1x16xf32>
      tpu.vector_store %arg7[%swap3A_795, %swap3A_796], %swap3A_799 {strides = array<i32>} : memref<128x640xf32, #tpu.memory_space<vmem>>, vector<1x16xf32>,
      %add3A_800 = arith.constant 64 : i32
      %add3A_801 = arith.addi %add3A_800, %scan3A_340 : i32
      %get3A_802 = arith.index_cast %add3A_801 : i32 to index
      %get3A_803 = arith.constant 368 : index
      %get3A_804 = tpu.vector_load %arg7[%get3A_802, %get3A_803] {strides = array<i32>} : memref<128x640xf32, #tpu.memory_space<vmem>>, vector<1x16xf32>,
      %get3A_805 = vector.shape_cast %get3A_804 : vector<1x16xf32> to vector<16xf32>
      %get3A_806 = arith.constant 0 : i32
      %get3A_807 = arith.index_cast %get3A_806 : i32 to index
      %get3A_808 = arith.index_cast %scan3A_340 : i32 to index
      %get3A_809 = arith.constant 368 : index
      %get3A_810 = tpu.vector_load %arg8[%get3A_807, %get3A_808, %get3A_809] {strides = array<i32>} : memref<2x32x640xf32, #tpu.memory_space<vmem>>, vector<1x1x16xf32>,
      %get3A_811 = vector.shape_cast %get3A_810 : vector<1x1x16xf32> to vector<16xf32>
      %add3A_812 = arith.addf %get3A_805, %get3A_811 : vector<16xf32>
      %add3A_813 = arith.constant 64 : i32
      %add3A_814 = arith.addi %add3A_813, %scan3A_340 : i32
      %swap3A_815 = arith.index_cast %add3A_814 : i32 to index
      %swap3A_816 = arith.constant 368 : index
      %swap3A_817 = tpu.vector_load %arg7[%swap3A_815, %swap3A_816] {strides = array<i32>} : memref<128x640xf32, #tpu.memory_space<vmem>>, vector<1x16xf32>,
      %swap3A_818 = vector.shape_cast %swap3A_817 : vector<1x16xf32> to vector<16xf32>
      %swap3A_819 = vector.shape_cast %add3A_812 : vector<16xf32> to vector<1x16xf32>
      tpu.vector_store %arg7[%swap3A_815, %swap3A_816], %swap3A_819 {strides = array<i32>} : memref<128x640xf32, #tpu.memory_space<vmem>>, vector<1x16xf32>,
      %add3A_820 = arith.constant 64 : i32
      %add3A_821 = arith.addi %add3A_820, %scan3A_340 : i32
      %get3A_822 = arith.index_cast %add3A_821 : i32 to index
      %get3A_823 = arith.constant 384 : index
      %get3A_824 = tpu.vector_load %arg7[%get3A_822, %get3A_823] {strides = array<i32>} : memref<128x640xf32, #tpu.memory_space<vmem>>, vector<1x16xf32>,
      %get3A_825 = vector.shape_cast %get3A_824 : vector<1x16xf32> to vector<16xf32>
      %get3A_826 = arith.constant 0 : i32
      %get3A_827 = arith.index_cast %get3A_826 : i32 to index
      %get3A_828 = arith.index_cast %scan3A_340 : i32 to index
      %get3A_829 = arith.constant 384 : index
      %get3A_830 = tpu.vector_load %arg8[%get3A_827, %get3A_828, %get3A_829] {strides = array<i32>} : memref<2x32x640xf32, #tpu.memory_space<vmem>>, vector<1x1x16xf32>,
      %get3A_831 = vector.shape_cast %get3A_830 : vector<1x1x16xf32> to vector<16xf32>
      %add3A_832 = arith.addf %get3A_825, %get3A_831 : vector<16xf32>
      %add3A_833 = arith.constant 64 : i32
      %add3A_834 = arith.addi %add3A_833, %scan3A_340 : i32
      %swap3A_835 = arith.index_cast %add3A_834 : i32 to index
      %swap3A_836 = arith.constant 384 : index
      %swap3A_837 = tpu.vector_load %arg7[%swap3A_835, %swap3A_836] {strides = array<i32>} : memref<128x640xf32, #tpu.memory_space<vmem>>, vector<1x16xf32>,
      %swap3A_838 = vector.shape_cast %swap3A_837 : vector<1x16xf32> to vector<16xf32>
      %swap3A_839 = vector.shape_cast %add3A_832 : vector<16xf32> to vector<1x16xf32>
      tpu.vector_store %arg7[%swap3A_835, %swap3A_836], %swap3A_839 {strides = array<i32>} : memref<128x640xf32, #tpu.memory_space<vmem>>, vector<1x16xf32>,
      %add3A_840 = arith.constant 64 : i32
      %add3A_841 = arith.addi %add3A_840, %scan3A_340 : i32
      %get3A_842 = arith.index_cast %add3A_841 : i32 to index
      %get3A_843 = arith.constant 400 : index
      %get3A_844 = tpu.vector_load %arg7[%get3A_842, %get3A_843] {strides = array<i32>} : memref<128x640xf32, #tpu.memory_space<vmem>>, vector<1x16xf32>,
      %get3A_845 = vector.shape_cast %get3A_844 : vector<1x16xf32> to vector<16xf32>
      %get3A_846 = arith.constant 0 : i32
      %get3A_847 = arith.index_cast %get3A_846 : i32 to index
      %get3A_848 = arith.index_cast %scan3A_340 : i32 to index
      %get3A_849 = arith.constant 400 : index
      %get3A_850 = tpu.vector_load %arg8[%get3A_847, %get3A_848, %get3A_849] {strides = array<i32>} : memref<2x32x640xf32, #tpu.memory_space<vmem>>, vector<1x1x16xf32>,
      %get3A_851 = vector.shape_cast %get3A_850 : vector<1x1x16xf32> to vector<16xf32>
      %add3A_852 = arith.addf %get3A_845, %get3A_851 : vector<16xf32>
      %add3A_853 = arith.constant 64 : i32
      %add3A_854 = arith.addi %add3A_853, %scan3A_340 : i32
      %swap3A_855 = arith.index_cast %add3A_854 : i32 to index
      %swap3A_856 = arith.constant 400 : index
      %swap3A_857 = tpu.vector_load %arg7[%swap3A_855, %swap3A_856] {strides = array<i32>} : memref<128x640xf32, #tpu.memory_space<vmem>>, vector<1x16xf32>,
      %swap3A_858 = vector.shape_cast %swap3A_857 : vector<1x16xf32> to vector<16xf32>
      %swap3A_859 = vector.shape_cast %add3A_852 : vector<16xf32> to vector<1x16xf32>
      tpu.vector_store %arg7[%swap3A_855, %swap3A_856], %swap3A_859 {strides = array<i32>} : memref<128x640xf32, #tpu.memory_space<vmem>>, vector<1x16xf32>,
      %add3A_860 = arith.constant 64 : i32
      %add3A_861 = arith.addi %add3A_860, %scan3A_340 : i32
      %get3A_862 = arith.index_cast %add3A_861 : i32 to index
      %get3A_863 = arith.constant 416 : index
      %get3A_864 = tpu.vector_load %arg7[%get3A_862, %get3A_863] {strides = array<i32>} : memref<128x640xf32, #tpu.memory_space<vmem>>, vector<1x16xf32>,
      %get3A_865 = vector.shape_cast %get3A_864 : vector<1x16xf32> to vector<16xf32>
      %get3A_866 = arith.constant 0 : i32
      %get3A_867 = arith.index_cast %get3A_866 : i32 to index
      %get3A_868 = arith.index_cast %scan3A_340 : i32 to index
      %get3A_869 = arith.constant 416 : index
      %get3A_870 = tpu.vector_load %arg8[%get3A_867, %get3A_868, %get3A_869] {strides = array<i32>} : memref<2x32x640xf32, #tpu.memory_space<vmem>>, vector<1x1x16xf32>,
      %get3A_871 = vector.shape_cast %get3A_870 : vector<1x1x16xf32> to vector<16xf32>
      %add3A_872 = arith.addf %get3A_865, %get3A_871 : vector<16xf32>
      %add3A_873 = arith.constant 64 : i32
      %add3A_874 = arith.addi %add3A_873, %scan3A_340 : i32
      %swap3A_875 = arith.index_cast %add3A_874 : i32 to index
      %swap3A_876 = arith.constant 416 : index
      %swap3A_877 = tpu.vector_load %arg7[%swap3A_875, %swap3A_876] {strides = array<i32>} : memref<128x640xf32, #tpu.memory_space<vmem>>, vector<1x16xf32>,
      %swap3A_878 = vector.shape_cast %swap3A_877 : vector<1x16xf32> to vector<16xf32>
      %swap3A_879 = vector.shape_cast %add3A_872 : vector<16xf32> to vector<1x16xf32>
      tpu.vector_store %arg7[%swap3A_875, %swap3A_876], %swap3A_879 {strides = array<i32>} : memref<128x640xf32, #tpu.memory_space<vmem>>, vector<1x16xf32>,
      %add3A_880 = arith.constant 64 : i32
      %add3A_881 = arith.addi %add3A_880, %scan3A_340 : i32
      %get3A_882 = arith.index_cast %add3A_881 : i32 to index
      %get3A_883 = arith.constant 432 : index
      %get3A_884 = tpu.vector_load %arg7[%get3A_882, %get3A_883] {strides = array<i32>} : memref<128x640xf32, #tpu.memory_space<vmem>>, vector<1x16xf32>,
      %get3A_885 = vector.shape_cast %get3A_884 : vector<1x16xf32> to vector<16xf32>
      %get3A_886 = arith.constant 0 : i32
      %get3A_887 = arith.index_cast %get3A_886 : i32 to index
      %get3A_888 = arith.index_cast %scan3A_340 : i32 to index
      %get3A_889 = arith.constant 432 : index
      %get3A_890 = tpu.vector_load %arg8[%get3A_887, %get3A_888, %get3A_889] {strides = array<i32>} : memref<2x32x640xf32, #tpu.memory_space<vmem>>, vector<1x1x16xf32>,
      %get3A_891 = vector.shape_cast %get3A_890 : vector<1x1x16xf32> to vector<16xf32>
      %add3A_892 = arith.addf %get3A_885, %get3A_891 : vector<16xf32>
      %add3A_893 = arith.constant 64 : i32
      %add3A_894 = arith.addi %add3A_893, %scan3A_340 : i32
      %swap3A_895 = arith.index_cast %add3A_894 : i32 to index
      %swap3A_896 = arith.constant 432 : index
      %swap3A_897 = tpu.vector_load %arg7[%swap3A_895, %swap3A_896] {strides = array<i32>} : memref<128x640xf32, #tpu.memory_space<vmem>>, vector<1x16xf32>,
      %swap3A_898 = vector.shape_cast %swap3A_897 : vector<1x16xf32> to vector<16xf32>
      %swap3A_899 = vector.shape_cast %add3A_892 : vector<16xf32> to vector<1x16xf32>
      tpu.vector_store %arg7[%swap3A_895, %swap3A_896], %swap3A_899 {strides = array<i32>} : memref<128x640xf32, #tpu.memory_space<vmem>>, vector<1x16xf32>,
      %add3A_900 = arith.constant 64 : i32
      %add3A_901 = arith.addi %add3A_900, %scan3A_340 : i32
      %get3A_902 = arith.index_cast %add3A_901 : i32 to index
      %get3A_903 = arith.constant 448 : index
      %get3A_904 = tpu.vector_load %arg7[%get3A_902, %get3A_903] {strides = array<i32>} : memref<128x640xf32, #tpu.memory_space<vmem>>, vector<1x16xf32>,
      %get3A_905 = vector.shape_cast %get3A_904 : vector<1x16xf32> to vector<16xf32>
      %get3A_906 = arith.constant 0 : i32
      %get3A_907 = arith.index_cast %get3A_906 : i32 to index
      %get3A_908 = arith.index_cast %scan3A_340 : i32 to index
      %get3A_909 = arith.constant 448 : index
      %get3A_910 = tpu.vector_load %arg8[%get3A_907, %get3A_908, %get3A_909] {strides = array<i32>} : memref<2x32x640xf32, #tpu.memory_space<vmem>>, vector<1x1x16xf32>,
      %get3A_911 = vector.shape_cast %get3A_910 : vector<1x1x16xf32> to vector<16xf32>
      %add3A_912 = arith.addf %get3A_905, %get3A_911 : vector<16xf32>
      %add3A_913 = arith.constant 64 : i32
      %add3A_914 = arith.addi %add3A_913, %scan3A_340 : i32
      %swap3A_915 = arith.index_cast %add3A_914 : i32 to index
      %swap3A_916 = arith.constant 448 : index
      %swap3A_917 = tpu.vector_load %arg7[%swap3A_915, %swap3A_916] {strides = array<i32>} : memref<128x640xf32, #tpu.memory_space<vmem>>, vector<1x16xf32>,
      %swap3A_918 = vector.shape_cast %swap3A_917 : vector<1x16xf32> to vector<16xf32>
      %swap3A_919 = vector.shape_cast %add3A_912 : vector<16xf32> to vector<1x16xf32>
      tpu.vector_store %arg7[%swap3A_915, %swap3A_916], %swap3A_919 {strides = array<i32>} : memref<128x640xf32, #tpu.memory_space<vmem>>, vector<1x16xf32>,
      %add3A_920 = arith.constant 64 : i32
      %add3A_921 = arith.addi %add3A_920, %scan3A_340 : i32
      %get3A_922 = arith.index_cast %add3A_921 : i32 to index
      %get3A_923 = arith.constant 464 : index
      %get3A_924 = tpu.vector_load %arg7[%get3A_922, %get3A_923] {strides = array<i32>} : memref<128x640xf32, #tpu.memory_space<vmem>>, vector<1x16xf32>,
      %get3A_925 = vector.shape_cast %get3A_924 : vector<1x16xf32> to vector<16xf32>
      %get3A_926 = arith.constant 0 : i32
      %get3A_927 = arith.index_cast %get3A_926 : i32 to index
      %get3A_928 = arith.index_cast %scan3A_340 : i32 to index
      %get3A_929 = arith.constant 464 : index
      %get3A_930 = tpu.vector_load %arg8[%get3A_927, %get3A_928, %get3A_929] {strides = array<i32>} : memref<2x32x640xf32, #tpu.memory_space<vmem>>, vector<1x1x16xf32>,
      %get3A_931 = vector.shape_cast %get3A_930 : vector<1x1x16xf32> to vector<16xf32>
      %add3A_932 = arith.addf %get3A_925, %get3A_931 : vector<16xf32>
      %add3A_933 = arith.constant 64 : i32
      %add3A_934 = arith.addi %add3A_933, %scan3A_340 : i32
      %swap3A_935 = arith.index_cast %add3A_934 : i32 to index
      %swap3A_936 = arith.constant 464 : index
      %swap3A_937 = tpu.vector_load %arg7[%swap3A_935, %swap3A_936] {strides = array<i32>} : memref<128x640xf32, #tpu.memory_space<vmem>>, vector<1x16xf32>,
      %swap3A_938 = vector.shape_cast %swap3A_937 : vector<1x16xf32> to vector<16xf32>
      %swap3A_939 = vector.shape_cast %add3A_932 : vector<16xf32> to vector<1x16xf32>
      tpu.vector_store %arg7[%swap3A_935, %swap3A_936], %swap3A_939 {strides = array<i32>} : memref<128x640xf32, #tpu.memory_space<vmem>>, vector<1x16xf32>,
      %add3A_940 = arith.constant 64 : i32
      %add3A_941 = arith.addi %add3A_940, %scan3A_340 : i32
      %get3A_942 = arith.index_cast %add3A_941 : i32 to index
      %get3A_943 = arith.constant 480 : index
      %get3A_944 = tpu.vector_load %arg7[%get3A_942, %get3A_943] {strides = array<i32>} : memref<128x640xf32, #tpu.memory_space<vmem>>, vector<1x16xf32>,
      %get3A_945 = vector.shape_cast %get3A_944 : vector<1x16xf32> to vector<16xf32>
      %get3A_946 = arith.constant 0 : i32
      %get3A_947 = arith.index_cast %get3A_946 : i32 to index
      %get3A_948 = arith.index_cast %scan3A_340 : i32 to index
      %get3A_949 = arith.constant 480 : index
      %get3A_950 = tpu.vector_load %arg8[%get3A_947, %get3A_948, %get3A_949] {strides = array<i32>} : memref<2x32x640xf32, #tpu.memory_space<vmem>>, vector<1x1x16xf32>,
      %get3A_951 = vector.shape_cast %get3A_950 : vector<1x1x16xf32> to vector<16xf32>
      %add3A_952 = arith.addf %get3A_945, %get3A_951 : vector<16xf32>
      %add3A_953 = arith.constant 64 : i32
      %add3A_954 = arith.addi %add3A_953, %scan3A_340 : i32
      %swap3A_955 = arith.index_cast %add3A_954 : i32 to index
      %swap3A_956 = arith.constant 480 : index
      %swap3A_957 = tpu.vector_load %arg7[%swap3A_955, %swap3A_956] {strides = array<i32>} : memref<128x640xf32, #tpu.memory_space<vmem>>, vector<1x16xf32>,
      %swap3A_958 = vector.shape_cast %swap3A_957 : vector<1x16xf32> to vector<16xf32>
      %swap3A_959 = vector.shape_cast %add3A_952 : vector<16xf32> to vector<1x16xf32>
      tpu.vector_store %arg7[%swap3A_955, %swap3A_956], %swap3A_959 {strides = array<i32>} : memref<128x640xf32, #tpu.memory_space<vmem>>, vector<1x16xf32>,
      %add3A_960 = arith.constant 64 : i32
      %add3A_961 = arith.addi %add3A_960, %scan3A_340 : i32
      %get3A_962 = arith.index_cast %add3A_961 : i32 to index
      %get3A_963 = arith.constant 496 : index
      %get3A_964 = tpu.vector_load %arg7[%get3A_962, %get3A_963] {strides = array<i32>} : memref<128x640xf32, #tpu.memory_space<vmem>>, vector<1x16xf32>,
      %get3A_965 = vector.shape_cast %get3A_964 : vector<1x16xf32> to vector<16xf32>
      %get3A_966 = arith.constant 0 : i32
      %get3A_967 = arith.index_cast %get3A_966 : i32 to index
      %get3A_968 = arith.index_cast %scan3A_340 : i32 to index
      %get3A_969 = arith.constant 496 : index
      %get3A_970 = tpu.vector_load %arg8[%get3A_967, %get3A_968, %get3A_969] {strides = array<i32>} : memref<2x32x640xf32, #tpu.memory_space<vmem>>, vector<1x1x16xf32>,
      %get3A_971 = vector.shape_cast %get3A_970 : vector<1x1x16xf32> to vector<16xf32>
      %add3A_972 = arith.addf %get3A_965, %get3A_971 : vector<16xf32>
      %add3A_973 = arith.constant 64 : i32
      %add3A_974 = arith.addi %add3A_973, %scan3A_340 : i32
      %swap3A_975 = arith.index_cast %add3A_974 : i32 to index
      %swap3A_976 = arith.constant 496 : index
      %swap3A_977 = tpu.vector_load %arg7[%swap3A_975, %swap3A_976] {strides = array<i32>} : memref<128x640xf32, #tpu.memory_space<vmem>>, vector<1x16xf32>,
      %swap3A_978 = vector.shape_cast %swap3A_977 : vector<1x16xf32> to vector<16xf32>
      %swap3A_979 = vector.shape_cast %add3A_972 : vector<16xf32> to vector<1x16xf32>
      tpu.vector_store %arg7[%swap3A_975, %swap3A_976], %swap3A_979 {strides = array<i32>} : memref<128x640xf32, #tpu.memory_space<vmem>>, vector<1x16xf32>,
      %add3A_980 = arith.constant 64 : i32
      %add3A_981 = arith.addi %add3A_980, %scan3A_340 : i32
      %get3A_982 = arith.index_cast %add3A_981 : i32 to index
      %get3A_983 = arith.constant 512 : index
      %get3A_984 = tpu.vector_load %arg7[%get3A_982, %get3A_983] {strides = array<i32>} : memref<128x640xf32, #tpu.memory_space<vmem>>, vector<1x16xf32>,
      %get3A_985 = vector.shape_cast %get3A_984 : vector<1x16xf32> to vector<16xf32>
      %get3A_986 = arith.constant 0 : i32
      %get3A_987 = arith.index_cast %get3A_986 : i32 to index
      %get3A_988 = arith.index_cast %scan3A_340 : i32 to index
      %get3A_989 = arith.constant 512 : index
      %get3A_990 = tpu.vector_load %arg8[%get3A_987, %get3A_988, %get3A_989] {strides = array<i32>} : memref<2x32x640xf32, #tpu.memory_space<vmem>>, vector<1x1x16xf32>,
      %get3A_991 = vector.shape_cast %get3A_990 : vector<1x1x16xf32> to vector<16xf32>
      %add3A_992 = arith.addf %get3A_985, %get3A_991 : vector<16xf32>
      %add3A_993 = arith.constant 64 : i32
      %add3A_994 = arith.addi %add3A_993, %scan3A_340 : i32
      %swap3A_995 = arith.index_cast %add3A_994 : i32 to index
      %swap3A_996 = arith.constant 512 : index
      %swap3A_997 = tpu.vector_load %arg7[%swap3A_995, %swap3A_996] {strides = array<i32>} : memref<128x640xf32, #tpu.memory_space<vmem>>, vector<1x16xf32>,
      %swap3A_998 = vector.shape_cast %swap3A_997 : vector<1x16xf32> to vector<16xf32>
      %swap3A_999 = vector.shape_cast %add3A_992 : vector<16xf32> to vector<1x16xf32>
      tpu.vector_store %arg7[%swap3A_995, %swap3A_996], %swap3A_999 {strides = array<i32>} : memref<128x640xf32, #tpu.memory_space<vmem>>, vector<1x16xf32>,
      %add3A_1000 = arith.constant 64 : i32
      %add3A_1001 = arith.addi %add3A_1000, %scan3A_340 : i32
      %get3A_1002 = arith.index_cast %add3A_1001 : i32 to index
      %get3A_1003 = arith.constant 528 : index
      %get3A_1004 = tpu.vector_load %arg7[%get3A_1002, %get3A_1003] {strides = array<i32>} : memref<128x640xf32, #tpu.memory_space<vmem>>, vector<1x16xf32>,
      %get3A_1005 = vector.shape_cast %get3A_1004 : vector<1x16xf32> to vector<16xf32>
      %get3A_1006 = arith.constant 0 : i32
      %get3A_1007 = arith.index_cast %get3A_1006 : i32 to index
      %get3A_1008 = arith.index_cast %scan3A_340 : i32 to index
      %get3A_1009 = arith.constant 528 : index
      %get3A_1010 = tpu.vector_load %arg8[%get3A_1007, %get3A_1008, %get3A_1009] {strides = array<i32>} : memref<2x32x640xf32, #tpu.memory_space<vmem>>, vector<1x1x16xf32>,
      %get3A_1011 = vector.shape_cast %get3A_1010 : vector<1x1x16xf32> to vector<16xf32>
      %add3A_1012 = arith.addf %get3A_1005, %get3A_1011 : vector<16xf32>
      %add3A_1013 = arith.constant 64 : i32
      %add3A_1014 = arith.addi %add3A_1013, %scan3A_340 : i32
      %swap3A_1015 = arith.index_cast %add3A_1014 : i32 to index
      %swap3A_1016 = arith.constant 528 : index
      %swap3A_1017 = tpu.vector_load %arg7[%swap3A_1015, %swap3A_1016] {strides = array<i32>} : memref<128x640xf32, #tpu.memory_space<vmem>>, vector<1x16xf32>,
      %swap3A_1018 = vector.shape_cast %swap3A_1017 : vector<1x16xf32> to vector<16xf32>
      %swap3A_1019 = vector.shape_cast %add3A_1012 : vector<16xf32> to vector<1x16xf32>
      tpu.vector_store %arg7[%swap3A_1015, %swap3A_1016], %swap3A_1019 {strides = array<i32>} : memref<128x640xf32, #tpu.memory_space<vmem>>, vector<1x16xf32>,
      %add3A_1020 = arith.constant 64 : i32
      %add3A_1021 = arith.addi %add3A_1020, %scan3A_340 : i32
      %get3A_1022 = arith.index_cast %add3A_1021 : i32 to index
      %get3A_1023 = arith.constant 544 : index
      %get3A_1024 = tpu.vector_load %arg7[%get3A_1022, %get3A_1023] {strides = array<i32>} : memref<128x640xf32, #tpu.memory_space<vmem>>, vector<1x16xf32>,
      %get3A_1025 = vector.shape_cast %get3A_1024 : vector<1x16xf32> to vector<16xf32>
      %get3A_1026 = arith.constant 0 : i32
      %get3A_1027 = arith.index_cast %get3A_1026 : i32 to index
      %get3A_1028 = arith.index_cast %scan3A_340 : i32 to index
      %get3A_1029 = arith.constant 544 : index
      %get3A_1030 = tpu.vector_load %arg8[%get3A_1027, %get3A_1028, %get3A_1029] {strides = array<i32>} : memref<2x32x640xf32, #tpu.memory_space<vmem>>, vector<1x1x16xf32>,
      %get3A_1031 = vector.shape_cast %get3A_1030 : vector<1x1x16xf32> to vector<16xf32>
      %add3A_1032 = arith.addf %get3A_1025, %get3A_1031 : vector<16xf32>
      %add3A_1033 = arith.constant 64 : i32
      %add3A_1034 = arith.addi %add3A_1033, %scan3A_340 : i32
      %swap3A_1035 = arith.index_cast %add3A_1034 : i32 to index
      %swap3A_1036 = arith.constant 544 : index
      %swap3A_1037 = tpu.vector_load %arg7[%swap3A_1035, %swap3A_1036] {strides = array<i32>} : memref<128x640xf32, #tpu.memory_space<vmem>>, vector<1x16xf32>,
      %swap3A_1038 = vector.shape_cast %swap3A_1037 : vector<1x16xf32> to vector<16xf32>
      %swap3A_1039 = vector.shape_cast %add3A_1032 : vector<16xf32> to vector<1x16xf32>
      tpu.vector_store %arg7[%swap3A_1035, %swap3A_1036], %swap3A_1039 {strides = array<i32>} : memref<128x640xf32, #tpu.memory_space<vmem>>, vector<1x16xf32>,
      %add3A_1040 = arith.constant 64 : i32
      %add3A_1041 = arith.addi %add3A_1040, %scan3A_340 : i32
      %get3A_1042 = arith.index_cast %add3A_1041 : i32 to index
      %get3A_1043 = arith.constant 560 : index
      %get3A_1044 = tpu.vector_load %arg7[%get3A_1042, %get3A_1043] {strides = array<i32>} : memref<128x640xf32, #tpu.memory_space<vmem>>, vector<1x16xf32>,
      %get3A_1045 = vector.shape_cast %get3A_1044 : vector<1x16xf32> to vector<16xf32>
      %get3A_1046 = arith.constant 0 : i32
      %get3A_1047 = arith.index_cast %get3A_1046 : i32 to index
      %get3A_1048 = arith.index_cast %scan3A_340 : i32 to index
      %get3A_1049 = arith.constant 560 : index
      %get3A_1050 = tpu.vector_load %arg8[%get3A_1047, %get3A_1048, %get3A_1049] {strides = array<i32>} : memref<2x32x640xf32, #tpu.memory_space<vmem>>, vector<1x1x16xf32>,
      %get3A_1051 = vector.shape_cast %get3A_1050 : vector<1x1x16xf32> to vector<16xf32>
      %add3A_1052 = arith.addf %get3A_1045, %get3A_1051 : vector<16xf32>
      %add3A_1053 = arith.constant 64 : i32
      %add3A_1054 = arith.addi %add3A_1053, %scan3A_340 : i32
      %swap3A_1055 = arith.index_cast %add3A_1054 : i32 to index
      %swap3A_1056 = arith.constant 560 : index
      %swap3A_1057 = tpu.vector_load %arg7[%swap3A_1055, %swap3A_1056] {strides = array<i32>} : memref<128x640xf32, #tpu.memory_space<vmem>>, vector<1x16xf32>,
      %swap3A_1058 = vector.shape_cast %swap3A_1057 : vector<1x16xf32> to vector<16xf32>
      %swap3A_1059 = vector.shape_cast %add3A_1052 : vector<16xf32> to vector<1x16xf32>
      tpu.vector_store %arg7[%swap3A_1055, %swap3A_1056], %swap3A_1059 {strides = array<i32>} : memref<128x640xf32, #tpu.memory_space<vmem>>, vector<1x16xf32>,
      %add3A_1060 = arith.constant 64 : i32
      %add3A_1061 = arith.addi %add3A_1060, %scan3A_340 : i32
      %get3A_1062 = arith.index_cast %add3A_1061 : i32 to index
      %get3A_1063 = arith.constant 576 : index
      %get3A_1064 = tpu.vector_load %arg7[%get3A_1062, %get3A_1063] {strides = array<i32>} : memref<128x640xf32, #tpu.memory_space<vmem>>, vector<1x16xf32>,
      %get3A_1065 = vector.shape_cast %get3A_1064 : vector<1x16xf32> to vector<16xf32>
      %get3A_1066 = arith.constant 0 : i32
      %get3A_1067 = arith.index_cast %get3A_1066 : i32 to index
      %get3A_1068 = arith.index_cast %scan3A_340 : i32 to index
      %get3A_1069 = arith.constant 576 : index
      %get3A_1070 = tpu.vector_load %arg8[%get3A_1067, %get3A_1068, %get3A_1069] {strides = array<i32>} : memref<2x32x640xf32, #tpu.memory_space<vmem>>, vector<1x1x16xf32>,
      %get3A_1071 = vector.shape_cast %get3A_1070 : vector<1x1x16xf32> to vector<16xf32>
      %add3A_1072 = arith.addf %get3A_1065, %get3A_1071 : vector<16xf32>
      %add3A_1073 = arith.constant 64 : i32
      %add3A_1074 = arith.addi %add3A_1073, %scan3A_340 : i32
      %swap3A_1075 = arith.index_cast %add3A_1074 : i32 to index
      %swap3A_1076 = arith.constant 576 : index
      %swap3A_1077 = tpu.vector_load %arg7[%swap3A_1075, %swap3A_1076] {strides = array<i32>} : memref<128x640xf32, #tpu.memory_space<vmem>>, vector<1x16xf32>,
      %swap3A_1078 = vector.shape_cast %swap3A_1077 : vector<1x16xf32> to vector<16xf32>
      %swap3A_1079 = vector.shape_cast %add3A_1072 : vector<16xf32> to vector<1x16xf32>
      tpu.vector_store %arg7[%swap3A_1075, %swap3A_1076], %swap3A_1079 {strides = array<i32>} : memref<128x640xf32, #tpu.memory_space<vmem>>, vector<1x16xf32>,
      %add3A_1080 = arith.constant 64 : i32
      %add3A_1081 = arith.addi %add3A_1080, %scan3A_340 : i32
      %get3A_1082 = arith.index_cast %add3A_1081 : i32 to index
      %get3A_1083 = arith.constant 592 : index
      %get3A_1084 = tpu.vector_load %arg7[%get3A_1082, %get3A_1083] {strides = array<i32>} : memref<128x640xf32, #tpu.memory_space<vmem>>, vector<1x16xf32>,
      %get3A_1085 = vector.shape_cast %get3A_1084 : vector<1x16xf32> to vector<16xf32>
      %get3A_1086 = arith.constant 0 : i32
      %get3A_1087 = arith.index_cast %get3A_1086 : i32 to index
      %get3A_1088 = arith.index_cast %scan3A_340 : i32 to index
      %get3A_1089 = arith.constant 592 : index
      %get3A_1090 = tpu.vector_load %arg8[%get3A_1087, %get3A_1088, %get3A_1089] {strides = array<i32>} : memref<2x32x640xf32, #tpu.memory_space<vmem>>, vector<1x1x16xf32>,
      %get3A_1091 = vector.shape_cast %get3A_1090 : vector<1x1x16xf32> to vector<16xf32>
      %add3A_1092 = arith.addf %get3A_1085, %get3A_1091 : vector<16xf32>
      %add3A_1093 = arith.constant 64 : i32
      %add3A_1094 = arith.addi %add3A_1093, %scan3A_340 : i32
      %swap3A_1095 = arith.index_cast %add3A_1094 : i32 to index
      %swap3A_1096 = arith.constant 592 : index
      %swap3A_1097 = tpu.vector_load %arg7[%swap3A_1095, %swap3A_1096] {strides = array<i32>} : memref<128x640xf32, #tpu.memory_space<vmem>>, vector<1x16xf32>,
      %swap3A_1098 = vector.shape_cast %swap3A_1097 : vector<1x16xf32> to vector<16xf32>
      %swap3A_1099 = vector.shape_cast %add3A_1092 : vector<16xf32> to vector<1x16xf32>
      tpu.vector_store %arg7[%swap3A_1095, %swap3A_1096], %swap3A_1099 {strides = array<i32>} : memref<128x640xf32, #tpu.memory_space<vmem>>, vector<1x16xf32>,
      %add3A_1100 = arith.constant 64 : i32
      %add3A_1101 = arith.addi %add3A_1100, %scan3A_340 : i32
      %get3A_1102 = arith.index_cast %add3A_1101 : i32 to index
      %get3A_1103 = arith.constant 608 : index
      %get3A_1104 = tpu.vector_load %arg7[%get3A_1102, %get3A_1103] {strides = array<i32>} : memref<128x640xf32, #tpu.memory_space<vmem>>, vector<1x16xf32>,
      %get3A_1105 = vector.shape_cast %get3A_1104 : vector<1x16xf32> to vector<16xf32>
      %get3A_1106 = arith.constant 0 : i32
      %get3A_1107 = arith.index_cast %get3A_1106 : i32 to index
      %get3A_1108 = arith.index_cast %scan3A_340 : i32 to index
      %get3A_1109 = arith.constant 608 : index
      %get3A_1110 = tpu.vector_load %arg8[%get3A_1107, %get3A_1108, %get3A_1109] {strides = array<i32>} : memref<2x32x640xf32, #tpu.memory_space<vmem>>, vector<1x1x16xf32>,
      %get3A_1111 = vector.shape_cast %get3A_1110 : vector<1x1x16xf32> to vector<16xf32>
      %add3A_1112 = arith.addf %get3A_1105, %get3A_1111 : vector<16xf32>
      %add3A_1113 = arith.constant 64 : i32
      %add3A_1114 = arith.addi %add3A_1113, %scan3A_340 : i32
      %swap3A_1115 = arith.index_cast %add3A_1114 : i32 to index
      %swap3A_1116 = arith.constant 608 : index
      %swap3A_1117 = tpu.vector_load %arg7[%swap3A_1115, %swap3A_1116] {strides = array<i32>} : memref<128x640xf32, #tpu.memory_space<vmem>>, vector<1x16xf32>,
      %swap3A_1118 = vector.shape_cast %swap3A_1117 : vector<1x16xf32> to vector<16xf32>
      %swap3A_1119 = vector.shape_cast %add3A_1112 : vector<16xf32> to vector<1x16xf32>
      tpu.vector_store %arg7[%swap3A_1115, %swap3A_1116], %swap3A_1119 {strides = array<i32>} : memref<128x640xf32, #tpu.memory_space<vmem>>, vector<1x16xf32>,
      %add3A_1120 = arith.constant 64 : i32
      %add3A_1121 = arith.addi %add3A_1120, %scan3A_340 : i32
      %get3A_1122 = arith.index_cast %add3A_1121 : i32 to index
      %get3A_1123 = arith.constant 624 : index
      %get3A_1124 = tpu.vector_load %arg7[%get3A_1122, %get3A_1123] {strides = array<i32>} : memref<128x640xf32, #tpu.memory_space<vmem>>, vector<1x16xf32>,
      %get3A_1125 = vector.shape_cast %get3A_1124 : vector<1x16xf32> to vector<16xf32>
      %get3A_1126 = arith.constant 0 : i32
      %get3A_1127 = arith.index_cast %get3A_1126 : i32 to index
      %get3A_1128 = arith.index_cast %scan3A_340 : i32 to index
      %get3A_1129 = arith.constant 624 : index
      %get3A_1130 = tpu.vector_load %arg8[%get3A_1127, %get3A_1128, %get3A_1129] {strides = array<i32>} : memref<2x32x640xf32, #tpu.memory_space<vmem>>, vector<1x1x16xf32>,
      %get3A_1131 = vector.shape_cast %get3A_1130 : vector<1x1x16xf32> to vector<16xf32>
      %add3A_1132 = arith.addf %get3A_1125, %get3A_1131 : vector<16xf32>
      %add3A_1133 = arith.constant 64 : i32
      %add3A_1134 = arith.addi %add3A_1133, %scan3A_340 : i32
      %swap3A_1135 = arith.index_cast %add3A_1134 : i32 to index
      %swap3A_1136 = arith.constant 624 : index
      %swap3A_1137 = tpu.vector_load %arg7[%swap3A_1135, %swap3A_1136] {strides = array<i32>} : memref<128x640xf32, #tpu.memory_space<vmem>>, vector<1x16xf32>,
      %swap3A_1138 = vector.shape_cast %swap3A_1137 : vector<1x16xf32> to vector<16xf32>
      %swap3A_1139 = vector.shape_cast %add3A_1132 : vector<16xf32> to vector<1x16xf32>
      tpu.vector_store %arg7[%swap3A_1135, %swap3A_1136], %swap3A_1139 {strides = array<i32>} : memref<128x640xf32, #tpu.memory_space<vmem>>, vector<1x16xf32>,
      %scan3A_1140 = arith.constant 0 : i32
      scf.yield %scan3A_1140 : i32
    }
    %scan3A_241 = arith.constant 32 : i32
    %add3A_242 = arith.constant 64 : i32
    %add3A_243 = arith.addi %mul3A_2, %add3A_242 : i32
    %dma_start3A_244 = arith.constant 64 : i32
    %dma_start3A_245 = arith.constant 0 : i32
    %dma_start3A_246 = tpu.memref_slice %arg7[%dma_start3A_244, %dma_start3A_245] : memref<128x640xf32, #tpu.memory_space<vmem>> -> memref<32x640xf32, #tpu.memory_space<vmem>>
    %dma_start3A_247 = arith.constant 0 : i32
    %dma_start3A_248 = tpu.memref_slice %arg5[%add3A_243, %dma_start3A_247] : memref<4096x640xf32, #tpu.memory_space<hbm>> -> memref<32x640xf32, #tpu.memory_space<hbm>>
    %dma_start3A_249 = arith.constant 0 : i32
    %dma_start3A_250 = tpu.memref_slice %arg5[%add3A_243, %dma_start3A_249] : memref<4096x640xf32, #tpu.memory_space<hbm>> -> memref<32x640xf32, #tpu.memory_space<hbm>>
    %dma_start3A_251 = arith.constant 64 : i32
    %dma_start3A_252 = arith.constant 0 : i32
    %dma_start3A_253 = tpu.memref_slice %arg7[%dma_start3A_251, %dma_start3A_252] : memref<128x640xf32, #tpu.memory_space<vmem>> -> memref<32x640xf32, #tpu.memory_space<vmem>>
    tpu.enqueue_dma source(%dma_start3A_253 : memref<32x640xf32, #tpu.memory_space<vmem>>) target(%dma_start3A_250 : memref<32x640xf32, #tpu.memory_space<hbm>>) target_semaphore(%arg11 : memref<!tpu.dma_semaphore, #tpu.memory_space<semaphore_mem>>)
    %dma_wait3A_254 = arith.constant 1 : i32
    %dma_wait3A_255 = arith.constant 96 : i32
    %dma_wait3A_256 = arith.constant 0 : i32
    %dma_wait3A_257 = tpu.memref_slice %arg7[%dma_wait3A_255, %dma_wait3A_256] : memref<128x640xf32, #tpu.memory_space<vmem>> -> memref<32x640xf32, #tpu.memory_space<vmem>>
    %dma_wait3A_258 = arith.constant 96 : i32
    %dma_wait3A_259 = tpu.memref_slice %arg6[%dma_wait3A_258] : memref<128xi32, #tpu.memory_space<vmem>> -> memref<32xi32, #tpu.memory_space<vmem>>
    %dma_wait3A_260 = arith.constant 0 : i32
    %dma_wait3A_261 = arith.constant 0 : i32
    %dma_wait3A_262 = tpu.memref_slice %arg2[%dma_wait3A_260, %dma_wait3A_261] : memref<100000x640xf32, #tpu.memory_space<hbm>> -> memref<100000x640xf32, #tpu.memory_space<hbm>>
    %dma_wait3A_263 = tpu.memref_slice %arg9[%dma_wait3A_254] : memref<2x!tpu.dma_semaphore, #tpu.memory_space<semaphore_mem>> -> memref<1x!tpu.dma_semaphore, #tpu.memory_space<semaphore_mem>>
    %dma_wait3A_264 = tpu.memref_squeeze %dma_wait3A_263 : memref<1x!tpu.dma_semaphore, #tpu.memory_space<semaphore_mem>> -> memref<!tpu.dma_semaphore, #tpu.memory_space<semaphore_mem>>
    tpu.wait_indirect_dma semaphore(%dma_wait3A_264 : memref<!tpu.dma_semaphore, #tpu.memory_space<semaphore_mem>>) src(%dma_wait3A_262 : memref<100000x640xf32, #tpu.memory_space<hbm>>) dst(%dma_wait3A_257 : memref<32x640xf32, #tpu.memory_space<vmem>>)
    %dma_wait3A_265 = arith.constant 1 : i32
    %dma_wait3A_266 = arith.constant 1 : i32
    %dma_wait3A_267 = arith.constant 0 : i32
    %dma_wait3A_268 = arith.constant 0 : i32
    %dma_wait3A_269 = tpu.memref_slice %arg8[%dma_wait3A_265, %dma_wait3A_267, %dma_wait3A_268] : memref<2x32x640xf32, #tpu.memory_space<vmem>> -> memref<1x32x640xf32, #tpu.memory_space<vmem>>
    %dma_wait3A_270 = tpu.memref_squeeze %dma_wait3A_269 : memref<1x32x640xf32, #tpu.memory_space<vmem>> -> memref<32x640xf32, #tpu.memory_space<vmem>>
    %dma_wait3A_271 = arith.constant 0 : i32
    %dma_wait3A_272 = tpu.memref_slice %arg4[%add3A_191, %dma_wait3A_271] : memref<4096x640xf32, #tpu.memory_space<hbm>> -> memref<32x640xf32, #tpu.memory_space<hbm>>
    %dma_wait3A_273 = tpu.memref_slice %arg10[%dma_wait3A_266] : memref<2x!tpu.dma_semaphore, #tpu.memory_space<semaphore_mem>> -> memref<1x!tpu.dma_semaphore, #tpu.memory_space<semaphore_mem>>
    %dma_wait3A_274 = tpu.memref_squeeze %dma_wait3A_273 : memref<1x!tpu.dma_semaphore, #tpu.memory_space<semaphore_mem>> -> memref<!tpu.dma_semaphore, #tpu.memory_space<semaphore_mem>>
    %dma_wait3A_275 = arith.constant 0 : i32
    %dma_wait3A_276 = arith.constant 0 : i32
    %dma_wait3A_277 = tpu.memref_slice %arg8[%dma_wait3A_265, %dma_wait3A_275, %dma_wait3A_276] : memref<2x32x640xf32, #tpu.memory_space<vmem>> -> memref<1x32x640xf32, #tpu.memory_space<vmem>>
    %dma_wait3A_278 = tpu.memref_squeeze %dma_wait3A_277 : memref<1x32x640xf32, #tpu.memory_space<vmem>> -> memref<32x640xf32, #tpu.memory_space<vmem>>
    %dma_wait3A_279 = arith.constant 0 : i32
    %dma_wait3A_280 = tpu.memref_slice %arg4[%add3A_191, %dma_wait3A_279] : memref<4096x640xf32, #tpu.memory_space<hbm>> -> memref<32x640xf32, #tpu.memory_space<hbm>>
    tpu.wait_dma2 semaphore(%dma_wait3A_274 : memref<!tpu.dma_semaphore, #tpu.memory_space<semaphore_mem>>) src(%dma_wait3A_280 : memref<32x640xf32, #tpu.memory_space<hbm>>) dst(%dma_wait3A_278 : memref<32x640xf32, #tpu.memory_space<vmem>>)
    %scan3A_281 = arith.constant 0 : i32
    %scan3A_282 = arith.constant 0 : i32
    %scan3A_283 = arith.constant 32 : i32
    %scan3A_284 = arith.addi %scan3A_282, %scan3A_283 : i32
    %scan3A_285 = arith.constant 1 : i32
    %scan3A_286 = scf.for %scan3A_340 = %scan3A_282 to %scan3A_284 step %scan3A_285 iter_args(%scan3A_341 = %scan3A_281) -> (i32)  : i32 {
      %add3A_342 = arith.constant 96 : i32
      %add3A_343 = arith.addi %add3A_342, %scan3A_340 : i32
      %get3A = arith.index_cast %add3A_343 : i32 to index
      %get3A_344 = arith.constant 0 : index
      %get3A_345 = tpu.vector_load %arg7[%get3A, %get3A_344] {strides = array<i32>} : memref<128x640xf32, #tpu.memory_space<vmem>>, vector<1x16xf32>,
      %get3A_346 = vector.shape_cast %get3A_345 : vector<1x16xf32> to vector<16xf32>
      %get3A_347 = arith.constant 1 : i32
      %get3A_348 = arith.index_cast %get3A_347 : i32 to index
      %get3A_349 = arith.index_cast %scan3A_340 : i32 to index
      %get3A_350 = arith.constant 0 : index
      %get3A_351 = tpu.vector_load %arg8[%get3A_348, %get3A_349, %get3A_350] {strides = array<i32>} : memref<2x32x640xf32, #tpu.memory_space<vmem>>, vector<1x1x16xf32>,
      %get3A_352 = vector.shape_cast %get3A_351 : vector<1x1x16xf32> to vector<16xf32>
      %add3A_353 = arith.addf %get3A_346, %get3A_352 : vector<16xf32>
      %add3A_354 = arith.constant 96 : i32
      %add3A_355 = arith.addi %add3A_354, %scan3A_340 : i32
      %swap3A = arith.index_cast %add3A_355 : i32 to index
      %swap3A_356 = arith.constant 0 : index
      %swap3A_357 = tpu.vector_load %arg7[%swap3A, %swap3A_356] {strides = array<i32>} : memref<128x640xf32, #tpu.memory_space<vmem>>, vector<1x16xf32>,
      %swap3A_358 = vector.shape_cast %swap3A_357 : vector<1x16xf32> to vector<16xf32>
      %swap3A_359 = vector.shape_cast %add3A_353 : vector<16xf32> to vector<1x16xf32>
      tpu.vector_store %arg7[%swap3A, %swap3A_356], %swap3A_359 {strides = array<i32>} : memref<128x640xf32, #tpu.memory_space<vmem>>, vector<1x16xf32>,
      %add3A_360 = arith.constant 96 : i32
      %add3A_361 = arith.addi %add3A_360, %scan3A_340 : i32
      %get3A_362 = arith.index_cast %add3A_361 : i32 to index
      %get3A_363 = arith.constant 16 : index
      %get3A_364 = tpu.vector_load %arg7[%get3A_362, %get3A_363] {strides = array<i32>} : memref<128x640xf32, #tpu.memory_space<vmem>>, vector<1x16xf32>,
      %get3A_365 = vector.shape_cast %get3A_364 : vector<1x16xf32> to vector<16xf32>
      %get3A_366 = arith.constant 1 : i32
      %get3A_367 = arith.index_cast %get3A_366 : i32 to index
      %get3A_368 = arith.index_cast %scan3A_340 : i32 to index
      %get3A_369 = arith.constant 16 : index
      %get3A_370 = tpu.vector_load %arg8[%get3A_367, %get3A_368, %get3A_369] {strides = array<i32>} : memref<2x32x640xf32, #tpu.memory_space<vmem>>, vector<1x1x16xf32>,
      %get3A_371 = vector.shape_cast %get3A_370 : vector<1x1x16xf32> to vector<16xf32>
      %add3A_372 = arith.addf %get3A_365, %get3A_371 : vector<16xf32>
      %add3A_373 = arith.constant 96 : i32
      %add3A_374 = arith.addi %add3A_373, %scan3A_340 : i32
      %swap3A_375 = arith.index_cast %add3A_374 : i32 to index
      %swap3A_376 = arith.constant 16 : index
      %swap3A_377 = tpu.vector_load %arg7[%swap3A_375, %swap3A_376] {strides = array<i32>} : memref<128x640xf32, #tpu.memory_space<vmem>>, vector<1x16xf32>,
      %swap3A_378 = vector.shape_cast %swap3A_377 : vector<1x16xf32> to vector<16xf32>
      %swap3A_379 = vector.shape_cast %add3A_372 : vector<16xf32> to vector<1x16xf32>
      tpu.vector_store %arg7[%swap3A_375, %swap3A_376], %swap3A_379 {strides = array<i32>} : memref<128x640xf32, #tpu.memory_space<vmem>>, vector<1x16xf32>,
      %add3A_380 = arith.constant 96 : i32
      %add3A_381 = arith.addi %add3A_380, %scan3A_340 : i32
      %get3A_382 = arith.index_cast %add3A_381 : i32 to index
      %get3A_383 = arith.constant 32 : index
      %get3A_384 = tpu.vector_load %arg7[%get3A_382, %get3A_383] {strides = array<i32>} : memref<128x640xf32, #tpu.memory_space<vmem>>, vector<1x16xf32>,
      %get3A_385 = vector.shape_cast %get3A_384 : vector<1x16xf32> to vector<16xf32>
      %get3A_386 = arith.constant 1 : i32
      %get3A_387 = arith.index_cast %get3A_386 : i32 to index
      %get3A_388 = arith.index_cast %scan3A_340 : i32 to index
      %get3A_389 = arith.constant 32 : index
      %get3A_390 = tpu.vector_load %arg8[%get3A_387, %get3A_388, %get3A_389] {strides = array<i32>} : memref<2x32x640xf32, #tpu.memory_space<vmem>>, vector<1x1x16xf32>,
      %get3A_391 = vector.shape_cast %get3A_390 : vector<1x1x16xf32> to vector<16xf32>
      %add3A_392 = arith.addf %get3A_385, %get3A_391 : vector<16xf32>
      %add3A_393 = arith.constant 96 : i32
      %add3A_394 = arith.addi %add3A_393, %scan3A_340 : i32
      %swap3A_395 = arith.index_cast %add3A_394 : i32 to index
      %swap3A_396 = arith.constant 32 : index
      %swap3A_397 = tpu.vector_load %arg7[%swap3A_395, %swap3A_396] {strides = array<i32>} : memref<128x640xf32, #tpu.memory_space<vmem>>, vector<1x16xf32>,
      %swap3A_398 = vector.shape_cast %swap3A_397 : vector<1x16xf32> to vector<16xf32>
      %swap3A_399 = vector.shape_cast %add3A_392 : vector<16xf32> to vector<1x16xf32>
      tpu.vector_store %arg7[%swap3A_395, %swap3A_396], %swap3A_399 {strides = array<i32>} : memref<128x640xf32, #tpu.memory_space<vmem>>, vector<1x16xf32>,
      %add3A_400 = arith.constant 96 : i32
      %add3A_401 = arith.addi %add3A_400, %scan3A_340 : i32
      %get3A_402 = arith.index_cast %add3A_401 : i32 to index
      %get3A_403 = arith.constant 48 : index
      %get3A_404 = tpu.vector_load %arg7[%get3A_402, %get3A_403] {strides = array<i32>} : memref<128x640xf32, #tpu.memory_space<vmem>>, vector<1x16xf32>,
      %get3A_405 = vector.shape_cast %get3A_404 : vector<1x16xf32> to vector<16xf32>
      %get3A_406 = arith.constant 1 : i32
      %get3A_407 = arith.index_cast %get3A_406 : i32 to index
      %get3A_408 = arith.index_cast %scan3A_340 : i32 to index
      %get3A_409 = arith.constant 48 : index
      %get3A_410 = tpu.vector_load %arg8[%get3A_407, %get3A_408, %get3A_409] {strides = array<i32>} : memref<2x32x640xf32, #tpu.memory_space<vmem>>, vector<1x1x16xf32>,
      %get3A_411 = vector.shape_cast %get3A_410 : vector<1x1x16xf32> to vector<16xf32>
      %add3A_412 = arith.addf %get3A_405, %get3A_411 : vector<16xf32>
      %add3A_413 = arith.constant 96 : i32
      %add3A_414 = arith.addi %add3A_413, %scan3A_340 : i32
      %swap3A_415 = arith.index_cast %add3A_414 : i32 to index
      %swap3A_416 = arith.constant 48 : index
      %swap3A_417 = tpu.vector_load %arg7[%swap3A_415, %swap3A_416] {strides = array<i32>} : memref<128x640xf32, #tpu.memory_space<vmem>>, vector<1x16xf32>,
      %swap3A_418 = vector.shape_cast %swap3A_417 : vector<1x16xf32> to vector<16xf32>
      %swap3A_419 = vector.shape_cast %add3A_412 : vector<16xf32> to vector<1x16xf32>
      tpu.vector_store %arg7[%swap3A_415, %swap3A_416], %swap3A_419 {strides = array<i32>} : memref<128x640xf32, #tpu.memory_space<vmem>>, vector<1x16xf32>,
      %add3A_420 = arith.constant 96 : i32
      %add3A_421 = arith.addi %add3A_420, %scan3A_340 : i32
      %get3A_422 = arith.index_cast %add3A_421 : i32 to index
      %get3A_423 = arith.constant 64 : index
      %get3A_424 = tpu.vector_load %arg7[%get3A_422, %get3A_423] {strides = array<i32>} : memref<128x640xf32, #tpu.memory_space<vmem>>, vector<1x16xf32>,
      %get3A_425 = vector.shape_cast %get3A_424 : vector<1x16xf32> to vector<16xf32>
      %get3A_426 = arith.constant 1 : i32
      %get3A_427 = arith.index_cast %get3A_426 : i32 to index
      %get3A_428 = arith.index_cast %scan3A_340 : i32 to index
      %get3A_429 = arith.constant 64 : index
      %get3A_430 = tpu.vector_load %arg8[%get3A_427, %get3A_428, %get3A_429] {strides = array<i32>} : memref<2x32x640xf32, #tpu.memory_space<vmem>>, vector<1x1x16xf32>,
      %get3A_431 = vector.shape_cast %get3A_430 : vector<1x1x16xf32> to vector<16xf32>
      %add3A_432 = arith.addf %get3A_425, %get3A_431 : vector<16xf32>
      %add3A_433 = arith.constant 96 : i32
      %add3A_434 = arith.addi %add3A_433, %scan3A_340 : i32
      %swap3A_435 = arith.index_cast %add3A_434 : i32 to index
      %swap3A_436 = arith.constant 64 : index
      %swap3A_437 = tpu.vector_load %arg7[%swap3A_435, %swap3A_436] {strides = array<i32>} : memref<128x640xf32, #tpu.memory_space<vmem>>, vector<1x16xf32>,
      %swap3A_438 = vector.shape_cast %swap3A_437 : vector<1x16xf32> to vector<16xf32>
      %swap3A_439 = vector.shape_cast %add3A_432 : vector<16xf32> to vector<1x16xf32>
      tpu.vector_store %arg7[%swap3A_435, %swap3A_436], %swap3A_439 {strides = array<i32>} : memref<128x640xf32, #tpu.memory_space<vmem>>, vector<1x16xf32>,
      %add3A_440 = arith.constant 96 : i32
      %add3A_441 = arith.addi %add3A_440, %scan3A_340 : i32
      %get3A_442 = arith.index_cast %add3A_441 : i32 to index
      %get3A_443 = arith.constant 80 : index
      %get3A_444 = tpu.vector_load %arg7[%get3A_442, %get3A_443] {strides = array<i32>} : memref<128x640xf32, #tpu.memory_space<vmem>>, vector<1x16xf32>,
      %get3A_445 = vector.shape_cast %get3A_444 : vector<1x16xf32> to vector<16xf32>
      %get3A_446 = arith.constant 1 : i32
      %get3A_447 = arith.index_cast %get3A_446 : i32 to index
      %get3A_448 = arith.index_cast %scan3A_340 : i32 to index
      %get3A_449 = arith.constant 80 : index
      %get3A_450 = tpu.vector_load %arg8[%get3A_447, %get3A_448, %get3A_449] {strides = array<i32>} : memref<2x32x640xf32, #tpu.memory_space<vmem>>, vector<1x1x16xf32>,
      %get3A_451 = vector.shape_cast %get3A_450 : vector<1x1x16xf32> to vector<16xf32>
      %add3A_452 = arith.addf %get3A_445, %get3A_451 : vector<16xf32>
      %add3A_453 = arith.constant 96 : i32
      %add3A_454 = arith.addi %add3A_453, %scan3A_340 : i32
      %swap3A_455 = arith.index_cast %add3A_454 : i32 to index
      %swap3A_456 = arith.constant 80 : index
      %swap3A_457 = tpu.vector_load %arg7[%swap3A_455, %swap3A_456] {strides = array<i32>} : memref<128x640xf32, #tpu.memory_space<vmem>>, vector<1x16xf32>,
      %swap3A_458 = vector.shape_cast %swap3A_457 : vector<1x16xf32> to vector<16xf32>
      %swap3A_459 = vector.shape_cast %add3A_452 : vector<16xf32> to vector<1x16xf32>
      tpu.vector_store %arg7[%swap3A_455, %swap3A_456], %swap3A_459 {strides = array<i32>} : memref<128x640xf32, #tpu.memory_space<vmem>>, vector<1x16xf32>,
      %add3A_460 = arith.constant 96 : i32
      %add3A_461 = arith.addi %add3A_460, %scan3A_340 : i32
      %get3A_462 = arith.index_cast %add3A_461 : i32 to index
      %get3A_463 = arith.constant 96 : index
      %get3A_464 = tpu.vector_load %arg7[%get3A_462, %get3A_463] {strides = array<i32>} : memref<128x640xf32, #tpu.memory_space<vmem>>, vector<1x16xf32>,
      %get3A_465 = vector.shape_cast %get3A_464 : vector<1x16xf32> to vector<16xf32>
      %get3A_466 = arith.constant 1 : i32
      %get3A_467 = arith.index_cast %get3A_466 : i32 to index
      %get3A_468 = arith.index_cast %scan3A_340 : i32 to index
      %get3A_469 = arith.constant 96 : index
      %get3A_470 = tpu.vector_load %arg8[%get3A_467, %get3A_468, %get3A_469] {strides = array<i32>} : memref<2x32x640xf32, #tpu.memory_space<vmem>>, vector<1x1x16xf32>,
      %get3A_471 = vector.shape_cast %get3A_470 : vector<1x1x16xf32> to vector<16xf32>
      %add3A_472 = arith.addf %get3A_465, %get3A_471 : vector<16xf32>
      %add3A_473 = arith.constant 96 : i32
      %add3A_474 = arith.addi %add3A_473, %scan3A_340 : i32
      %swap3A_475 = arith.index_cast %add3A_474 : i32 to index
      %swap3A_476 = arith.constant 96 : index
      %swap3A_477 = tpu.vector_load %arg7[%swap3A_475, %swap3A_476] {strides = array<i32>} : memref<128x640xf32, #tpu.memory_space<vmem>>, vector<1x16xf32>,
      %swap3A_478 = vector.shape_cast %swap3A_477 : vector<1x16xf32> to vector<16xf32>
      %swap3A_479 = vector.shape_cast %add3A_472 : vector<16xf32> to vector<1x16xf32>
      tpu.vector_store %arg7[%swap3A_475, %swap3A_476], %swap3A_479 {strides = array<i32>} : memref<128x640xf32, #tpu.memory_space<vmem>>, vector<1x16xf32>,
      %add3A_480 = arith.constant 96 : i32
      %add3A_481 = arith.addi %add3A_480, %scan3A_340 : i32
      %get3A_482 = arith.index_cast %add3A_481 : i32 to index
      %get3A_483 = arith.constant 112 : index
      %get3A_484 = tpu.vector_load %arg7[%get3A_482, %get3A_483] {strides = array<i32>} : memref<128x640xf32, #tpu.memory_space<vmem>>, vector<1x16xf32>,
      %get3A_485 = vector.shape_cast %get3A_484 : vector<1x16xf32> to vector<16xf32>
      %get3A_486 = arith.constant 1 : i32
      %get3A_487 = arith.index_cast %get3A_486 : i32 to index
      %get3A_488 = arith.index_cast %scan3A_340 : i32 to index
      %get3A_489 = arith.constant 112 : index
      %get3A_490 = tpu.vector_load %arg8[%get3A_487, %get3A_488, %get3A_489] {strides = array<i32>} : memref<2x32x640xf32, #tpu.memory_space<vmem>>, vector<1x1x16xf32>,
      %get3A_491 = vector.shape_cast %get3A_490 : vector<1x1x16xf32> to vector<16xf32>
      %add3A_492 = arith.addf %get3A_485, %get3A_491 : vector<16xf32>
      %add3A_493 = arith.constant 96 : i32
      %add3A_494 = arith.addi %add3A_493, %scan3A_340 : i32
      %swap3A_495 = arith.index_cast %add3A_494 : i32 to index
      %swap3A_496 = arith.constant 112 : index
      %swap3A_497 = tpu.vector_load %arg7[%swap3A_495, %swap3A_496] {strides = array<i32>} : memref<128x640xf32, #tpu.memory_space<vmem>>, vector<1x16xf32>,
      %swap3A_498 = vector.shape_cast %swap3A_497 : vector<1x16xf32> to vector<16xf32>
      %swap3A_499 = vector.shape_cast %add3A_492 : vector<16xf32> to vector<1x16xf32>
      tpu.vector_store %arg7[%swap3A_495, %swap3A_496], %swap3A_499 {strides = array<i32>} : memref<128x640xf32, #tpu.memory_space<vmem>>, vector<1x16xf32>,
      %add3A_500 = arith.constant 96 : i32
      %add3A_501 = arith.addi %add3A_500, %scan3A_340 : i32
      %get3A_502 = arith.index_cast %add3A_501 : i32 to index
      %get3A_503 = arith.constant 128 : index
      %get3A_504 = tpu.vector_load %arg7[%get3A_502, %get3A_503] {strides = array<i32>} : memref<128x640xf32, #tpu.memory_space<vmem>>, vector<1x16xf32>,
      %get3A_505 = vector.shape_cast %get3A_504 : vector<1x16xf32> to vector<16xf32>
      %get3A_506 = arith.constant 1 : i32
      %get3A_507 = arith.index_cast %get3A_506 : i32 to index
      %get3A_508 = arith.index_cast %scan3A_340 : i32 to index
      %get3A_509 = arith.constant 128 : index
      %get3A_510 = tpu.vector_load %arg8[%get3A_507, %get3A_508, %get3A_509] {strides = array<i32>} : memref<2x32x640xf32, #tpu.memory_space<vmem>>, vector<1x1x16xf32>,
      %get3A_511 = vector.shape_cast %get3A_510 : vector<1x1x16xf32> to vector<16xf32>
      %add3A_512 = arith.addf %get3A_505, %get3A_511 : vector<16xf32>
      %add3A_513 = arith.constant 96 : i32
      %add3A_514 = arith.addi %add3A_513, %scan3A_340 : i32
      %swap3A_515 = arith.index_cast %add3A_514 : i32 to index
      %swap3A_516 = arith.constant 128 : index
      %swap3A_517 = tpu.vector_load %arg7[%swap3A_515, %swap3A_516] {strides = array<i32>} : memref<128x640xf32, #tpu.memory_space<vmem>>, vector<1x16xf32>,
      %swap3A_518 = vector.shape_cast %swap3A_517 : vector<1x16xf32> to vector<16xf32>
      %swap3A_519 = vector.shape_cast %add3A_512 : vector<16xf32> to vector<1x16xf32>
      tpu.vector_store %arg7[%swap3A_515, %swap3A_516], %swap3A_519 {strides = array<i32>} : memref<128x640xf32, #tpu.memory_space<vmem>>, vector<1x16xf32>,
      %add3A_520 = arith.constant 96 : i32
      %add3A_521 = arith.addi %add3A_520, %scan3A_340 : i32
      %get3A_522 = arith.index_cast %add3A_521 : i32 to index
      %get3A_523 = arith.constant 144 : index
      %get3A_524 = tpu.vector_load %arg7[%get3A_522, %get3A_523] {strides = array<i32>} : memref<128x640xf32, #tpu.memory_space<vmem>>, vector<1x16xf32>,
      %get3A_525 = vector.shape_cast %get3A_524 : vector<1x16xf32> to vector<16xf32>
      %get3A_526 = arith.constant 1 : i32
      %get3A_527 = arith.index_cast %get3A_526 : i32 to index
      %get3A_528 = arith.index_cast %scan3A_340 : i32 to index
      %get3A_529 = arith.constant 144 : index
      %get3A_530 = tpu.vector_load %arg8[%get3A_527, %get3A_528, %get3A_529] {strides = array<i32>} : memref<2x32x640xf32, #tpu.memory_space<vmem>>, vector<1x1x16xf32>,
      %get3A_531 = vector.shape_cast %get3A_530 : vector<1x1x16xf32> to vector<16xf32>
      %add3A_532 = arith.addf %get3A_525, %get3A_531 : vector<16xf32>
      %add3A_533 = arith.constant 96 : i32
      %add3A_534 = arith.addi %add3A_533, %scan3A_340 : i32
      %swap3A_535 = arith.index_cast %add3A_534 : i32 to index
      %swap3A_536 = arith.constant 144 : index
      %swap3A_537 = tpu.vector_load %arg7[%swap3A_535, %swap3A_536] {strides = array<i32>} : memref<128x640xf32, #tpu.memory_space<vmem>>, vector<1x16xf32>,
      %swap3A_538 = vector.shape_cast %swap3A_537 : vector<1x16xf32> to vector<16xf32>
      %swap3A_539 = vector.shape_cast %add3A_532 : vector<16xf32> to vector<1x16xf32>
      tpu.vector_store %arg7[%swap3A_535, %swap3A_536], %swap3A_539 {strides = array<i32>} : memref<128x640xf32, #tpu.memory_space<vmem>>, vector<1x16xf32>,
      %add3A_540 = arith.constant 96 : i32
      %add3A_541 = arith.addi %add3A_540, %scan3A_340 : i32
      %get3A_542 = arith.index_cast %add3A_541 : i32 to index
      %get3A_543 = arith.constant 160 : index
      %get3A_544 = tpu.vector_load %arg7[%get3A_542, %get3A_543] {strides = array<i32>} : memref<128x640xf32, #tpu.memory_space<vmem>>, vector<1x16xf32>,
      %get3A_545 = vector.shape_cast %get3A_544 : vector<1x16xf32> to vector<16xf32>
      %get3A_546 = arith.constant 1 : i32
      %get3A_547 = arith.index_cast %get3A_546 : i32 to index
      %get3A_548 = arith.index_cast %scan3A_340 : i32 to index
      %get3A_549 = arith.constant 160 : index
      %get3A_550 = tpu.vector_load %arg8[%get3A_547, %get3A_548, %get3A_549] {strides = array<i32>} : memref<2x32x640xf32, #tpu.memory_space<vmem>>, vector<1x1x16xf32>,
      %get3A_551 = vector.shape_cast %get3A_550 : vector<1x1x16xf32> to vector<16xf32>
      %add3A_552 = arith.addf %get3A_545, %get3A_551 : vector<16xf32>
      %add3A_553 = arith.constant 96 : i32
      %add3A_554 = arith.addi %add3A_553, %scan3A_340 : i32
      %swap3A_555 = arith.index_cast %add3A_554 : i32 to index
      %swap3A_556 = arith.constant 160 : index
      %swap3A_557 = tpu.vector_load %arg7[%swap3A_555, %swap3A_556] {strides = array<i32>} : memref<128x640xf32, #tpu.memory_space<vmem>>, vector<1x16xf32>,
      %swap3A_558 = vector.shape_cast %swap3A_557 : vector<1x16xf32> to vector<16xf32>
      %swap3A_559 = vector.shape_cast %add3A_552 : vector<16xf32> to vector<1x16xf32>
      tpu.vector_store %arg7[%swap3A_555, %swap3A_556], %swap3A_559 {strides = array<i32>} : memref<128x640xf32, #tpu.memory_space<vmem>>, vector<1x16xf32>,
      %add3A_560 = arith.constant 96 : i32
      %add3A_561 = arith.addi %add3A_560, %scan3A_340 : i32
      %get3A_562 = arith.index_cast %add3A_561 : i32 to index
      %get3A_563 = arith.constant 176 : index
      %get3A_564 = tpu.vector_load %arg7[%get3A_562, %get3A_563] {strides = array<i32>} : memref<128x640xf32, #tpu.memory_space<vmem>>, vector<1x16xf32>,
      %get3A_565 = vector.shape_cast %get3A_564 : vector<1x16xf32> to vector<16xf32>
      %get3A_566 = arith.constant 1 : i32
      %get3A_567 = arith.index_cast %get3A_566 : i32 to index
      %get3A_568 = arith.index_cast %scan3A_340 : i32 to index
      %get3A_569 = arith.constant 176 : index
      %get3A_570 = tpu.vector_load %arg8[%get3A_567, %get3A_568, %get3A_569] {strides = array<i32>} : memref<2x32x640xf32, #tpu.memory_space<vmem>>, vector<1x1x16xf32>,
      %get3A_571 = vector.shape_cast %get3A_570 : vector<1x1x16xf32> to vector<16xf32>
      %add3A_572 = arith.addf %get3A_565, %get3A_571 : vector<16xf32>
      %add3A_573 = arith.constant 96 : i32
      %add3A_574 = arith.addi %add3A_573, %scan3A_340 : i32
      %swap3A_575 = arith.index_cast %add3A_574 : i32 to index
      %swap3A_576 = arith.constant 176 : index
      %swap3A_577 = tpu.vector_load %arg7[%swap3A_575, %swap3A_576] {strides = array<i32>} : memref<128x640xf32, #tpu.memory_space<vmem>>, vector<1x16xf32>,
      %swap3A_578 = vector.shape_cast %swap3A_577 : vector<1x16xf32> to vector<16xf32>
      %swap3A_579 = vector.shape_cast %add3A_572 : vector<16xf32> to vector<1x16xf32>
      tpu.vector_store %arg7[%swap3A_575, %swap3A_576], %swap3A_579 {strides = array<i32>} : memref<128x640xf32, #tpu.memory_space<vmem>>, vector<1x16xf32>,
      %add3A_580 = arith.constant 96 : i32
      %add3A_581 = arith.addi %add3A_580, %scan3A_340 : i32
      %get3A_582 = arith.index_cast %add3A_581 : i32 to index
      %get3A_583 = arith.constant 192 : index
      %get3A_584 = tpu.vector_load %arg7[%get3A_582, %get3A_583] {strides = array<i32>} : memref<128x640xf32, #tpu.memory_space<vmem>>, vector<1x16xf32>,
      %get3A_585 = vector.shape_cast %get3A_584 : vector<1x16xf32> to vector<16xf32>
      %get3A_586 = arith.constant 1 : i32
      %get3A_587 = arith.index_cast %get3A_586 : i32 to index
      %get3A_588 = arith.index_cast %scan3A_340 : i32 to index
      %get3A_589 = arith.constant 192 : index
      %get3A_590 = tpu.vector_load %arg8[%get3A_587, %get3A_588, %get3A_589] {strides = array<i32>} : memref<2x32x640xf32, #tpu.memory_space<vmem>>, vector<1x1x16xf32>,
      %get3A_591 = vector.shape_cast %get3A_590 : vector<1x1x16xf32> to vector<16xf32>
      %add3A_592 = arith.addf %get3A_585, %get3A_591 : vector<16xf32>
      %add3A_593 = arith.constant 96 : i32
      %add3A_594 = arith.addi %add3A_593, %scan3A_340 : i32
      %swap3A_595 = arith.index_cast %add3A_594 : i32 to index
      %swap3A_596 = arith.constant 192 : index
      %swap3A_597 = tpu.vector_load %arg7[%swap3A_595, %swap3A_596] {strides = array<i32>} : memref<128x640xf32, #tpu.memory_space<vmem>>, vector<1x16xf32>,
      %swap3A_598 = vector.shape_cast %swap3A_597 : vector<1x16xf32> to vector<16xf32>
      %swap3A_599 = vector.shape_cast %add3A_592 : vector<16xf32> to vector<1x16xf32>
      tpu.vector_store %arg7[%swap3A_595, %swap3A_596], %swap3A_599 {strides = array<i32>} : memref<128x640xf32, #tpu.memory_space<vmem>>, vector<1x16xf32>,
      %add3A_600 = arith.constant 96 : i32
      %add3A_601 = arith.addi %add3A_600, %scan3A_340 : i32
      %get3A_602 = arith.index_cast %add3A_601 : i32 to index
      %get3A_603 = arith.constant 208 : index
      %get3A_604 = tpu.vector_load %arg7[%get3A_602, %get3A_603] {strides = array<i32>} : memref<128x640xf32, #tpu.memory_space<vmem>>, vector<1x16xf32>,
      %get3A_605 = vector.shape_cast %get3A_604 : vector<1x16xf32> to vector<16xf32>
      %get3A_606 = arith.constant 1 : i32
      %get3A_607 = arith.index_cast %get3A_606 : i32 to index
      %get3A_608 = arith.index_cast %scan3A_340 : i32 to index
      %get3A_609 = arith.constant 208 : index
      %get3A_610 = tpu.vector_load %arg8[%get3A_607, %get3A_608, %get3A_609] {strides = array<i32>} : memref<2x32x640xf32, #tpu.memory_space<vmem>>, vector<1x1x16xf32>,
      %get3A_611 = vector.shape_cast %get3A_610 : vector<1x1x16xf32> to vector<16xf32>
      %add3A_612 = arith.addf %get3A_605, %get3A_611 : vector<16xf32>
      %add3A_613 = arith.constant 96 : i32
      %add3A_614 = arith.addi %add3A_613, %scan3A_340 : i32
      %swap3A_615 = arith.index_cast %add3A_614 : i32 to index
      %swap3A_616 = arith.constant 208 : index
      %swap3A_617 = tpu.vector_load %arg7[%swap3A_615, %swap3A_616] {strides = array<i32>} : memref<128x640xf32, #tpu.memory_space<vmem>>, vector<1x16xf32>,
      %swap3A_618 = vector.shape_cast %swap3A_617 : vector<1x16xf32> to vector<16xf32>
      %swap3A_619 = vector.shape_cast %add3A_612 : vector<16xf32> to vector<1x16xf32>
      tpu.vector_store %arg7[%swap3A_615, %swap3A_616], %swap3A_619 {strides = array<i32>} : memref<128x640xf32, #tpu.memory_space<vmem>>, vector<1x16xf32>,
      %add3A_620 = arith.constant 96 : i32
      %add3A_621 = arith.addi %add3A_620, %scan3A_340 : i32
      %get3A_622 = arith.index_cast %add3A_621 : i32 to index
      %get3A_623 = arith.constant 224 : index
      %get3A_624 = tpu.vector_load %arg7[%get3A_622, %get3A_623] {strides = array<i32>} : memref<128x640xf32, #tpu.memory_space<vmem>>, vector<1x16xf32>,
      %get3A_625 = vector.shape_cast %get3A_624 : vector<1x16xf32> to vector<16xf32>
      %get3A_626 = arith.constant 1 : i32
      %get3A_627 = arith.index_cast %get3A_626 : i32 to index
      %get3A_628 = arith.index_cast %scan3A_340 : i32 to index
      %get3A_629 = arith.constant 224 : index
      %get3A_630 = tpu.vector_load %arg8[%get3A_627, %get3A_628, %get3A_629] {strides = array<i32>} : memref<2x32x640xf32, #tpu.memory_space<vmem>>, vector<1x1x16xf32>,
      %get3A_631 = vector.shape_cast %get3A_630 : vector<1x1x16xf32> to vector<16xf32>
      %add3A_632 = arith.addf %get3A_625, %get3A_631 : vector<16xf32>
      %add3A_633 = arith.constant 96 : i32
      %add3A_634 = arith.addi %add3A_633, %scan3A_340 : i32
      %swap3A_635 = arith.index_cast %add3A_634 : i32 to index
      %swap3A_636 = arith.constant 224 : index
      %swap3A_637 = tpu.vector_load %arg7[%swap3A_635, %swap3A_636] {strides = array<i32>} : memref<128x640xf32, #tpu.memory_space<vmem>>, vector<1x16xf32>,
      %swap3A_638 = vector.shape_cast %swap3A_637 : vector<1x16xf32> to vector<16xf32>
      %swap3A_639 = vector.shape_cast %add3A_632 : vector<16xf32> to vector<1x16xf32>
      tpu.vector_store %arg7[%swap3A_635, %swap3A_636], %swap3A_639 {strides = array<i32>} : memref<128x640xf32, #tpu.memory_space<vmem>>, vector<1x16xf32>,
      %add3A_640 = arith.constant 96 : i32
      %add3A_641 = arith.addi %add3A_640, %scan3A_340 : i32
      %get3A_642 = arith.index_cast %add3A_641 : i32 to index
      %get3A_643 = arith.constant 240 : index
      %get3A_644 = tpu.vector_load %arg7[%get3A_642, %get3A_643] {strides = array<i32>} : memref<128x640xf32, #tpu.memory_space<vmem>>, vector<1x16xf32>,
      %get3A_645 = vector.shape_cast %get3A_644 : vector<1x16xf32> to vector<16xf32>
      %get3A_646 = arith.constant 1 : i32
      %get3A_647 = arith.index_cast %get3A_646 : i32 to index
      %get3A_648 = arith.index_cast %scan3A_340 : i32 to index
      %get3A_649 = arith.constant 240 : index
      %get3A_650 = tpu.vector_load %arg8[%get3A_647, %get3A_648, %get3A_649] {strides = array<i32>} : memref<2x32x640xf32, #tpu.memory_space<vmem>>, vector<1x1x16xf32>,
      %get3A_651 = vector.shape_cast %get3A_650 : vector<1x1x16xf32> to vector<16xf32>
      %add3A_652 = arith.addf %get3A_645, %get3A_651 : vector<16xf32>
      %add3A_653 = arith.constant 96 : i32
      %add3A_654 = arith.addi %add3A_653, %scan3A_340 : i32
      %swap3A_655 = arith.index_cast %add3A_654 : i32 to index
      %swap3A_656 = arith.constant 240 : index
      %swap3A_657 = tpu.vector_load %arg7[%swap3A_655, %swap3A_656] {strides = array<i32>} : memref<128x640xf32, #tpu.memory_space<vmem>>, vector<1x16xf32>,
      %swap3A_658 = vector.shape_cast %swap3A_657 : vector<1x16xf32> to vector<16xf32>
      %swap3A_659 = vector.shape_cast %add3A_652 : vector<16xf32> to vector<1x16xf32>
      tpu.vector_store %arg7[%swap3A_655, %swap3A_656], %swap3A_659 {strides = array<i32>} : memref<128x640xf32, #tpu.memory_space<vmem>>, vector<1x16xf32>,
      %add3A_660 = arith.constant 96 : i32
      %add3A_661 = arith.addi %add3A_660, %scan3A_340 : i32
      %get3A_662 = arith.index_cast %add3A_661 : i32 to index
      %get3A_663 = arith.constant 256 : index
      %get3A_664 = tpu.vector_load %arg7[%get3A_662, %get3A_663] {strides = array<i32>} : memref<128x640xf32, #tpu.memory_space<vmem>>, vector<1x16xf32>,
      %get3A_665 = vector.shape_cast %get3A_664 : vector<1x16xf32> to vector<16xf32>
      %get3A_666 = arith.constant 1 : i32
      %get3A_667 = arith.index_cast %get3A_666 : i32 to index
      %get3A_668 = arith.index_cast %scan3A_340 : i32 to index
      %get3A_669 = arith.constant 256 : index
      %get3A_670 = tpu.vector_load %arg8[%get3A_667, %get3A_668, %get3A_669] {strides = array<i32>} : memref<2x32x640xf32, #tpu.memory_space<vmem>>, vector<1x1x16xf32>,
      %get3A_671 = vector.shape_cast %get3A_670 : vector<1x1x16xf32> to vector<16xf32>
      %add3A_672 = arith.addf %get3A_665, %get3A_671 : vector<16xf32>
      %add3A_673 = arith.constant 96 : i32
      %add3A_674 = arith.addi %add3A_673, %scan3A_340 : i32
      %swap3A_675 = arith.index_cast %add3A_674 : i32 to index
      %swap3A_676 = arith.constant 256 : index
      %swap3A_677 = tpu.vector_load %arg7[%swap3A_675, %swap3A_676] {strides = array<i32>} : memref<128x640xf32, #tpu.memory_space<vmem>>, vector<1x16xf32>,
      %swap3A_678 = vector.shape_cast %swap3A_677 : vector<1x16xf32> to vector<16xf32>
      %swap3A_679 = vector.shape_cast %add3A_672 : vector<16xf32> to vector<1x16xf32>
      tpu.vector_store %arg7[%swap3A_675, %swap3A_676], %swap3A_679 {strides = array<i32>} : memref<128x640xf32, #tpu.memory_space<vmem>>, vector<1x16xf32>,
      %add3A_680 = arith.constant 96 : i32
      %add3A_681 = arith.addi %add3A_680, %scan3A_340 : i32
      %get3A_682 = arith.index_cast %add3A_681 : i32 to index
      %get3A_683 = arith.constant 272 : index
      %get3A_684 = tpu.vector_load %arg7[%get3A_682, %get3A_683] {strides = array<i32>} : memref<128x640xf32, #tpu.memory_space<vmem>>, vector<1x16xf32>,
      %get3A_685 = vector.shape_cast %get3A_684 : vector<1x16xf32> to vector<16xf32>
      %get3A_686 = arith.constant 1 : i32
      %get3A_687 = arith.index_cast %get3A_686 : i32 to index
      %get3A_688 = arith.index_cast %scan3A_340 : i32 to index
      %get3A_689 = arith.constant 272 : index
      %get3A_690 = tpu.vector_load %arg8[%get3A_687, %get3A_688, %get3A_689] {strides = array<i32>} : memref<2x32x640xf32, #tpu.memory_space<vmem>>, vector<1x1x16xf32>,
      %get3A_691 = vector.shape_cast %get3A_690 : vector<1x1x16xf32> to vector<16xf32>
      %add3A_692 = arith.addf %get3A_685, %get3A_691 : vector<16xf32>
      %add3A_693 = arith.constant 96 : i32
      %add3A_694 = arith.addi %add3A_693, %scan3A_340 : i32
      %swap3A_695 = arith.index_cast %add3A_694 : i32 to index
      %swap3A_696 = arith.constant 272 : index
      %swap3A_697 = tpu.vector_load %arg7[%swap3A_695, %swap3A_696] {strides = array<i32>} : memref<128x640xf32, #tpu.memory_space<vmem>>, vector<1x16xf32>,
      %swap3A_698 = vector.shape_cast %swap3A_697 : vector<1x16xf32> to vector<16xf32>
      %swap3A_699 = vector.shape_cast %add3A_692 : vector<16xf32> to vector<1x16xf32>
      tpu.vector_store %arg7[%swap3A_695, %swap3A_696], %swap3A_699 {strides = array<i32>} : memref<128x640xf32, #tpu.memory_space<vmem>>, vector<1x16xf32>,
      %add3A_700 = arith.constant 96 : i32
      %add3A_701 = arith.addi %add3A_700, %scan3A_340 : i32
      %get3A_702 = arith.index_cast %add3A_701 : i32 to index
      %get3A_703 = arith.constant 288 : index
      %get3A_704 = tpu.vector_load %arg7[%get3A_702, %get3A_703] {strides = array<i32>} : memref<128x640xf32, #tpu.memory_space<vmem>>, vector<1x16xf32>,
      %get3A_705 = vector.shape_cast %get3A_704 : vector<1x16xf32> to vector<16xf32>
      %get3A_706 = arith.constant 1 : i32
      %get3A_707 = arith.index_cast %get3A_706 : i32 to index
      %get3A_708 = arith.index_cast %scan3A_340 : i32 to index
      %get3A_709 = arith.constant 288 : index
      %get3A_710 = tpu.vector_load %arg8[%get3A_707, %get3A_708, %get3A_709] {strides = array<i32>} : memref<2x32x640xf32, #tpu.memory_space<vmem>>, vector<1x1x16xf32>,
      %get3A_711 = vector.shape_cast %get3A_710 : vector<1x1x16xf32> to vector<16xf32>
      %add3A_712 = arith.addf %get3A_705, %get3A_711 : vector<16xf32>
      %add3A_713 = arith.constant 96 : i32
      %add3A_714 = arith.addi %add3A_713, %scan3A_340 : i32
      %swap3A_715 = arith.index_cast %add3A_714 : i32 to index
      %swap3A_716 = arith.constant 288 : index
      %swap3A_717 = tpu.vector_load %arg7[%swap3A_715, %swap3A_716] {strides = array<i32>} : memref<128x640xf32, #tpu.memory_space<vmem>>, vector<1x16xf32>,
      %swap3A_718 = vector.shape_cast %swap3A_717 : vector<1x16xf32> to vector<16xf32>
      %swap3A_719 = vector.shape_cast %add3A_712 : vector<16xf32> to vector<1x16xf32>
      tpu.vector_store %arg7[%swap3A_715, %swap3A_716], %swap3A_719 {strides = array<i32>} : memref<128x640xf32, #tpu.memory_space<vmem>>, vector<1x16xf32>,
      %add3A_720 = arith.constant 96 : i32
      %add3A_721 = arith.addi %add3A_720, %scan3A_340 : i32
      %get3A_722 = arith.index_cast %add3A_721 : i32 to index
      %get3A_723 = arith.constant 304 : index
      %get3A_724 = tpu.vector_load %arg7[%get3A_722, %get3A_723] {strides = array<i32>} : memref<128x640xf32, #tpu.memory_space<vmem>>, vector<1x16xf32>,
      %get3A_725 = vector.shape_cast %get3A_724 : vector<1x16xf32> to vector<16xf32>
      %get3A_726 = arith.constant 1 : i32
      %get3A_727 = arith.index_cast %get3A_726 : i32 to index
      %get3A_728 = arith.index_cast %scan3A_340 : i32 to index
      %get3A_729 = arith.constant 304 : index
      %get3A_730 = tpu.vector_load %arg8[%get3A_727, %get3A_728, %get3A_729] {strides = array<i32>} : memref<2x32x640xf32, #tpu.memory_space<vmem>>, vector<1x1x16xf32>,
      %get3A_731 = vector.shape_cast %get3A_730 : vector<1x1x16xf32> to vector<16xf32>
      %add3A_732 = arith.addf %get3A_725, %get3A_731 : vector<16xf32>
      %add3A_733 = arith.constant 96 : i32
      %add3A_734 = arith.addi %add3A_733, %scan3A_340 : i32
      %swap3A_735 = arith.index_cast %add3A_734 : i32 to index
      %swap3A_736 = arith.constant 304 : index
      %swap3A_737 = tpu.vector_load %arg7[%swap3A_735, %swap3A_736] {strides = array<i32>} : memref<128x640xf32, #tpu.memory_space<vmem>>, vector<1x16xf32>,
      %swap3A_738 = vector.shape_cast %swap3A_737 : vector<1x16xf32> to vector<16xf32>
      %swap3A_739 = vector.shape_cast %add3A_732 : vector<16xf32> to vector<1x16xf32>
      tpu.vector_store %arg7[%swap3A_735, %swap3A_736], %swap3A_739 {strides = array<i32>} : memref<128x640xf32, #tpu.memory_space<vmem>>, vector<1x16xf32>,
      %add3A_740 = arith.constant 96 : i32
      %add3A_741 = arith.addi %add3A_740, %scan3A_340 : i32
      %get3A_742 = arith.index_cast %add3A_741 : i32 to index
      %get3A_743 = arith.constant 320 : index
      %get3A_744 = tpu.vector_load %arg7[%get3A_742, %get3A_743] {strides = array<i32>} : memref<128x640xf32, #tpu.memory_space<vmem>>, vector<1x16xf32>,
      %get3A_745 = vector.shape_cast %get3A_744 : vector<1x16xf32> to vector<16xf32>
      %get3A_746 = arith.constant 1 : i32
      %get3A_747 = arith.index_cast %get3A_746 : i32 to index
      %get3A_748 = arith.index_cast %scan3A_340 : i32 to index
      %get3A_749 = arith.constant 320 : index
      %get3A_750 = tpu.vector_load %arg8[%get3A_747, %get3A_748, %get3A_749] {strides = array<i32>} : memref<2x32x640xf32, #tpu.memory_space<vmem>>, vector<1x1x16xf32>,
      %get3A_751 = vector.shape_cast %get3A_750 : vector<1x1x16xf32> to vector<16xf32>
      %add3A_752 = arith.addf %get3A_745, %get3A_751 : vector<16xf32>
      %add3A_753 = arith.constant 96 : i32
      %add3A_754 = arith.addi %add3A_753, %scan3A_340 : i32
      %swap3A_755 = arith.index_cast %add3A_754 : i32 to index
      %swap3A_756 = arith.constant 320 : index
      %swap3A_757 = tpu.vector_load %arg7[%swap3A_755, %swap3A_756] {strides = array<i32>} : memref<128x640xf32, #tpu.memory_space<vmem>>, vector<1x16xf32>,
      %swap3A_758 = vector.shape_cast %swap3A_757 : vector<1x16xf32> to vector<16xf32>
      %swap3A_759 = vector.shape_cast %add3A_752 : vector<16xf32> to vector<1x16xf32>
      tpu.vector_store %arg7[%swap3A_755, %swap3A_756], %swap3A_759 {strides = array<i32>} : memref<128x640xf32, #tpu.memory_space<vmem>>, vector<1x16xf32>,
      %add3A_760 = arith.constant 96 : i32
      %add3A_761 = arith.addi %add3A_760, %scan3A_340 : i32
      %get3A_762 = arith.index_cast %add3A_761 : i32 to index
      %get3A_763 = arith.constant 336 : index
      %get3A_764 = tpu.vector_load %arg7[%get3A_762, %get3A_763] {strides = array<i32>} : memref<128x640xf32, #tpu.memory_space<vmem>>, vector<1x16xf32>,
      %get3A_765 = vector.shape_cast %get3A_764 : vector<1x16xf32> to vector<16xf32>
      %get3A_766 = arith.constant 1 : i32
      %get3A_767 = arith.index_cast %get3A_766 : i32 to index
      %get3A_768 = arith.index_cast %scan3A_340 : i32 to index
      %get3A_769 = arith.constant 336 : index
      %get3A_770 = tpu.vector_load %arg8[%get3A_767, %get3A_768, %get3A_769] {strides = array<i32>} : memref<2x32x640xf32, #tpu.memory_space<vmem>>, vector<1x1x16xf32>,
      %get3A_771 = vector.shape_cast %get3A_770 : vector<1x1x16xf32> to vector<16xf32>
      %add3A_772 = arith.addf %get3A_765, %get3A_771 : vector<16xf32>
      %add3A_773 = arith.constant 96 : i32
      %add3A_774 = arith.addi %add3A_773, %scan3A_340 : i32
      %swap3A_775 = arith.index_cast %add3A_774 : i32 to index
      %swap3A_776 = arith.constant 336 : index
      %swap3A_777 = tpu.vector_load %arg7[%swap3A_775, %swap3A_776] {strides = array<i32>} : memref<128x640xf32, #tpu.memory_space<vmem>>, vector<1x16xf32>,
      %swap3A_778 = vector.shape_cast %swap3A_777 : vector<1x16xf32> to vector<16xf32>
      %swap3A_779 = vector.shape_cast %add3A_772 : vector<16xf32> to vector<1x16xf32>
      tpu.vector_store %arg7[%swap3A_775, %swap3A_776], %swap3A_779 {strides = array<i32>} : memref<128x640xf32, #tpu.memory_space<vmem>>, vector<1x16xf32>,
      %add3A_780 = arith.constant 96 : i32
      %add3A_781 = arith.addi %add3A_780, %scan3A_340 : i32
      %get3A_782 = arith.index_cast %add3A_781 : i32 to index
      %get3A_783 = arith.constant 352 : index
      %get3A_784 = tpu.vector_load %arg7[%get3A_782, %get3A_783] {strides = array<i32>} : memref<128x640xf32, #tpu.memory_space<vmem>>, vector<1x16xf32>,
      %get3A_785 = vector.shape_cast %get3A_784 : vector<1x16xf32> to vector<16xf32>
      %get3A_786 = arith.constant 1 : i32
      %get3A_787 = arith.index_cast %get3A_786 : i32 to index
      %get3A_788 = arith.index_cast %scan3A_340 : i32 to index
      %get3A_789 = arith.constant 352 : index
      %get3A_790 = tpu.vector_load %arg8[%get3A_787, %get3A_788, %get3A_789] {strides = array<i32>} : memref<2x32x640xf32, #tpu.memory_space<vmem>>, vector<1x1x16xf32>,
      %get3A_791 = vector.shape_cast %get3A_790 : vector<1x1x16xf32> to vector<16xf32>
      %add3A_792 = arith.addf %get3A_785, %get3A_791 : vector<16xf32>
      %add3A_793 = arith.constant 96 : i32
      %add3A_794 = arith.addi %add3A_793, %scan3A_340 : i32
      %swap3A_795 = arith.index_cast %add3A_794 : i32 to index
      %swap3A_796 = arith.constant 352 : index
      %swap3A_797 = tpu.vector_load %arg7[%swap3A_795, %swap3A_796] {strides = array<i32>} : memref<128x640xf32, #tpu.memory_space<vmem>>, vector<1x16xf32>,
      %swap3A_798 = vector.shape_cast %swap3A_797 : vector<1x16xf32> to vector<16xf32>
      %swap3A_799 = vector.shape_cast %add3A_792 : vector<16xf32> to vector<1x16xf32>
      tpu.vector_store %arg7[%swap3A_795, %swap3A_796], %swap3A_799 {strides = array<i32>} : memref<128x640xf32, #tpu.memory_space<vmem>>, vector<1x16xf32>,
      %add3A_800 = arith.constant 96 : i32
      %add3A_801 = arith.addi %add3A_800, %scan3A_340 : i32
      %get3A_802 = arith.index_cast %add3A_801 : i32 to index
      %get3A_803 = arith.constant 368 : index
      %get3A_804 = tpu.vector_load %arg7[%get3A_802, %get3A_803] {strides = array<i32>} : memref<128x640xf32, #tpu.memory_space<vmem>>, vector<1x16xf32>,
      %get3A_805 = vector.shape_cast %get3A_804 : vector<1x16xf32> to vector<16xf32>
      %get3A_806 = arith.constant 1 : i32
      %get3A_807 = arith.index_cast %get3A_806 : i32 to index
      %get3A_808 = arith.index_cast %scan3A_340 : i32 to index
      %get3A_809 = arith.constant 368 : index
      %get3A_810 = tpu.vector_load %arg8[%get3A_807, %get3A_808, %get3A_809] {strides = array<i32>} : memref<2x32x640xf32, #tpu.memory_space<vmem>>, vector<1x1x16xf32>,
      %get3A_811 = vector.shape_cast %get3A_810 : vector<1x1x16xf32> to vector<16xf32>
      %add3A_812 = arith.addf %get3A_805, %get3A_811 : vector<16xf32>
      %add3A_813 = arith.constant 96 : i32
      %add3A_814 = arith.addi %add3A_813, %scan3A_340 : i32
      %swap3A_815 = arith.index_cast %add3A_814 : i32 to index
      %swap3A_816 = arith.constant 368 : index
      %swap3A_817 = tpu.vector_load %arg7[%swap3A_815, %swap3A_816] {strides = array<i32>} : memref<128x640xf32, #tpu.memory_space<vmem>>, vector<1x16xf32>,
      %swap3A_818 = vector.shape_cast %swap3A_817 : vector<1x16xf32> to vector<16xf32>
      %swap3A_819 = vector.shape_cast %add3A_812 : vector<16xf32> to vector<1x16xf32>
      tpu.vector_store %arg7[%swap3A_815, %swap3A_816], %swap3A_819 {strides = array<i32>} : memref<128x640xf32, #tpu.memory_space<vmem>>, vector<1x16xf32>,
      %add3A_820 = arith.constant 96 : i32
      %add3A_821 = arith.addi %add3A_820, %scan3A_340 : i32
      %get3A_822 = arith.index_cast %add3A_821 : i32 to index
      %get3A_823 = arith.constant 384 : index
      %get3A_824 = tpu.vector_load %arg7[%get3A_822, %get3A_823] {strides = array<i32>} : memref<128x640xf32, #tpu.memory_space<vmem>>, vector<1x16xf32>,
      %get3A_825 = vector.shape_cast %get3A_824 : vector<1x16xf32> to vector<16xf32>
      %get3A_826 = arith.constant 1 : i32
      %get3A_827 = arith.index_cast %get3A_826 : i32 to index
      %get3A_828 = arith.index_cast %scan3A_340 : i32 to index
      %get3A_829 = arith.constant 384 : index
      %get3A_830 = tpu.vector_load %arg8[%get3A_827, %get3A_828, %get3A_829] {strides = array<i32>} : memref<2x32x640xf32, #tpu.memory_space<vmem>>, vector<1x1x16xf32>,
      %get3A_831 = vector.shape_cast %get3A_830 : vector<1x1x16xf32> to vector<16xf32>
      %add3A_832 = arith.addf %get3A_825, %get3A_831 : vector<16xf32>
      %add3A_833 = arith.constant 96 : i32
      %add3A_834 = arith.addi %add3A_833, %scan3A_340 : i32
      %swap3A_835 = arith.index_cast %add3A_834 : i32 to index
      %swap3A_836 = arith.constant 384 : index
      %swap3A_837 = tpu.vector_load %arg7[%swap3A_835, %swap3A_836] {strides = array<i32>} : memref<128x640xf32, #tpu.memory_space<vmem>>, vector<1x16xf32>,
      %swap3A_838 = vector.shape_cast %swap3A_837 : vector<1x16xf32> to vector<16xf32>
      %swap3A_839 = vector.shape_cast %add3A_832 : vector<16xf32> to vector<1x16xf32>
      tpu.vector_store %arg7[%swap3A_835, %swap3A_836], %swap3A_839 {strides = array<i32>} : memref<128x640xf32, #tpu.memory_space<vmem>>, vector<1x16xf32>,
      %add3A_840 = arith.constant 96 : i32
      %add3A_841 = arith.addi %add3A_840, %scan3A_340 : i32
      %get3A_842 = arith.index_cast %add3A_841 : i32 to index
      %get3A_843 = arith.constant 400 : index
      %get3A_844 = tpu.vector_load %arg7[%get3A_842, %get3A_843] {strides = array<i32>} : memref<128x640xf32, #tpu.memory_space<vmem>>, vector<1x16xf32>,
      %get3A_845 = vector.shape_cast %get3A_844 : vector<1x16xf32> to vector<16xf32>
      %get3A_846 = arith.constant 1 : i32
      %get3A_847 = arith.index_cast %get3A_846 : i32 to index
      %get3A_848 = arith.index_cast %scan3A_340 : i32 to index
      %get3A_849 = arith.constant 400 : index
      %get3A_850 = tpu.vector_load %arg8[%get3A_847, %get3A_848, %get3A_849] {strides = array<i32>} : memref<2x32x640xf32, #tpu.memory_space<vmem>>, vector<1x1x16xf32>,
      %get3A_851 = vector.shape_cast %get3A_850 : vector<1x1x16xf32> to vector<16xf32>
      %add3A_852 = arith.addf %get3A_845, %get3A_851 : vector<16xf32>
      %add3A_853 = arith.constant 96 : i32
      %add3A_854 = arith.addi %add3A_853, %scan3A_340 : i32
      %swap3A_855 = arith.index_cast %add3A_854 : i32 to index
      %swap3A_856 = arith.constant 400 : index
      %swap3A_857 = tpu.vector_load %arg7[%swap3A_855, %swap3A_856] {strides = array<i32>} : memref<128x640xf32, #tpu.memory_space<vmem>>, vector<1x16xf32>,
      %swap3A_858 = vector.shape_cast %swap3A_857 : vector<1x16xf32> to vector<16xf32>
      %swap3A_859 = vector.shape_cast %add3A_852 : vector<16xf32> to vector<1x16xf32>
      tpu.vector_store %arg7[%swap3A_855, %swap3A_856], %swap3A_859 {strides = array<i32>} : memref<128x640xf32, #tpu.memory_space<vmem>>, vector<1x16xf32>,
      %add3A_860 = arith.constant 96 : i32
      %add3A_861 = arith.addi %add3A_860, %scan3A_340 : i32
      %get3A_862 = arith.index_cast %add3A_861 : i32 to index
      %get3A_863 = arith.constant 416 : index
      %get3A_864 = tpu.vector_load %arg7[%get3A_862, %get3A_863] {strides = array<i32>} : memref<128x640xf32, #tpu.memory_space<vmem>>, vector<1x16xf32>,
      %get3A_865 = vector.shape_cast %get3A_864 : vector<1x16xf32> to vector<16xf32>
      %get3A_866 = arith.constant 1 : i32
      %get3A_867 = arith.index_cast %get3A_866 : i32 to index
      %get3A_868 = arith.index_cast %scan3A_340 : i32 to index
      %get3A_869 = arith.constant 416 : index
      %get3A_870 = tpu.vector_load %arg8[%get3A_867, %get3A_868, %get3A_869] {strides = array<i32>} : memref<2x32x640xf32, #tpu.memory_space<vmem>>, vector<1x1x16xf32>,
      %get3A_871 = vector.shape_cast %get3A_870 : vector<1x1x16xf32> to vector<16xf32>
      %add3A_872 = arith.addf %get3A_865, %get3A_871 : vector<16xf32>
      %add3A_873 = arith.constant 96 : i32
      %add3A_874 = arith.addi %add3A_873, %scan3A_340 : i32
      %swap3A_875 = arith.index_cast %add3A_874 : i32 to index
      %swap3A_876 = arith.constant 416 : index
      %swap3A_877 = tpu.vector_load %arg7[%swap3A_875, %swap3A_876] {strides = array<i32>} : memref<128x640xf32, #tpu.memory_space<vmem>>, vector<1x16xf32>,
      %swap3A_878 = vector.shape_cast %swap3A_877 : vector<1x16xf32> to vector<16xf32>
      %swap3A_879 = vector.shape_cast %add3A_872 : vector<16xf32> to vector<1x16xf32>
      tpu.vector_store %arg7[%swap3A_875, %swap3A_876], %swap3A_879 {strides = array<i32>} : memref<128x640xf32, #tpu.memory_space<vmem>>, vector<1x16xf32>,
      %add3A_880 = arith.constant 96 : i32
      %add3A_881 = arith.addi %add3A_880, %scan3A_340 : i32
      %get3A_882 = arith.index_cast %add3A_881 : i32 to index
      %get3A_883 = arith.constant 432 : index
      %get3A_884 = tpu.vector_load %arg7[%get3A_882, %get3A_883] {strides = array<i32>} : memref<128x640xf32, #tpu.memory_space<vmem>>, vector<1x16xf32>,
      %get3A_885 = vector.shape_cast %get3A_884 : vector<1x16xf32> to vector<16xf32>
      %get3A_886 = arith.constant 1 : i32
      %get3A_887 = arith.index_cast %get3A_886 : i32 to index
      %get3A_888 = arith.index_cast %scan3A_340 : i32 to index
      %get3A_889 = arith.constant 432 : index
      %get3A_890 = tpu.vector_load %arg8[%get3A_887, %get3A_888, %get3A_889] {strides = array<i32>} : memref<2x32x640xf32, #tpu.memory_space<vmem>>, vector<1x1x16xf32>,
      %get3A_891 = vector.shape_cast %get3A_890 : vector<1x1x16xf32> to vector<16xf32>
      %add3A_892 = arith.addf %get3A_885, %get3A_891 : vector<16xf32>
      %add3A_893 = arith.constant 96 : i32
      %add3A_894 = arith.addi %add3A_893, %scan3A_340 : i32
      %swap3A_895 = arith.index_cast %add3A_894 : i32 to index
      %swap3A_896 = arith.constant 432 : index
      %swap3A_897 = tpu.vector_load %arg7[%swap3A_895, %swap3A_896] {strides = array<i32>} : memref<128x640xf32, #tpu.memory_space<vmem>>, vector<1x16xf32>,
      %swap3A_898 = vector.shape_cast %swap3A_897 : vector<1x16xf32> to vector<16xf32>
      %swap3A_899 = vector.shape_cast %add3A_892 : vector<16xf32> to vector<1x16xf32>
      tpu.vector_store %arg7[%swap3A_895, %swap3A_896], %swap3A_899 {strides = array<i32>} : memref<128x640xf32, #tpu.memory_space<vmem>>, vector<1x16xf32>,
      %add3A_900 = arith.constant 96 : i32
      %add3A_901 = arith.addi %add3A_900, %scan3A_340 : i32
      %get3A_902 = arith.index_cast %add3A_901 : i32 to index
      %get3A_903 = arith.constant 448 : index
      %get3A_904 = tpu.vector_load %arg7[%get3A_902, %get3A_903] {strides = array<i32>} : memref<128x640xf32, #tpu.memory_space<vmem>>, vector<1x16xf32>,
      %get3A_905 = vector.shape_cast %get3A_904 : vector<1x16xf32> to vector<16xf32>
      %get3A_906 = arith.constant 1 : i32
      %get3A_907 = arith.index_cast %get3A_906 : i32 to index
      %get3A_908 = arith.index_cast %scan3A_340 : i32 to index
      %get3A_909 = arith.constant 448 : index
      %get3A_910 = tpu.vector_load %arg8[%get3A_907, %get3A_908, %get3A_909] {strides = array<i32>} : memref<2x32x640xf32, #tpu.memory_space<vmem>>, vector<1x1x16xf32>,
      %get3A_911 = vector.shape_cast %get3A_910 : vector<1x1x16xf32> to vector<16xf32>
      %add3A_912 = arith.addf %get3A_905, %get3A_911 : vector<16xf32>
      %add3A_913 = arith.constant 96 : i32
      %add3A_914 = arith.addi %add3A_913, %scan3A_340 : i32
      %swap3A_915 = arith.index_cast %add3A_914 : i32 to index
      %swap3A_916 = arith.constant 448 : index
      %swap3A_917 = tpu.vector_load %arg7[%swap3A_915, %swap3A_916] {strides = array<i32>} : memref<128x640xf32, #tpu.memory_space<vmem>>, vector<1x16xf32>,
      %swap3A_918 = vector.shape_cast %swap3A_917 : vector<1x16xf32> to vector<16xf32>
      %swap3A_919 = vector.shape_cast %add3A_912 : vector<16xf32> to vector<1x16xf32>
      tpu.vector_store %arg7[%swap3A_915, %swap3A_916], %swap3A_919 {strides = array<i32>} : memref<128x640xf32, #tpu.memory_space<vmem>>, vector<1x16xf32>,
      %add3A_920 = arith.constant 96 : i32
      %add3A_921 = arith.addi %add3A_920, %scan3A_340 : i32
      %get3A_922 = arith.index_cast %add3A_921 : i32 to index
      %get3A_923 = arith.constant 464 : index
      %get3A_924 = tpu.vector_load %arg7[%get3A_922, %get3A_923] {strides = array<i32>} : memref<128x640xf32, #tpu.memory_space<vmem>>, vector<1x16xf32>,
      %get3A_925 = vector.shape_cast %get3A_924 : vector<1x16xf32> to vector<16xf32>
      %get3A_926 = arith.constant 1 : i32
      %get3A_927 = arith.index_cast %get3A_926 : i32 to index
      %get3A_928 = arith.index_cast %scan3A_340 : i32 to index
      %get3A_929 = arith.constant 464 : index
      %get3A_930 = tpu.vector_load %arg8[%get3A_927, %get3A_928, %get3A_929] {strides = array<i32>} : memref<2x32x640xf32, #tpu.memory_space<vmem>>, vector<1x1x16xf32>,
      %get3A_931 = vector.shape_cast %get3A_930 : vector<1x1x16xf32> to vector<16xf32>
      %add3A_932 = arith.addf %get3A_925, %get3A_931 : vector<16xf32>
      %add3A_933 = arith.constant 96 : i32
      %add3A_934 = arith.addi %add3A_933, %scan3A_340 : i32
      %swap3A_935 = arith.index_cast %add3A_934 : i32 to index
      %swap3A_936 = arith.constant 464 : index
      %swap3A_937 = tpu.vector_load %arg7[%swap3A_935, %swap3A_936] {strides = array<i32>} : memref<128x640xf32, #tpu.memory_space<vmem>>, vector<1x16xf32>,
      %swap3A_938 = vector.shape_cast %swap3A_937 : vector<1x16xf32> to vector<16xf32>
      %swap3A_939 = vector.shape_cast %add3A_932 : vector<16xf32> to vector<1x16xf32>
      tpu.vector_store %arg7[%swap3A_935, %swap3A_936], %swap3A_939 {strides = array<i32>} : memref<128x640xf32, #tpu.memory_space<vmem>>, vector<1x16xf32>,
      %add3A_940 = arith.constant 96 : i32
      %add3A_941 = arith.addi %add3A_940, %scan3A_340 : i32
      %get3A_942 = arith.index_cast %add3A_941 : i32 to index
      %get3A_943 = arith.constant 480 : index
      %get3A_944 = tpu.vector_load %arg7[%get3A_942, %get3A_943] {strides = array<i32>} : memref<128x640xf32, #tpu.memory_space<vmem>>, vector<1x16xf32>,
      %get3A_945 = vector.shape_cast %get3A_944 : vector<1x16xf32> to vector<16xf32>
      %get3A_946 = arith.constant 1 : i32
      %get3A_947 = arith.index_cast %get3A_946 : i32 to index
      %get3A_948 = arith.index_cast %scan3A_340 : i32 to index
      %get3A_949 = arith.constant 480 : index
      %get3A_950 = tpu.vector_load %arg8[%get3A_947, %get3A_948, %get3A_949] {strides = array<i32>} : memref<2x32x640xf32, #tpu.memory_space<vmem>>, vector<1x1x16xf32>,
      %get3A_951 = vector.shape_cast %get3A_950 : vector<1x1x16xf32> to vector<16xf32>
      %add3A_952 = arith.addf %get3A_945, %get3A_951 : vector<16xf32>
      %add3A_953 = arith.constant 96 : i32
      %add3A_954 = arith.addi %add3A_953, %scan3A_340 : i32
      %swap3A_955 = arith.index_cast %add3A_954 : i32 to index
      %swap3A_956 = arith.constant 480 : index
      %swap3A_957 = tpu.vector_load %arg7[%swap3A_955, %swap3A_956] {strides = array<i32>} : memref<128x640xf32, #tpu.memory_space<vmem>>, vector<1x16xf32>,
      %swap3A_958 = vector.shape_cast %swap3A_957 : vector<1x16xf32> to vector<16xf32>
      %swap3A_959 = vector.shape_cast %add3A_952 : vector<16xf32> to vector<1x16xf32>
      tpu.vector_store %arg7[%swap3A_955, %swap3A_956], %swap3A_959 {strides = array<i32>} : memref<128x640xf32, #tpu.memory_space<vmem>>, vector<1x16xf32>,
      %add3A_960 = arith.constant 96 : i32
      %add3A_961 = arith.addi %add3A_960, %scan3A_340 : i32
      %get3A_962 = arith.index_cast %add3A_961 : i32 to index
      %get3A_963 = arith.constant 496 : index
      %get3A_964 = tpu.vector_load %arg7[%get3A_962, %get3A_963] {strides = array<i32>} : memref<128x640xf32, #tpu.memory_space<vmem>>, vector<1x16xf32>,
      %get3A_965 = vector.shape_cast %get3A_964 : vector<1x16xf32> to vector<16xf32>
      %get3A_966 = arith.constant 1 : i32
      %get3A_967 = arith.index_cast %get3A_966 : i32 to index
      %get3A_968 = arith.index_cast %scan3A_340 : i32 to index
      %get3A_969 = arith.constant 496 : index
      %get3A_970 = tpu.vector_load %arg8[%get3A_967, %get3A_968, %get3A_969] {strides = array<i32>} : memref<2x32x640xf32, #tpu.memory_space<vmem>>, vector<1x1x16xf32>,
      %get3A_971 = vector.shape_cast %get3A_970 : vector<1x1x16xf32> to vector<16xf32>
      %add3A_972 = arith.addf %get3A_965, %get3A_971 : vector<16xf32>
      %add3A_973 = arith.constant 96 : i32
      %add3A_974 = arith.addi %add3A_973, %scan3A_340 : i32
      %swap3A_975 = arith.index_cast %add3A_974 : i32 to index
      %swap3A_976 = arith.constant 496 : index
      %swap3A_977 = tpu.vector_load %arg7[%swap3A_975, %swap3A_976] {strides = array<i32>} : memref<128x640xf32, #tpu.memory_space<vmem>>, vector<1x16xf32>,
      %swap3A_978 = vector.shape_cast %swap3A_977 : vector<1x16xf32> to vector<16xf32>
      %swap3A_979 = vector.shape_cast %add3A_972 : vector<16xf32> to vector<1x16xf32>
      tpu.vector_store %arg7[%swap3A_975, %swap3A_976], %swap3A_979 {strides = array<i32>} : memref<128x640xf32, #tpu.memory_space<vmem>>, vector<1x16xf32>,
      %add3A_980 = arith.constant 96 : i32
      %add3A_981 = arith.addi %add3A_980, %scan3A_340 : i32
      %get3A_982 = arith.index_cast %add3A_981 : i32 to index
      %get3A_983 = arith.constant 512 : index
      %get3A_984 = tpu.vector_load %arg7[%get3A_982, %get3A_983] {strides = array<i32>} : memref<128x640xf32, #tpu.memory_space<vmem>>, vector<1x16xf32>,
      %get3A_985 = vector.shape_cast %get3A_984 : vector<1x16xf32> to vector<16xf32>
      %get3A_986 = arith.constant 1 : i32
      %get3A_987 = arith.index_cast %get3A_986 : i32 to index
      %get3A_988 = arith.index_cast %scan3A_340 : i32 to index
      %get3A_989 = arith.constant 512 : index
      %get3A_990 = tpu.vector_load %arg8[%get3A_987, %get3A_988, %get3A_989] {strides = array<i32>} : memref<2x32x640xf32, #tpu.memory_space<vmem>>, vector<1x1x16xf32>,
      %get3A_991 = vector.shape_cast %get3A_990 : vector<1x1x16xf32> to vector<16xf32>
      %add3A_992 = arith.addf %get3A_985, %get3A_991 : vector<16xf32>
      %add3A_993 = arith.constant 96 : i32
      %add3A_994 = arith.addi %add3A_993, %scan3A_340 : i32
      %swap3A_995 = arith.index_cast %add3A_994 : i32 to index
      %swap3A_996 = arith.constant 512 : index
      %swap3A_997 = tpu.vector_load %arg7[%swap3A_995, %swap3A_996] {strides = array<i32>} : memref<128x640xf32, #tpu.memory_space<vmem>>, vector<1x16xf32>,
      %swap3A_998 = vector.shape_cast %swap3A_997 : vector<1x16xf32> to vector<16xf32>
      %swap3A_999 = vector.shape_cast %add3A_992 : vector<16xf32> to vector<1x16xf32>
      tpu.vector_store %arg7[%swap3A_995, %swap3A_996], %swap3A_999 {strides = array<i32>} : memref<128x640xf32, #tpu.memory_space<vmem>>, vector<1x16xf32>,
      %add3A_1000 = arith.constant 96 : i32
      %add3A_1001 = arith.addi %add3A_1000, %scan3A_340 : i32
      %get3A_1002 = arith.index_cast %add3A_1001 : i32 to index
      %get3A_1003 = arith.constant 528 : index
      %get3A_1004 = tpu.vector_load %arg7[%get3A_1002, %get3A_1003] {strides = array<i32>} : memref<128x640xf32, #tpu.memory_space<vmem>>, vector<1x16xf32>,
      %get3A_1005 = vector.shape_cast %get3A_1004 : vector<1x16xf32> to vector<16xf32>
      %get3A_1006 = arith.constant 1 : i32
      %get3A_1007 = arith.index_cast %get3A_1006 : i32 to index
      %get3A_1008 = arith.index_cast %scan3A_340 : i32 to index
      %get3A_1009 = arith.constant 528 : index
      %get3A_1010 = tpu.vector_load %arg8[%get3A_1007, %get3A_1008, %get3A_1009] {strides = array<i32>} : memref<2x32x640xf32, #tpu.memory_space<vmem>>, vector<1x1x16xf32>,
      %get3A_1011 = vector.shape_cast %get3A_1010 : vector<1x1x16xf32> to vector<16xf32>
      %add3A_1012 = arith.addf %get3A_1005, %get3A_1011 : vector<16xf32>
      %add3A_1013 = arith.constant 96 : i32
      %add3A_1014 = arith.addi %add3A_1013, %scan3A_340 : i32
      %swap3A_1015 = arith.index_cast %add3A_1014 : i32 to index
      %swap3A_1016 = arith.constant 528 : index
      %swap3A_1017 = tpu.vector_load %arg7[%swap3A_1015, %swap3A_1016] {strides = array<i32>} : memref<128x640xf32, #tpu.memory_space<vmem>>, vector<1x16xf32>,
      %swap3A_1018 = vector.shape_cast %swap3A_1017 : vector<1x16xf32> to vector<16xf32>
      %swap3A_1019 = vector.shape_cast %add3A_1012 : vector<16xf32> to vector<1x16xf32>
      tpu.vector_store %arg7[%swap3A_1015, %swap3A_1016], %swap3A_1019 {strides = array<i32>} : memref<128x640xf32, #tpu.memory_space<vmem>>, vector<1x16xf32>,
      %add3A_1020 = arith.constant 96 : i32
      %add3A_1021 = arith.addi %add3A_1020, %scan3A_340 : i32
      %get3A_1022 = arith.index_cast %add3A_1021 : i32 to index
      %get3A_1023 = arith.constant 544 : index
      %get3A_1024 = tpu.vector_load %arg7[%get3A_1022, %get3A_1023] {strides = array<i32>} : memref<128x640xf32, #tpu.memory_space<vmem>>, vector<1x16xf32>,
      %get3A_1025 = vector.shape_cast %get3A_1024 : vector<1x16xf32> to vector<16xf32>
      %get3A_1026 = arith.constant 1 : i32
      %get3A_1027 = arith.index_cast %get3A_1026 : i32 to index
      %get3A_1028 = arith.index_cast %scan3A_340 : i32 to index
      %get3A_1029 = arith.constant 544 : index
      %get3A_1030 = tpu.vector_load %arg8[%get3A_1027, %get3A_1028, %get3A_1029] {strides = array<i32>} : memref<2x32x640xf32, #tpu.memory_space<vmem>>, vector<1x1x16xf32>,
      %get3A_1031 = vector.shape_cast %get3A_1030 : vector<1x1x16xf32> to vector<16xf32>
      %add3A_1032 = arith.addf %get3A_1025, %get3A_1031 : vector<16xf32>
      %add3A_1033 = arith.constant 96 : i32
      %add3A_1034 = arith.addi %add3A_1033, %scan3A_340 : i32
      %swap3A_1035 = arith.index_cast %add3A_1034 : i32 to index
      %swap3A_1036 = arith.constant 544 : index
      %swap3A_1037 = tpu.vector_load %arg7[%swap3A_1035, %swap3A_1036] {strides = array<i32>} : memref<128x640xf32, #tpu.memory_space<vmem>>, vector<1x16xf32>,
      %swap3A_1038 = vector.shape_cast %swap3A_1037 : vector<1x16xf32> to vector<16xf32>
      %swap3A_1039 = vector.shape_cast %add3A_1032 : vector<16xf32> to vector<1x16xf32>
      tpu.vector_store %arg7[%swap3A_1035, %swap3A_1036], %swap3A_1039 {strides = array<i32>} : memref<128x640xf32, #tpu.memory_space<vmem>>, vector<1x16xf32>,
      %add3A_1040 = arith.constant 96 : i32
      %add3A_1041 = arith.addi %add3A_1040, %scan3A_340 : i32
      %get3A_1042 = arith.index_cast %add3A_1041 : i32 to index
      %get3A_1043 = arith.constant 560 : index
      %get3A_1044 = tpu.vector_load %arg7[%get3A_1042, %get3A_1043] {strides = array<i32>} : memref<128x640xf32, #tpu.memory_space<vmem>>, vector<1x16xf32>,
      %get3A_1045 = vector.shape_cast %get3A_1044 : vector<1x16xf32> to vector<16xf32>
      %get3A_1046 = arith.constant 1 : i32
      %get3A_1047 = arith.index_cast %get3A_1046 : i32 to index
      %get3A_1048 = arith.index_cast %scan3A_340 : i32 to index
      %get3A_1049 = arith.constant 560 : index
      %get3A_1050 = tpu.vector_load %arg8[%get3A_1047, %get3A_1048, %get3A_1049] {strides = array<i32>} : memref<2x32x640xf32, #tpu.memory_space<vmem>>, vector<1x1x16xf32>,
      %get3A_1051 = vector.shape_cast %get3A_1050 : vector<1x1x16xf32> to vector<16xf32>
      %add3A_1052 = arith.addf %get3A_1045, %get3A_1051 : vector<16xf32>
      %add3A_1053 = arith.constant 96 : i32
      %add3A_1054 = arith.addi %add3A_1053, %scan3A_340 : i32
      %swap3A_1055 = arith.index_cast %add3A_1054 : i32 to index
      %swap3A_1056 = arith.constant 560 : index
      %swap3A_1057 = tpu.vector_load %arg7[%swap3A_1055, %swap3A_1056] {strides = array<i32>} : memref<128x640xf32, #tpu.memory_space<vmem>>, vector<1x16xf32>,
      %swap3A_1058 = vector.shape_cast %swap3A_1057 : vector<1x16xf32> to vector<16xf32>
      %swap3A_1059 = vector.shape_cast %add3A_1052 : vector<16xf32> to vector<1x16xf32>
      tpu.vector_store %arg7[%swap3A_1055, %swap3A_1056], %swap3A_1059 {strides = array<i32>} : memref<128x640xf32, #tpu.memory_space<vmem>>, vector<1x16xf32>,
      %add3A_1060 = arith.constant 96 : i32
      %add3A_1061 = arith.addi %add3A_1060, %scan3A_340 : i32
      %get3A_1062 = arith.index_cast %add3A_1061 : i32 to index
      %get3A_1063 = arith.constant 576 : index
      %get3A_1064 = tpu.vector_load %arg7[%get3A_1062, %get3A_1063] {strides = array<i32>} : memref<128x640xf32, #tpu.memory_space<vmem>>, vector<1x16xf32>,
      %get3A_1065 = vector.shape_cast %get3A_1064 : vector<1x16xf32> to vector<16xf32>
      %get3A_1066 = arith.constant 1 : i32
      %get3A_1067 = arith.index_cast %get3A_1066 : i32 to index
      %get3A_1068 = arith.index_cast %scan3A_340 : i32 to index
      %get3A_1069 = arith.constant 576 : index
      %get3A_1070 = tpu.vector_load %arg8[%get3A_1067, %get3A_1068, %get3A_1069] {strides = array<i32>} : memref<2x32x640xf32, #tpu.memory_space<vmem>>, vector<1x1x16xf32>,
      %get3A_1071 = vector.shape_cast %get3A_1070 : vector<1x1x16xf32> to vector<16xf32>
      %add3A_1072 = arith.addf %get3A_1065, %get3A_1071 : vector<16xf32>
      %add3A_1073 = arith.constant 96 : i32
      %add3A_1074 = arith.addi %add3A_1073, %scan3A_340 : i32
      %swap3A_1075 = arith.index_cast %add3A_1074 : i32 to index
      %swap3A_1076 = arith.constant 576 : index
      %swap3A_1077 = tpu.vector_load %arg7[%swap3A_1075, %swap3A_1076] {strides = array<i32>} : memref<128x640xf32, #tpu.memory_space<vmem>>, vector<1x16xf32>,
      %swap3A_1078 = vector.shape_cast %swap3A_1077 : vector<1x16xf32> to vector<16xf32>
      %swap3A_1079 = vector.shape_cast %add3A_1072 : vector<16xf32> to vector<1x16xf32>
      tpu.vector_store %arg7[%swap3A_1075, %swap3A_1076], %swap3A_1079 {strides = array<i32>} : memref<128x640xf32, #tpu.memory_space<vmem>>, vector<1x16xf32>,
      %add3A_1080 = arith.constant 96 : i32
      %add3A_1081 = arith.addi %add3A_1080, %scan3A_340 : i32
      %get3A_1082 = arith.index_cast %add3A_1081 : i32 to index
      %get3A_1083 = arith.constant 592 : index
      %get3A_1084 = tpu.vector_load %arg7[%get3A_1082, %get3A_1083] {strides = array<i32>} : memref<128x640xf32, #tpu.memory_space<vmem>>, vector<1x16xf32>,
      %get3A_1085 = vector.shape_cast %get3A_1084 : vector<1x16xf32> to vector<16xf32>
      %get3A_1086 = arith.constant 1 : i32
      %get3A_1087 = arith.index_cast %get3A_1086 : i32 to index
      %get3A_1088 = arith.index_cast %scan3A_340 : i32 to index
      %get3A_1089 = arith.constant 592 : index
      %get3A_1090 = tpu.vector_load %arg8[%get3A_1087, %get3A_1088, %get3A_1089] {strides = array<i32>} : memref<2x32x640xf32, #tpu.memory_space<vmem>>, vector<1x1x16xf32>,
      %get3A_1091 = vector.shape_cast %get3A_1090 : vector<1x1x16xf32> to vector<16xf32>
      %add3A_1092 = arith.addf %get3A_1085, %get3A_1091 : vector<16xf32>
      %add3A_1093 = arith.constant 96 : i32
      %add3A_1094 = arith.addi %add3A_1093, %scan3A_340 : i32
      %swap3A_1095 = arith.index_cast %add3A_1094 : i32 to index
      %swap3A_1096 = arith.constant 592 : index
      %swap3A_1097 = tpu.vector_load %arg7[%swap3A_1095, %swap3A_1096] {strides = array<i32>} : memref<128x640xf32, #tpu.memory_space<vmem>>, vector<1x16xf32>,
      %swap3A_1098 = vector.shape_cast %swap3A_1097 : vector<1x16xf32> to vector<16xf32>
      %swap3A_1099 = vector.shape_cast %add3A_1092 : vector<16xf32> to vector<1x16xf32>
      tpu.vector_store %arg7[%swap3A_1095, %swap3A_1096], %swap3A_1099 {strides = array<i32>} : memref<128x640xf32, #tpu.memory_space<vmem>>, vector<1x16xf32>,
      %add3A_1100 = arith.constant 96 : i32
      %add3A_1101 = arith.addi %add3A_1100, %scan3A_340 : i32
      %get3A_1102 = arith.index_cast %add3A_1101 : i32 to index
      %get3A_1103 = arith.constant 608 : index
      %get3A_1104 = tpu.vector_load %arg7[%get3A_1102, %get3A_1103] {strides = array<i32>} : memref<128x640xf32, #tpu.memory_space<vmem>>, vector<1x16xf32>,
      %get3A_1105 = vector.shape_cast %get3A_1104 : vector<1x16xf32> to vector<16xf32>
      %get3A_1106 = arith.constant 1 : i32
      %get3A_1107 = arith.index_cast %get3A_1106 : i32 to index
      %get3A_1108 = arith.index_cast %scan3A_340 : i32 to index
      %get3A_1109 = arith.constant 608 : index
      %get3A_1110 = tpu.vector_load %arg8[%get3A_1107, %get3A_1108, %get3A_1109] {strides = array<i32>} : memref<2x32x640xf32, #tpu.memory_space<vmem>>, vector<1x1x16xf32>,
      %get3A_1111 = vector.shape_cast %get3A_1110 : vector<1x1x16xf32> to vector<16xf32>
      %add3A_1112 = arith.addf %get3A_1105, %get3A_1111 : vector<16xf32>
      %add3A_1113 = arith.constant 96 : i32
      %add3A_1114 = arith.addi %add3A_1113, %scan3A_340 : i32
      %swap3A_1115 = arith.index_cast %add3A_1114 : i32 to index
      %swap3A_1116 = arith.constant 608 : index
      %swap3A_1117 = tpu.vector_load %arg7[%swap3A_1115, %swap3A_1116] {strides = array<i32>} : memref<128x640xf32, #tpu.memory_space<vmem>>, vector<1x16xf32>,
      %swap3A_1118 = vector.shape_cast %swap3A_1117 : vector<1x16xf32> to vector<16xf32>
      %swap3A_1119 = vector.shape_cast %add3A_1112 : vector<16xf32> to vector<1x16xf32>
      tpu.vector_store %arg7[%swap3A_1115, %swap3A_1116], %swap3A_1119 {strides = array<i32>} : memref<128x640xf32, #tpu.memory_space<vmem>>, vector<1x16xf32>,
      %add3A_1120 = arith.constant 96 : i32
      %add3A_1121 = arith.addi %add3A_1120, %scan3A_340 : i32
      %get3A_1122 = arith.index_cast %add3A_1121 : i32 to index
      %get3A_1123 = arith.constant 624 : index
      %get3A_1124 = tpu.vector_load %arg7[%get3A_1122, %get3A_1123] {strides = array<i32>} : memref<128x640xf32, #tpu.memory_space<vmem>>, vector<1x16xf32>,
      %get3A_1125 = vector.shape_cast %get3A_1124 : vector<1x16xf32> to vector<16xf32>
      %get3A_1126 = arith.constant 1 : i32
      %get3A_1127 = arith.index_cast %get3A_1126 : i32 to index
      %get3A_1128 = arith.index_cast %scan3A_340 : i32 to index
      %get3A_1129 = arith.constant 624 : index
      %get3A_1130 = tpu.vector_load %arg8[%get3A_1127, %get3A_1128, %get3A_1129] {strides = array<i32>} : memref<2x32x640xf32, #tpu.memory_space<vmem>>, vector<1x1x16xf32>,
      %get3A_1131 = vector.shape_cast %get3A_1130 : vector<1x1x16xf32> to vector<16xf32>
      %add3A_1132 = arith.addf %get3A_1125, %get3A_1131 : vector<16xf32>
      %add3A_1133 = arith.constant 96 : i32
      %add3A_1134 = arith.addi %add3A_1133, %scan3A_340 : i32
      %swap3A_1135 = arith.index_cast %add3A_1134 : i32 to index
      %swap3A_1136 = arith.constant 624 : index
      %swap3A_1137 = tpu.vector_load %arg7[%swap3A_1135, %swap3A_1136] {strides = array<i32>} : memref<128x640xf32, #tpu.memory_space<vmem>>, vector<1x16xf32>,
      %swap3A_1138 = vector.shape_cast %swap3A_1137 : vector<1x16xf32> to vector<16xf32>
      %swap3A_1139 = vector.shape_cast %add3A_1132 : vector<16xf32> to vector<1x16xf32>
      tpu.vector_store %arg7[%swap3A_1135, %swap3A_1136], %swap3A_1139 {strides = array<i32>} : memref<128x640xf32, #tpu.memory_space<vmem>>, vector<1x16xf32>,
      %scan3A_1140 = arith.constant 0 : i32
      scf.yield %scan3A_1140 : i32
    }
    %scan3A_287 = arith.constant 32 : i32
    %add3A_288 = arith.constant 96 : i32
    %add3A_289 = arith.addi %mul3A_2, %add3A_288 : i32
    %dma_start3A_290 = arith.constant 96 : i32
    %dma_start3A_291 = arith.constant 0 : i32
    %dma_start3A_292 = tpu.memref_slice %arg7[%dma_start3A_290, %dma_start3A_291] : memref<128x640xf32, #tpu.memory_space<vmem>> -> memref<32x640xf32, #tpu.memory_space<vmem>>
    %dma_start3A_293 = arith.constant 0 : i32
    %dma_start3A_294 = tpu.memref_slice %arg5[%add3A_289, %dma_start3A_293] : memref<4096x640xf32, #tpu.memory_space<hbm>> -> memref<32x640xf32, #tpu.memory_space<hbm>>
    %dma_start3A_295 = arith.constant 0 : i32
    %dma_start3A_296 = tpu.memref_slice %arg5[%add3A_289, %dma_start3A_295] : memref<4096x640xf32, #tpu.memory_space<hbm>> -> memref<32x640xf32, #tpu.memory_space<hbm>>
    %dma_start3A_297 = arith.constant 96 : i32
    %dma_start3A_298 = arith.constant 0 : i32
    %dma_start3A_299 = tpu.memref_slice %arg7[%dma_start3A_297, %dma_start3A_298] : memref<128x640xf32, #tpu.memory_space<vmem>> -> memref<32x640xf32, #tpu.memory_space<vmem>>
    tpu.enqueue_dma source(%dma_start3A_299 : memref<32x640xf32, #tpu.memory_space<vmem>>) target(%dma_start3A_296 : memref<32x640xf32, #tpu.memory_space<hbm>>) target_semaphore(%arg11 : memref<!tpu.dma_semaphore, #tpu.memory_space<semaphore_mem>>)
    %dma_wait3A_300 = arith.constant 0 : i32
    %dma_wait3A_301 = arith.constant 0 : i32
    %dma_wait3A_302 = tpu.memref_slice %arg7[%dma_wait3A_300, %dma_wait3A_301] : memref<128x640xf32, #tpu.memory_space<vmem>> -> memref<32x640xf32, #tpu.memory_space<vmem>>
    %dma_wait3A_303 = arith.constant 0 : i32
    %dma_wait3A_304 = tpu.memref_slice %arg5[%add3A_93, %dma_wait3A_303] : memref<4096x640xf32, #tpu.memory_space<hbm>> -> memref<32x640xf32, #tpu.memory_space<hbm>>
    %dma_wait3A_305 = arith.constant 0 : i32
    %dma_wait3A_306 = tpu.memref_slice %arg5[%add3A_93, %dma_wait3A_305] : memref<4096x640xf32, #tpu.memory_space<hbm>> -> memref<32x640xf32, #tpu.memory_space<hbm>>
    %dma_wait3A_307 = arith.constant 0 : i32
    %dma_wait3A_308 = arith.constant 0 : i32
    %dma_wait3A_309 = tpu.memref_slice %arg7[%dma_wait3A_307, %dma_wait3A_308] : memref<128x640xf32, #tpu.memory_space<vmem>> -> memref<32x640xf32, #tpu.memory_space<vmem>>
    tpu.wait_dma2 semaphore(%arg11 : memref<!tpu.dma_semaphore, #tpu.memory_space<semaphore_mem>>) src(%dma_wait3A_309 : memref<32x640xf32, #tpu.memory_space<vmem>>) dst(%dma_wait3A_306 : memref<32x640xf32, #tpu.memory_space<hbm>>)
    %dma_wait3A_310 = arith.constant 32 : i32
    %dma_wait3A_311 = arith.constant 0 : i32
    %dma_wait3A_312 = tpu.memref_slice %arg7[%dma_wait3A_310, %dma_wait3A_311] : memref<128x640xf32, #tpu.memory_space<vmem>> -> memref<32x640xf32, #tpu.memory_space<vmem>>
    %dma_wait3A_313 = arith.constant 0 : i32
    %dma_wait3A_314 = tpu.memref_slice %arg5[%add3A_168, %dma_wait3A_313] : memref<4096x640xf32, #tpu.memory_space<hbm>> -> memref<32x640xf32, #tpu.memory_space<hbm>>
    %dma_wait3A_315 = arith.constant 0 : i32
    %dma_wait3A_316 = tpu.memref_slice %arg5[%add3A_168, %dma_wait3A_315] : memref<4096x640xf32, #tpu.memory_space<hbm>> -> memref<32x640xf32, #tpu.memory_space<hbm>>
    %dma_wait3A_317 = arith.constant 32 : i32
    %dma_wait3A_318 = arith.constant 0 : i32
    %dma_wait3A_319 = tpu.memref_slice %arg7[%dma_wait3A_317, %dma_wait3A_318] : memref<128x640xf32, #tpu.memory_space<vmem>> -> memref<32x640xf32, #tpu.memory_space<vmem>>
    tpu.wait_dma2 semaphore(%arg11 : memref<!tpu.dma_semaphore, #tpu.memory_space<semaphore_mem>>) src(%dma_wait3A_319 : memref<32x640xf32, #tpu.memory_space<vmem>>) dst(%dma_wait3A_316 : memref<32x640xf32, #tpu.memory_space<hbm>>)
    %dma_wait3A_320 = arith.constant 64 : i32
    %dma_wait3A_321 = arith.constant 0 : i32
    %dma_wait3A_322 = tpu.memref_slice %arg7[%dma_wait3A_320, %dma_wait3A_321] : memref<128x640xf32, #tpu.memory_space<vmem>> -> memref<32x640xf32, #tpu.memory_space<vmem>>
    %dma_wait3A_323 = arith.constant 0 : i32
    %dma_wait3A_324 = tpu.memref_slice %arg5[%add3A_243, %dma_wait3A_323] : memref<4096x640xf32, #tpu.memory_space<hbm>> -> memref<32x640xf32, #tpu.memory_space<hbm>>
    %dma_wait3A_325 = arith.constant 0 : i32
    %dma_wait3A_326 = tpu.memref_slice %arg5[%add3A_243, %dma_wait3A_325] : memref<4096x640xf32, #tpu.memory_space<hbm>> -> memref<32x640xf32, #tpu.memory_space<hbm>>
    %dma_wait3A_327 = arith.constant 64 : i32
    %dma_wait3A_328 = arith.constant 0 : i32
    %dma_wait3A_329 = tpu.memref_slice %arg7[%dma_wait3A_327, %dma_wait3A_328] : memref<128x640xf32, #tpu.memory_space<vmem>> -> memref<32x640xf32, #tpu.memory_space<vmem>>
    tpu.wait_dma2 semaphore(%arg11 : memref<!tpu.dma_semaphore, #tpu.memory_space<semaphore_mem>>) src(%dma_wait3A_329 : memref<32x640xf32, #tpu.memory_space<vmem>>) dst(%dma_wait3A_326 : memref<32x640xf32, #tpu.memory_space<hbm>>)
    %dma_wait3A_330 = arith.constant 96 : i32
    %dma_wait3A_331 = arith.constant 0 : i32
    %dma_wait3A_332 = tpu.memref_slice %arg7[%dma_wait3A_330, %dma_wait3A_331] : memref<128x640xf32, #tpu.memory_space<vmem>> -> memref<32x640xf32, #tpu.memory_space<vmem>>
    %dma_wait3A_333 = arith.constant 0 : i32
    %dma_wait3A_334 = tpu.memref_slice %arg5[%add3A_289, %dma_wait3A_333] : memref<4096x640xf32, #tpu.memory_space<hbm>> -> memref<32x640xf32, #tpu.memory_space<hbm>>
    %dma_wait3A_335 = arith.constant 0 : i32
    %dma_wait3A_336 = tpu.memref_slice %arg5[%add3A_289, %dma_wait3A_335] : memref<4096x640xf32, #tpu.memory_space<hbm>> -> memref<32x640xf32, #tpu.memory_space<hbm>>
    %dma_wait3A_337 = arith.constant 96 : i32
    %dma_wait3A_338 = arith.constant 0 : i32
    %dma_wait3A_339 = tpu.memref_slice %arg7[%dma_wait3A_337, %dma_wait3A_338] : memref<128x640xf32, #tpu.memory_space<vmem>> -> memref<32x640xf32, #tpu.memory_space<vmem>>
    tpu.wait_dma2 semaphore(%arg11 : memref<!tpu.dma_semaphore, #tpu.memory_space<semaphore_mem>>) src(%dma_wait3A_339 : memref<32x640xf32, #tpu.memory_space<vmem>>) dst(%dma_wait3A_336 : memref<32x640xf32, #tpu.memory_space<hbm>>)
    return
  }
}

</mosaic_0001>

<sc_bundles>
// kernel: kernel.3.cloned.1.call-start
scs
__scs_entry_jumppad:
0x0: {  	(pc) =	sbr.rel $0x88, $3  }
0x1: {  	(tag) =	ssettag $0x0;
	lr =	simm.s32 $0x1  }
0x2: {  	[smem:$0x3F9E] =	sst lr;
	_ =	strace $0xD0000000  }
0x3: {  	_ = 	snop  }
0x4: {  	_ = 	snop  }
0x5: {  	_ = 	snop  }
0x6: {  	_ = 	snop  }
0x7: {  	_ = 	snop  }
__scs_overlays_trampoline_lowered:
0x8: {  	[smem:$0x3FAD] =	sst s0  }
0x9: {  	[smem:$0x3FAE] =	sst s1  }
0xa: {  	[smem:$0x3FAF] =	sst s2  }
0xb: {  	[smem:$0x3FB0] =	sst s3  }
0xc: {  	[smem:$0x3FB1] =	sst s4  }
0xd: {  	[smem:$0x3FB2] =	sst s5  }
0xe: {  	[smem:$0x3FB3] =	sst s6  }
0xf: {  	[smem:$0x3FB4] =	sst s7  }
0x10: {  	[smem:$0x3FB5] =	sst s8  }
0x11: {  	[smem:$0x3FB6] =	sst s9;
	s0 =	simm.s32 @!p0 $0x0  }
0x12: {  	s1 =	sld [smem:$0x3F9C];
	s0 =	simm.s32 @p0 $0x1  }
0x13: {  	[smem:$0x3FB7] =	sst s0;
	s0 =	simm.s32 @!p1 $0x0  }
0x14: {  	s2 =	sld [smem:$0x3F9B];
	s0 =	simm.s32 @p1 $0x1  }
0x15: {  	[smem:$0x3FB8] =	sst s0;
	s0 =	simm.s32 @!p2 $0x0  }
0x16: {  	s3 =	sld [smem:$0x3FDB];
	s0 =	simm.s32 @p2 $0x1  }
0x17: {  	s4 =	simm.s32 $0x1BF5;
	[smem:$0x3FBA] =	sst s0  }
0x18: {  	s0 =	sld [smem:$0x3F9D];
	_ =	swait.ge [sflag:s4], $0x0  }
0x19: {  	s7 =	sld [smem:$0x3F9E]  }
0x1a: {  	s8 =	sadd.s32 $0xFFFFE003, lr  }
0x1b: {  	s9 =	sadd.s32 $0xFFFFFEF7, lr;
	s5 =	simm.s32 $0xFFFFFFFF;
	p2 =	slt.u32 s8, $0xFFFFF086  }
0x1c: {  	p1 =	slt.u32 s9, $0xF7A;
	s5 =	simm.s32 @!p2 $0x0  }
0x1d: {  	s5 =	simm.s32 @p1 $0x1;
	p0 =	seq.s32 s7, s2  }
0x1e: {  	s7 =	smul.u32 @!p0 $0xF7A, s2;
	p2 =	seq.s32 @!p0 s5, $0x0  }
0x1f: {  	s9 =	smul.u32 $0xF7A, s1;
	s8 =	simm.s32 @!p0 $0x1BF5;
	p2 =	por !p2, p0  }
0x20: {  	[sflag:s8] =	ssyncset.s32 @!p0 $0xFFFFF086;
	s6 =	sadd.s32 @!p0 s3, s7;
	s7 =	simm.s32 @!p0 $0x108  }
0x21: {  	s3 =	sadd.s32 s3, s9;
	s6 =	sadd.s32 @!p0 $0x88, s6;
	s7 =	simm.s32 @p2 $0x1082  }
0x22: {  	[simem:s7], [sflag:s8] =	dma.local @!p0 [hbm:s6], $0xF7A  }
0x23: {  	s9 =	sor.u32 $0xD0000000, s2;
	s6 =	simm.s32 $0x108;
	_ =	swait.ge @!p0 [sflag:s8], $0x0  }
0x24: {  	s3 =	sadd.s32 $0x88, s3;
	s6 =	simm.s32 @!p1 $0x1082;
	[sflag:s4] =	ssyncset.s32 $0xFFFFF086  }
0x25: {  	[simem:s6], [sflag:s4] =	dma.local [hbm:s3], $0xF7A  }
0x26: {  	[smem:$0x3F9E] =	sst s1;
	(tag) =	ssettag s2;
	_ =	strace s9  }
0x27: {  	s1 =	sld [smem:$0x3FAE]  }
0x28: {  	s2 =	sld [smem:$0x3FAF]  }
0x29: {  	s4 =	sld [smem:$0x3FB1]  }
0x2a: {  	p0 =	seq.s32 s5, $0x0;
	s5 =	sld [smem:$0x3FB2]  }
0x2b: {  	s6 =	sld [smem:$0x3FB3]  }
0x2c: {  	s7 =	sld [smem:$0x3FB4]  }
0x2d: {  	s3 =	simm.s32 $0x108;
	s8 =	sld [smem:$0x3FB5]  }
0x2e: {  	s3 =	simm.s32 @!p0 $0x1082;
	s9 =	sld [smem:$0x3FB6]  }
0x2f: {  	lr =	sadd.s32 s0, s3;
	s0 =	sld [smem:$0x3FAD]  }
0x30: {  	s3 =	sld [smem:$0x3FB0]  }
0x31: {  	[smem:$0x3FB9] =	sst s10  }
0x32: {  	s10 =	sld [smem:$0x3FB7];
	_ =	sdelay $0x3  }
0x33: {  	p0 =	seq.s32 s10, $0x1;
	s10 =	sld [smem:$0x3FB9];
	_ =	sdelay $0x3  }
0x34: {  	[smem:$0x3FB9] =	sst s10  }
0x35: {  	s10 =	sld [smem:$0x3FB8];
	_ =	sdelay $0x3  }
0x36: {  	p1 =	seq.s32 s10, $0x1;
	s10 =	sld [smem:$0x3FB9];
	_ =	sdelay $0x3  }
0x37: {  	[smem:$0x3FB9] =	sst s10  }
0x38: {  	s10 =	sld [smem:$0x3FBA]  }
0x39: {  	_ = 	snop;
	(pc) =	sbr.ind lr, $3  }
0x3a: {  	_ = 	snop  }
0x3b: {  	_ = 	snop  }
0x3c: {  	p2 =	seq.s32 s10, $0x1;
	s10 =	sld [smem:$0x3FB9]  }
0x3d: {  	_ =	shalt  }
0x3e: {  	_ =	shalt  }
0x3f: {  	_ =	shalt  }
0x40: {  	_ =	shalt  }
0x41: {  	_ =	shalt  }
0x42: {  	_ =	shalt  }
0x43: {  	_ =	shalt  }
0x44: {  	_ =	shalt  }
0x45: {  	_ =	shalt  }
0x46: {  	_ =	shalt  }
0x47: {  	_ =	shalt  }
0x48: {  	_ =	shalt  }
0x49: {  	_ =	shalt  }
0x4a: {  	_ =	shalt  }
0x4b: {  	_ =	shalt  }
0x4c: {  	_ =	shalt  }
0x4d: {  	_ =	shalt  }
0x4e: {  	_ =	shalt  }
0x4f: {  	_ =	shalt  }
0x50: {  	_ =	shalt  }
0x51: {  	_ =	shalt  }
0x52: {  	_ =	shalt  }
0x53: {  	_ =	shalt  }
0x54: {  	_ =	shalt  }
0x55: {  	_ =	shalt  }
0x56: {  	_ =	shalt  }
0x57: {  	_ =	shalt  }
0x58: {  	_ =	shalt  }
0x59: {  	_ =	shalt  }
0x5a: {  	_ =	shalt  }
0x5b: {  	_ =	shalt  }
0x5c: {  	_ =	shalt  }
0x5d: {  	_ =	shalt  }
0x5e: {  	_ =	shalt  }
0x5f: {  	_ =	shalt  }
0x60: {  	_ =	shalt  }
0x61: {  	_ =	shalt  }
0x62: {  	_ =	shalt  }
0x63: {  	_ =	shalt  }
0x64: {  	_ =	shalt  }
0x65: {  	_ =	shalt  }
0x66: {  	_ =	shalt  }
0x67: {  	_ =	shalt  }
0x68: {  	_ =	shalt  }
0x69: {  	_ =	shalt  }
0x6a: {  	_ =	shalt  }
0x6b: {  	_ =	shalt  }
0x6c: {  	_ =	shalt  }
0x6d: {  	_ =	shalt  }
0x6e: {  	_ =	shalt  }
0x6f: {  	_ =	shalt  }
0x70: {  	_ =	shalt  }
0x71: {  	_ =	shalt  }
0x72: {  	_ =	shalt  }
0x73: {  	_ =	shalt  }
0x74: {  	_ =	shalt  }
0x75: {  	_ =	shalt  }
0x76: {  	_ =	shalt  }
0x77: {  	_ =	shalt  }
0x78: {  	_ =	shalt  }
0x79: {  	_ =	shalt  }
0x7a: {  	_ =	shalt  }
0x7b: {  	_ =	shalt  }
0x7c: {  	_ =	shalt  }
0x7d: {  	_ =	shalt  }
0x7e: {  	_ =	shalt  }
0x7f: {  	_ =	shalt  }
0x80: {  	_ =	shalt  }
0x81: {  	_ =	shalt  }
0x82: {  	_ =	shalt  }
0x83: {  	_ =	shalt  }
0x84: {  	_ =	shalt  }
0x85: {  	_ =	shalt  }
0x86: {  	_ =	shalt  }
0x87: {  	_ =	shalt  }
.Lfunc_end0:
.L_simem_size_0:
called_computation_lowered:
.L_overlay_start_0:
0x88: {  	s2 =	sld [smem:$0x3FD9]  }
0x89: {  	s3 =	sld [smem:$0x3FFE];
	_ =	sdelay $0x1  }
0x8a: {  	s1 =	srdreg.scid  }
0x8b: {  	s0 =	sand.u32 $0x1, s1  }
0x8c: {  	s17 =	sshll.u32 s0, $0xA;
	s2 =	sadd.s32 s3, s2  }
0x8d: {  	s2 =	sadd.s32 s2, s17  }
0x8e: {  	[smem:$0x3FC5] =	sst s2  }
0x8f: {  	_ = 	snop  }
0x90: {  	s2 =	sld [smem:$0x3FC8]  }
0x91: {  	s18 =	sld [smem:$0x3FD0];
	(tm) =	ssettm $0x1  }
0x92: {  	s4 =	sld [smem:$0x3FFB];
	_ =	sdelay $0x3  }
0x93: {  	_ =	strace s4  }
0x94: {  	s4 =	sld [smem:$0x3FFC];
	_ =	sdelay $0x3  }
0x95: {  	_ =	strace s4  }
0x96: {  	s4 =	sld [smem:$0x3FFD];
	_ =	sdelay $0x3  }
0x97: {  	_ =	strace s4  }
0x98: {  	_ =	strace $0x8FFFFFFF  }
0x99: {  	s19 =	sld [smem:$0x3FDB];
	_ =	sdelay $0x1  }
0x9a: {  	s5 =	simm.s32 $_scs_section_size  }
0x9b: {  	s6 =	simm.s32 $_size__tile_overlayer_lowered;
	s7 =	simm.s32 $_tile_overlayer_lowered  }
0x9c: {  	s22 =	simm.s32 $0x1BFF;
	s21 =	sshll.u32 s7, $0x1;
	s4 =	sadd.s32 s5, s19  }
0x9d: {  	s8 =	simm.s32 $0x0;
	s20 =	sshll.u32 s6, $0x1;
	s6 =	sadd.s32 s21, s4  }
0x9e: {  	[timem:s8], [sflag:s22] =	dma.local [hbm:s6], s20  }
0x9f: {  	_ =	swait.ge [sflag:s22], s20  }
0xa0: {  	s5 =	ssub.s32 $0x0, s20;
	[sflag:s22] =	ssyncset.done $0x0  }
0xa1: {  	[sflag:s22] =	ssyncadd.s32 s5;
	_ =	sdelay $0x1  }
0xa2: {  	s23 =	simm.s32 $0x1B8B  }
0xa3: {  	_ =	swait.ge [sflag:s23], $0x1  }
0xa4: {  	[sflag:s23] =	ssyncset.done $0x0  }
0xa5: {  	s25 =	simm.s32 $0x1B8E;
	s24 =	sld [smem:$0x3FFE];
	[sflag:s23] =	ssyncadd.s32 $0xFFFFFFFF  }
0xa6: {  	s26 =	simm.s32 $execute0_lowered;
	[smem:$0x3FD2] =	sst s25  }
0xa7: {  	s6 =	sshll.u32 s26, $0x1;
	_ =	strace $0x80000046;
	[dreg:$0x1] =	wrdreg $0xFFFFFFFF  }
0xa8: {  	s28 =	simm.s32 $_size_execute0_lowered;
	s4 =	sadd.s32 s4, s6;
	[dreg:$0x0] =	wrdreg $0x0  }
0xa9: {  	s6 =	sshll.u32 s28, $0x1;
	[dreg:$0x2] =	wrdreg s4  }
0xaa: {  	[dreg:$0x3] =	wrdreg s6  }
0xab: {  	[dreg:$0x4] =	wrdreg $0xC0  }
0xac: {  	_ =	task [dreg:s8], $0x5FFFF  }
0xad: {  	[dreg:$0x1] =	wrdreg $0xFFFFFFFF  }
0xae: {  	[dreg:$0x0] =	wrdreg $0x60  }
0xaf: {  	[dreg:$0x2] =	wrdreg s24  }
0xb0: {  	[dreg:$0x3] =	wrdreg s2  }
0xb1: {  	[dreg:$0x4] =	wrdreg s18  }
0xb2: {  	[dreg:$0x5] =	wrdreg $0x9  }
0xb3: {  	_ =	task.clear_ibuf [dreg:s8], $0x6FFFF;
	_ =	strace $0x90000046  }
0xb4: {  	s29 =	simm.s32 $0x9;
	_ =	strace $0x80000048  }
0xb5: {  	_ =	swait.ge [sflag:s29], $0x1  }
0xb6: {  	[sflag:s29] =	ssyncadd.s32 $0xFFFFFFFF  }
0xb7: {  	_ =	strace $0x90000048  }
0xb8: {  	_ =	sfence  }
0xb9: {  	s30 =	sld [smem:$0x0];
	_ =	sdelay $0x2  }
0xba: {  	s31 =	sshll.u32 s1, $0xD;
	s1 =	sshrl.u32 s1, $0x2  }
0xbb: {  	s3 =	sand.u32 $0x4000, s31;
	s1 =	sadd.s32 s1, s30  }
0xbc: {  	s0 =	sor.u32 s3, s0;
	s1 =	sshll.u32 s1, $0x11  }
0xbd: {  	s0 =	sor.u32 s1, s0  }
0xbe: {  	s0 =	sadd.s32 $0x8F2B, s0  }
0xbf: {  	[sflag:s0] =	ssyncadd.remote.s32 $0x1  }
0xc0: {  	_ =	sfence.sel $0xFFFF  }
0xc1: {  	[dreg:$0x0] =	wrdreg $0xFFFFFFFF;
	(pc) =	sbr.abs _section_cstart, $3  }
0xc2: {  	[dreg:$0x1] =	wrdreg $0xFFFFFFFF  }
0xc3: {  	_ =	task.clear_ibuf [dreg:s8], $0x2FFFF;
	_ =	strace $0x9FFFFFFF  }
0xc4: {  	(tm) =	ssettm $0x7FFFFFFF  }
0xc5: {  	_ =	shalt  }
tec
execute0_lowered:
.L_overlay_start_1:
0x0: {  	(tag) =	ssettag $0x1  }
0x1: {  	s0 =	rddreg [dreg:$0x0]  }
0x2: {  	s1 =	rddreg [dreg:$0x1]  }
0x3: {  	s12 =	rddreg [dreg:$0x2]  }
0x4: {  	s2 =	srdreg.scid;
	s4 =	stileid.u32  }
0x5: {  	s30 =	simm.s32 $0x80;
	s31 =	simm.s32 $0x5080;
	s28 =	simm.s32 $0x19080  }
0x6: {  	s29 =	simm.s32 $0x1;
	s20 =	simm.s32 $0x2;
	s21 =	simm.s32 $0x4  }
0x7: {  	s22 =	simm.s32 $0xF080;
	s19 =	simm.s32 $0x5;
	s23 =	simm.s32 $0x0  }
0x8: {  	s3 =	sand.u32 $0x1, s2;
	s2 =	simm.s32 $0x0;
	s4 =	sshll.u32 s4, $0x5  }
0x9: {  	s14 =	sadd.s32 $0x7A1600, s0;
	s5 =	sshll.u32 s3, $0x4;
	[smem:$0x7FF] =	sst s2  }
0xa: {  	s24 =	ssub.s32 $0x2, s3;
	s3 =	sadd.s32 $0x400, s0;
	s4 =	sor.u32 s5, s4  }
0xb: {  	_ =	strace $0x80000047;
	s7 =	sshrl.u32 s24, $0x1;
	s6 =	smul.u32 $0x1400, s4  }
0xc: {  	s5 =	sadd.s32 $0x500, s0;
	s15 =	ssub.s32 s24, s7;
	s9 =	smul.u32 $0x280, s4  }
0xd: {  	s4 =	sadd.s32 s1, s4;
	s1 =	simm.s32 $0xA080;
	s15 =	smax.u32 s15, $0x1  }
0xe: {  	s10 =	sshrl.u32 s6, $0x3;
	s6 =	sadd.s32 $0x600, s0;
	s7 =	sadd.s32 s12, s9  }
0xf: {  	s9 =	sadd.s32 s14, s9;
	s0 =	simm.s32 $0x3;
	s25 =	sadd.s32 $0xA00, s10  }
0x10: {  	v2 =	vlaneseq.u32;
	s26 =	sadd.s32 $0x1400, s10;
	s16 =	sadd.s32 $0x1E00, s10;
	s8 =	sadd.s32 s12, s25  }
0x11: {  	vm0 =	vmmov $0xffff;
	vm1 =	vmmov $0xff;
	v1 =	vshrl.u32 v2, $0x3;
	s10 =	sadd.s32 s12, s26;
	s11 =	sadd.s32 s14, s25;
	s12 =	sadd.s32 s12, s16  }
0x12: {  	v0 =	vand.u32 $0x7, v2;
	v2 =	vor.u32 $0x8, v2;
	v1 =	vmul.u32 $0x8, v1;
	s13 =	sadd.s32 s14, s26;
	s14 =	sadd.s32 s14, s16;
	s16 =	simm.s32 $0x6  }
.LBB2_1:
0x13: {  	[tilespmem:s2], [sflag:$0x6] =	stream.linear.gather [hbm4b:s4+s2], $0x80, $0x38;
	[tilespmem:$0x1E080] =	vst v63  }
0x14: {  	_ =	swait.ge [sflag:s16], $0x80  }
0x15: {  	[sflag:s16] =	ssyncset.done $0x0  }
0x16: {  	[sflag:s16] =	ssyncadd.s32 $0xFFFFFF80  }
0x17: {  	v3 =	vld [tilespmem:$0x0];
	_ =	sdelay $0x4  }
0x18: {  	v4 =	vshrl.u32 v3, $0x3  }
0x19: {  	v4 =	vmul.u32 $0x28, v4  }
0x1a: {  	v3 =	vand.u32 $0x7, v3  }
0x1b: {  	v3 =	vor.u32 v3, v4  }
0x1c: {  	v4 =	vperm.xlane v3, v0;
	_ =	sdelay $0x1  }
0x1d: {  	v4 =	vadd.s32 v1, v4;
	_ =	sdelay $0x3  }
0x1e: {  	v3 =	vperm.xlane v3, v2  }
0x1f: {  	[tilespmem:s30], [sflag:$0x1] =	stream.indirect_vreg.gather [hbm4b:s3+s2], $0x80, v4, vm0, $0xb8;
	[tilespmem:$0x1E080] =	vst v63  }
0x20: {  	s17 =	simm.s32 $0x880;
	v3 =	vadd.s32 v1, v3  }
0x21: {  	[tilespmem:s17], [sflag:$0x1] =	stream.indirect_vreg.gather [hbm4b:s5+s2], $0x80, v4, vm0, $0xb8;
	[tilespmem:$0x1E080] =	vst v63  }
0x22: {  	s24 =	simm.s32 $0x1080  }
0x23: {  	[tilespmem:s24], [sflag:$0x1] =	stream.indirect_vreg.gather [hbm4b:s6+s2], $0x80, v4, vm1, $0xb8;
	[tilespmem:$0x1E080] =	vst v63  }
0x24: {  	s25 =	simm.s32 $0x1480  }
0x25: {  	[tilespmem:s25], [sflag:$0x1] =	stream.indirect_vreg.gather [hbm4b:s3+s2], $0x80, v3, vm0, $0xb8;
	[tilespmem:$0x1E080] =	vst v63  }
0x26: {  	s26 =	simm.s32 $0x1C80  }
0x27: {  	[tilespmem:s26], [sflag:$0x1] =	stream.indirect_vreg.gather [hbm4b:s5+s2], $0x80, v3, vm0, $0xb8;
	[tilespmem:$0x1E080] =	vst v63  }
0x28: {  	s18 =	simm.s32 $0x2480  }
0x29: {  	[tilespmem:s18], [sflag:$0x1] =	stream.indirect_vreg.gather [hbm4b:s6+s2], $0x80, v3, vm1, $0xb8;
	[tilespmem:$0x1E080] =	vst v63  }
0x2a: {  	v3 =	vld [tilespmem:$0x10];
	_ =	sdelay $0x4  }
0x2b: {  	v4 =	vshrl.u32 v3, $0x3  }
0x2c: {  	v4 =	vmul.u32 $0x28, v4  }
0x2d: {  	v3 =	vand.u32 $0x7, v3  }
0x2e: {  	v3 =	vor.u32 v3, v4  }
0x2f: {  	v4 =	vperm.xlane v3, v0;
	_ =	sdelay $0x1  }
0x30: {  	v4 =	vadd.s32 v1, v4;
	_ =	sdelay $0x3  }
0x31: {  	s24 =	simm.s32 $0x2880;
	v3 =	vperm.xlane v3, v2  }
0x32: {  	[tilespmem:s24], [sflag:$0x1] =	stream.indirect_vreg.gather [hbm4b:s3+s2], $0x80, v4, vm0, $0xb8;
	[tilespmem:$0x1E080] =	vst v63  }
0x33: {  	s25 =	simm.s32 $0x3080;
	v3 =	vadd.s32 v1, v3  }
0x34: {  	[tilespmem:s25], [sflag:$0x1] =	stream.indirect_vreg.gather [hbm4b:s5+s2], $0x80, v4, vm0, $0xb8;
	[tilespmem:$0x1E080] =	vst v63  }
0x35: {  	s26 =	simm.s32 $0x3880  }
0x36: {  	[tilespmem:s26], [sflag:$0x1] =	stream.indirect_vreg.gather [hbm4b:s6+s2], $0x80, v4, vm1, $0xb8;
	[tilespmem:$0x1E080] =	vst v63  }
0x37: {  	s18 =	simm.s32 $0x3C80  }
0x38: {  	[tilespmem:s18], [sflag:$0x1] =	stream.indirect_vreg.gather [hbm4b:s3+s2], $0x80, v3, vm0, $0xb8;
	[tilespmem:$0x1E080] =	vst v63  }
0x39: {  	s24 =	simm.s32 $0x4480  }
0x3a: {  	[tilespmem:s24], [sflag:$0x1] =	stream.indirect_vreg.gather [hbm4b:s5+s2], $0x80, v3, vm0, $0xb8;
	[tilespmem:$0x1E080] =	vst v63  }
0x3b: {  	s25 =	simm.s32 $0x4C80  }
0x3c: {  	[tilespmem:s25], [sflag:$0x1] =	stream.indirect_vreg.gather [hbm4b:s6+s2], $0x80, v3, vm1, $0xb8;
	[tilespmem:$0x1E080] =	vst v63  }
0x3d: {  	s26 =	simm.s32 $0x14080  }
0x3e: {  	[tilespmem:s26], [sflag:$0x3] =	stream.linear.gather [hbm4b:s7+s2], $0x5000, $0x38;
	[tilespmem:$0x1E080] =	vst v63  }
0x3f: {  	v3 =	vld [tilespmem:$0x20];
	_ =	sdelay $0x4  }
0x40: {  	v4 =	vshrl.u32 v3, $0x3  }
0x41: {  	v4 =	vmul.u32 $0x28, v4  }
0x42: {  	v3 =	vand.u32 $0x7, v3  }
0x43: {  	v3 =	vor.u32 v3, v4  }
0x44: {  	v4 =	vperm.xlane v3, v0;
	_ =	sdelay $0x1  }
0x45: {  	v4 =	vadd.s32 v1, v4;
	_ =	sdelay $0x3  }
0x46: {  	v3 =	vperm.xlane v3, v2  }
0x47: {  	[tilespmem:s31], [sflag:$0x2] =	stream.indirect_vreg.gather [hbm4b:s3+s2], $0x80, v4, vm0, $0xb8;
	[tilespmem:$0x1E080] =	vst v63  }
0x48: {  	s18 =	simm.s32 $0x5880;
	v3 =	vadd.s32 v1, v3  }
0x49: {  	[tilespmem:s18], [sflag:$0x2] =	stream.indirect_vreg.gather [hbm4b:s5+s2], $0x80, v4, vm0, $0xb8;
	[tilespmem:$0x1E080] =	vst v63  }
0x4a: {  	s24 =	simm.s32 $0x6080  }
0x4b: {  	[tilespmem:s24], [sflag:$0x2] =	stream.indirect_vreg.gather [hbm4b:s6+s2], $0x80, v4, vm1, $0xb8;
	[tilespmem:$0x1E080] =	vst v63  }
0x4c: {  	s25 =	simm.s32 $0x6480  }
0x4d: {  	[tilespmem:s25], [sflag:$0x2] =	stream.indirect_vreg.gather [hbm4b:s3+s2], $0x80, v3, vm0, $0xb8;
	[tilespmem:$0x1E080] =	vst v63  }
0x4e: {  	s26 =	simm.s32 $0x6C80  }
0x4f: {  	[tilespmem:s26], [sflag:$0x2] =	stream.indirect_vreg.gather [hbm4b:s5+s2], $0x80, v3, vm0, $0xb8;
	[tilespmem:$0x1E080] =	vst v63  }
0x50: {  	s18 =	simm.s32 $0x7480  }
0x51: {  	[tilespmem:s18], [sflag:$0x2] =	stream.indirect_vreg.gather [hbm4b:s6+s2], $0x80, v3, vm1, $0xb8;
	[tilespmem:$0x1E080] =	vst v63  }
0x52: {  	v3 =	vld [tilespmem:$0x30];
	_ =	sdelay $0x4  }
0x53: {  	v4 =	vshrl.u32 v3, $0x3  }
0x54: {  	v4 =	vmul.u32 $0x28, v4  }
0x55: {  	v3 =	vand.u32 $0x7, v3  }
0x56: {  	v3 =	vor.u32 v3, v4  }
0x57: {  	v4 =	vperm.xlane v3, v0;
	_ =	sdelay $0x1  }
0x58: {  	v4 =	vadd.s32 v1, v4;
	_ =	sdelay $0x3  }
0x59: {  	s24 =	simm.s32 $0x7880;
	v3 =	vperm.xlane v3, v2  }
0x5a: {  	[tilespmem:s24], [sflag:$0x2] =	stream.indirect_vreg.gather [hbm4b:s3+s2], $0x80, v4, vm0, $0xb8;
	[tilespmem:$0x1E080] =	vst v63  }
0x5b: {  	s25 =	simm.s32 $0x8080;
	v3 =	vadd.s32 v1, v3  }
0x5c: {  	[tilespmem:s25], [sflag:$0x2] =	stream.indirect_vreg.gather [hbm4b:s5+s2], $0x80, v4, vm0, $0xb8;
	[tilespmem:$0x1E080] =	vst v63  }
0x5d: {  	s26 =	simm.s32 $0x8880  }
0x5e: {  	[tilespmem:s26], [sflag:$0x2] =	stream.indirect_vreg.gather [hbm4b:s6+s2], $0x80, v4, vm1, $0xb8;
	[tilespmem:$0x1E080] =	vst v63  }
0x5f: {  	s18 =	simm.s32 $0x8C80  }
0x60: {  	[tilespmem:s18], [sflag:$0x2] =	stream.indirect_vreg.gather [hbm4b:s3+s2], $0x80, v3, vm0, $0xb8;
	[tilespmem:$0x1E080] =	vst v63  }
0x61: {  	s24 =	simm.s32 $0x9480  }
0x62: {  	[tilespmem:s24], [sflag:$0x2] =	stream.indirect_vreg.gather [hbm4b:s5+s2], $0x80, v3, vm0, $0xb8;
	[tilespmem:$0x1E080] =	vst v63  }
0x63: {  	s25 =	simm.s32 $0x9C80  }
0x64: {  	[tilespmem:s25], [sflag:$0x2] =	stream.indirect_vreg.gather [hbm4b:s6+s2], $0x80, v3, vm1, $0xb8;
	[tilespmem:$0x1E080] =	vst v63  }
0x65: {  	_ = 	snop  }
0x66: {  	[tilespmem:s28], [sflag:$0x4] =	stream.linear.gather [hbm4b:s8+s2], $0x5000, $0x38;
	[tilespmem:$0x1E080] =	vst v63  }
0x67: {  	_ =	swait.ge [sflag:s29], $0x5000  }
0x68: {  	[sflag:s29] =	ssyncset.done $0x0  }
0x69: {  	s26 =	simm.s32 $0x0;
	[sflag:s29] =	ssyncadd.s32 $0xFFFFB000  }
0x6a: {  	s17 =	smul.u32 $0x1400, s26;
	_ =	swait.ge [sflag:s0], $0x5000  }
0x6b: {  	s18 =	sand.u32 $0x380, s2;
	[sflag:s0] =	ssyncset.done $0x0  }
0x6c: {  	s18 =	sor.u32 s18, s17;
	[sflag:s0] =	ssyncadd.s32 $0xFFFFB000  }
0x6d: {  	v3 =	vld [tilespmem:s18+$0x14080]  }
0x6e: {  	v12 =	vld [tilespmem:s18+$0x14090]  }
0x6f: {  	v13 =	vld [tilespmem:s18+$0x140A0]  }
0x70: {  	v14 =	vld [tilespmem:s18+$0x140B0]  }
0x71: {  	v15 =	vld [tilespmem:s18+$0x140C0]  }
0x72: {  	v16 =	vld [tilespmem:s18+$0x140D0]  }
0x73: {  	v17 =	vld [tilespmem:s18+$0x140E0]  }
0x74: {  	v18 =	vld [tilespmem:s18+$0x140F0]  }
0x75: {  	v19 =	vld [tilespmem:s18+$0x14480]  }
0x76: {  	v20 =	vld [tilespmem:s18+$0x14490]  }
0x77: {  	v21 =	vld [tilespmem:s18+$0x144A0]  }
0x78: {  	v22 =	vld [tilespmem:s18+$0x144B0]  }
0x79: {  	v23 =	vld [tilespmem:s18+$0x144C0]  }
0x7a: {  	v24 =	vld [tilespmem:s18+$0x144D0]  }
0x7b: {  	v25 =	vld [tilespmem:s18+$0x144E0]  }
0x7c: {  	v26 =	vld [tilespmem:s18+$0x144F0]  }
0x7d: {  	v27 =	vld [tilespmem:s18+$0x14880]  }
0x7e: {  	v28 =	vld [tilespmem:s18+$0x14890]  }
0x7f: {  	v29 =	vld [tilespmem:s18+$0x148A0]  }
0x80: {  	v30 =	vld [tilespmem:s18+$0x148B0]  }
0x81: {  	v31 =	vld [tilespmem:s18+$0x148C0]  }
0x82: {  	v32 =	vld [tilespmem:s18+$0x148D0]  }
0x83: {  	v33 =	vld [tilespmem:s18+$0x148E0]  }
0x84: {  	v34 =	vld [tilespmem:s18+$0x148F0]  }
0x85: {  	v35 =	vld [tilespmem:s18+$0x14C80]  }
0x86: {  	v36 =	vld [tilespmem:s18+$0x14C90]  }
0x87: {  	v37 =	vld [tilespmem:s18+$0x14CA0]  }
0x88: {  	v38 =	vld [tilespmem:s18+$0x14CB0]  }
0x89: {  	v39 =	vld [tilespmem:s18+$0x14CC0]  }
0x8a: {  	v40 =	vld [tilespmem:s18+$0x14CD0]  }
0x8b: {  	v41 =	vld [tilespmem:s18+$0x14CE0]  }
0x8c: {  	v11 =	vld [tilespmem:s18+$0x14CF0]  }
0x8d: {  	v10 =	vld [tilespmem:s18+$0x15080]  }
0x8e: {  	v9 =	vld [tilespmem:s18+$0x15090]  }
0x8f: {  	v8 =	vld [tilespmem:s18+$0x150A0]  }
0x90: {  	v7 =	vld [tilespmem:s18+$0x150B0]  }
0x91: {  	v6 =	vld [tilespmem:s18+$0x150C0]  }
0x92: {  	v42 =	vld [tilespmem:s18+$0x80]  }
0x93: {  	v43 =	vld [tilespmem:s18+$0x90]  }
0x94: {  	v5 =	vld [tilespmem:s18+$0x150D0]  }
0x95: {  	v44 =	vld [tilespmem:s18+$0xA0]  }
0x96: {  	v45 =	vld [tilespmem:s18+$0xB0]  }
0x97: {  	v60 =	vld [tilespmem:s18+$0xC0]  }
0x98: {  	v61 =	vld [tilespmem:s18+$0xD0]  }
0x99: {  	v62 =	vld [tilespmem:s18+$0xE0];
	v12 =	vadd.f32 v12, v43  }
0x9a: {  	v63 =	vld [tilespmem:s18+$0xF0];
	v13 =	vadd.f32 v13, v44  }
0x9b: {  	v14 =	vadd.f32 v14, v45;
	[tilespmem:s18+$0x90] =	vst v12;
	v12 =	vld [tilespmem:s18+$0x480]  }
0x9c: {  	v15 =	vadd.f32 v15, v60;
	[tilespmem:s18+$0xA0] =	vst v13;
	v13 =	vld [tilespmem:s18+$0x490]  }
0x9d: {  	[tilespmem:s18+$0xB0] =	vst v14;
	v14 =	vld [tilespmem:s18+$0x4A0]  }
0x9e: {  	v16 =	vadd.f32 v16, v61;
	[tilespmem:s18+$0xC0] =	vst v15;
	v15 =	vld [tilespmem:s18+$0x4B0]  }
0x9f: {  	v4 =	vld [tilespmem:s18+$0x150E0];
	v17 =	vadd.f32 v17, v62  }
0xa0: {  	v18 =	vadd.f32 v18, v63;
	[tilespmem:s18+$0xD0] =	vst v16;
	v16 =	vld [tilespmem:s18+$0x4C0]  }
0xa1: {  	[tilespmem:s18+$0xE0] =	vst v17;
	v17 =	vld [tilespmem:s18+$0x4D0];
	v12 =	vadd.f32 v19, v12  }
0xa2: {  	[tilespmem:s18+$0xF0] =	vst v18;
	v18 =	vld [tilespmem:s18+$0x4F0];
	v13 =	vadd.f32 v20, v13  }
0xa3: {  	v15 =	vadd.f32 v22, v15;
	[tilespmem:s18+$0x480] =	vst v12;
	v12 =	vadd.f32 v21, v14;
	v14 =	vld [tilespmem:s18+$0x4E0]  }
0xa4: {  	[tilespmem:s18+$0x490] =	vst v13;
	v13 =	vld [tilespmem:s18+$0x880]  }
0xa5: {  	v42 =	vadd.f32 v3, v42;
	[tilespmem:s18+$0x4B0] =	vst v15;
	v15 =	vld [tilespmem:s18+$0x8A0]  }
0xa6: {  	v16 =	vadd.f32 v23, v16;
	[tilespmem:s18+$0x4A0] =	vst v12;
	v12 =	vld [tilespmem:s18+$0x890]  }
0xa7: {  	v3 =	vld [tilespmem:s18+$0x150F0];
	[tilespmem:s18+$0x80] =	vst v42;
	v17 =	vadd.f32 v24, v17  }
0xa8: {  	[tilespmem:s18+$0x4C0] =	vst v16;
	v16 =	vld [tilespmem:s18+$0x8B0];
	v14 =	vadd.f32 v25, v14  }
0xa9: {  	[tilespmem:s18+$0x4D0] =	vst v17;
	v17 =	vld [tilespmem:s18+$0x8C0];
	v13 =	vadd.f32 v27, v13  }
0xaa: {  	v18 =	vadd.f32 v26, v18;
	[tilespmem:s18+$0x4E0] =	vst v14;
	v14 =	vld [tilespmem:s18+$0x8D0]  }
0xab: {  	v12 =	vadd.f32 v28, v12;
	[tilespmem:s18+$0x880] =	vst v13;
	v13 =	vadd.f32 v29, v15;
	v15 =	vld [tilespmem:s18+$0x8E0]  }
0xac: {  	[tilespmem:s18+$0x4F0] =	vst v18;
	v18 =	vld [tilespmem:s18+$0x8F0]  }
0xad: {  	v16 =	vadd.f32 v30, v16;
	[tilespmem:s18+$0x890] =	vst v12;
	v12 =	vld [tilespmem:s18+$0xC80]  }
0xae: {  	v17 =	vadd.f32 v31, v17;
	[tilespmem:s18+$0x8A0] =	vst v13;
	v13 =	vld [tilespmem:s18+$0xC90]  }
0xaf: {  	[tilespmem:s18+$0x8B0] =	vst v16;
	v16 =	vld [tilespmem:s18+$0xCA0];
	v14 =	vadd.f32 v32, v14  }
0xb0: {  	[tilespmem:s18+$0x8C0] =	vst v17;
	v17 =	vld [tilespmem:s18+$0xCB0];
	v15 =	vadd.f32 v33, v15  }
0xb1: {  	v19 =	vld [tilespmem:s18+$0xCC0];
	[tilespmem:s18+$0x8D0] =	vst v14;
	v14 =	vadd.f32 v34, v18  }
0xb2: {  	[tilespmem:s18+$0x8E0] =	vst v15;
	v12 =	vadd.f32 v35, v12;
	v18 =	vld [tilespmem:s18+$0xCD0]  }
0xb3: {  	v20 =	vld [tilespmem:s18+$0xCE0];
	v13 =	vadd.f32 v36, v13;
	[tilespmem:s18+$0x8F0] =	vst v14  }
0xb4: {  	[tilespmem:s18+$0xC80] =	vst v12;
	v12 =	vadd.f32 v37, v16;
	v16 =	vld [tilespmem:s18+$0xCF0]  }
0xb5: {  	v15 =	vld [tilespmem:s18+$0x1080];
	[tilespmem:s18+$0xC90] =	vst v13;
	v13 =	vadd.f32 v38, v17  }
0xb6: {  	v14 =	vld [tilespmem:s18+$0x1090];
	[tilespmem:s18+$0xCA0] =	vst v12;
	v12 =	vadd.f32 v39, v19  }
0xb7: {  	[tilespmem:s18+$0xCB0] =	vst v13;
	v13 =	vld [tilespmem:s18+$0x10A0];
	v18 =	vadd.f32 v40, v18  }
0xb8: {  	s24 =	simm.s32 $0x1;
	s25 =	simm.s32 $0x0;
	v17 =	vadd.f32 v41, v20;
	[tilespmem:s18+$0xCC0] =	vst v12;
	v12 =	vld [tilespmem:s18+$0x10B0]  }
.LBB2_2:
0xb9: {  	s17 =	sshrl.u32 s24, $0x3;
	p0 =	sne.s32 s24, $0x1F;
	[tilespmem:s18+$0xCD0] =	vst v18;
	v11 =	vadd.f32 v11, v16;
	v16 =	vld [tilespmem:s18+$0x10C0]  }
0xba: {  	s25 =	sadd.s32 $0x80, s25;
	s17 =	smul.u32 $0x1400, s17;
	[tilespmem:s18+$0xCE0] =	vst v17;
	v10 =	vadd.f32 v10, v15;
	v15 =	vld [tilespmem:s18+$0x10D0]  }
0xbb: {  	s26 =	sand.u32 $0x380, s25;
	[tilespmem:s18+$0xCF0] =	vst v11;
	v9 =	vadd.f32 v9, v14;
	v11 =	vld [tilespmem:s18+$0x10E0]  }
0xbc: {  	s17 =	sor.u32 s26, s17;
	[tilespmem:s18+$0x1080] =	vst v10;
	v8 =	vadd.f32 v8, v13;
	v10 =	vld [tilespmem:s18+$0x10F0]  }
0xbd: {  	v23 =	vld [tilespmem:s17+$0x14080];
	[tilespmem:s18+$0x1090] =	vst v9;
	v7 =	vadd.f32 v7, v12  }
0xbe: {  	v24 =	vld [tilespmem:s17+$0x14090];
	[tilespmem:s18+$0x10A0] =	vst v8;
	v6 =	vadd.f32 v6, v16  }
0xbf: {  	v25 =	vld [tilespmem:s17+$0x140A0];
	[tilespmem:s18+$0x10B0] =	vst v7;
	v5 =	vadd.f32 v5, v15  }
0xc0: {  	v26 =	vld [tilespmem:s17+$0x140B0];
	[tilespmem:s18+$0x10C0] =	vst v6;
	v4 =	vadd.f32 v4, v11  }
0xc1: {  	v27 =	vld [tilespmem:s17+$0x140C0];
	[tilespmem:s18+$0x10D0] =	vst v5;
	v3 =	vadd.f32 v3, v10  }
0xc2: {  	v28 =	vld [tilespmem:s17+$0x140D0];
	[tilespmem:s18+$0x10E0] =	vst v4  }
0xc3: {  	v29 =	vld [tilespmem:s17+$0x140E0];
	[tilespmem:s18+$0x10F0] =	vst v3;
	s18 =	smov.u32 s17  }
0xc4: {  	v30 =	vld [tilespmem:s18+$0x140F0]  }
0xc5: {  	v31 =	vld [tilespmem:s18+$0x14480]  }
0xc6: {  	v32 =	vld [tilespmem:s18+$0x14490]  }
0xc7: {  	v33 =	vld [tilespmem:s18+$0x144A0]  }
0xc8: {  	v34 =	vld [tilespmem:s18+$0x144B0]  }
0xc9: {  	v35 =	vld [tilespmem:s18+$0x144C0]  }
0xca: {  	v36 =	vld [tilespmem:s18+$0x144D0]  }
0xcb: {  	v37 =	vld [tilespmem:s18+$0x144E0]  }
0xcc: {  	v38 =	vld [tilespmem:s18+$0x144F0]  }
0xcd: {  	v39 =	vld [tilespmem:s18+$0x14880]  }
0xce: {  	v40 =	vld [tilespmem:s18+$0x14890]  }
0xcf: {  	v41 =	vld [tilespmem:s18+$0x148A0]  }
0xd0: {  	v42 =	vld [tilespmem:s18+$0x148B0]  }
0xd1: {  	v22 =	vld [tilespmem:s18+$0x148C0]  }
0xd2: {  	v21 =	vld [tilespmem:s18+$0x148D0]  }
0xd3: {  	v20 =	vld [tilespmem:s18+$0x148E0]  }
0xd4: {  	v19 =	vld [tilespmem:s18+$0x148F0]  }
0xd5: {  	v18 =	vld [tilespmem:s18+$0x14C80]  }
0xd6: {  	v17 =	vld [tilespmem:s18+$0x14C90]  }
0xd7: {  	v16 =	vld [tilespmem:s18+$0x14CA0]  }
0xd8: {  	v15 =	vld [tilespmem:s18+$0x14CB0]  }
0xd9: {  	v14 =	vld [tilespmem:s18+$0x14CC0]  }
0xda: {  	v13 =	vld [tilespmem:s18+$0x14CD0]  }
0xdb: {  	v12 =	vld [tilespmem:s18+$0x14CE0]  }
0xdc: {  	v11 =	vld [tilespmem:s18+$0x14CF0]  }
0xdd: {  	v10 =	vld [tilespmem:s18+$0x15080]  }
0xde: {  	v9 =	vld [tilespmem:s18+$0x15090]  }
0xdf: {  	v8 =	vld [tilespmem:s18+$0x150A0]  }
0xe0: {  	v7 =	vld [tilespmem:s18+$0x150B0]  }
0xe1: {  	v6 =	vld [tilespmem:s18+$0x150C0]  }
0xe2: {  	v5 =	vld [tilespmem:s18+$0x150D0]  }
0xe3: {  	v4 =	vld [tilespmem:s18+$0x150E0]  }
0xe4: {  	v3 =	vld [tilespmem:s18+$0x150F0]  }
0xe5: {  	v43 =	vld [tilespmem:s18+$0x80]  }
0xe6: {  	v44 =	vld [tilespmem:s18+$0x90]  }
0xe7: {  	v45 =	vld [tilespmem:s18+$0xA0]  }
0xe8: {  	v46 =	vld [tilespmem:s18+$0xB0]  }
0xe9: {  	v47 =	vld [tilespmem:s18+$0xC0]  }
0xea: {  	v23 =	vadd.f32 v23, v43;
	v43 =	vld [tilespmem:s18+$0xD0]  }
0xeb: {  	v24 =	vadd.f32 v24, v44;
	v44 =	vld [tilespmem:s18+$0xE0]  }
0xec: {  	[tilespmem:s18+$0x80] =	vst v23;
	v23 =	vadd.f32 v25, v45;
	v25 =	vld [tilespmem:s18+$0xF0]  }
0xed: {  	[tilespmem:s18+$0x90] =	vst v24;
	v24 =	vadd.f32 v26, v46;
	v26 =	vld [tilespmem:s18+$0x480]  }
0xee: {  	[tilespmem:s18+$0xA0] =	vst v23;
	v23 =	vadd.f32 v27, v47;
	v27 =	vld [tilespmem:s18+$0x490]  }
0xef: {  	[tilespmem:s18+$0xB0] =	vst v24;
	v24 =	vadd.f32 v28, v43;
	v28 =	vld [tilespmem:s18+$0x4A0]  }
0xf0: {  	[tilespmem:s18+$0xC0] =	vst v23;
	v23 =	vadd.f32 v29, v44;
	v29 =	vld [tilespmem:s18+$0x4B0]  }
0xf1: {  	[tilespmem:s18+$0xD0] =	vst v24;
	v24 =	vadd.f32 v30, v25;
	v25 =	vld [tilespmem:s18+$0x4C0]  }
0xf2: {  	[tilespmem:s18+$0xE0] =	vst v23;
	v23 =	vadd.f32 v31, v26;
	v26 =	vld [tilespmem:s18+$0x4D0]  }
0xf3: {  	[tilespmem:s18+$0xF0] =	vst v24;
	v24 =	vadd.f32 v32, v27;
	v27 =	vld [tilespmem:s18+$0x4E0]  }
0xf4: {  	[tilespmem:s18+$0x480] =	vst v23;
	v23 =	vadd.f32 v33, v28;
	v28 =	vld [tilespmem:s18+$0x4F0]  }
0xf5: {  	[tilespmem:s18+$0x490] =	vst v24;
	v24 =	vadd.f32 v34, v29;
	v29 =	vld [tilespmem:s18+$0x880]  }
0xf6: {  	[tilespmem:s18+$0x4A0] =	vst v23;
	v23 =	vadd.f32 v35, v25;
	v25 =	vld [tilespmem:s18+$0x890]  }
0xf7: {  	[tilespmem:s18+$0x4B0] =	vst v24;
	v24 =	vadd.f32 v36, v26;
	v26 =	vld [tilespmem:s18+$0x8A0]  }
0xf8: {  	[tilespmem:s18+$0x4C0] =	vst v23;
	v23 =	vadd.f32 v37, v27;
	v27 =	vld [tilespmem:s18+$0x8B0]  }
0xf9: {  	[tilespmem:s18+$0x4D0] =	vst v24;
	v24 =	vadd.f32 v38, v28;
	v28 =	vld [tilespmem:s18+$0x8C0]  }
0xfa: {  	[tilespmem:s18+$0x4E0] =	vst v23;
	v23 =	vadd.f32 v39, v29;
	v29 =	vld [tilespmem:s18+$0x8D0]  }
0xfb: {  	[tilespmem:s18+$0x4F0] =	vst v24;
	v24 =	vadd.f32 v40, v25;
	v25 =	vld [tilespmem:s18+$0x8E0]  }
0xfc: {  	[tilespmem:s18+$0x880] =	vst v23;
	v23 =	vadd.f32 v41, v26;
	v26 =	vld [tilespmem:s18+$0x8F0]  }
0xfd: {  	[tilespmem:s18+$0x890] =	vst v24;
	v24 =	vadd.f32 v42, v27;
	v27 =	vld [tilespmem:s18+$0xC80]  }
0xfe: {  	[tilespmem:s18+$0x8A0] =	vst v23;
	v22 =	vadd.f32 v22, v28;
	v23 =	vld [tilespmem:s18+$0xC90]  }
0xff: {  	[tilespmem:s18+$0x8B0] =	vst v24;
	v21 =	vadd.f32 v21, v29;
	v24 =	vld [tilespmem:s18+$0xCA0]  }
0x100: {  	[tilespmem:s18+$0x8C0] =	vst v22;
	v20 =	vadd.f32 v20, v25;
	v22 =	vld [tilespmem:s18+$0xCB0]  }
0x101: {  	[tilespmem:s18+$0x8D0] =	vst v21;
	v19 =	vadd.f32 v19, v26;
	v21 =	vld [tilespmem:s18+$0xCC0]  }
0x102: {  	[tilespmem:s18+$0x8E0] =	vst v20;
	v18 =	vadd.f32 v18, v27;
	v20 =	vld [tilespmem:s18+$0xCD0]  }
0x103: {  	[tilespmem:s18+$0x8F0] =	vst v19;
	v17 =	vadd.f32 v17, v23;
	v19 =	vld [tilespmem:s18+$0xCE0]  }
.Ltmp0:
0x104: {  	[tilespmem:s18+$0xC80] =	vst v18;
	v18 =	vadd.f32 v16, v24;
	v16 =	vld [tilespmem:s18+$0xCF0];
	(pc) =	sbr.rel @p0 .LBB2_2-.Ltmp0, $4  }
0x105: {  	[tilespmem:s18+$0xC90] =	vst v17;
	v17 =	vadd.f32 v15, v22;
	v15 =	vld [tilespmem:s18+$0x1080]  }
0x106: {  	[tilespmem:s18+$0xCA0] =	vst v18;
	v21 =	vadd.f32 v14, v21;
	v14 =	vld [tilespmem:s18+$0x1090]  }
0x107: {  	[tilespmem:s18+$0xCB0] =	vst v17;
	v18 =	vadd.f32 v13, v20;
	v13 =	vld [tilespmem:s18+$0x10A0]  }
0x108: {  	s24 =	sadd.s32 $0x1, s24;
	[tilespmem:s18+$0xCC0] =	vst v21;
	v17 =	vadd.f32 v12, v19;
	v12 =	vld [tilespmem:s18+$0x10B0]  }
0x109: {  	[tilespmem:s18+$0xCD0] =	vst v18;
	v18 =	vld [tilespmem:s18+$0x10C0];
	v11 =	vadd.f32 v11, v16  }
0x10a: {  	v16 =	vld [tilespmem:s18+$0x10D0];
	[tilespmem:s18+$0xCE0] =	vst v17;
	v10 =	vadd.f32 v10, v15  }
0x10b: {  	[tilespmem:s18+$0xCF0] =	vst v11;
	v9 =	vadd.f32 v9, v14;
	v11 =	vld [tilespmem:s18+$0x10E0]  }
0x10c: {  	[tilespmem:s18+$0x1080] =	vst v10;
	v8 =	vadd.f32 v8, v13;
	v10 =	vld [tilespmem:s18+$0x10F0]  }
0x10d: {  	[tilespmem:s18+$0x1090] =	vst v9;
	v7 =	vadd.f32 v7, v12  }
0x10e: {  	[tilespmem:s18+$0x10A0] =	vst v8;
	v6 =	vadd.f32 v6, v18  }
0x10f: {  	v5 =	vadd.f32 v5, v16;
	[tilespmem:s18+$0x10B0] =	vst v7  }
0x110: {  	[tilespmem:s18+$0x10C0] =	vst v6;
	v4 =	vadd.f32 v4, v11  }
0x111: {  	[tilespmem:s18+$0x10D0] =	vst v5;
	v3 =	vadd.f32 v3, v10  }
0x112: {  	[tilespmem:s18+$0x10E0] =	vst v4  }
0x113: {  	s24 =	simm.s32 $0x0;
	[tilespmem:s18+$0x10F0] =	vst v3  }
0x114: {  	[hbm4b:s9+s24] =	stream.linear.scatter [tilespmem:s30], [sflag:$0x5], $0x5000, $0x38;
	[tilespmem:$0x1E080] =	vst v63  }
0x115: {  	v3 =	vld [tilespmem:$0x40];
	_ =	sdelay $0x4  }
0x116: {  	v4 =	vshrl.u32 v3, $0x3  }
0x117: {  	v4 =	vmul.u32 $0x28, v4  }
0x118: {  	v3 =	vand.u32 $0x7, v3  }
0x119: {  	v3 =	vor.u32 v3, v4  }
0x11a: {  	v4 =	vperm.xlane v3, v0;
	_ =	sdelay $0x1  }
0x11b: {  	v4 =	vadd.s32 v1, v4;
	_ =	sdelay $0x3  }
0x11c: {  	v3 =	vperm.xlane v3, v2  }
0x11d: {  	[tilespmem:s1], [sflag:$0x1] =	stream.indirect_vreg.gather [hbm4b:s3+s24], $0x80, v4, vm0, $0xb8;
	[tilespmem:$0x1E080] =	vst v63  }
0x11e: {  	s17 =	simm.s32 $0xA880;
	v3 =	vadd.s32 v1, v3  }
0x11f: {  	[tilespmem:s17], [sflag:$0x1] =	stream.indirect_vreg.gather [hbm4b:s5+s24], $0x80, v4, vm0, $0xb8;
	[tilespmem:$0x1E080] =	vst v63  }
0x120: {  	s30 =	simm.s32 $0xB080  }
0x121: {  	[tilespmem:s30], [sflag:$0x1] =	stream.indirect_vreg.gather [hbm4b:s6+s24], $0x80, v4, vm1, $0xb8;
	[tilespmem:$0x1E080] =	vst v63  }
0x122: {  	s18 =	simm.s32 $0xB480  }
0x123: {  	[tilespmem:s18], [sflag:$0x1] =	stream.indirect_vreg.gather [hbm4b:s3+s24], $0x80, v3, vm0, $0xb8;
	[tilespmem:$0x1E080] =	vst v63  }
0x124: {  	s25 =	simm.s32 $0xBC80  }
0x125: {  	[tilespmem:s25], [sflag:$0x1] =	stream.indirect_vreg.gather [hbm4b:s5+s24], $0x80, v3, vm0, $0xb8;
	[tilespmem:$0x1E080] =	vst v63  }
0x126: {  	s26 =	simm.s32 $0xC480  }
0x127: {  	[tilespmem:s26], [sflag:$0x1] =	stream.indirect_vreg.gather [hbm4b:s6+s24], $0x80, v3, vm1, $0xb8;
	[tilespmem:$0x1E080] =	vst v63  }
0x128: {  	v3 =	vld [tilespmem:$0x50];
	_ =	sdelay $0x4  }
0x129: {  	v4 =	vshrl.u32 v3, $0x3  }
0x12a: {  	v4 =	vmul.u32 $0x28, v4  }
0x12b: {  	v3 =	vand.u32 $0x7, v3  }
0x12c: {  	v3 =	vor.u32 v3, v4  }
0x12d: {  	v4 =	vperm.xlane v3, v0;
	_ =	sdelay $0x1  }
0x12e: {  	v4 =	vadd.s32 v1, v4;
	_ =	sdelay $0x3  }
0x12f: {  	s30 =	simm.s32 $0xC880;
	v3 =	vperm.xlane v3, v2  }
0x130: {  	[tilespmem:s30], [sflag:$0x1] =	stream.indirect_vreg.gather [hbm4b:s3+s24], $0x80, v4, vm0, $0xb8;
	[tilespmem:$0x1E080] =	vst v63  }
0x131: {  	s18 =	simm.s32 $0xD080;
	v3 =	vadd.s32 v1, v3  }
0x132: {  	[tilespmem:s18], [sflag:$0x1] =	stream.indirect_vreg.gather [hbm4b:s5+s24], $0x80, v4, vm0, $0xb8;
	[tilespmem:$0x1E080] =	vst v63  }
0x133: {  	s25 =	simm.s32 $0xD880  }
0x134: {  	[tilespmem:s25], [sflag:$0x1] =	stream.indirect_vreg.gather [hbm4b:s6+s24], $0x80, v4, vm1, $0xb8;
	[tilespmem:$0x1E080] =	vst v63  }
0x135: {  	s26 =	simm.s32 $0xDC80  }
0x136: {  	[tilespmem:s26], [sflag:$0x1] =	stream.indirect_vreg.gather [hbm4b:s3+s24], $0x80, v3, vm0, $0xb8;
	[tilespmem:$0x1E080] =	vst v63  }
0x137: {  	s30 =	simm.s32 $0xE480  }
0x138: {  	[tilespmem:s30], [sflag:$0x1] =	stream.indirect_vreg.gather [hbm4b:s5+s24], $0x80, v3, vm0, $0xb8;
	[tilespmem:$0x1E080] =	vst v63  }
0x139: {  	s18 =	simm.s32 $0xEC80  }
0x13a: {  	[tilespmem:s18], [sflag:$0x1] =	stream.indirect_vreg.gather [hbm4b:s6+s24], $0x80, v3, vm1, $0xb8;
	[tilespmem:$0x1E080] =	vst v63  }
0x13b: {  	s25 =	simm.s32 $0x14080  }
0x13c: {  	[tilespmem:s25], [sflag:$0x3] =	stream.linear.gather [hbm4b:s10+s24], $0x5000, $0x38;
	[tilespmem:$0x1E080] =	vst v63  }
0x13d: {  	_ =	swait.ge [sflag:s20], $0x5000  }
0x13e: {  	[sflag:s20] =	ssyncset.done $0x0  }
0x13f: {  	s26 =	simm.s32 $0x0;
	[sflag:s20] =	ssyncadd.s32 $0xFFFFB000  }
0x140: {  	s17 =	smul.u32 $0x1400, s26;
	_ =	swait.ge [sflag:s21], $0x5000  }
0x141: {  	s30 =	sand.u32 $0x380, s24;
	[sflag:s21] =	ssyncset.done $0x0  }
0x142: {  	s18 =	sor.u32 s30, s17;
	[sflag:s21] =	ssyncadd.s32 $0xFFFFB000  }
0x143: {  	v12 =	vld [tilespmem:s18+$0x19080]  }
0x144: {  	v13 =	vld [tilespmem:s18+$0x19090]  }
0x145: {  	v14 =	vld [tilespmem:s18+$0x190A0]  }
0x146: {  	v15 =	vld [tilespmem:s18+$0x190B0]  }
0x147: {  	v16 =	vld [tilespmem:s18+$0x190C0]  }
0x148: {  	v17 =	vld [tilespmem:s18+$0x190D0]  }
0x149: {  	v18 =	vld [tilespmem:s18+$0x190E0]  }
0x14a: {  	v19 =	vld [tilespmem:s18+$0x190F0]  }
0x14b: {  	v20 =	vld [tilespmem:s18+$0x19480]  }
0x14c: {  	v21 =	vld [tilespmem:s18+$0x19490]  }
0x14d: {  	v22 =	vld [tilespmem:s18+$0x194A0]  }
0x14e: {  	v23 =	vld [tilespmem:s18+$0x194B0]  }
0x14f: {  	v24 =	vld [tilespmem:s18+$0x194C0]  }
0x150: {  	v25 =	vld [tilespmem:s18+$0x194D0]  }
0x151: {  	v26 =	vld [tilespmem:s18+$0x194E0]  }
0x152: {  	v27 =	vld [tilespmem:s18+$0x194F0]  }
0x153: {  	v28 =	vld [tilespmem:s18+$0x19880]  }
0x154: {  	v29 =	vld [tilespmem:s18+$0x19890]  }
0x155: {  	v30 =	vld [tilespmem:s18+$0x198A0]  }
0x156: {  	v31 =	vld [tilespmem:s18+$0x198B0]  }
0x157: {  	v32 =	vld [tilespmem:s18+$0x198C0]  }
0x158: {  	v33 =	vld [tilespmem:s18+$0x198D0]  }
0x159: {  	v34 =	vld [tilespmem:s18+$0x198E0]  }
0x15a: {  	v35 =	vld [tilespmem:s18+$0x198F0]  }
0x15b: {  	v36 =	vld [tilespmem:s18+$0x19C80]  }
0x15c: {  	v37 =	vld [tilespmem:s18+$0x19C90]  }
0x15d: {  	v38 =	vld [tilespmem:s18+$0x19CA0]  }
0x15e: {  	v39 =	vld [tilespmem:s18+$0x19CB0]  }
0x15f: {  	v40 =	vld [tilespmem:s18+$0x19CC0]  }
0x160: {  	v41 =	vld [tilespmem:s18+$0x19CD0]  }
0x161: {  	v42 =	vld [tilespmem:s18+$0x19CE0]  }
0x162: {  	v11 =	vld [tilespmem:s18+$0x19CF0]  }
0x163: {  	v10 =	vld [tilespmem:s18+$0x1A080]  }
0x164: {  	v9 =	vld [tilespmem:s18+$0x1A090]  }
0x165: {  	v8 =	vld [tilespmem:s18+$0x1A0A0]  }
0x166: {  	v7 =	vld [tilespmem:s18+$0x1A0B0]  }
0x167: {  	v6 =	vld [tilespmem:s18+$0x1A0C0]  }
0x168: {  	v5 =	vld [tilespmem:s18+$0x1A0D0]  }
0x169: {  	v4 =	vld [tilespmem:s18+$0x1A0E0]  }
0x16a: {  	v3 =	vld [tilespmem:s18+$0x1A0F0]  }
0x16b: {  	v43 =	vld [tilespmem:s18+$0x5080]  }
0x16c: {  	v44 =	vld [tilespmem:s18+$0x5090]  }
0x16d: {  	v45 =	vld [tilespmem:s18+$0x50A0]  }
0x16e: {  	v46 =	vld [tilespmem:s18+$0x50B0]  }
0x16f: {  	v47 =	vld [tilespmem:s18+$0x50C0]  }
0x170: {  	v63 =	vld [tilespmem:s18+$0x50D0];
	v12 =	vadd.f32 v12, v43  }
0x171: {  	v48 =	vld [tilespmem:s18+$0x50E0];
	v13 =	vadd.f32 v13, v44  }
0x172: {  	v14 =	vadd.f32 v14, v45;
	[tilespmem:s18+$0x5080] =	vst v12;
	v12 =	vld [tilespmem:s18+$0x50F0]  }
0x173: {  	v15 =	vadd.f32 v15, v46;
	[tilespmem:s18+$0x5090] =	vst v13;
	v13 =	vld [tilespmem:s18+$0x5480]  }
0x174: {  	v16 =	vadd.f32 v16, v47;
	[tilespmem:s18+$0x50A0] =	vst v14;
	v14 =	vld [tilespmem:s18+$0x5490]  }
0x175: {  	v17 =	vadd.f32 v17, v63;
	[tilespmem:s18+$0x50B0] =	vst v15;
	v15 =	vld [tilespmem:s18+$0x54A0]  }
0x176: {  	v18 =	vadd.f32 v18, v48;
	[tilespmem:s18+$0x50C0] =	vst v16;
	v16 =	vld [tilespmem:s18+$0x54B0]  }
0x177: {  	[tilespmem:s18+$0x50D0] =	vst v17;
	v17 =	vld [tilespmem:s18+$0x54C0];
	v12 =	vadd.f32 v19, v12  }
0x178: {  	[tilespmem:s18+$0x50E0] =	vst v18;
	v18 =	vld [tilespmem:s18+$0x54D0];
	v13 =	vadd.f32 v20, v13  }
0x179: {  	v14 =	vadd.f32 v21, v14;
	[tilespmem:s18+$0x50F0] =	vst v12;
	v12 =	vld [tilespmem:s18+$0x54E0]  }
0x17a: {  	v15 =	vadd.f32 v22, v15;
	[tilespmem:s18+$0x5480] =	vst v13;
	v13 =	vld [tilespmem:s18+$0x54F0]  }
0x17b: {  	v16 =	vadd.f32 v23, v16;
	[tilespmem:s18+$0x5490] =	vst v14;
	v14 =	vld [tilespmem:s18+$0x5880]  }
0x17c: {  	v17 =	vadd.f32 v24, v17;
	[tilespmem:s18+$0x54A0] =	vst v15;
	v15 =	vld [tilespmem:s18+$0x5890]  }
0x17d: {  	v18 =	vadd.f32 v25, v18;
	[tilespmem:s18+$0x54B0] =	vst v16;
	v16 =	vld [tilespmem:s18+$0x58A0]  }
0x17e: {  	[tilespmem:s18+$0x54C0] =	vst v17;
	v17 =	vld [tilespmem:s18+$0x58B0];
	v12 =	vadd.f32 v26, v12  }
0x17f: {  	[tilespmem:s18+$0x54D0] =	vst v18;
	v18 =	vld [tilespmem:s18+$0x58C0];
	v13 =	vadd.f32 v27, v13  }
0x180: {  	v14 =	vadd.f32 v28, v14;
	[tilespmem:s18+$0x54E0] =	vst v12;
	v12 =	vld [tilespmem:s18+$0x58D0]  }
0x181: {  	v15 =	vadd.f32 v29, v15;
	[tilespmem:s18+$0x54F0] =	vst v13;
	v13 =	vld [tilespmem:s18+$0x58E0]  }
0x182: {  	v16 =	vadd.f32 v30, v16;
	[tilespmem:s18+$0x5880] =	vst v14;
	v14 =	vld [tilespmem:s18+$0x58F0]  }
0x183: {  	v17 =	vadd.f32 v31, v17;
	[tilespmem:s18+$0x5890] =	vst v15;
	v15 =	vld [tilespmem:s18+$0x5C80]  }
0x184: {  	v18 =	vadd.f32 v32, v18;
	[tilespmem:s18+$0x58A0] =	vst v16;
	v16 =	vld [tilespmem:s18+$0x5C90]  }
0x185: {  	[tilespmem:s18+$0x58B0] =	vst v17;
	v17 =	vld [tilespmem:s18+$0x5CA0];
	v12 =	vadd.f32 v33, v12  }
0x186: {  	[tilespmem:s18+$0x58C0] =	vst v18;
	v18 =	vld [tilespmem:s18+$0x5CB0];
	v13 =	vadd.f32 v34, v13  }
0x187: {  	v14 =	vadd.f32 v35, v14;
	[tilespmem:s18+$0x58D0] =	vst v12;
	v12 =	vld [tilespmem:s18+$0x5CC0]  }
0x188: {  	v19 =	vld [tilespmem:s18+$0x5CD0];
	[tilespmem:s18+$0x58E0] =	vst v13;
	v13 =	vadd.f32 v36, v15  }
0x189: {  	v20 =	vld [tilespmem:s18+$0x5CE0];
	[tilespmem:s18+$0x58F0] =	vst v14;
	v14 =	vadd.f32 v37, v16  }
0x18a: {  	v16 =	vld [tilespmem:s18+$0x5CF0];
	[tilespmem:s18+$0x5C80] =	vst v13;
	v13 =	vadd.f32 v38, v17  }
0x18b: {  	v15 =	vld [tilespmem:s18+$0x6080];
	[tilespmem:s18+$0x5C90] =	vst v14;
	v17 =	vadd.f32 v39, v18  }
0x18c: {  	v14 =	vld [tilespmem:s18+$0x6090];
	[tilespmem:s18+$0x5CA0] =	vst v13;
	v12 =	vadd.f32 v40, v12  }
0x18d: {  	v18 =	vadd.f32 v41, v19;
	[tilespmem:s18+$0x5CB0] =	vst v17;
	v13 =	vld [tilespmem:s18+$0x60A0]  }
0x18e: {  	s25 =	simm.s32 $0x1;
	v17 =	vadd.f32 v42, v20;
	[tilespmem:s18+$0x5CC0] =	vst v12;
	v12 =	vld [tilespmem:s18+$0x60B0]  }
.LBB2_4:
0x18f: {  	s17 =	sshrl.u32 s25, $0x3;
	p0 =	sne.s32 s25, $0x1F;
	[tilespmem:s18+$0x5CD0] =	vst v18;
	v11 =	vadd.f32 v11, v16;
	v16 =	vld [tilespmem:s18+$0x60C0]  }
0x190: {  	s24 =	sadd.s32 $0x80, s24;
	s17 =	smul.u32 $0x1400, s17;
	[tilespmem:s18+$0x5CE0] =	vst v17;
	v10 =	vadd.f32 v10, v15;
	v15 =	vld [tilespmem:s18+$0x60D0]  }
0x191: {  	s26 =	sand.u32 $0x380, s24;
	[tilespmem:s18+$0x5CF0] =	vst v11;
	v9 =	vadd.f32 v9, v14;
	v11 =	vld [tilespmem:s18+$0x60E0]  }
0x192: {  	s17 =	sor.u32 s26, s17;
	[tilespmem:s18+$0x6080] =	vst v10;
	v8 =	vadd.f32 v8, v13;
	v10 =	vld [tilespmem:s18+$0x60F0]  }
0x193: {  	v23 =	vld [tilespmem:s17+$0x19080];
	[tilespmem:s18+$0x6090] =	vst v9;
	v7 =	vadd.f32 v7, v12  }
0x194: {  	v24 =	vld [tilespmem:s17+$0x19090];
	[tilespmem:s18+$0x60A0] =	vst v8;
	v6 =	vadd.f32 v6, v16  }
0x195: {  	v25 =	vld [tilespmem:s17+$0x190A0];
	[tilespmem:s18+$0x60B0] =	vst v7;
	v5 =	vadd.f32 v5, v15  }
0x196: {  	v26 =	vld [tilespmem:s17+$0x190B0];
	[tilespmem:s18+$0x60C0] =	vst v6;
	v4 =	vadd.f32 v4, v11  }
0x197: {  	v27 =	vld [tilespmem:s17+$0x190C0];
	[tilespmem:s18+$0x60D0] =	vst v5;
	v3 =	vadd.f32 v3, v10  }
0x198: {  	v28 =	vld [tilespmem:s17+$0x190D0];
	[tilespmem:s18+$0x60E0] =	vst v4  }
0x199: {  	v29 =	vld [tilespmem:s17+$0x190E0];
	[tilespmem:s18+$0x60F0] =	vst v3;
	s18 =	smov.u32 s17  }
0x19a: {  	v30 =	vld [tilespmem:s18+$0x190F0]  }
0x19b: {  	v31 =	vld [tilespmem:s18+$0x19480]  }
0x19c: {  	v32 =	vld [tilespmem:s18+$0x19490]  }
0x19d: {  	v33 =	vld [tilespmem:s18+$0x194A0]  }
0x19e: {  	v34 =	vld [tilespmem:s18+$0x194B0]  }
0x19f: {  	v35 =	vld [tilespmem:s18+$0x194C0]  }
0x1a0: {  	v36 =	vld [tilespmem:s18+$0x194D0]  }
0x1a1: {  	v37 =	vld [tilespmem:s18+$0x194E0]  }
0x1a2: {  	v38 =	vld [tilespmem:s18+$0x194F0]  }
0x1a3: {  	v39 =	vld [tilespmem:s18+$0x19880]  }
0x1a4: {  	v40 =	vld [tilespmem:s18+$0x19890]  }
0x1a5: {  	v41 =	vld [tilespmem:s18+$0x198A0]  }
0x1a6: {  	v42 =	vld [tilespmem:s18+$0x198B0]  }
0x1a7: {  	v22 =	vld [tilespmem:s18+$0x198C0]  }
0x1a8: {  	v21 =	vld [tilespmem:s18+$0x198D0]  }
0x1a9: {  	v20 =	vld [tilespmem:s18+$0x198E0]  }
0x1aa: {  	v19 =	vld [tilespmem:s18+$0x198F0]  }
0x1ab: {  	v18 =	vld [tilespmem:s18+$0x19C80]  }
0x1ac: {  	v17 =	vld [tilespmem:s18+$0x19C90]  }
0x1ad: {  	v16 =	vld [tilespmem:s18+$0x19CA0]  }
0x1ae: {  	v15 =	vld [tilespmem:s18+$0x19CB0]  }
0x1af: {  	v14 =	vld [tilespmem:s18+$0x19CC0]  }
0x1b0: {  	v13 =	vld [tilespmem:s18+$0x19CD0]  }
0x1b1: {  	v12 =	vld [tilespmem:s18+$0x19CE0]  }
0x1b2: {  	v11 =	vld [tilespmem:s18+$0x19CF0]  }
0x1b3: {  	v10 =	vld [tilespmem:s18+$0x1A080]  }
0x1b4: {  	v9 =	vld [tilespmem:s18+$0x1A090]  }
0x1b5: {  	v8 =	vld [tilespmem:s18+$0x1A0A0]  }
0x1b6: {  	v7 =	vld [tilespmem:s18+$0x1A0B0]  }
0x1b7: {  	v6 =	vld [tilespmem:s18+$0x1A0C0]  }
0x1b8: {  	v5 =	vld [tilespmem:s18+$0x1A0D0]  }
0x1b9: {  	v4 =	vld [tilespmem:s18+$0x1A0E0]  }
0x1ba: {  	v3 =	vld [tilespmem:s18+$0x1A0F0]  }
0x1bb: {  	v43 =	vld [tilespmem:s18+$0x5080]  }
0x1bc: {  	v44 =	vld [tilespmem:s18+$0x5090]  }
0x1bd: {  	v45 =	vld [tilespmem:s18+$0x50A0]  }
0x1be: {  	v46 =	vld [tilespmem:s18+$0x50B0]  }
0x1bf: {  	v47 =	vld [tilespmem:s18+$0x50C0]  }
0x1c0: {  	v23 =	vadd.f32 v23, v43;
	v43 =	vld [tilespmem:s18+$0x50D0]  }
0x1c1: {  	v24 =	vadd.f32 v24, v44;
	v44 =	vld [tilespmem:s18+$0x50E0]  }
0x1c2: {  	[tilespmem:s18+$0x5080] =	vst v23;
	v23 =	vadd.f32 v25, v45;
	v25 =	vld [tilespmem:s18+$0x50F0]  }
0x1c3: {  	[tilespmem:s18+$0x5090] =	vst v24;
	v24 =	vadd.f32 v26, v46;
	v26 =	vld [tilespmem:s18+$0x5480]  }
0x1c4: {  	[tilespmem:s18+$0x50A0] =	vst v23;
	v23 =	vadd.f32 v27, v47;
	v27 =	vld [tilespmem:s18+$0x5490]  }
0x1c5: {  	[tilespmem:s18+$0x50B0] =	vst v24;
	v24 =	vadd.f32 v28, v43;
	v28 =	vld [tilespmem:s18+$0x54A0]  }
0x1c6: {  	[tilespmem:s18+$0x50C0] =	vst v23;
	v23 =	vadd.f32 v29, v44;
	v29 =	vld [tilespmem:s18+$0x54B0]  }
0x1c7: {  	[tilespmem:s18+$0x50D0] =	vst v24;
	v24 =	vadd.f32 v30, v25;
	v25 =	vld [tilespmem:s18+$0x54C0]  }
0x1c8: {  	[tilespmem:s18+$0x50E0] =	vst v23;
	v23 =	vadd.f32 v31, v26;
	v26 =	vld [tilespmem:s18+$0x54D0]  }
0x1c9: {  	[tilespmem:s18+$0x50F0] =	vst v24;
	v24 =	vadd.f32 v32, v27;
	v27 =	vld [tilespmem:s18+$0x54E0]  }
0x1ca: {  	[tilespmem:s18+$0x5480] =	vst v23;
	v23 =	vadd.f32 v33, v28;
	v28 =	vld [tilespmem:s18+$0x54F0]  }
0x1cb: {  	[tilespmem:s18+$0x5490] =	vst v24;
	v24 =	vadd.f32 v34, v29;
	v29 =	vld [tilespmem:s18+$0x5880]  }
0x1cc: {  	[tilespmem:s18+$0x54A0] =	vst v23;
	v23 =	vadd.f32 v35, v25;
	v25 =	vld [tilespmem:s18+$0x5890]  }
0x1cd: {  	[tilespmem:s18+$0x54B0] =	vst v24;
	v24 =	vadd.f32 v36, v26;
	v26 =	vld [tilespmem:s18+$0x58A0]  }
0x1ce: {  	[tilespmem:s18+$0x54C0] =	vst v23;
	v23 =	vadd.f32 v37, v27;
	v27 =	vld [tilespmem:s18+$0x58B0]  }
0x1cf: {  	[tilespmem:s18+$0x54D0] =	vst v24;
	v24 =	vadd.f32 v38, v28;
	v28 =	vld [tilespmem:s18+$0x58C0]  }
0x1d0: {  	[tilespmem:s18+$0x54E0] =	vst v23;
	v23 =	vadd.f32 v39, v29;
	v29 =	vld [tilespmem:s18+$0x58D0]  }
0x1d1: {  	[tilespmem:s18+$0x54F0] =	vst v24;
	v24 =	vadd.f32 v40, v25;
	v25 =	vld [tilespmem:s18+$0x58E0]  }
0x1d2: {  	[tilespmem:s18+$0x5880] =	vst v23;
	v23 =	vadd.f32 v41, v26;
	v26 =	vld [tilespmem:s18+$0x58F0]  }
0x1d3: {  	[tilespmem:s18+$0x5890] =	vst v24;
	v24 =	vadd.f32 v42, v27;
	v27 =	vld [tilespmem:s18+$0x5C80]  }
0x1d4: {  	[tilespmem:s18+$0x58A0] =	vst v23;
	v22 =	vadd.f32 v22, v28;
	v23 =	vld [tilespmem:s18+$0x5C90]  }
0x1d5: {  	[tilespmem:s18+$0x58B0] =	vst v24;
	v21 =	vadd.f32 v21, v29;
	v24 =	vld [tilespmem:s18+$0x5CA0]  }
0x1d6: {  	[tilespmem:s18+$0x58C0] =	vst v22;
	v20 =	vadd.f32 v20, v25;
	v22 =	vld [tilespmem:s18+$0x5CB0]  }
0x1d7: {  	[tilespmem:s18+$0x58D0] =	vst v21;
	v19 =	vadd.f32 v19, v26;
	v21 =	vld [tilespmem:s18+$0x5CC0]  }
0x1d8: {  	[tilespmem:s18+$0x58E0] =	vst v20;
	v18 =	vadd.f32 v18, v27;
	v20 =	vld [tilespmem:s18+$0x5CD0]  }
0x1d9: {  	[tilespmem:s18+$0x58F0] =	vst v19;
	v17 =	vadd.f32 v17, v23;
	v19 =	vld [tilespmem:s18+$0x5CE0]  }
.Ltmp1:
0x1da: {  	[tilespmem:s18+$0x5C80] =	vst v18;
	v18 =	vadd.f32 v16, v24;
	v16 =	vld [tilespmem:s18+$0x5CF0];
	(pc) =	sbr.rel @p0 .LBB2_4-.Ltmp1, $4  }
0x1db: {  	[tilespmem:s18+$0x5C90] =	vst v17;
	v17 =	vadd.f32 v15, v22;
	v15 =	vld [tilespmem:s18+$0x6080]  }
0x1dc: {  	[tilespmem:s18+$0x5CA0] =	vst v18;
	v21 =	vadd.f32 v14, v21;
	v14 =	vld [tilespmem:s18+$0x6090]  }
0x1dd: {  	[tilespmem:s18+$0x5CB0] =	vst v17;
	v18 =	vadd.f32 v13, v20;
	v13 =	vld [tilespmem:s18+$0x60A0]  }
0x1de: {  	s25 =	sadd.s32 $0x1, s25;
	[tilespmem:s18+$0x5CC0] =	vst v21;
	v17 =	vadd.f32 v12, v19;
	v12 =	vld [tilespmem:s18+$0x60B0]  }
0x1df: {  	[tilespmem:s18+$0x5CD0] =	vst v18;
	v60 =	vld [tilespmem:s18+$0x60C0];
	v11 =	vadd.f32 v11, v16  }
0x1e0: {  	v61 =	vld [tilespmem:s18+$0x60D0];
	[tilespmem:s18+$0x5CE0] =	vst v17;
	v10 =	vadd.f32 v10, v15  }
0x1e1: {  	v62 =	vld [tilespmem:s18+$0x60E0];
	[tilespmem:s18+$0x5CF0] =	vst v11;
	v9 =	vadd.f32 v9, v14  }
0x1e2: {  	v63 =	vld [tilespmem:s18+$0x60F0];
	[tilespmem:s18+$0x6080] =	vst v10;
	v8 =	vadd.f32 v8, v13  }
0x1e3: {  	[tilespmem:s18+$0x6090] =	vst v9;
	v7 =	vadd.f32 v7, v12  }
0x1e4: {  	[tilespmem:s18+$0x60A0] =	vst v8;
	v6 =	vadd.f32 v6, v60  }
0x1e5: {  	v5 =	vadd.f32 v5, v61;
	[tilespmem:s18+$0x60B0] =	vst v7  }
0x1e6: {  	v4 =	vadd.f32 v4, v62;
	[tilespmem:s18+$0x60C0] =	vst v6  }
0x1e7: {  	v3 =	vadd.f32 v3, v63;
	[tilespmem:s18+$0x60D0] =	vst v5  }
0x1e8: {  	[tilespmem:s18+$0x60E0] =	vst v4  }
0x1e9: {  	s17 =	simm.s32 $0x0;
	[tilespmem:s18+$0x60F0] =	vst v3  }
0x1ea: {  	[hbm4b:s11+s17] =	stream.linear.scatter [tilespmem:s31], [sflag:$0x5], $0x5000, $0x38;
	[tilespmem:$0x1E080] =	vst v63  }
0x1eb: {  	v3 =	vld [tilespmem:$0x60];
	_ =	sdelay $0x4  }
0x1ec: {  	v4 =	vshrl.u32 v3, $0x3  }
0x1ed: {  	v4 =	vmul.u32 $0x28, v4  }
0x1ee: {  	v3 =	vand.u32 $0x7, v3  }
0x1ef: {  	v3 =	vor.u32 v3, v4  }
0x1f0: {  	v4 =	vperm.xlane v3, v0;
	_ =	sdelay $0x1  }
0x1f1: {  	v4 =	vadd.s32 v1, v4;
	_ =	sdelay $0x3  }
0x1f2: {  	v3 =	vperm.xlane v3, v2  }
0x1f3: {  	[tilespmem:s22], [sflag:$0x2] =	stream.indirect_vreg.gather [hbm4b:s3+s17], $0x80, v4, vm0, $0xb8;
	[tilespmem:$0x1E080] =	vst v63  }
0x1f4: {  	s24 =	simm.s32 $0xF880;
	v3 =	vadd.s32 v1, v3  }
0x1f5: {  	[tilespmem:s24], [sflag:$0x2] =	stream.indirect_vreg.gather [hbm4b:s5+s17], $0x80, v4, vm0, $0xb8;
	[tilespmem:$0x1E080] =	vst v63  }
0x1f6: {  	s25 =	simm.s32 $0x10080  }
0x1f7: {  	[tilespmem:s25], [sflag:$0x2] =	stream.indirect_vreg.gather [hbm4b:s6+s17], $0x80, v4, vm1, $0xb8;
	[tilespmem:$0x1E080] =	vst v63  }
0x1f8: {  	s26 =	simm.s32 $0x10480  }
0x1f9: {  	[tilespmem:s26], [sflag:$0x2] =	stream.indirect_vreg.gather [hbm4b:s3+s17], $0x80, v3, vm0, $0xb8;
	[tilespmem:$0x1E080] =	vst v63  }
0x1fa: {  	s30 =	simm.s32 $0x10C80  }
0x1fb: {  	[tilespmem:s30], [sflag:$0x2] =	stream.indirect_vreg.gather [hbm4b:s5+s17], $0x80, v3, vm0, $0xb8;
	[tilespmem:$0x1E080] =	vst v63  }
0x1fc: {  	s24 =	simm.s32 $0x11480  }
0x1fd: {  	[tilespmem:s24], [sflag:$0x2] =	stream.indirect_vreg.gather [hbm4b:s6+s17], $0x80, v3, vm1, $0xb8;
	[tilespmem:$0x1E080] =	vst v63  }
0x1fe: {  	v3 =	vld [tilespmem:$0x70];
	_ =	sdelay $0x4  }
0x1ff: {  	v4 =	vshrl.u32 v3, $0x3  }
0x200: {  	v4 =	vmul.u32 $0x28, v4  }
0x201: {  	v3 =	vand.u32 $0x7, v3  }
0x202: {  	v3 =	vor.u32 v3, v4  }
0x203: {  	v4 =	vperm.xlane v3, v0;
	_ =	sdelay $0x1  }
0x204: {  	v4 =	vadd.s32 v1, v4;
	_ =	sdelay $0x3  }
0x205: {  	s25 =	simm.s32 $0x11880;
	v3 =	vperm.xlane v3, v2  }
0x206: {  	[tilespmem:s25], [sflag:$0x2] =	stream.indirect_vreg.gather [hbm4b:s3+s17], $0x80, v4, vm0, $0xb8;
	[tilespmem:$0x1E080] =	vst v63  }
0x207: {  	s26 =	simm.s32 $0x12080;
	v3 =	vadd.s32 v1, v3  }
0x208: {  	[tilespmem:s26], [sflag:$0x2] =	stream.indirect_vreg.gather [hbm4b:s5+s17], $0x80, v4, vm0, $0xb8;
	[tilespmem:$0x1E080] =	vst v63  }
0x209: {  	s30 =	simm.s32 $0x12880  }
0x20a: {  	[tilespmem:s30], [sflag:$0x2] =	stream.indirect_vreg.gather [hbm4b:s6+s17], $0x80, v4, vm1, $0xb8;
	[tilespmem:$0x1E080] =	vst v63  }
0x20b: {  	s24 =	simm.s32 $0x12C80  }
0x20c: {  	[tilespmem:s24], [sflag:$0x2] =	stream.indirect_vreg.gather [hbm4b:s3+s17], $0x80, v3, vm0, $0xb8;
	[tilespmem:$0x1E080] =	vst v63  }
0x20d: {  	s25 =	simm.s32 $0x13480  }
0x20e: {  	[tilespmem:s25], [sflag:$0x2] =	stream.indirect_vreg.gather [hbm4b:s5+s17], $0x80, v3, vm0, $0xb8;
	[tilespmem:$0x1E080] =	vst v63  }
0x20f: {  	s26 =	simm.s32 $0x13C80  }
0x210: {  	[tilespmem:s26], [sflag:$0x2] =	stream.indirect_vreg.gather [hbm4b:s6+s17], $0x80, v3, vm1, $0xb8;
	[tilespmem:$0x1E080] =	vst v63  }
0x211: {  	_ = 	snop  }
0x212: {  	[tilespmem:s28], [sflag:$0x4] =	stream.linear.gather [hbm4b:s12+s17], $0x5000, $0x38;
	[tilespmem:$0x1E080] =	vst v63  }
0x213: {  	_ =	swait.ge [sflag:s29], $0x5000  }
0x214: {  	[sflag:s29] =	ssyncset.done $0x0  }
0x215: {  	s30 =	simm.s32 $0x0;
	[sflag:s29] =	ssyncadd.s32 $0xFFFFB000  }
0x216: {  	s18 =	smul.u32 $0x1400, s30;
	_ =	swait.ge [sflag:s0], $0x5000  }
0x217: {  	s17 =	sand.u32 $0x380, s17;
	[sflag:s0] =	ssyncset.done $0x0  }
0x218: {  	s24 =	sor.u32 s17, s18;
	[sflag:s0] =	ssyncadd.s32 $0xFFFFB000  }
0x219: {  	v3 =	vld [tilespmem:s24+$0xA080]  }
0x21a: {  	v4 =	vld [tilespmem:s24+$0x14080];
	_ =	sdelay $0x4  }
0x21b: {  	v3 =	vadd.f32 v4, v3;
	_ =	sdelay $0x1  }
0x21c: {  	s17 =	sadd.s32 $0x14080, s24;
	[tilespmem:s24+$0xA080] =	vst v3;
	v3 =	vld [tilespmem:s24+$0xA090]  }
0x21d: {  	v6 =	vld [tilespmem:s17+$0x10];
	_ =	sdelay $0x4  }
0x21e: {  	v3 =	vadd.f32 v6, v3;
	_ =	sdelay $0x1  }
0x21f: {  	[tilespmem:s24+$0xA090] =	vst v3;
	v3 =	vld [tilespmem:s24+$0xA0A0]  }
0x220: {  	v6 =	vld [tilespmem:s17+$0x20];
	_ =	sdelay $0x4  }
0x221: {  	v3 =	vadd.f32 v6, v3;
	_ =	sdelay $0x1  }
0x222: {  	[tilespmem:s24+$0xA0A0] =	vst v3;
	v3 =	vld [tilespmem:s24+$0xA0B0]  }
0x223: {  	v6 =	vld [tilespmem:s17+$0x30];
	_ =	sdelay $0x4  }
0x224: {  	v3 =	vadd.f32 v6, v3;
	_ =	sdelay $0x1  }
0x225: {  	[tilespmem:s24+$0xA0B0] =	vst v3;
	v3 =	vld [tilespmem:s24+$0xA0C0]  }
0x226: {  	v6 =	vld [tilespmem:s17+$0x40];
	_ =	sdelay $0x4  }
0x227: {  	v3 =	vadd.f32 v6, v3;
	_ =	sdelay $0x1  }
0x228: {  	[tilespmem:s24+$0xA0C0] =	vst v3;
	v3 =	vld [tilespmem:s24+$0xA0D0]  }
0x229: {  	v6 =	vld [tilespmem:s17+$0x50];
	_ =	sdelay $0x4  }
0x22a: {  	v3 =	vadd.f32 v6, v3;
	_ =	sdelay $0x1  }
0x22b: {  	[tilespmem:s24+$0xA0D0] =	vst v3;
	v3 =	vld [tilespmem:s24+$0xA0E0]  }
0x22c: {  	v6 =	vld [tilespmem:s17+$0x60];
	_ =	sdelay $0x4  }
0x22d: {  	v5 =	vld [tilespmem:s24+$0x14480];
	v3 =	vadd.f32 v6, v3  }
0x22e: {  	v6 =	vld [tilespmem:s24+$0xA0F0]  }
0x22f: {  	[tilespmem:s24+$0xA0E0] =	vst v3;
	v3 =	vld [tilespmem:s24+$0xA480]  }
0x230: {  	v7 =	vld [tilespmem:s17+$0x70];
	_ =	sdelay $0x3  }
0x231: {  	v3 =	vadd.f32 v5, v3  }
0x232: {  	v5 =	vadd.f32 v7, v6  }
0x233: {  	[tilespmem:s24+$0xA480] =	vst v3  }
0x234: {  	s18 =	sadd.s32 $0x14480, s24;
	v3 =	vld [tilespmem:s24+$0xA490];
	[tilespmem:s24+$0xA0F0] =	vst v5  }
0x235: {  	v5 =	vld [tilespmem:s18+$0x10];
	_ =	sdelay $0x4  }
0x236: {  	v3 =	vadd.f32 v5, v3;
	_ =	sdelay $0x1  }
0x237: {  	[tilespmem:s24+$0xA490] =	vst v3;
	v3 =	vld [tilespmem:s24+$0xA4A0]  }
0x238: {  	v5 =	vld [tilespmem:s18+$0x20];
	_ =	sdelay $0x4  }
0x239: {  	v3 =	vadd.f32 v5, v3;
	_ =	sdelay $0x1  }
0x23a: {  	[tilespmem:s24+$0xA4A0] =	vst v3;
	v3 =	vld [tilespmem:s24+$0xA4B0]  }
0x23b: {  	v5 =	vld [tilespmem:s18+$0x30];
	_ =	sdelay $0x4  }
0x23c: {  	v3 =	vadd.f32 v5, v3;
	_ =	sdelay $0x1  }
0x23d: {  	[tilespmem:s24+$0xA4B0] =	vst v3;
	v3 =	vld [tilespmem:s24+$0xA4C0]  }
0x23e: {  	v5 =	vld [tilespmem:s18+$0x40];
	_ =	sdelay $0x4  }
0x23f: {  	v3 =	vadd.f32 v5, v3;
	_ =	sdelay $0x1  }
0x240: {  	[tilespmem:s24+$0xA4C0] =	vst v3;
	v3 =	vld [tilespmem:s24+$0xA4D0]  }
0x241: {  	v5 =	vld [tilespmem:s18+$0x50];
	_ =	sdelay $0x4  }
0x242: {  	v3 =	vadd.f32 v5, v3;
	_ =	sdelay $0x1  }
0x243: {  	[tilespmem:s24+$0xA4D0] =	vst v3;
	v3 =	vld [tilespmem:s24+$0xA4E0]  }
0x244: {  	v5 =	vld [tilespmem:s18+$0x60];
	_ =	sdelay $0x4  }
0x245: {  	v6 =	vld [tilespmem:s24+$0x14880];
	v3 =	vadd.f32 v5, v3  }
0x246: {  	v5 =	vld [tilespmem:s24+$0xA4F0]  }
0x247: {  	[tilespmem:s24+$0xA4E0] =	vst v3;
	v3 =	vld [tilespmem:s24+$0xA880]  }
0x248: {  	v7 =	vld [tilespmem:s18+$0x70];
	_ =	sdelay $0x3  }
0x249: {  	v3 =	vadd.f32 v6, v3  }
0x24a: {  	v5 =	vadd.f32 v7, v5  }
0x24b: {  	[tilespmem:s24+$0xA880] =	vst v3  }
0x24c: {  	s25 =	sadd.s32 $0x14880, s24;
	v3 =	vld [tilespmem:s24+$0xA890];
	[tilespmem:s24+$0xA4F0] =	vst v5  }
0x24d: {  	v5 =	vld [tilespmem:s25+$0x10];
	_ =	sdelay $0x4  }
0x24e: {  	v3 =	vadd.f32 v5, v3;
	_ =	sdelay $0x1  }
0x24f: {  	[tilespmem:s24+$0xA890] =	vst v3;
	v3 =	vld [tilespmem:s24+$0xA8A0]  }
0x250: {  	v5 =	vld [tilespmem:s25+$0x20];
	_ =	sdelay $0x4  }
0x251: {  	v3 =	vadd.f32 v5, v3;
	_ =	sdelay $0x1  }
0x252: {  	[tilespmem:s24+$0xA8A0] =	vst v3;
	v3 =	vld [tilespmem:s24+$0xA8B0]  }
0x253: {  	v5 =	vld [tilespmem:s25+$0x30];
	_ =	sdelay $0x4  }
0x254: {  	v3 =	vadd.f32 v5, v3;
	_ =	sdelay $0x1  }
0x255: {  	[tilespmem:s24+$0xA8B0] =	vst v3;
	v3 =	vld [tilespmem:s24+$0xA8C0]  }
0x256: {  	v5 =	vld [tilespmem:s25+$0x40];
	_ =	sdelay $0x4  }
0x257: {  	v3 =	vadd.f32 v5, v3;
	_ =	sdelay $0x1  }
0x258: {  	[tilespmem:s24+$0xA8C0] =	vst v3;
	v3 =	vld [tilespmem:s24+$0xA8D0]  }
0x259: {  	v5 =	vld [tilespmem:s25+$0x50];
	_ =	sdelay $0x4  }
0x25a: {  	v3 =	vadd.f32 v5, v3;
	_ =	sdelay $0x1  }
0x25b: {  	[tilespmem:s24+$0xA8D0] =	vst v3;
	v3 =	vld [tilespmem:s24+$0xA8E0]  }
0x25c: {  	v5 =	vld [tilespmem:s25+$0x60];
	_ =	sdelay $0x4  }
0x25d: {  	v4 =	vld [tilespmem:s24+$0x14C80];
	v3 =	vadd.f32 v5, v3  }
0x25e: {  	v5 =	vld [tilespmem:s24+$0xAC80]  }
0x25f: {  	[tilespmem:s24+$0xA8E0] =	vst v3;
	v3 =	vld [tilespmem:s24+$0xA8F0]  }
0x260: {  	v6 =	vld [tilespmem:s25+$0x70];
	_ =	sdelay $0x3  }
0x261: {  	v4 =	vadd.f32 v4, v5  }
0x262: {  	v3 =	vadd.f32 v6, v3  }
0x263: {  	[tilespmem:s24+$0xAC80] =	vst v4  }
0x264: {  	s26 =	sadd.s32 $0x14C80, s24;
	[tilespmem:s24+$0xA8F0] =	vst v3;
	v3 =	vld [tilespmem:s24+$0xAC90]  }
0x265: {  	v4 =	vld [tilespmem:s26+$0x10];
	_ =	sdelay $0x4  }
0x266: {  	v3 =	vadd.f32 v4, v3;
	_ =	sdelay $0x1  }
0x267: {  	[tilespmem:s24+$0xAC90] =	vst v3;
	v3 =	vld [tilespmem:s24+$0xACA0]  }
0x268: {  	v4 =	vld [tilespmem:s26+$0x20];
	_ =	sdelay $0x4  }
0x269: {  	v3 =	vadd.f32 v4, v3;
	_ =	sdelay $0x1  }
0x26a: {  	[tilespmem:s24+$0xACA0] =	vst v3;
	v3 =	vld [tilespmem:s24+$0xACB0]  }
0x26b: {  	v4 =	vld [tilespmem:s26+$0x30];
	_ =	sdelay $0x4  }
0x26c: {  	v3 =	vadd.f32 v4, v3;
	_ =	sdelay $0x1  }
0x26d: {  	[tilespmem:s24+$0xACB0] =	vst v3;
	v3 =	vld [tilespmem:s24+$0xACC0]  }
0x26e: {  	v4 =	vld [tilespmem:s26+$0x40];
	_ =	sdelay $0x4  }
0x26f: {  	v3 =	vadd.f32 v4, v3;
	_ =	sdelay $0x1  }
0x270: {  	[tilespmem:s24+$0xACC0] =	vst v3;
	v3 =	vld [tilespmem:s24+$0xACD0]  }
0x271: {  	v4 =	vld [tilespmem:s26+$0x50];
	_ =	sdelay $0x4  }
0x272: {  	v3 =	vadd.f32 v4, v3;
	_ =	sdelay $0x1  }
0x273: {  	[tilespmem:s24+$0xACD0] =	vst v3;
	v3 =	vld [tilespmem:s24+$0xACE0]  }
0x274: {  	v4 =	vld [tilespmem:s26+$0x60];
	_ =	sdelay $0x4  }
0x275: {  	v5 =	vld [tilespmem:s24+$0x15080];
	v3 =	vadd.f32 v4, v3  }
0x276: {  	v4 =	vld [tilespmem:s24+$0xB080]  }
0x277: {  	[tilespmem:s24+$0xACE0] =	vst v3;
	v3 =	vld [tilespmem:s24+$0xACF0]  }
0x278: {  	v6 =	vld [tilespmem:s26+$0x70];
	_ =	sdelay $0x3  }
0x279: {  	v4 =	vadd.f32 v5, v4  }
0x27a: {  	v3 =	vadd.f32 v6, v3  }
0x27b: {  	[tilespmem:s24+$0xB080] =	vst v4  }
0x27c: {  	s18 =	sadd.s32 $0x15080, s24;
	[tilespmem:s24+$0xACF0] =	vst v3;
	v3 =	vld [tilespmem:s24+$0xB090]  }
0x27d: {  	v4 =	vld [tilespmem:s18+$0x10];
	_ =	sdelay $0x4  }
0x27e: {  	v3 =	vadd.f32 v4, v3;
	_ =	sdelay $0x1  }
0x27f: {  	[tilespmem:s24+$0xB090] =	vst v3;
	v3 =	vld [tilespmem:s24+$0xB0A0]  }
0x280: {  	v4 =	vld [tilespmem:s18+$0x20];
	_ =	sdelay $0x4  }
0x281: {  	v3 =	vadd.f32 v4, v3;
	_ =	sdelay $0x1  }
0x282: {  	[tilespmem:s24+$0xB0A0] =	vst v3;
	v3 =	vld [tilespmem:s24+$0xB0B0]  }
0x283: {  	v4 =	vld [tilespmem:s18+$0x30];
	_ =	sdelay $0x4  }
0x284: {  	v3 =	vadd.f32 v4, v3;
	_ =	sdelay $0x1  }
0x285: {  	[tilespmem:s24+$0xB0B0] =	vst v3;
	v3 =	vld [tilespmem:s24+$0xB0C0]  }
0x286: {  	v4 =	vld [tilespmem:s18+$0x40];
	_ =	sdelay $0x4  }
0x287: {  	v3 =	vadd.f32 v4, v3;
	_ =	sdelay $0x1  }
0x288: {  	[tilespmem:s24+$0xB0C0] =	vst v3;
	v3 =	vld [tilespmem:s24+$0xB0D0]  }
0x289: {  	v4 =	vld [tilespmem:s18+$0x50];
	_ =	sdelay $0x4  }
0x28a: {  	v3 =	vadd.f32 v4, v3;
	_ =	sdelay $0x1  }
0x28b: {  	[tilespmem:s24+$0xB0D0] =	vst v3;
	v3 =	vld [tilespmem:s24+$0xB0E0]  }
0x28c: {  	v4 =	vld [tilespmem:s18+$0x60];
	_ =	sdelay $0x1  }
0x28d: {  	s30 =	simm.s32 $0x0  }
0x28e: {  	s17 =	smul.u32 $0x1400, s30;
	s25 =	simm.s32 $0x80  }
0x28f: {  	s26 =	sand.u32 $0x380, s25  }
0x290: {  	s17 =	sor.u32 s26, s17;
	v5 =	vld [tilespmem:s24+$0xB0F0];
	v3 =	vadd.f32 v4, v3  }
0x291: {  	v7 =	vld [tilespmem:s17+$0xA080]  }
0x292: {  	v8 =	vld [tilespmem:s17+$0x14080];
	[tilespmem:s24+$0xB0E0] =	vst v3  }
0x293: {  	v6 =	vld [tilespmem:s18+$0x70];
	_ =	sdelay $0x2  }
0x294: {  	v4 =	vld [tilespmem:s17+$0x14480]  }
0x295: {  	s26 =	simm.s32 $0x2;
	v7 =	vadd.f32 v8, v7;
	v3 =	vld [tilespmem:s17+$0x14C80]  }
.LBB2_6:
0x296: {  	p0 =	sne.s32 s26, $0x1F;
	v5 =	vadd.f32 v6, v5;
	s18 =	smov.u32 s26;
	s26 =	sadd.s32 $0x1, s26  }
0x297: {  	[tilespmem:s17+$0xA080] =	vst v7  }
0x298: {  	s30 =	sadd.s32 $0x14080, s17;
	v6 =	vld [tilespmem:s17+$0xA090];
	[tilespmem:s24+$0xB0F0] =	vst v5;
	s24 =	smov.u32 s17  }
0x299: {  	v5 =	vld [tilespmem:s30+$0x10];
	_ =	sdelay $0x4  }
0x29a: {  	v5 =	vadd.f32 v5, v6;
	_ =	sdelay $0x1  }
0x29b: {  	[tilespmem:s24+$0xA090] =	vst v5;
	v5 =	vld [tilespmem:s24+$0xA0A0]  }
0x29c: {  	v6 =	vld [tilespmem:s30+$0x20];
	_ =	sdelay $0x4  }
0x29d: {  	v5 =	vadd.f32 v6, v5;
	_ =	sdelay $0x1  }
0x29e: {  	[tilespmem:s24+$0xA0A0] =	vst v5;
	v5 =	vld [tilespmem:s24+$0xA0B0]  }
0x29f: {  	v6 =	vld [tilespmem:s30+$0x30];
	_ =	sdelay $0x4  }
0x2a0: {  	v5 =	vadd.f32 v6, v5;
	_ =	sdelay $0x1  }
0x2a1: {  	[tilespmem:s24+$0xA0B0] =	vst v5;
	v5 =	vld [tilespmem:s24+$0xA0C0]  }
0x2a2: {  	v6 =	vld [tilespmem:s30+$0x40];
	_ =	sdelay $0x4  }
0x2a3: {  	v5 =	vadd.f32 v6, v5;
	_ =	sdelay $0x1  }
0x2a4: {  	[tilespmem:s24+$0xA0C0] =	vst v5;
	v5 =	vld [tilespmem:s24+$0xA0D0]  }
0x2a5: {  	v6 =	vld [tilespmem:s30+$0x50];
	_ =	sdelay $0x4  }
0x2a6: {  	v5 =	vadd.f32 v6, v5;
	_ =	sdelay $0x1  }
0x2a7: {  	[tilespmem:s24+$0xA0D0] =	vst v5;
	v5 =	vld [tilespmem:s24+$0xA0E0]  }
0x2a8: {  	v6 =	vld [tilespmem:s30+$0x60];
	_ =	sdelay $0x4  }
0x2a9: {  	v5 =	vadd.f32 v6, v5  }
0x2aa: {  	v6 =	vld [tilespmem:s24+$0xA0F0]  }
0x2ab: {  	[tilespmem:s24+$0xA0E0] =	vst v5;
	v5 =	vld [tilespmem:s24+$0xA480]  }
0x2ac: {  	v7 =	vld [tilespmem:s30+$0x70];
	_ =	sdelay $0x3  }
0x2ad: {  	v4 =	vadd.f32 v4, v5  }
0x2ae: {  	v5 =	vadd.f32 v7, v6  }
0x2af: {  	[tilespmem:s24+$0xA480] =	vst v4  }
0x2b0: {  	s17 =	sadd.s32 $0x14480, s24;
	[tilespmem:s24+$0xA0F0] =	vst v5;
	v4 =	vld [tilespmem:s24+$0xA490]  }
0x2b1: {  	v5 =	vld [tilespmem:s17+$0x10];
	_ =	sdelay $0x4  }
0x2b2: {  	v4 =	vadd.f32 v5, v4;
	_ =	sdelay $0x1  }
0x2b3: {  	[tilespmem:s24+$0xA490] =	vst v4;
	v4 =	vld [tilespmem:s24+$0xA4A0]  }
0x2b4: {  	v5 =	vld [tilespmem:s17+$0x20];
	_ =	sdelay $0x4  }
0x2b5: {  	v4 =	vadd.f32 v5, v4;
	_ =	sdelay $0x1  }
0x2b6: {  	[tilespmem:s24+$0xA4A0] =	vst v4;
	v4 =	vld [tilespmem:s24+$0xA4B0]  }
0x2b7: {  	v5 =	vld [tilespmem:s17+$0x30];
	_ =	sdelay $0x4  }
0x2b8: {  	v4 =	vadd.f32 v5, v4;
	_ =	sdelay $0x1  }
0x2b9: {  	[tilespmem:s24+$0xA4B0] =	vst v4;
	v4 =	vld [tilespmem:s24+$0xA4C0]  }
0x2ba: {  	v5 =	vld [tilespmem:s17+$0x40];
	_ =	sdelay $0x4  }
0x2bb: {  	v4 =	vadd.f32 v5, v4;
	_ =	sdelay $0x1  }
0x2bc: {  	[tilespmem:s24+$0xA4C0] =	vst v4;
	v4 =	vld [tilespmem:s24+$0xA4D0]  }
0x2bd: {  	v5 =	vld [tilespmem:s17+$0x50];
	_ =	sdelay $0x4  }
0x2be: {  	v4 =	vadd.f32 v5, v4;
	_ =	sdelay $0x1  }
0x2bf: {  	[tilespmem:s24+$0xA4D0] =	vst v4;
	v4 =	vld [tilespmem:s24+$0xA4E0]  }
0x2c0: {  	v5 =	vld [tilespmem:s17+$0x60];
	_ =	sdelay $0x4  }
0x2c1: {  	v4 =	vadd.f32 v5, v4;
	v5 =	vld [tilespmem:s24+$0xA4F0]  }
0x2c2: {  	v6 =	vld [tilespmem:s24+$0x14880]  }
0x2c3: {  	[tilespmem:s24+$0xA4E0] =	vst v4;
	v4 =	vld [tilespmem:s24+$0xA880]  }
0x2c4: {  	v7 =	vld [tilespmem:s17+$0x70];
	_ =	sdelay $0x3  }
0x2c5: {  	v4 =	vadd.f32 v6, v4  }
0x2c6: {  	v5 =	vadd.f32 v7, v5  }
0x2c7: {  	[tilespmem:s24+$0xA880] =	vst v4  }
0x2c8: {  	s17 =	sadd.s32 $0x14880, s24;
	[tilespmem:s24+$0xA4F0] =	vst v5;
	v4 =	vld [tilespmem:s24+$0xA890]  }
0x2c9: {  	v5 =	vld [tilespmem:s17+$0x10];
	_ =	sdelay $0x4  }
0x2ca: {  	v4 =	vadd.f32 v5, v4;
	_ =	sdelay $0x1  }
0x2cb: {  	[tilespmem:s24+$0xA890] =	vst v4;
	v4 =	vld [tilespmem:s24+$0xA8A0]  }
0x2cc: {  	v5 =	vld [tilespmem:s17+$0x20];
	_ =	sdelay $0x4  }
0x2cd: {  	v4 =	vadd.f32 v5, v4;
	_ =	sdelay $0x1  }
0x2ce: {  	[tilespmem:s24+$0xA8A0] =	vst v4;
	v4 =	vld [tilespmem:s24+$0xA8B0]  }
0x2cf: {  	v5 =	vld [tilespmem:s17+$0x30];
	_ =	sdelay $0x4  }
0x2d0: {  	v4 =	vadd.f32 v5, v4;
	_ =	sdelay $0x1  }
0x2d1: {  	[tilespmem:s24+$0xA8B0] =	vst v4;
	v4 =	vld [tilespmem:s24+$0xA8C0]  }
0x2d2: {  	v5 =	vld [tilespmem:s17+$0x40];
	_ =	sdelay $0x4  }
0x2d3: {  	v4 =	vadd.f32 v5, v4;
	_ =	sdelay $0x1  }
0x2d4: {  	[tilespmem:s24+$0xA8C0] =	vst v4;
	v4 =	vld [tilespmem:s24+$0xA8D0]  }
0x2d5: {  	v5 =	vld [tilespmem:s17+$0x50];
	_ =	sdelay $0x4  }
0x2d6: {  	v4 =	vadd.f32 v5, v4;
	_ =	sdelay $0x1  }
0x2d7: {  	[tilespmem:s24+$0xA8D0] =	vst v4;
	v4 =	vld [tilespmem:s24+$0xA8E0]  }
0x2d8: {  	v5 =	vld [tilespmem:s17+$0x60];
	_ =	sdelay $0x1  }
0x2d9: {  	v6 =	vld [tilespmem:s24+$0xAC80];
	_ =	sdelay $0x2  }
0x2da: {  	v4 =	vadd.f32 v5, v4;
	_ =	sdelay $0x1  }
0x2db: {  	[tilespmem:s24+$0xA8E0] =	vst v4;
	v4 =	vld [tilespmem:s24+$0xA8F0];
	v3 =	vadd.f32 v3, v6  }
0x2dc: {  	v5 =	vld [tilespmem:s17+$0x70]  }
0x2dd: {  	[tilespmem:s24+$0xAC80] =	vst v3;
	_ =	sdelay $0x3  }
0x2de: {  	v3 =	vadd.f32 v5, v4;
	_ =	sdelay $0x1  }
0x2df: {  	s17 =	sadd.s32 $0x14C80, s24;
	[tilespmem:s24+$0xA8F0] =	vst v3;
	v3 =	vld [tilespmem:s24+$0xAC90]  }
0x2e0: {  	v4 =	vld [tilespmem:s17+$0x10];
	_ =	sdelay $0x4  }
0x2e1: {  	v3 =	vadd.f32 v4, v3;
	_ =	sdelay $0x1  }
0x2e2: {  	[tilespmem:s24+$0xAC90] =	vst v3;
	v3 =	vld [tilespmem:s24+$0xACA0]  }
0x2e3: {  	v4 =	vld [tilespmem:s17+$0x20];
	_ =	sdelay $0x4  }
0x2e4: {  	v3 =	vadd.f32 v4, v3;
	_ =	sdelay $0x1  }
0x2e5: {  	[tilespmem:s24+$0xACA0] =	vst v3;
	v3 =	vld [tilespmem:s24+$0xACB0]  }
0x2e6: {  	v4 =	vld [tilespmem:s17+$0x30];
	_ =	sdelay $0x4  }
0x2e7: {  	v3 =	vadd.f32 v4, v3;
	_ =	sdelay $0x1  }
0x2e8: {  	[tilespmem:s24+$0xACB0] =	vst v3;
	v3 =	vld [tilespmem:s24+$0xACC0]  }
0x2e9: {  	v4 =	vld [tilespmem:s17+$0x40];
	_ =	sdelay $0x4  }
0x2ea: {  	v3 =	vadd.f32 v4, v3;
	_ =	sdelay $0x1  }
0x2eb: {  	[tilespmem:s24+$0xACC0] =	vst v3;
	v3 =	vld [tilespmem:s24+$0xACD0]  }
0x2ec: {  	v4 =	vld [tilespmem:s17+$0x50];
	_ =	sdelay $0x4  }
0x2ed: {  	v3 =	vadd.f32 v4, v3;
	_ =	sdelay $0x1  }
0x2ee: {  	[tilespmem:s24+$0xACD0] =	vst v3;
	v3 =	vld [tilespmem:s24+$0xACE0]  }
0x2ef: {  	v4 =	vld [tilespmem:s17+$0x60]  }
0x2f0: {  	v5 =	vld [tilespmem:s24+$0x15080]  }
0x2f1: {  	v6 =	vld [tilespmem:s24+$0xB080];
	_ =	sdelay $0x2  }
0x2f2: {  	v3 =	vadd.f32 v4, v3;
	_ =	sdelay $0x1  }
0x2f3: {  	[tilespmem:s24+$0xACE0] =	vst v3;
	v3 =	vld [tilespmem:s24+$0xACF0];
	v4 =	vadd.f32 v5, v6  }
0x2f4: {  	v5 =	vld [tilespmem:s17+$0x70]  }
0x2f5: {  	[tilespmem:s24+$0xB080] =	vst v4;
	_ =	sdelay $0x3  }
0x2f6: {  	v3 =	vadd.f32 v5, v3;
	_ =	sdelay $0x1  }
0x2f7: {  	s30 =	sadd.s32 $0x15080, s24;
	[tilespmem:s24+$0xACF0] =	vst v3;
	v3 =	vld [tilespmem:s24+$0xB090]  }
0x2f8: {  	v4 =	vld [tilespmem:s30+$0x10];
	_ =	sdelay $0x4  }
0x2f9: {  	v3 =	vadd.f32 v4, v3;
	_ =	sdelay $0x1  }
0x2fa: {  	[tilespmem:s24+$0xB090] =	vst v3;
	v3 =	vld [tilespmem:s24+$0xB0A0]  }
0x2fb: {  	v4 =	vld [tilespmem:s30+$0x20];
	_ =	sdelay $0x4  }
0x2fc: {  	v3 =	vadd.f32 v4, v3;
	_ =	sdelay $0x1  }
0x2fd: {  	[tilespmem:s24+$0xB0A0] =	vst v3;
	v3 =	vld [tilespmem:s24+$0xB0B0]  }
0x2fe: {  	v4 =	vld [tilespmem:s30+$0x30];
	_ =	sdelay $0x4  }
0x2ff: {  	v3 =	vadd.f32 v4, v3;
	_ =	sdelay $0x1  }
0x300: {  	[tilespmem:s24+$0xB0B0] =	vst v3;
	v3 =	vld [tilespmem:s24+$0xB0C0]  }
0x301: {  	v4 =	vld [tilespmem:s30+$0x40];
	_ =	sdelay $0x4  }
0x302: {  	v3 =	vadd.f32 v4, v3;
	_ =	sdelay $0x1  }
0x303: {  	[tilespmem:s24+$0xB0C0] =	vst v3;
	v3 =	vld [tilespmem:s24+$0xB0D0]  }
0x304: {  	v4 =	vld [tilespmem:s30+$0x50];
	_ =	sdelay $0x4  }
0x305: {  	v3 =	vadd.f32 v4, v3;
	_ =	sdelay $0x1  }
0x306: {  	[tilespmem:s24+$0xB0D0] =	vst v3;
	v3 =	vld [tilespmem:s24+$0xB0E0]  }
0x307: {  	v4 =	vld [tilespmem:s30+$0x60];
	_ =	sdelay $0x1  }
0x308: {  	s17 =	sshrl.u32 s18, $0x3  }
0x309: {  	s25 =	sadd.s32 $0x80, s25;
	s17 =	smul.u32 $0x1400, s17  }
0x30a: {  	s18 =	sand.u32 $0x380, s25  }
0x30b: {  	s17 =	sor.u32 s18, s17;
	v3 =	vadd.f32 v4, v3;
	v5 =	vld [tilespmem:s24+$0xB0F0]  }
0x30c: {  	v7 =	vld [tilespmem:s17+$0xA080]  }
0x30d: {  	v8 =	vld [tilespmem:s17+$0x14080];
	[tilespmem:s24+$0xB0E0] =	vst v3  }
.Ltmp2:
0x30e: {  	v6 =	vld [tilespmem:s30+$0x70];
	(pc) =	sbr.rel @p0 .LBB2_6-.Ltmp2, $3  }
0x30f: {  	v4 =	vld [tilespmem:s17+$0x14480]  }
0x310: {  	v3 =	vld [tilespmem:s17+$0x14C80];
	_ =	sdelay $0x1  }
0x311: {  	v7 =	vadd.f32 v8, v7  }
0x312: {  	v5 =	vadd.f32 v6, v5  }
0x313: {  	[tilespmem:s17+$0xA080] =	vst v7  }
0x314: {  	v6 =	vld [tilespmem:s17+$0xA090];
	s18 =	sadd.s32 $0x14080, s17;
	[tilespmem:s24+$0xB0F0] =	vst v5  }
0x315: {  	v5 =	vld [tilespmem:s18+$0x10];
	_ =	sdelay $0x4  }
0x316: {  	v5 =	vadd.f32 v5, v6;
	_ =	sdelay $0x1  }
0x317: {  	[tilespmem:s17+$0xA090] =	vst v5;
	v5 =	vld [tilespmem:s17+$0xA0A0]  }
0x318: {  	v6 =	vld [tilespmem:s18+$0x20];
	_ =	sdelay $0x4  }
0x319: {  	v5 =	vadd.f32 v6, v5;
	_ =	sdelay $0x1  }
0x31a: {  	[tilespmem:s17+$0xA0A0] =	vst v5;
	v5 =	vld [tilespmem:s17+$0xA0B0]  }
0x31b: {  	v6 =	vld [tilespmem:s18+$0x30];
	_ =	sdelay $0x4  }
0x31c: {  	v5 =	vadd.f32 v6, v5;
	_ =	sdelay $0x1  }
0x31d: {  	[tilespmem:s17+$0xA0B0] =	vst v5;
	v5 =	vld [tilespmem:s17+$0xA0C0]  }
0x31e: {  	v6 =	vld [tilespmem:s18+$0x40];
	_ =	sdelay $0x4  }
0x31f: {  	v5 =	vadd.f32 v6, v5;
	_ =	sdelay $0x1  }
0x320: {  	[tilespmem:s17+$0xA0C0] =	vst v5;
	v5 =	vld [tilespmem:s17+$0xA0D0]  }
0x321: {  	v6 =	vld [tilespmem:s18+$0x50];
	_ =	sdelay $0x4  }
0x322: {  	v5 =	vadd.f32 v6, v5;
	_ =	sdelay $0x1  }
0x323: {  	[tilespmem:s17+$0xA0D0] =	vst v5;
	v5 =	vld [tilespmem:s17+$0xA0E0]  }
0x324: {  	v6 =	vld [tilespmem:s18+$0x60];
	_ =	sdelay $0x4  }
0x325: {  	v5 =	vadd.f32 v6, v5  }
0x326: {  	v6 =	vld [tilespmem:s17+$0xA0F0]  }
0x327: {  	[tilespmem:s17+$0xA0E0] =	vst v5;
	v5 =	vld [tilespmem:s17+$0xA480]  }
0x328: {  	v7 =	vld [tilespmem:s18+$0x70];
	_ =	sdelay $0x3  }
0x329: {  	v4 =	vadd.f32 v4, v5  }
0x32a: {  	v5 =	vadd.f32 v7, v6  }
0x32b: {  	[tilespmem:s17+$0xA480] =	vst v4  }
0x32c: {  	s26 =	sadd.s32 $0x14480, s17;
	v4 =	vld [tilespmem:s17+$0xA490];
	[tilespmem:s17+$0xA0F0] =	vst v5  }
0x32d: {  	v5 =	vld [tilespmem:s26+$0x10];
	_ =	sdelay $0x4  }
0x32e: {  	v4 =	vadd.f32 v5, v4;
	_ =	sdelay $0x1  }
0x32f: {  	[tilespmem:s17+$0xA490] =	vst v4;
	v4 =	vld [tilespmem:s17+$0xA4A0]  }
0x330: {  	v5 =	vld [tilespmem:s26+$0x20];
	_ =	sdelay $0x4  }
0x331: {  	v4 =	vadd.f32 v5, v4;
	_ =	sdelay $0x1  }
0x332: {  	[tilespmem:s17+$0xA4A0] =	vst v4;
	v4 =	vld [tilespmem:s17+$0xA4B0]  }
0x333: {  	v5 =	vld [tilespmem:s26+$0x30];
	_ =	sdelay $0x4  }
0x334: {  	v4 =	vadd.f32 v5, v4;
	_ =	sdelay $0x1  }
0x335: {  	[tilespmem:s17+$0xA4B0] =	vst v4;
	v4 =	vld [tilespmem:s17+$0xA4C0]  }
0x336: {  	v5 =	vld [tilespmem:s26+$0x40];
	_ =	sdelay $0x4  }
0x337: {  	v4 =	vadd.f32 v5, v4;
	_ =	sdelay $0x1  }
0x338: {  	[tilespmem:s17+$0xA4C0] =	vst v4;
	v4 =	vld [tilespmem:s17+$0xA4D0]  }
0x339: {  	v5 =	vld [tilespmem:s26+$0x50];
	_ =	sdelay $0x4  }
0x33a: {  	v4 =	vadd.f32 v5, v4;
	_ =	sdelay $0x1  }
0x33b: {  	[tilespmem:s17+$0xA4D0] =	vst v4;
	v4 =	vld [tilespmem:s17+$0xA4E0]  }
0x33c: {  	v5 =	vld [tilespmem:s26+$0x60];
	_ =	sdelay $0x4  }
0x33d: {  	v6 =	vld [tilespmem:s17+$0x14880];
	v4 =	vadd.f32 v5, v4  }
0x33e: {  	v5 =	vld [tilespmem:s17+$0xA4F0]  }
0x33f: {  	[tilespmem:s17+$0xA4E0] =	vst v4;
	v4 =	vld [tilespmem:s17+$0xA880]  }
0x340: {  	v7 =	vld [tilespmem:s26+$0x70];
	_ =	sdelay $0x3  }
0x341: {  	v4 =	vadd.f32 v6, v4  }
0x342: {  	v5 =	vadd.f32 v7, v5  }
0x343: {  	[tilespmem:s17+$0xA880] =	vst v4  }
0x344: {  	s30 =	sadd.s32 $0x14880, s17;
	v4 =	vld [tilespmem:s17+$0xA890];
	[tilespmem:s17+$0xA4F0] =	vst v5  }
0x345: {  	v5 =	vld [tilespmem:s30+$0x10];
	_ =	sdelay $0x4  }
0x346: {  	v4 =	vadd.f32 v5, v4;
	_ =	sdelay $0x1  }
0x347: {  	[tilespmem:s17+$0xA890] =	vst v4;
	v4 =	vld [tilespmem:s17+$0xA8A0]  }
0x348: {  	v5 =	vld [tilespmem:s30+$0x20];
	_ =	sdelay $0x4  }
0x349: {  	v4 =	vadd.f32 v5, v4;
	_ =	sdelay $0x1  }
0x34a: {  	[tilespmem:s17+$0xA8A0] =	vst v4;
	v4 =	vld [tilespmem:s17+$0xA8B0]  }
0x34b: {  	v5 =	vld [tilespmem:s30+$0x30];
	_ =	sdelay $0x4  }
0x34c: {  	v4 =	vadd.f32 v5, v4;
	_ =	sdelay $0x1  }
0x34d: {  	[tilespmem:s17+$0xA8B0] =	vst v4;
	v4 =	vld [tilespmem:s17+$0xA8C0]  }
0x34e: {  	v5 =	vld [tilespmem:s30+$0x40];
	_ =	sdelay $0x4  }
0x34f: {  	v4 =	vadd.f32 v5, v4;
	_ =	sdelay $0x1  }
0x350: {  	[tilespmem:s17+$0xA8C0] =	vst v4;
	v4 =	vld [tilespmem:s17+$0xA8D0]  }
0x351: {  	v5 =	vld [tilespmem:s30+$0x50];
	_ =	sdelay $0x4  }
0x352: {  	v4 =	vadd.f32 v5, v4;
	_ =	sdelay $0x1  }
0x353: {  	[tilespmem:s17+$0xA8D0] =	vst v4;
	v4 =	vld [tilespmem:s17+$0xA8E0]  }
0x354: {  	v5 =	vld [tilespmem:s30+$0x60];
	_ =	sdelay $0x4  }
0x355: {  	v4 =	vadd.f32 v5, v4  }
0x356: {  	v5 =	vld [tilespmem:s17+$0xAC80]  }
0x357: {  	[tilespmem:s17+$0xA8E0] =	vst v4;
	v4 =	vld [tilespmem:s17+$0xA8F0]  }
0x358: {  	v6 =	vld [tilespmem:s30+$0x70];
	_ =	sdelay $0x3  }
0x359: {  	v3 =	vadd.f32 v3, v5  }
0x35a: {  	v4 =	vadd.f32 v6, v4  }
0x35b: {  	[tilespmem:s17+$0xAC80] =	vst v3  }
0x35c: {  	s24 =	sadd.s32 $0x14C80, s17;
	v3 =	vld [tilespmem:s17+$0xAC90];
	[tilespmem:s17+$0xA8F0] =	vst v4  }
0x35d: {  	v4 =	vld [tilespmem:s24+$0x10];
	_ =	sdelay $0x4  }
0x35e: {  	v3 =	vadd.f32 v4, v3;
	_ =	sdelay $0x1  }
0x35f: {  	[tilespmem:s17+$0xAC90] =	vst v3;
	v3 =	vld [tilespmem:s17+$0xACA0]  }
0x360: {  	v4 =	vld [tilespmem:s24+$0x20];
	_ =	sdelay $0x4  }
0x361: {  	v3 =	vadd.f32 v4, v3;
	_ =	sdelay $0x1  }
0x362: {  	[tilespmem:s17+$0xACA0] =	vst v3;
	v3 =	vld [tilespmem:s17+$0xACB0]  }
0x363: {  	v4 =	vld [tilespmem:s24+$0x30];
	_ =	sdelay $0x4  }
0x364: {  	v3 =	vadd.f32 v4, v3;
	_ =	sdelay $0x1  }
0x365: {  	[tilespmem:s17+$0xACB0] =	vst v3;
	v3 =	vld [tilespmem:s17+$0xACC0]  }
0x366: {  	v4 =	vld [tilespmem:s24+$0x40];
	_ =	sdelay $0x4  }
0x367: {  	v3 =	vadd.f32 v4, v3;
	_ =	sdelay $0x1  }
0x368: {  	[tilespmem:s17+$0xACC0] =	vst v3;
	v3 =	vld [tilespmem:s17+$0xACD0]  }
0x369: {  	v4 =	vld [tilespmem:s24+$0x50];
	_ =	sdelay $0x4  }
0x36a: {  	v3 =	vadd.f32 v4, v3;
	_ =	sdelay $0x1  }
0x36b: {  	[tilespmem:s17+$0xACD0] =	vst v3;
	v3 =	vld [tilespmem:s17+$0xACE0]  }
0x36c: {  	v4 =	vld [tilespmem:s24+$0x60];
	_ =	sdelay $0x4  }
0x36d: {  	v5 =	vld [tilespmem:s17+$0x15080];
	v3 =	vadd.f32 v4, v3  }
0x36e: {  	v4 =	vld [tilespmem:s17+$0xB080]  }
0x36f: {  	[tilespmem:s17+$0xACE0] =	vst v3;
	v3 =	vld [tilespmem:s17+$0xACF0]  }
0x370: {  	v6 =	vld [tilespmem:s24+$0x70];
	_ =	sdelay $0x3  }
0x371: {  	v4 =	vadd.f32 v5, v4  }
0x372: {  	v3 =	vadd.f32 v6, v3  }
0x373: {  	[tilespmem:s17+$0xB080] =	vst v4  }
0x374: {  	s25 =	sadd.s32 $0x15080, s17;
	[tilespmem:s17+$0xACF0] =	vst v3;
	v3 =	vld [tilespmem:s17+$0xB090]  }
0x375: {  	v4 =	vld [tilespmem:s25+$0x10];
	_ =	sdelay $0x4  }
0x376: {  	v3 =	vadd.f32 v4, v3;
	_ =	sdelay $0x1  }
0x377: {  	[tilespmem:s17+$0xB090] =	vst v3;
	v3 =	vld [tilespmem:s17+$0xB0A0]  }
0x378: {  	v4 =	vld [tilespmem:s25+$0x20];
	_ =	sdelay $0x4  }
0x379: {  	v3 =	vadd.f32 v4, v3;
	_ =	sdelay $0x1  }
0x37a: {  	[tilespmem:s17+$0xB0A0] =	vst v3;
	v3 =	vld [tilespmem:s17+$0xB0B0]  }
0x37b: {  	v4 =	vld [tilespmem:s25+$0x30];
	_ =	sdelay $0x4  }
0x37c: {  	v3 =	vadd.f32 v4, v3;
	_ =	sdelay $0x1  }
0x37d: {  	[tilespmem:s17+$0xB0B0] =	vst v3;
	v3 =	vld [tilespmem:s17+$0xB0C0]  }
0x37e: {  	v4 =	vld [tilespmem:s25+$0x40];
	_ =	sdelay $0x4  }
0x37f: {  	v3 =	vadd.f32 v4, v3;
	_ =	sdelay $0x1  }
0x380: {  	[tilespmem:s17+$0xB0C0] =	vst v3;
	v3 =	vld [tilespmem:s17+$0xB0D0]  }
0x381: {  	v4 =	vld [tilespmem:s25+$0x50];
	_ =	sdelay $0x4  }
0x382: {  	v3 =	vadd.f32 v4, v3;
	_ =	sdelay $0x1  }
0x383: {  	[tilespmem:s17+$0xB0D0] =	vst v3;
	v3 =	vld [tilespmem:s17+$0xB0E0]  }
0x384: {  	v4 =	vld [tilespmem:s25+$0x60];
	_ =	sdelay $0x4  }
0x385: {  	v3 =	vadd.f32 v4, v3;
	_ =	sdelay $0x1  }
0x386: {  	v4 =	vld [tilespmem:s17+$0xB0F0];
	[tilespmem:s17+$0xB0E0] =	vst v3  }
0x387: {  	v3 =	vld [tilespmem:s25+$0x70];
	_ =	sdelay $0x4  }
0x388: {  	v3 =	vadd.f32 v3, v4;
	_ =	sdelay $0x1  }
0x389: {  	s26 =	simm.s32 $0x0;
	[tilespmem:s17+$0xB0F0] =	vst v3  }
0x38a: {  	[hbm4b:s13+s26] =	stream.linear.scatter [tilespmem:s1], [sflag:$0x5], $0x5000, $0x38;
	[tilespmem:$0x1E080] =	vst v63  }
0x38b: {  	_ =	swait.ge [sflag:s20], $0x5000  }
0x38c: {  	[sflag:s20] =	ssyncset.done $0x0  }
0x38d: {  	s30 =	simm.s32 $0x0;
	[sflag:s20] =	ssyncadd.s32 $0xFFFFB000  }
0x38e: {  	s18 =	smul.u32 $0x1400, s30;
	_ =	swait.ge [sflag:s21], $0x5000  }
0x38f: {  	s17 =	sand.u32 $0x380, s26;
	[sflag:s21] =	ssyncset.done $0x0  }
0x390: {  	s24 =	sor.u32 s17, s18;
	[sflag:s21] =	ssyncadd.s32 $0xFFFFB000  }
0x391: {  	v3 =	vld [tilespmem:s24+$0xF080]  }
0x392: {  	v4 =	vld [tilespmem:s24+$0x19080];
	_ =	sdelay $0x4  }
0x393: {  	v3 =	vadd.f32 v4, v3;
	_ =	sdelay $0x1  }
0x394: {  	s17 =	sadd.s32 $0x19080, s24;
	[tilespmem:s24+$0xF080] =	vst v3;
	v3 =	vld [tilespmem:s24+$0xF090]  }
0x395: {  	v6 =	vld [tilespmem:s17+$0x10];
	_ =	sdelay $0x4  }
0x396: {  	v3 =	vadd.f32 v6, v3;
	_ =	sdelay $0x1  }
0x397: {  	[tilespmem:s24+$0xF090] =	vst v3;
	v3 =	vld [tilespmem:s24+$0xF0A0]  }
0x398: {  	v6 =	vld [tilespmem:s17+$0x20];
	_ =	sdelay $0x4  }
0x399: {  	v3 =	vadd.f32 v6, v3;
	_ =	sdelay $0x1  }
0x39a: {  	[tilespmem:s24+$0xF0A0] =	vst v3;
	v3 =	vld [tilespmem:s24+$0xF0B0]  }
0x39b: {  	v6 =	vld [tilespmem:s17+$0x30];
	_ =	sdelay $0x4  }
0x39c: {  	v3 =	vadd.f32 v6, v3;
	_ =	sdelay $0x1  }
0x39d: {  	[tilespmem:s24+$0xF0B0] =	vst v3;
	v3 =	vld [tilespmem:s24+$0xF0C0]  }
0x39e: {  	v6 =	vld [tilespmem:s17+$0x40];
	_ =	sdelay $0x4  }
0x39f: {  	v3 =	vadd.f32 v6, v3;
	_ =	sdelay $0x1  }
0x3a0: {  	[tilespmem:s24+$0xF0C0] =	vst v3;
	v3 =	vld [tilespmem:s24+$0xF0D0]  }
0x3a1: {  	v6 =	vld [tilespmem:s17+$0x50];
	_ =	sdelay $0x4  }
0x3a2: {  	v3 =	vadd.f32 v6, v3;
	_ =	sdelay $0x1  }
0x3a3: {  	[tilespmem:s24+$0xF0D0] =	vst v3;
	v3 =	vld [tilespmem:s24+$0xF0E0]  }
0x3a4: {  	v6 =	vld [tilespmem:s17+$0x60];
	_ =	sdelay $0x4  }
0x3a5: {  	v5 =	vld [tilespmem:s24+$0x19480];
	v3 =	vadd.f32 v6, v3  }
0x3a6: {  	v6 =	vld [tilespmem:s24+$0xF0F0]  }
0x3a7: {  	[tilespmem:s24+$0xF0E0] =	vst v3;
	v3 =	vld [tilespmem:s24+$0xF480]  }
0x3a8: {  	v7 =	vld [tilespmem:s17+$0x70];
	_ =	sdelay $0x3  }
0x3a9: {  	v3 =	vadd.f32 v5, v3  }
0x3aa: {  	v5 =	vadd.f32 v7, v6  }
0x3ab: {  	[tilespmem:s24+$0xF480] =	vst v3  }
0x3ac: {  	s18 =	sadd.s32 $0x19480, s24;
	v3 =	vld [tilespmem:s24+$0xF490];
	[tilespmem:s24+$0xF0F0] =	vst v5  }
0x3ad: {  	v5 =	vld [tilespmem:s18+$0x10];
	_ =	sdelay $0x4  }
0x3ae: {  	v3 =	vadd.f32 v5, v3;
	_ =	sdelay $0x1  }
0x3af: {  	[tilespmem:s24+$0xF490] =	vst v3;
	v3 =	vld [tilespmem:s24+$0xF4A0]  }
0x3b0: {  	v5 =	vld [tilespmem:s18+$0x20];
	_ =	sdelay $0x4  }
0x3b1: {  	v3 =	vadd.f32 v5, v3;
	_ =	sdelay $0x1  }
0x3b2: {  	[tilespmem:s24+$0xF4A0] =	vst v3;
	v3 =	vld [tilespmem:s24+$0xF4B0]  }
0x3b3: {  	v5 =	vld [tilespmem:s18+$0x30];
	_ =	sdelay $0x4  }
0x3b4: {  	v3 =	vadd.f32 v5, v3;
	_ =	sdelay $0x1  }
0x3b5: {  	[tilespmem:s24+$0xF4B0] =	vst v3;
	v3 =	vld [tilespmem:s24+$0xF4C0]  }
0x3b6: {  	v5 =	vld [tilespmem:s18+$0x40];
	_ =	sdelay $0x4  }
0x3b7: {  	v3 =	vadd.f32 v5, v3;
	_ =	sdelay $0x1  }
0x3b8: {  	[tilespmem:s24+$0xF4C0] =	vst v3;
	v3 =	vld [tilespmem:s24+$0xF4D0]  }
0x3b9: {  	v5 =	vld [tilespmem:s18+$0x50];
	_ =	sdelay $0x4  }
0x3ba: {  	v3 =	vadd.f32 v5, v3;
	_ =	sdelay $0x1  }
0x3bb: {  	[tilespmem:s24+$0xF4D0] =	vst v3;
	v3 =	vld [tilespmem:s24+$0xF4E0]  }
0x3bc: {  	v5 =	vld [tilespmem:s18+$0x60];
	_ =	sdelay $0x4  }
0x3bd: {  	v6 =	vld [tilespmem:s24+$0x19880];
	v3 =	vadd.f32 v5, v3  }
0x3be: {  	v5 =	vld [tilespmem:s24+$0xF4F0]  }
0x3bf: {  	[tilespmem:s24+$0xF4E0] =	vst v3;
	v3 =	vld [tilespmem:s24+$0xF880]  }
0x3c0: {  	v7 =	vld [tilespmem:s18+$0x70];
	_ =	sdelay $0x3  }
0x3c1: {  	v3 =	vadd.f32 v6, v3  }
0x3c2: {  	v5 =	vadd.f32 v7, v5  }
0x3c3: {  	[tilespmem:s24+$0xF880] =	vst v3  }
0x3c4: {  	s25 =	sadd.s32 $0x19880, s24;
	v3 =	vld [tilespmem:s24+$0xF890];
	[tilespmem:s24+$0xF4F0] =	vst v5  }
0x3c5: {  	v5 =	vld [tilespmem:s25+$0x10];
	_ =	sdelay $0x4  }
0x3c6: {  	v3 =	vadd.f32 v5, v3;
	_ =	sdelay $0x1  }
0x3c7: {  	[tilespmem:s24+$0xF890] =	vst v3;
	v3 =	vld [tilespmem:s24+$0xF8A0]  }
0x3c8: {  	v5 =	vld [tilespmem:s25+$0x20];
	_ =	sdelay $0x4  }
0x3c9: {  	v3 =	vadd.f32 v5, v3;
	_ =	sdelay $0x1  }
0x3ca: {  	[tilespmem:s24+$0xF8A0] =	vst v3;
	v3 =	vld [tilespmem:s24+$0xF8B0]  }
0x3cb: {  	v5 =	vld [tilespmem:s25+$0x30];
	_ =	sdelay $0x4  }
0x3cc: {  	v3 =	vadd.f32 v5, v3;
	_ =	sdelay $0x1  }
0x3cd: {  	[tilespmem:s24+$0xF8B0] =	vst v3;
	v3 =	vld [tilespmem:s24+$0xF8C0]  }
0x3ce: {  	v5 =	vld [tilespmem:s25+$0x40];
	_ =	sdelay $0x4  }
0x3cf: {  	v3 =	vadd.f32 v5, v3;
	_ =	sdelay $0x1  }
0x3d0: {  	[tilespmem:s24+$0xF8C0] =	vst v3;
	v3 =	vld [tilespmem:s24+$0xF8D0]  }
0x3d1: {  	v5 =	vld [tilespmem:s25+$0x50];
	_ =	sdelay $0x4  }
0x3d2: {  	v3 =	vadd.f32 v5, v3;
	_ =	sdelay $0x1  }
0x3d3: {  	[tilespmem:s24+$0xF8D0] =	vst v3;
	v3 =	vld [tilespmem:s24+$0xF8E0]  }
0x3d4: {  	v5 =	vld [tilespmem:s25+$0x60];
	_ =	sdelay $0x4  }
0x3d5: {  	v4 =	vld [tilespmem:s24+$0x19C80];
	v3 =	vadd.f32 v5, v3  }
0x3d6: {  	v5 =	vld [tilespmem:s24+$0xFC80]  }
0x3d7: {  	[tilespmem:s24+$0xF8E0] =	vst v3;
	v3 =	vld [tilespmem:s24+$0xF8F0]  }
0x3d8: {  	v6 =	vld [tilespmem:s25+$0x70];
	_ =	sdelay $0x3  }
0x3d9: {  	v4 =	vadd.f32 v4, v5  }
0x3da: {  	v3 =	vadd.f32 v6, v3  }
0x3db: {  	[tilespmem:s24+$0xFC80] =	vst v4  }
0x3dc: {  	s26 =	sadd.s32 $0x19C80, s24;
	[tilespmem:s24+$0xF8F0] =	vst v3;
	v3 =	vld [tilespmem:s24+$0xFC90]  }
0x3dd: {  	v4 =	vld [tilespmem:s26+$0x10];
	_ =	sdelay $0x4  }
0x3de: {  	v3 =	vadd.f32 v4, v3;
	_ =	sdelay $0x1  }
0x3df: {  	[tilespmem:s24+$0xFC90] =	vst v3;
	v3 =	vld [tilespmem:s24+$0xFCA0]  }
0x3e0: {  	v4 =	vld [tilespmem:s26+$0x20];
	_ =	sdelay $0x4  }
0x3e1: {  	v3 =	vadd.f32 v4, v3;
	_ =	sdelay $0x1  }
0x3e2: {  	[tilespmem:s24+$0xFCA0] =	vst v3;
	v3 =	vld [tilespmem:s24+$0xFCB0]  }
0x3e3: {  	v4 =	vld [tilespmem:s26+$0x30];
	_ =	sdelay $0x4  }
0x3e4: {  	v3 =	vadd.f32 v4, v3;
	_ =	sdelay $0x1  }
0x3e5: {  	[tilespmem:s24+$0xFCB0] =	vst v3;
	v3 =	vld [tilespmem:s24+$0xFCC0]  }
0x3e6: {  	v4 =	vld [tilespmem:s26+$0x40];
	_ =	sdelay $0x4  }
0x3e7: {  	v3 =	vadd.f32 v4, v3;
	_ =	sdelay $0x1  }
0x3e8: {  	[tilespmem:s24+$0xFCC0] =	vst v3;
	v3 =	vld [tilespmem:s24+$0xFCD0]  }
0x3e9: {  	v4 =	vld [tilespmem:s26+$0x50];
	_ =	sdelay $0x4  }
0x3ea: {  	v3 =	vadd.f32 v4, v3;
	_ =	sdelay $0x1  }
0x3eb: {  	[tilespmem:s24+$0xFCD0] =	vst v3;
	v3 =	vld [tilespmem:s24+$0xFCE0]  }
0x3ec: {  	v4 =	vld [tilespmem:s26+$0x60];
	_ =	sdelay $0x4  }
0x3ed: {  	v5 =	vld [tilespmem:s24+$0x1A080];
	v3 =	vadd.f32 v4, v3  }
0x3ee: {  	v4 =	vld [tilespmem:s24+$0x10080]  }
0x3ef: {  	[tilespmem:s24+$0xFCE0] =	vst v3;
	v3 =	vld [tilespmem:s24+$0xFCF0]  }
0x3f0: {  	v6 =	vld [tilespmem:s26+$0x70];
	_ =	sdelay $0x3  }
0x3f1: {  	v4 =	vadd.f32 v5, v4  }
0x3f2: {  	v3 =	vadd.f32 v6, v3  }
0x3f3: {  	[tilespmem:s24+$0x10080] =	vst v4  }
0x3f4: {  	s18 =	sadd.s32 $0x1A080, s24;
	[tilespmem:s24+$0xFCF0] =	vst v3;
	v3 =	vld [tilespmem:s24+$0x10090]  }
0x3f5: {  	v4 =	vld [tilespmem:s18+$0x10];
	_ =	sdelay $0x4  }
0x3f6: {  	v3 =	vadd.f32 v4, v3;
	_ =	sdelay $0x1  }
0x3f7: {  	[tilespmem:s24+$0x10090] =	vst v3;
	v3 =	vld [tilespmem:s24+$0x100A0]  }
0x3f8: {  	v4 =	vld [tilespmem:s18+$0x20];
	_ =	sdelay $0x4  }
0x3f9: {  	v3 =	vadd.f32 v4, v3;
	_ =	sdelay $0x1  }
0x3fa: {  	[tilespmem:s24+$0x100A0] =	vst v3;
	v3 =	vld [tilespmem:s24+$0x100B0]  }
0x3fb: {  	v4 =	vld [tilespmem:s18+$0x30];
	_ =	sdelay $0x4  }
0x3fc: {  	v3 =	vadd.f32 v4, v3;
	_ =	sdelay $0x1  }
0x3fd: {  	[tilespmem:s24+$0x100B0] =	vst v3;
	v3 =	vld [tilespmem:s24+$0x100C0]  }
0x3fe: {  	v4 =	vld [tilespmem:s18+$0x40];
	_ =	sdelay $0x4  }
0x3ff: {  	v3 =	vadd.f32 v4, v3;
	_ =	sdelay $0x1  }
0x400: {  	[tilespmem:s24+$0x100C0] =	vst v3;
	v3 =	vld [tilespmem:s24+$0x100D0]  }
0x401: {  	v4 =	vld [tilespmem:s18+$0x50];
	_ =	sdelay $0x4  }
0x402: {  	v3 =	vadd.f32 v4, v3;
	_ =	sdelay $0x1  }
0x403: {  	[tilespmem:s24+$0x100D0] =	vst v3;
	v3 =	vld [tilespmem:s24+$0x100E0]  }
0x404: {  	v4 =	vld [tilespmem:s18+$0x60];
	_ =	sdelay $0x1  }
0x405: {  	s30 =	simm.s32 $0x0  }
0x406: {  	s17 =	smul.u32 $0x1400, s30;
	s25 =	simm.s32 $0x80  }
0x407: {  	s26 =	sand.u32 $0x380, s25  }
0x408: {  	s17 =	sor.u32 s26, s17;
	v5 =	vld [tilespmem:s24+$0x100F0];
	v3 =	vadd.f32 v4, v3  }
0x409: {  	v7 =	vld [tilespmem:s17+$0xF080]  }
0x40a: {  	v8 =	vld [tilespmem:s17+$0x19080];
	[tilespmem:s24+$0x100E0] =	vst v3  }
0x40b: {  	v6 =	vld [tilespmem:s18+$0x70];
	_ =	sdelay $0x2  }
0x40c: {  	v4 =	vld [tilespmem:s17+$0x19480]  }
0x40d: {  	s26 =	simm.s32 $0x2;
	v7 =	vadd.f32 v8, v7;
	v3 =	vld [tilespmem:s17+$0x19C80]  }
.LBB2_8:
0x40e: {  	p0 =	sne.s32 s26, $0x1F;
	v5 =	vadd.f32 v6, v5;
	s18 =	smov.u32 s26;
	s26 =	sadd.s32 $0x1, s26  }
0x40f: {  	[tilespmem:s17+$0xF080] =	vst v7  }
0x410: {  	s30 =	sadd.s32 $0x19080, s17;
	v6 =	vld [tilespmem:s17+$0xF090];
	[tilespmem:s24+$0x100F0] =	vst v5;
	s24 =	smov.u32 s17  }
0x411: {  	v5 =	vld [tilespmem:s30+$0x10];
	_ =	sdelay $0x4  }
0x412: {  	v5 =	vadd.f32 v5, v6;
	_ =	sdelay $0x1  }
0x413: {  	[tilespmem:s24+$0xF090] =	vst v5;
	v5 =	vld [tilespmem:s24+$0xF0A0]  }
0x414: {  	v6 =	vld [tilespmem:s30+$0x20];
	_ =	sdelay $0x4  }
0x415: {  	v5 =	vadd.f32 v6, v5;
	_ =	sdelay $0x1  }
0x416: {  	[tilespmem:s24+$0xF0A0] =	vst v5;
	v5 =	vld [tilespmem:s24+$0xF0B0]  }
0x417: {  	v6 =	vld [tilespmem:s30+$0x30];
	_ =	sdelay $0x4  }
0x418: {  	v5 =	vadd.f32 v6, v5;
	_ =	sdelay $0x1  }
0x419: {  	[tilespmem:s24+$0xF0B0] =	vst v5;
	v5 =	vld [tilespmem:s24+$0xF0C0]  }
0x41a: {  	v6 =	vld [tilespmem:s30+$0x40];
	_ =	sdelay $0x4  }
0x41b: {  	v5 =	vadd.f32 v6, v5;
	_ =	sdelay $0x1  }
0x41c: {  	[tilespmem:s24+$0xF0C0] =	vst v5;
	v5 =	vld [tilespmem:s24+$0xF0D0]  }
0x41d: {  	v6 =	vld [tilespmem:s30+$0x50];
	_ =	sdelay $0x4  }
0x41e: {  	v5 =	vadd.f32 v6, v5;
	_ =	sdelay $0x1  }
0x41f: {  	[tilespmem:s24+$0xF0D0] =	vst v5;
	v5 =	vld [tilespmem:s24+$0xF0E0]  }
0x420: {  	v6 =	vld [tilespmem:s30+$0x60];
	_ =	sdelay $0x4  }
0x421: {  	v5 =	vadd.f32 v6, v5  }
0x422: {  	v6 =	vld [tilespmem:s24+$0xF0F0]  }
0x423: {  	[tilespmem:s24+$0xF0E0] =	vst v5;
	v5 =	vld [tilespmem:s24+$0xF480]  }
0x424: {  	v7 =	vld [tilespmem:s30+$0x70];
	_ =	sdelay $0x3  }
0x425: {  	v4 =	vadd.f32 v4, v5  }
0x426: {  	v5 =	vadd.f32 v7, v6  }
0x427: {  	[tilespmem:s24+$0xF480] =	vst v4  }
0x428: {  	s17 =	sadd.s32 $0x19480, s24;
	[tilespmem:s24+$0xF0F0] =	vst v5;
	v4 =	vld [tilespmem:s24+$0xF490]  }
0x429: {  	v5 =	vld [tilespmem:s17+$0x10];
	_ =	sdelay $0x4  }
0x42a: {  	v4 =	vadd.f32 v5, v4;
	_ =	sdelay $0x1  }
0x42b: {  	[tilespmem:s24+$0xF490] =	vst v4;
	v4 =	vld [tilespmem:s24+$0xF4A0]  }
0x42c: {  	v5 =	vld [tilespmem:s17+$0x20];
	_ =	sdelay $0x4  }
0x42d: {  	v4 =	vadd.f32 v5, v4;
	_ =	sdelay $0x1  }
0x42e: {  	[tilespmem:s24+$0xF4A0] =	vst v4;
	v4 =	vld [tilespmem:s24+$0xF4B0]  }
0x42f: {  	v5 =	vld [tilespmem:s17+$0x30];
	_ =	sdelay $0x4  }
0x430: {  	v4 =	vadd.f32 v5, v4;
	_ =	sdelay $0x1  }
0x431: {  	[tilespmem:s24+$0xF4B0] =	vst v4;
	v4 =	vld [tilespmem:s24+$0xF4C0]  }
0x432: {  	v5 =	vld [tilespmem:s17+$0x40];
	_ =	sdelay $0x4  }
0x433: {  	v4 =	vadd.f32 v5, v4;
	_ =	sdelay $0x1  }
0x434: {  	[tilespmem:s24+$0xF4C0] =	vst v4;
	v4 =	vld [tilespmem:s24+$0xF4D0]  }
0x435: {  	v5 =	vld [tilespmem:s17+$0x50];
	_ =	sdelay $0x4  }
0x436: {  	v4 =	vadd.f32 v5, v4;
	_ =	sdelay $0x1  }
0x437: {  	[tilespmem:s24+$0xF4D0] =	vst v4;
	v4 =	vld [tilespmem:s24+$0xF4E0]  }
0x438: {  	v5 =	vld [tilespmem:s17+$0x60];
	_ =	sdelay $0x4  }
0x439: {  	v4 =	vadd.f32 v5, v4;
	v5 =	vld [tilespmem:s24+$0xF4F0]  }
0x43a: {  	v6 =	vld [tilespmem:s24+$0x19880]  }
0x43b: {  	[tilespmem:s24+$0xF4E0] =	vst v4;
	v4 =	vld [tilespmem:s24+$0xF880]  }
0x43c: {  	v7 =	vld [tilespmem:s17+$0x70];
	_ =	sdelay $0x3  }
0x43d: {  	v4 =	vadd.f32 v6, v4  }
0x43e: {  	v5 =	vadd.f32 v7, v5  }
0x43f: {  	[tilespmem:s24+$0xF880] =	vst v4  }
0x440: {  	s17 =	sadd.s32 $0x19880, s24;
	[tilespmem:s24+$0xF4F0] =	vst v5;
	v4 =	vld [tilespmem:s24+$0xF890]  }
0x441: {  	v5 =	vld [tilespmem:s17+$0x10];
	_ =	sdelay $0x4  }
0x442: {  	v4 =	vadd.f32 v5, v4;
	_ =	sdelay $0x1  }
0x443: {  	[tilespmem:s24+$0xF890] =	vst v4;
	v4 =	vld [tilespmem:s24+$0xF8A0]  }
0x444: {  	v5 =	vld [tilespmem:s17+$0x20];
	_ =	sdelay $0x4  }
0x445: {  	v4 =	vadd.f32 v5, v4;
	_ =	sdelay $0x1  }
0x446: {  	[tilespmem:s24+$0xF8A0] =	vst v4;
	v4 =	vld [tilespmem:s24+$0xF8B0]  }
0x447: {  	v5 =	vld [tilespmem:s17+$0x30];
	_ =	sdelay $0x4  }
0x448: {  	v4 =	vadd.f32 v5, v4;
	_ =	sdelay $0x1  }
0x449: {  	[tilespmem:s24+$0xF8B0] =	vst v4;
	v4 =	vld [tilespmem:s24+$0xF8C0]  }
0x44a: {  	v5 =	vld [tilespmem:s17+$0x40];
	_ =	sdelay $0x4  }
0x44b: {  	v4 =	vadd.f32 v5, v4;
	_ =	sdelay $0x1  }
0x44c: {  	[tilespmem:s24+$0xF8C0] =	vst v4;
	v4 =	vld [tilespmem:s24+$0xF8D0]  }
0x44d: {  	v5 =	vld [tilespmem:s17+$0x50];
	_ =	sdelay $0x4  }
0x44e: {  	v4 =	vadd.f32 v5, v4;
	_ =	sdelay $0x1  }
0x44f: {  	[tilespmem:s24+$0xF8D0] =	vst v4;
	v4 =	vld [tilespmem:s24+$0xF8E0]  }
0x450: {  	v5 =	vld [tilespmem:s17+$0x60];
	_ =	sdelay $0x1  }
0x451: {  	v6 =	vld [tilespmem:s24+$0xFC80];
	_ =	sdelay $0x2  }
0x452: {  	v4 =	vadd.f32 v5, v4;
	_ =	sdelay $0x1  }
0x453: {  	[tilespmem:s24+$0xF8E0] =	vst v4;
	v4 =	vld [tilespmem:s24+$0xF8F0];
	v3 =	vadd.f32 v3, v6  }
0x454: {  	v5 =	vld [tilespmem:s17+$0x70]  }
0x455: {  	[tilespmem:s24+$0xFC80] =	vst v3;
	_ =	sdelay $0x3  }
0x456: {  	v3 =	vadd.f32 v5, v4;
	_ =	sdelay $0x1  }
0x457: {  	s17 =	sadd.s32 $0x19C80, s24;
	[tilespmem:s24+$0xF8F0] =	vst v3;
	v3 =	vld [tilespmem:s24+$0xFC90]  }
0x458: {  	v4 =	vld [tilespmem:s17+$0x10];
	_ =	sdelay $0x4  }
0x459: {  	v3 =	vadd.f32 v4, v3;
	_ =	sdelay $0x1  }
0x45a: {  	[tilespmem:s24+$0xFC90] =	vst v3;
	v3 =	vld [tilespmem:s24+$0xFCA0]  }
0x45b: {  	v4 =	vld [tilespmem:s17+$0x20];
	_ =	sdelay $0x4  }
0x45c: {  	v3 =	vadd.f32 v4, v3;
	_ =	sdelay $0x1  }
0x45d: {  	[tilespmem:s24+$0xFCA0] =	vst v3;
	v3 =	vld [tilespmem:s24+$0xFCB0]  }
0x45e: {  	v4 =	vld [tilespmem:s17+$0x30];
	_ =	sdelay $0x4  }
0x45f: {  	v3 =	vadd.f32 v4, v3;
	_ =	sdelay $0x1  }
0x460: {  	[tilespmem:s24+$0xFCB0] =	vst v3;
	v3 =	vld [tilespmem:s24+$0xFCC0]  }
0x461: {  	v4 =	vld [tilespmem:s17+$0x40];
	_ =	sdelay $0x4  }
0x462: {  	v3 =	vadd.f32 v4, v3;
	_ =	sdelay $0x1  }
0x463: {  	[tilespmem:s24+$0xFCC0] =	vst v3;
	v3 =	vld [tilespmem:s24+$0xFCD0]  }
0x464: {  	v4 =	vld [tilespmem:s17+$0x50];
	_ =	sdelay $0x4  }
0x465: {  	v3 =	vadd.f32 v4, v3;
	_ =	sdelay $0x1  }
0x466: {  	[tilespmem:s24+$0xFCD0] =	vst v3;
	v3 =	vld [tilespmem:s24+$0xFCE0]  }
0x467: {  	v4 =	vld [tilespmem:s17+$0x60]  }
0x468: {  	v5 =	vld [tilespmem:s24+$0x1A080]  }
0x469: {  	v6 =	vld [tilespmem:s24+$0x10080];
	_ =	sdelay $0x2  }
0x46a: {  	v3 =	vadd.f32 v4, v3;
	_ =	sdelay $0x1  }
0x46b: {  	[tilespmem:s24+$0xFCE0] =	vst v3;
	v3 =	vld [tilespmem:s24+$0xFCF0];
	v4 =	vadd.f32 v5, v6  }
0x46c: {  	v5 =	vld [tilespmem:s17+$0x70]  }
0x46d: {  	[tilespmem:s24+$0x10080] =	vst v4;
	_ =	sdelay $0x3  }
0x46e: {  	v3 =	vadd.f32 v5, v3;
	_ =	sdelay $0x1  }
0x46f: {  	s30 =	sadd.s32 $0x1A080, s24;
	[tilespmem:s24+$0xFCF0] =	vst v3;
	v3 =	vld [tilespmem:s24+$0x10090]  }
0x470: {  	v4 =	vld [tilespmem:s30+$0x10];
	_ =	sdelay $0x4  }
0x471: {  	v3 =	vadd.f32 v4, v3;
	_ =	sdelay $0x1  }
0x472: {  	[tilespmem:s24+$0x10090] =	vst v3;
	v3 =	vld [tilespmem:s24+$0x100A0]  }
0x473: {  	v4 =	vld [tilespmem:s30+$0x20];
	_ =	sdelay $0x4  }
0x474: {  	v3 =	vadd.f32 v4, v3;
	_ =	sdelay $0x1  }
0x475: {  	[tilespmem:s24+$0x100A0] =	vst v3;
	v3 =	vld [tilespmem:s24+$0x100B0]  }
0x476: {  	v4 =	vld [tilespmem:s30+$0x30];
	_ =	sdelay $0x4  }
0x477: {  	v3 =	vadd.f32 v4, v3;
	_ =	sdelay $0x1  }
0x478: {  	[tilespmem:s24+$0x100B0] =	vst v3;
	v3 =	vld [tilespmem:s24+$0x100C0]  }
0x479: {  	v4 =	vld [tilespmem:s30+$0x40];
	_ =	sdelay $0x4  }
0x47a: {  	v3 =	vadd.f32 v4, v3;
	_ =	sdelay $0x1  }
0x47b: {  	[tilespmem:s24+$0x100C0] =	vst v3;
	v3 =	vld [tilespmem:s24+$0x100D0]  }
0x47c: {  	v4 =	vld [tilespmem:s30+$0x50];
	_ =	sdelay $0x4  }
0x47d: {  	v3 =	vadd.f32 v4, v3;
	_ =	sdelay $0x1  }
0x47e: {  	[tilespmem:s24+$0x100D0] =	vst v3;
	v3 =	vld [tilespmem:s24+$0x100E0]  }
0x47f: {  	v4 =	vld [tilespmem:s30+$0x60];
	_ =	sdelay $0x1  }
0x480: {  	s17 =	sshrl.u32 s18, $0x3  }
0x481: {  	s25 =	sadd.s32 $0x80, s25;
	s17 =	smul.u32 $0x1400, s17  }
0x482: {  	s18 =	sand.u32 $0x380, s25  }
0x483: {  	s17 =	sor.u32 s18, s17;
	v3 =	vadd.f32 v4, v3;
	v5 =	vld [tilespmem:s24+$0x100F0]  }
0x484: {  	v7 =	vld [tilespmem:s17+$0xF080]  }
0x485: {  	v8 =	vld [tilespmem:s17+$0x19080];
	[tilespmem:s24+$0x100E0] =	vst v3  }
.Ltmp3:
0x486: {  	v6 =	vld [tilespmem:s30+$0x70];
	(pc) =	sbr.rel @p0 .LBB2_8-.Ltmp3, $3  }
0x487: {  	v4 =	vld [tilespmem:s17+$0x19480]  }
0x488: {  	v3 =	vld [tilespmem:s17+$0x19C80];
	_ =	sdelay $0x1  }
0x489: {  	v7 =	vadd.f32 v8, v7  }
0x48a: {  	v5 =	vadd.f32 v6, v5  }
0x48b: {  	[tilespmem:s17+$0xF080] =	vst v7  }
0x48c: {  	v62 =	vld [tilespmem:s17+$0xF090];
	s18 =	sadd.s32 $0x19080, s17;
	[tilespmem:s24+$0x100F0] =	vst v5  }
0x48d: {  	v5 =	vld [tilespmem:s18+$0x10];
	_ =	sdelay $0x4  }
0x48e: {  	v5 =	vadd.f32 v5, v62;
	_ =	sdelay $0x1  }
0x48f: {  	v63 =	vld [tilespmem:s17+$0xF0A0];
	[tilespmem:s17+$0xF090] =	vst v5  }
0x490: {  	v9 =	vld [tilespmem:s18+$0x20];
	_ =	sdelay $0x4  }
0x491: {  	v5 =	vadd.f32 v9, v63;
	_ =	sdelay $0x1  }
0x492: {  	v10 =	vld [tilespmem:s17+$0xF0B0];
	[tilespmem:s17+$0xF0A0] =	vst v5  }
0x493: {  	v11 =	vld [tilespmem:s18+$0x30];
	_ =	sdelay $0x4  }
0x494: {  	v5 =	vadd.f32 v11, v10;
	_ =	sdelay $0x1  }
0x495: {  	v12 =	vld [tilespmem:s17+$0xF0C0];
	[tilespmem:s17+$0xF0B0] =	vst v5  }
0x496: {  	v13 =	vld [tilespmem:s18+$0x40];
	_ =	sdelay $0x4  }
0x497: {  	v5 =	vadd.f32 v13, v12;
	_ =	sdelay $0x1  }
0x498: {  	v14 =	vld [tilespmem:s17+$0xF0D0];
	[tilespmem:s17+$0xF0C0] =	vst v5  }
0x499: {  	v15 =	vld [tilespmem:s18+$0x50];
	_ =	sdelay $0x4  }
0x49a: {  	v5 =	vadd.f32 v15, v14;
	_ =	sdelay $0x1  }
0x49b: {  	v16 =	vld [tilespmem:s17+$0xF0E0];
	[tilespmem:s17+$0xF0D0] =	vst v5  }
0x49c: {  	v17 =	vld [tilespmem:s18+$0x60];
	_ =	sdelay $0x4  }
0x49d: {  	v5 =	vadd.f32 v17, v16  }
0x49e: {  	v18 =	vld [tilespmem:s17+$0xF0F0]  }
0x49f: {  	v19 =	vld [tilespmem:s17+$0xF480];
	[tilespmem:s17+$0xF0E0] =	vst v5  }
0x4a0: {  	v7 =	vld [tilespmem:s18+$0x70];
	_ =	sdelay $0x3  }
0x4a1: {  	v4 =	vadd.f32 v4, v19  }
0x4a2: {  	v20 =	vadd.f32 v7, v18  }
0x4a3: {  	[tilespmem:s17+$0xF480] =	vst v4  }
0x4a4: {  	s26 =	sadd.s32 $0x19480, s17;
	v21 =	vld [tilespmem:s17+$0xF490];
	[tilespmem:s17+$0xF0F0] =	vst v20  }
0x4a5: {  	v5 =	vld [tilespmem:s26+$0x10];
	_ =	sdelay $0x4  }
0x4a6: {  	v4 =	vadd.f32 v5, v21;
	_ =	sdelay $0x1  }
0x4a7: {  	v22 =	vld [tilespmem:s17+$0xF4A0];
	[tilespmem:s17+$0xF490] =	vst v4  }
0x4a8: {  	v23 =	vld [tilespmem:s26+$0x20];
	_ =	sdelay $0x4  }
0x4a9: {  	v4 =	vadd.f32 v23, v22;
	_ =	sdelay $0x1  }
0x4aa: {  	v24 =	vld [tilespmem:s17+$0xF4B0];
	[tilespmem:s17+$0xF4A0] =	vst v4  }
0x4ab: {  	v25 =	vld [tilespmem:s26+$0x30];
	_ =	sdelay $0x4  }
0x4ac: {  	v4 =	vadd.f32 v25, v24;
	_ =	sdelay $0x1  }
0x4ad: {  	v26 =	vld [tilespmem:s17+$0xF4C0];
	[tilespmem:s17+$0xF4B0] =	vst v4  }
0x4ae: {  	v27 =	vld [tilespmem:s26+$0x40];
	_ =	sdelay $0x4  }
0x4af: {  	v4 =	vadd.f32 v27, v26;
	_ =	sdelay $0x1  }
0x4b0: {  	v28 =	vld [tilespmem:s17+$0xF4D0];
	[tilespmem:s17+$0xF4C0] =	vst v4  }
0x4b1: {  	v29 =	vld [tilespmem:s26+$0x50];
	_ =	sdelay $0x4  }
0x4b2: {  	v4 =	vadd.f32 v29, v28;
	_ =	sdelay $0x1  }
0x4b3: {  	v30 =	vld [tilespmem:s17+$0xF4E0];
	[tilespmem:s17+$0xF4D0] =	vst v4  }
0x4b4: {  	v31 =	vld [tilespmem:s26+$0x60];
	_ =	sdelay $0x4  }
0x4b5: {  	v32 =	vld [tilespmem:s17+$0xF4F0];
	v4 =	vadd.f32 v31, v30  }
0x4b6: {  	v33 =	vld [tilespmem:s17+$0x19880]  }
0x4b7: {  	v34 =	vld [tilespmem:s17+$0xF880];
	[tilespmem:s17+$0xF4E0] =	vst v4  }
0x4b8: {  	v35 =	vld [tilespmem:s26+$0x70];
	_ =	sdelay $0x3  }
0x4b9: {  	v4 =	vadd.f32 v33, v34  }
0x4ba: {  	v5 =	vadd.f32 v35, v32  }
0x4bb: {  	[tilespmem:s17+$0xF880] =	vst v4  }
0x4bc: {  	s24 =	sadd.s32 $0x19880, s17;
	v36 =	vld [tilespmem:s17+$0xF890];
	[tilespmem:s17+$0xF4F0] =	vst v5  }
0x4bd: {  	v5 =	vld [tilespmem:s24+$0x10];
	_ =	sdelay $0x4  }
0x4be: {  	v4 =	vadd.f32 v5, v36;
	_ =	sdelay $0x1  }
0x4bf: {  	v37 =	vld [tilespmem:s17+$0xF8A0];
	[tilespmem:s17+$0xF890] =	vst v4  }
0x4c0: {  	v38 =	vld [tilespmem:s24+$0x20];
	_ =	sdelay $0x4  }
0x4c1: {  	v4 =	vadd.f32 v38, v37;
	_ =	sdelay $0x1  }
0x4c2: {  	v39 =	vld [tilespmem:s17+$0xF8B0];
	[tilespmem:s17+$0xF8A0] =	vst v4  }
0x4c3: {  	v40 =	vld [tilespmem:s24+$0x30];
	_ =	sdelay $0x4  }
0x4c4: {  	v4 =	vadd.f32 v40, v39;
	_ =	sdelay $0x1  }
0x4c5: {  	v41 =	vld [tilespmem:s17+$0xF8C0];
	[tilespmem:s17+$0xF8B0] =	vst v4  }
0x4c6: {  	v42 =	vld [tilespmem:s24+$0x40];
	_ =	sdelay $0x4  }
0x4c7: {  	v4 =	vadd.f32 v42, v41;
	_ =	sdelay $0x1  }
0x4c8: {  	v43 =	vld [tilespmem:s17+$0xF8D0];
	[tilespmem:s17+$0xF8C0] =	vst v4  }
0x4c9: {  	v44 =	vld [tilespmem:s24+$0x50];
	_ =	sdelay $0x4  }
0x4ca: {  	v4 =	vadd.f32 v44, v43;
	_ =	sdelay $0x1  }
0x4cb: {  	v45 =	vld [tilespmem:s17+$0xF8E0];
	[tilespmem:s17+$0xF8D0] =	vst v4  }
0x4cc: {  	v46 =	vld [tilespmem:s24+$0x60];
	_ =	sdelay $0x4  }
0x4cd: {  	v4 =	vadd.f32 v46, v45  }
0x4ce: {  	v47 =	vld [tilespmem:s17+$0xFC80]  }
0x4cf: {  	v48 =	vld [tilespmem:s17+$0xF8F0];
	[tilespmem:s17+$0xF8E0] =	vst v4  }
0x4d0: {  	v49 =	vld [tilespmem:s24+$0x70];
	_ =	sdelay $0x3  }
0x4d1: {  	v3 =	vadd.f32 v3, v47  }
0x4d2: {  	v4 =	vadd.f32 v49, v48  }
0x4d3: {  	[tilespmem:s17+$0xFC80] =	vst v3  }
0x4d4: {  	s25 =	sadd.s32 $0x19C80, s17;
	v3 =	vld [tilespmem:s17+$0xFC90];
	[tilespmem:s17+$0xF8F0] =	vst v4  }
0x4d5: {  	v4 =	vld [tilespmem:s25+$0x10];
	_ =	sdelay $0x4  }
0x4d6: {  	v3 =	vadd.f32 v4, v3;
	_ =	sdelay $0x1  }
0x4d7: {  	[tilespmem:s17+$0xFC90] =	vst v3;
	v3 =	vld [tilespmem:s17+$0xFCA0]  }
0x4d8: {  	v50 =	vld [tilespmem:s25+$0x20];
	_ =	sdelay $0x4  }
0x4d9: {  	v3 =	vadd.f32 v50, v3;
	_ =	sdelay $0x1  }
0x4da: {  	[tilespmem:s17+$0xFCA0] =	vst v3;
	v3 =	vld [tilespmem:s17+$0xFCB0]  }
0x4db: {  	v51 =	vld [tilespmem:s25+$0x30];
	_ =	sdelay $0x4  }
0x4dc: {  	v3 =	vadd.f32 v51, v3;
	_ =	sdelay $0x1  }
0x4dd: {  	[tilespmem:s17+$0xFCB0] =	vst v3;
	v3 =	vld [tilespmem:s17+$0xFCC0]  }
0x4de: {  	v52 =	vld [tilespmem:s25+$0x40];
	_ =	sdelay $0x4  }
0x4df: {  	v3 =	vadd.f32 v52, v3;
	_ =	sdelay $0x1  }
0x4e0: {  	[tilespmem:s17+$0xFCC0] =	vst v3;
	v3 =	vld [tilespmem:s17+$0xFCD0]  }
0x4e1: {  	v53 =	vld [tilespmem:s25+$0x50];
	_ =	sdelay $0x4  }
0x4e2: {  	v3 =	vadd.f32 v53, v3;
	_ =	sdelay $0x1  }
0x4e3: {  	[tilespmem:s17+$0xFCD0] =	vst v3;
	v3 =	vld [tilespmem:s17+$0xFCE0]  }
0x4e4: {  	v54 =	vld [tilespmem:s25+$0x60];
	_ =	sdelay $0x4  }
0x4e5: {  	v56 =	vld [tilespmem:s17+$0x10080];
	v3 =	vadd.f32 v54, v3  }
0x4e6: {  	v55 =	vld [tilespmem:s17+$0x1A080]  }
0x4e7: {  	[tilespmem:s17+$0xFCE0] =	vst v3;
	v3 =	vld [tilespmem:s17+$0xFCF0]  }
0x4e8: {  	v57 =	vld [tilespmem:s25+$0x70];
	_ =	sdelay $0x3  }
0x4e9: {  	v4 =	vadd.f32 v55, v56  }
0x4ea: {  	v3 =	vadd.f32 v57, v3  }
0x4eb: {  	[tilespmem:s17+$0x10080] =	vst v4  }
0x4ec: {  	s26 =	sadd.s32 $0x1A080, s17;
	[tilespmem:s17+$0xFCF0] =	vst v3;
	v3 =	vld [tilespmem:s17+$0x10090]  }
0x4ed: {  	v4 =	vld [tilespmem:s26+$0x10];
	_ =	sdelay $0x4  }
0x4ee: {  	v3 =	vadd.f32 v4, v3;
	_ =	sdelay $0x1  }
0x4ef: {  	[tilespmem:s17+$0x10090] =	vst v3;
	v3 =	vld [tilespmem:s17+$0x100A0]  }
0x4f0: {  	v58 =	vld [tilespmem:s26+$0x20];
	_ =	sdelay $0x4  }
0x4f1: {  	v3 =	vadd.f32 v58, v3;
	_ =	sdelay $0x1  }
0x4f2: {  	[tilespmem:s17+$0x100A0] =	vst v3;
	v3 =	vld [tilespmem:s17+$0x100B0]  }
0x4f3: {  	v59 =	vld [tilespmem:s26+$0x30];
	_ =	sdelay $0x4  }
0x4f4: {  	v3 =	vadd.f32 v59, v3;
	_ =	sdelay $0x1  }
0x4f5: {  	[tilespmem:s17+$0x100B0] =	vst v3;
	v3 =	vld [tilespmem:s17+$0x100C0]  }
0x4f6: {  	v60 =	vld [tilespmem:s26+$0x40];
	_ =	sdelay $0x4  }
0x4f7: {  	v3 =	vadd.f32 v60, v3;
	_ =	sdelay $0x1  }
0x4f8: {  	[tilespmem:s17+$0x100C0] =	vst v3;
	v3 =	vld [tilespmem:s17+$0x100D0]  }
0x4f9: {  	v61 =	vld [tilespmem:s26+$0x50];
	_ =	sdelay $0x4  }
0x4fa: {  	v3 =	vadd.f32 v61, v3;
	_ =	sdelay $0x1  }
0x4fb: {  	[tilespmem:s17+$0x100D0] =	vst v3;
	v3 =	vld [tilespmem:s17+$0x100E0]  }
0x4fc: {  	v62 =	vld [tilespmem:s26+$0x60];
	_ =	sdelay $0x4  }
0x4fd: {  	v3 =	vadd.f32 v62, v3;
	_ =	sdelay $0x1  }
0x4fe: {  	v63 =	vld [tilespmem:s17+$0x100F0];
	[tilespmem:s17+$0x100E0] =	vst v3  }
0x4ff: {  	v3 =	vld [tilespmem:s26+$0x70];
	_ =	sdelay $0x4  }
0x500: {  	v3 =	vadd.f32 v3, v63;
	_ =	sdelay $0x1  }
0x501: {  	[tilespmem:s17+$0x100F0] =	vst v3  }
0x502: {  	[hbm4b:s14+s2] =	stream.linear.scatter [tilespmem:s22], [sflag:$0x5], $0x5000, $0x38;
	[tilespmem:$0x1E080] =	vst v63  }
0x503: {  	_ =	swait.ge [sflag:s19], $0x5000  }
0x504: {  	[sflag:s19] =	ssyncset.done $0x0  }
0x505: {  	[sflag:s19] =	ssyncadd.s32 $0xFFFFB000  }
0x506: {  	_ =	swait.ge [sflag:s19], $0x5000  }
0x507: {  	[sflag:s19] =	ssyncset.done $0x0  }
0x508: {  	s23 =	sadd.s32 $0x1, s23;
	[sflag:s19] =	ssyncadd.s32 $0xFFFFB000  }
0x509: {  	p0 =	sne.s32 s23, s15;
	_ =	swait.ge [sflag:s19], $0x5000  }
.Ltmp4:
0x50a: {  	[sflag:s19] =	ssyncset.done $0x0;
	(pc) =	sbr.rel @p0 .LBB2_1-.Ltmp4, $4  }
0x50b: {  	[sflag:s19] =	ssyncadd.s32 $0xFFFFB000  }
0x50c: {  	_ =	swait.ge [sflag:s19], $0x5000  }
0x50d: {  	[sflag:s19] =	ssyncset.done $0x0  }
0x50e: {  	s30 =	simm.s32 $0x80;
	[sflag:s19] =	ssyncadd.s32 $0xFFFFB000  }
0x50f: {  	_ =	sfence.sel $0x180000  }
0x510: {  	[bflag:$0x0] =	sbarrier.arrive $0xFFFF  }
0x511: {  	_ =	strace $0x90000047  }
0x512: {  	s0 =	stileid.u32;
	[bflag:$0x2] =	sbarrier.arrive $0xFFFF  }
0x513: {  	p0 =	sne.s32 s0, $0x0;
	s0 =	rddreg [dreg:$0x3]  }
0x514: {  	s0 =	sadd.s32 @!p0 $0x100000, s0  }
0x515: {  	[sflag:s0] =	ssyncadd.tile.s32 @!p0 $0x1;
	_ =	shalt  }
.Lfunc_end2:
_tile_overlayer_lowered:
.L_overlay_start_2:
0x516: {  	(tag) =	ssettag $0x2  }
0x517: {  	s0 =	rddreg [dreg:$0x0];
	s2 =	stileid.u32  }
0x518: {  	s1 =	rddreg [dreg:$0x1];
	p0 =	sne.s32 s2, $0x0  }
0x519: {  	s3 =	rddreg [dreg:$0x2];
	[bflag:$0x3] =	sbarrier.arrive $0xFFFF;
	s2 =	simm.s32 @!p0 $0x1C06  }
0x51a: {  	[timem:s3], [sflag:s2] =	dma.local @!p0 [hbm:s0], s1  }
0x51b: {  	s0 =	simm.s32 @!p0 $0x6  }
0x51c: {  	_ =	swait.ge @!p0 [sflag:s0], s1  }
0x51d: {  	s1 =	ssub.s32 @!p0 $0x0, s1;
	[sflag:s0] =	ssyncset.done @!p0 $0x0  }
0x51e: {  	[sflag:s0] =	ssyncadd.s32 @!p0 s1  }
0x51f: {  	[bflag:$0x3] =	sbarrier.arrive $0xFFFF  }
0x520: {  	_ =	shalt  }

</sc_bundles>
